<compile_context>
chip_gen: v7x
topology: tpu7x:2x2x1
jax: 0.10.2.dev20260603
libtpu: 0.0.44.dev20260713+nightly
codegen_flags: <defaults>
</compile_context>

<pallas_src>
import jax
import jax.numpy as jnp
from jax import lax
from jax.experimental import pallas as pl
from jax.experimental.pallas import tpu as pltpu
from jax.experimental.pallas import tpu_sc as plsc

NUM_ENTITIES = 1000000
NUM_RELATIONS = 1000
DIM = 64
BATCH = 16384
MARGIN = 1.0

_INFO = plsc.get_sparse_core_info()
NUM_CORES = _INFO.num_cores
NUM_SUBCORES = _INFO.num_subcores
NUM_WORKERS = NUM_CORES * NUM_SUBCORES
LANES = _INFO.num_lanes

PER_WORKER = BATCH // NUM_WORKERS
CHUNK = 64
NCHUNK = PER_WORKER // CHUNK
GROUPS = CHUNK // LANES
WIDE = 2 * DIM


def _rsqrt(x):
    i = plsc.bitcast(x, jnp.int32)
    i = jnp.int32(0x5F3759DF) - lax.shift_right_logical(i, 1)
    y = plsc.bitcast(i, jnp.float32)
    for _ in range(3):
        y = y * (jnp.float32(1.5) - jnp.float32(0.5) * x * y * y)
    return y


def _dist(sq):
    x = sq + jnp.float32(1e-12)
    return x * _rsqrt(x)


def _sc_kernel(hr_p, rr_p, tr_p, hb_p, rb_p, tb_p,
               hr_n, rr_n, tr_n, hb_n, rb_n, tb_n, ent, rel, out,
               hi_p, ri_p, ti_p, hi_n, ri_n, ti_n,
               hc_p, rc_p, tc_p, hc_n, rc_n, tc_n,
               hp_v, rp_v, tp_v, hn_v, rn_v, tn_v,
               out_v, sems):
    wid = lax.axis_index("s") * NUM_CORES + lax.axis_index("c")
    base = wid * PER_WORKER

    idx_cps = []
    for i, (src, dst) in enumerate(
            ((hr_p, hi_p), (rr_p, ri_p), (tr_p, ti_p),
             (hb_p, hc_p), (rb_p, rc_p), (tb_p, tc_p))):
        idx_cps.append(pltpu.async_copy(
            src.at[pl.ds(base, PER_WORKER)], dst, sems.at[0, i]))
    for i, (src, dst) in enumerate(
            ((hr_n, hi_n), (rr_n, ri_n), (tr_n, ti_n),
             (hb_n, hc_n), (rb_n, rc_n), (tb_n, tc_n))):
        idx_cps.append(pltpu.async_copy(
            src.at[pl.ds(base, PER_WORKER)], dst, sems.at[1, i]))
    for cp in idx_cps:
        cp.wait()

    SUB = 32
    NSUB = CHUNK // SUB

    def streams():
        out = []
        for i, (tab, idx, buf) in enumerate(
                ((ent, hi_p, hp_v), (rel, ri_p, rp_v), (ent, ti_p, tp_v),
                 (ent, hi_n, hn_v), (rel, ri_n, rn_v), (ent, ti_n, tn_v))):
            for h in range(NSUB):
                out.append((tab, idx, buf, i * NSUB + h, h * SUB))
        return out

    def fire(c, par):
        co = c * CHUNK
        for tab, idx, buf, j, so in streams():
            pltpu.async_copy(tab.at[idx.at[pl.ds(co + so, SUB)]],
                             buf.at[par, pl.ds(so, SUB)], sems.at[par, j])

    def drain(par):
        for tab, idx, buf, j, so in streams():
            pltpu.make_async_copy(tab.at[idx.at[pl.ds(so, SUB)]],
                                  buf.at[par, pl.ds(so, SUB)],
                                  sems.at[par, j]).wait()

    fire(0, 0)

    def chunk_body(c, _):
        par = lax.rem(c, 2)
        co = c * CHUNK

        @pl.when(c + 1 < NCHUNK)
        def _prefetch():
            @pl.when(par == 0)
            def _():
                fire(c + 1, 1)

            @pl.when(par == 1)
            def _():
                fire(c + 1, 0)

        @pl.when(par == 0)
        def _():
            drain(0)

        @pl.when(par == 1)
        def _():
            drain(1)

        pv = jnp.full((LANES,), par, jnp.int32)

        def group_body(g, _):
            rows = lax.iota(jnp.int32, LANES) + g * LANES
            go = co + g * LANES
            hcp = hc_p[pl.ds(go, LANES)]
            rcp = rc_p[pl.ds(go, LANES)]
            tcp = tc_p[pl.ds(go, LANES)]
            hcn = hc_n[pl.ds(go, LANES)]
            rcn = rc_n[pl.ds(go, LANES)]
            tcn = tc_n[pl.ds(go, LANES)]
            one = jnp.full((LANES,), 1, jnp.int32)
            accp = jnp.zeros((LANES,), jnp.float32)
            accn = jnp.zeros((LANES,), jnp.float32)
            for _d in range(DIM):
                hv = plsc.load_gather(hp_v, [pv, rows, hcp])
                rv = plsc.load_gather(rp_v, [pv, rows, rcp])
                tv = plsc.load_gather(tp_v, [pv, rows, tcp])
                hw = plsc.load_gather(hn_v, [pv, rows, hcn])
                rw = plsc.load_gather(rn_v, [pv, rows, rcn])
                tw = plsc.load_gather(tn_v, [pv, rows, tcn])
                dfp = hv + rv - tv
                dfn = hw + rw - tw
                accp = accp + dfp * dfp
                accn = accn + dfn * dfn
                hcp = hcp + one
                rcp = rcp + one
                tcp = tcp + one
                hcn = hcn + one
                rcn = rcn + one
                tcn = tcn + one
            score = jnp.maximum(
                jnp.float32(MARGIN) + _dist(accp) - _dist(accn),
                jnp.float32(0.0))
            out_v[pl.ds(go, LANES)] = score
            return 0

        lax.fori_loop(0, GROUPS, group_body, 0)
        return 0

    lax.fori_loop(0, NCHUNK, chunk_body, 0)
    pltpu.sync_copy(out_v, out.at[pl.ds(base, PER_WORKER)])


@jax.jit
def _transe_scores(hr_p, rr_p, tr_p, hb_p, rb_p, tb_p,
                   hr_n, rr_n, tr_n, hb_n, rb_n, tb_n, ent, rel):
    mesh = plsc.VectorSubcoreMesh(core_axis_name="c", subcore_axis_name="s")
    run = pl.kernel(
        _sc_kernel,
        out_type=jax.ShapeDtypeStruct((BATCH,), jnp.float32),
        mesh=mesh,
        scratch_types=(
            [pltpu.VMEM((PER_WORKER,), jnp.int32) for _ in range(12)]
            + [pltpu.VMEM((2, CHUNK, WIDE), jnp.float32) for _ in range(6)]
            + [pltpu.VMEM((PER_WORKER,), jnp.float32),
               pltpu.SemaphoreType.DMA((2, 12))]
        ),
        compiler_params=pltpu.CompilerParams(
            needs_layout_passes=False, use_tc_tiling_on_sc=True,
            disable_bounds_checks=True, disable_semaphore_checks=True,
            skip_device_barrier=True),
    )
    return run(hr_p, rr_p, tr_p, hb_p, rb_p, tb_p,
               hr_n, rr_n, tr_n, hb_n, rb_n, tb_n, ent, rel)


def _split(tri):
    t = tri.T
    h, r, tt = t[0], t[1] % NUM_RELATIONS, t[2]
    return (h >> 1, r >> 1, tt >> 1,
            (h & 1) * DIM, (r & 1) * DIM, (tt & 1) * DIM)


def kernel(batch, corrupted_batch, entity_emb, relation_emb):
    ent = entity_emb.reshape(NUM_ENTITIES // 2, WIDE)
    rel = relation_emb.reshape(NUM_RELATIONS // 2, WIDE)
    return _transe_scores(*_split(batch), *_split(corrupted_batch), ent, rel)

# --- scband reference (transcript-rebuilt; emitter-appended) ---
"""Pipeline reference for scband-trans-e-58110907515044 (READ-ONLY COPY).

The authoritative reference and input builder live on the scoring server;
editing this copy changes nothing except your own understanding.
"""

import jax, jax.numpy as jnp
import numpy as np

NUM_ENTITIES = 1000000
NUM_RELATIONS = 1000
DIM = 64
BATCH = 16384
MARGIN = 1.0


def setup_inputs(seed: int = 0) -> dict:
    key = jax.random.key(seed)
    k1, k2, k3, k4 = jax.random.split(key, 4)
    bound = 6.0 / (DIM ** 0.5)
    entity_emb = jax.random.uniform(k1, (NUM_ENTITIES, DIM), minval=-bound, maxval=bound, dtype=jnp.float32)
    relation_emb = jax.random.uniform(k2, (NUM_RELATIONS, DIM), minval=-bound, maxval=bound, dtype=jnp.float32)
    relation_emb = relation_emb / jnp.linalg.norm(relation_emb, axis=1, keepdims=True)
    batch = jax.random.randint(k3, (BATCH, 3), 0, NUM_ENTITIES, dtype=jnp.int32)
    corrupted_batch = jax.random.randint(k4, (BATCH, 3), 0, NUM_ENTITIES, dtype=jnp.int32)
    return {
        "batch": batch,
        "corrupted_batch": corrupted_batch,
        "entity_emb": entity_emb,
        "relation_emb": relation_emb,
    }


def _triple_distance(triples, entity_emb, relation_emb):
    h = jnp.take(entity_emb, triples[:, 0], axis=0)
    r = jnp.take(relation_emb, triples[:, 1] % NUM_RELATIONS, axis=0)
    t = jnp.take(entity_emb, triples[:, 2], axis=0)
    d = h + r - t
    return jnp.sqrt(jnp.sum(d * d, axis=1) + 1e-12)


def reference(batch, corrupted_batch, entity_emb, relation_emb):
    pos_dist = _triple_distance(batch, entity_emb, relation_emb)
    neg_dist = _triple_distance(corrupted_batch, entity_emb, relation_emb)
    # TransE margin-ranking objective per example
    return jnp.maximum(MARGIN + pos_dist - neg_dist, 0.0)

if __name__ == "__main__":
    import jax
    _d = setup_inputs()
    print(jax.jit(kernel)(*tuple(_d.values())))

</pallas_src>

<mosaic_0001>
#map = affine_map<(d0, d1) -> (0)>
#map1 = affine_map<(d0, d1) -> (0, 0)>
module attributes {stable_mosaic.version = 14 : i64} {
  func.func @_sc_kernel(%arg0: i32, %arg1: i32, %arg2: memref<16384xi32, #tpu.memory_space<hbm>>, %arg3: memref<16384xi32, #tpu.memory_space<hbm>>, %arg4: memref<16384xi32, #tpu.memory_space<hbm>>, %arg5: memref<16384xi32, #tpu.memory_space<hbm>>, %arg6: memref<16384xi32, #tpu.memory_space<hbm>>, %arg7: memref<16384xi32, #tpu.memory_space<hbm>>, %arg8: memref<16384xi32, #tpu.memory_space<hbm>>, %arg9: memref<16384xi32, #tpu.memory_space<hbm>>, %arg10: memref<16384xi32, #tpu.memory_space<hbm>>, %arg11: memref<16384xi32, #tpu.memory_space<hbm>>, %arg12: memref<16384xi32, #tpu.memory_space<hbm>>, %arg13: memref<16384xi32, #tpu.memory_space<hbm>>, %arg14: memref<500000x128xf32, #tpu.memory_space<hbm>>, %arg15: memref<500x128xf32, #tpu.memory_space<hbm>>, %arg16: memref<16384xf32, #tpu.memory_space<hbm>>, %arg17: memref<512xi32, #tpu.memory_space<vmem>>, %arg18: memref<512xi32, #tpu.memory_space<vmem>>, %arg19: memref<512xi32, #tpu.memory_space<vmem>>, %arg20: memref<512xi32, #tpu.memory_space<vmem>>, %arg21: memref<512xi32, #tpu.memory_space<vmem>>, %arg22: memref<512xi32, #tpu.memory_space<vmem>>, %arg23: memref<512xi32, #tpu.memory_space<vmem>>, %arg24: memref<512xi32, #tpu.memory_space<vmem>>, %arg25: memref<512xi32, #tpu.memory_space<vmem>>, %arg26: memref<512xi32, #tpu.memory_space<vmem>>, %arg27: memref<512xi32, #tpu.memory_space<vmem>>, %arg28: memref<512xi32, #tpu.memory_space<vmem>>, %arg29: memref<2x64x128xf32, #tpu.memory_space<vmem>>, %arg30: memref<2x64x128xf32, #tpu.memory_space<vmem>>, %arg31: memref<2x64x128xf32, #tpu.memory_space<vmem>>, %arg32: memref<2x64x128xf32, #tpu.memory_space<vmem>>, %arg33: memref<2x64x128xf32, #tpu.memory_space<vmem>>, %arg34: memref<2x64x128xf32, #tpu.memory_space<vmem>>, %arg35: memref<512xf32, #tpu.memory_space<vmem>>, %arg36: memref<2x12x!tpu.dma_semaphore, #tpu.memory_space<semaphore_mem>>) attributes {dimension_semantics = [#tpu.dimension_semantics<core_parallel>, #tpu.dimension_semantics<subcore_parallel>], iteration_bounds = array<i64: 2, 16>, scalar_prefetch = 0 : i64, scratch_operands = 20 : i64, tpu.core_type = #tpu.core_type<sc_vector_subcore>, window_params = [{transform_indices = #map}, {transform_indices = #map}, {transform_indices = #map}, {transform_indices = #map}, {transform_indices = #map}, {transform_indices = #map}, {transform_indices = #map}, {transform_indices = #map}, {transform_indices = #map}, {transform_indices = #map}, {transform_indices = #map}, {transform_indices = #map}, {transform_indices = #map1}, {transform_indices = #map1}, {transform_indices = #map}]} {
    %mul3A = arith.constant 2 : i32
    %mul3A_0 = arith.muli %arg1, %mul3A : i32
    %add3A = arith.addi %mul3A_0, %arg0 : i32
    %mul3A_1 = arith.constant 512 : i32
    %mul3A_2 = arith.muli %add3A, %mul3A_1 : i32
    %dma_start3A = arith.constant 0 : i32
    %dma_start3A_3 = arith.constant 0 : i32
    %dma_start3A_4 = tpu.memref_slice %arg2[%mul3A_2] : memref<16384xi32, #tpu.memory_space<hbm>> -> memref<512xi32, #tpu.memory_space<hbm>>
    %dma_start3A_5 = tpu.memref_slice %arg36[%dma_start3A, %dma_start3A_3] : memref<2x12x!tpu.dma_semaphore, #tpu.memory_space<semaphore_mem>> -> memref<1x1x!tpu.dma_semaphore, #tpu.memory_space<semaphore_mem>>
    %dma_start3A_6 = tpu.memref_squeeze %dma_start3A_5 : memref<1x1x!tpu.dma_semaphore, #tpu.memory_space<semaphore_mem>> -> memref<!tpu.dma_semaphore, #tpu.memory_space<semaphore_mem>>
    %dma_start3A_7 = tpu.memref_slice %arg2[%mul3A_2] : memref<16384xi32, #tpu.memory_space<hbm>> -> memref<512xi32, #tpu.memory_space<hbm>>
    tpu.enqueue_dma source(%dma_start3A_7 : memref<512xi32, #tpu.memory_space<hbm>>) target(%arg17 : memref<512xi32, #tpu.memory_space<vmem>>) target_semaphore(%dma_start3A_6 : memref<!tpu.dma_semaphore, #tpu.memory_space<semaphore_mem>>)
    %dma_start3A_8 = arith.constant 0 : i32
    %dma_start3A_9 = arith.constant 1 : i32
    %dma_start3A_10 = tpu.memref_slice %arg3[%mul3A_2] : memref<16384xi32, #tpu.memory_space<hbm>> -> memref<512xi32, #tpu.memory_space<hbm>>
    %dma_start3A_11 = tpu.memref_slice %arg36[%dma_start3A_8, %dma_start3A_9] : memref<2x12x!tpu.dma_semaphore, #tpu.memory_space<semaphore_mem>> -> memref<1x1x!tpu.dma_semaphore, #tpu.memory_space<semaphore_mem>>
    %dma_start3A_12 = tpu.memref_squeeze %dma_start3A_11 : memref<1x1x!tpu.dma_semaphore, #tpu.memory_space<semaphore_mem>> -> memref<!tpu.dma_semaphore, #tpu.memory_space<semaphore_mem>>
    %dma_start3A_13 = tpu.memref_slice %arg3[%mul3A_2] : memref<16384xi32, #tpu.memory_space<hbm>> -> memref<512xi32, #tpu.memory_space<hbm>>
    tpu.enqueue_dma source(%dma_start3A_13 : memref<512xi32, #tpu.memory_space<hbm>>) target(%arg18 : memref<512xi32, #tpu.memory_space<vmem>>) target_semaphore(%dma_start3A_12 : memref<!tpu.dma_semaphore, #tpu.memory_space<semaphore_mem>>)
    %dma_start3A_14 = arith.constant 0 : i32
    %dma_start3A_15 = arith.constant 2 : i32
    %dma_start3A_16 = tpu.memref_slice %arg4[%mul3A_2] : memref<16384xi32, #tpu.memory_space<hbm>> -> memref<512xi32, #tpu.memory_space<hbm>>
    %dma_start3A_17 = tpu.memref_slice %arg36[%dma_start3A_14, %dma_start3A_15] : memref<2x12x!tpu.dma_semaphore, #tpu.memory_space<semaphore_mem>> -> memref<1x1x!tpu.dma_semaphore, #tpu.memory_space<semaphore_mem>>
    %dma_start3A_18 = tpu.memref_squeeze %dma_start3A_17 : memref<1x1x!tpu.dma_semaphore, #tpu.memory_space<semaphore_mem>> -> memref<!tpu.dma_semaphore, #tpu.memory_space<semaphore_mem>>
    %dma_start3A_19 = tpu.memref_slice %arg4[%mul3A_2] : memref<16384xi32, #tpu.memory_space<hbm>> -> memref<512xi32, #tpu.memory_space<hbm>>
    tpu.enqueue_dma source(%dma_start3A_19 : memref<512xi32, #tpu.memory_space<hbm>>) target(%arg19 : memref<512xi32, #tpu.memory_space<vmem>>) target_semaphore(%dma_start3A_18 : memref<!tpu.dma_semaphore, #tpu.memory_space<semaphore_mem>>)
    %dma_start3A_20 = arith.constant 0 : i32
    %dma_start3A_21 = arith.constant 3 : i32
    %dma_start3A_22 = tpu.memref_slice %arg5[%mul3A_2] : memref<16384xi32, #tpu.memory_space<hbm>> -> memref<512xi32, #tpu.memory_space<hbm>>
    %dma_start3A_23 = tpu.memref_slice %arg36[%dma_start3A_20, %dma_start3A_21] : memref<2x12x!tpu.dma_semaphore, #tpu.memory_space<semaphore_mem>> -> memref<1x1x!tpu.dma_semaphore, #tpu.memory_space<semaphore_mem>>
    %dma_start3A_24 = tpu.memref_squeeze %dma_start3A_23 : memref<1x1x!tpu.dma_semaphore, #tpu.memory_space<semaphore_mem>> -> memref<!tpu.dma_semaphore, #tpu.memory_space<semaphore_mem>>
    %dma_start3A_25 = tpu.memref_slice %arg5[%mul3A_2] : memref<16384xi32, #tpu.memory_space<hbm>> -> memref<512xi32, #tpu.memory_space<hbm>>
    tpu.enqueue_dma source(%dma_start3A_25 : memref<512xi32, #tpu.memory_space<hbm>>) target(%arg23 : memref<512xi32, #tpu.memory_space<vmem>>) target_semaphore(%dma_start3A_24 : memref<!tpu.dma_semaphore, #tpu.memory_space<semaphore_mem>>)
    %dma_start3A_26 = arith.constant 0 : i32
    %dma_start3A_27 = arith.constant 4 : i32
    %dma_start3A_28 = tpu.memref_slice %arg6[%mul3A_2] : memref<16384xi32, #tpu.memory_space<hbm>> -> memref<512xi32, #tpu.memory_space<hbm>>
    %dma_start3A_29 = tpu.memref_slice %arg36[%dma_start3A_26, %dma_start3A_27] : memref<2x12x!tpu.dma_semaphore, #tpu.memory_space<semaphore_mem>> -> memref<1x1x!tpu.dma_semaphore, #tpu.memory_space<semaphore_mem>>
    %dma_start3A_30 = tpu.memref_squeeze %dma_start3A_29 : memref<1x1x!tpu.dma_semaphore, #tpu.memory_space<semaphore_mem>> -> memref<!tpu.dma_semaphore, #tpu.memory_space<semaphore_mem>>
    %dma_start3A_31 = tpu.memref_slice %arg6[%mul3A_2] : memref<16384xi32, #tpu.memory_space<hbm>> -> memref<512xi32, #tpu.memory_space<hbm>>
    tpu.enqueue_dma source(%dma_start3A_31 : memref<512xi32, #tpu.memory_space<hbm>>) target(%arg24 : memref<512xi32, #tpu.memory_space<vmem>>) target_semaphore(%dma_start3A_30 : memref<!tpu.dma_semaphore, #tpu.memory_space<semaphore_mem>>)
    %dma_start3A_32 = arith.constant 0 : i32
    %dma_start3A_33 = arith.constant 5 : i32
    %dma_start3A_34 = tpu.memref_slice %arg7[%mul3A_2] : memref<16384xi32, #tpu.memory_space<hbm>> -> memref<512xi32, #tpu.memory_space<hbm>>
    %dma_start3A_35 = tpu.memref_slice %arg36[%dma_start3A_32, %dma_start3A_33] : memref<2x12x!tpu.dma_semaphore, #tpu.memory_space<semaphore_mem>> -> memref<1x1x!tpu.dma_semaphore, #tpu.memory_space<semaphore_mem>>
    %dma_start3A_36 = tpu.memref_squeeze %dma_start3A_35 : memref<1x1x!tpu.dma_semaphore, #tpu.memory_space<semaphore_mem>> -> memref<!tpu.dma_semaphore, #tpu.memory_space<semaphore_mem>>
    %dma_start3A_37 = tpu.memref_slice %arg7[%mul3A_2] : memref<16384xi32, #tpu.memory_space<hbm>> -> memref<512xi32, #tpu.memory_space<hbm>>
    tpu.enqueue_dma source(%dma_start3A_37 : memref<512xi32, #tpu.memory_space<hbm>>) target(%arg25 : memref<512xi32, #tpu.memory_space<vmem>>) target_semaphore(%dma_start3A_36 : memref<!tpu.dma_semaphore, #tpu.memory_space<semaphore_mem>>)
    %dma_start3A_38 = arith.constant 1 : i32
    %dma_start3A_39 = arith.constant 0 : i32
    %dma_start3A_40 = tpu.memref_slice %arg8[%mul3A_2] : memref<16384xi32, #tpu.memory_space<hbm>> -> memref<512xi32, #tpu.memory_space<hbm>>
    %dma_start3A_41 = tpu.memref_slice %arg36[%dma_start3A_38, %dma_start3A_39] : memref<2x12x!tpu.dma_semaphore, #tpu.memory_space<semaphore_mem>> -> memref<1x1x!tpu.dma_semaphore, #tpu.memory_space<semaphore_mem>>
    %dma_start3A_42 = tpu.memref_squeeze %dma_start3A_41 : memref<1x1x!tpu.dma_semaphore, #tpu.memory_space<semaphore_mem>> -> memref<!tpu.dma_semaphore, #tpu.memory_space<semaphore_mem>>
    %dma_start3A_43 = tpu.memref_slice %arg8[%mul3A_2] : memref<16384xi32, #tpu.memory_space<hbm>> -> memref<512xi32, #tpu.memory_space<hbm>>
    tpu.enqueue_dma source(%dma_start3A_43 : memref<512xi32, #tpu.memory_space<hbm>>) target(%arg20 : memref<512xi32, #tpu.memory_space<vmem>>) target_semaphore(%dma_start3A_42 : memref<!tpu.dma_semaphore, #tpu.memory_space<semaphore_mem>>)
    %dma_start3A_44 = arith.constant 1 : i32
    %dma_start3A_45 = arith.constant 1 : i32
    %dma_start3A_46 = tpu.memref_slice %arg9[%mul3A_2] : memref<16384xi32, #tpu.memory_space<hbm>> -> memref<512xi32, #tpu.memory_space<hbm>>
    %dma_start3A_47 = tpu.memref_slice %arg36[%dma_start3A_44, %dma_start3A_45] : memref<2x12x!tpu.dma_semaphore, #tpu.memory_space<semaphore_mem>> -> memref<1x1x!tpu.dma_semaphore, #tpu.memory_space<semaphore_mem>>
    %dma_start3A_48 = tpu.memref_squeeze %dma_start3A_47 : memref<1x1x!tpu.dma_semaphore, #tpu.memory_space<semaphore_mem>> -> memref<!tpu.dma_semaphore, #tpu.memory_space<semaphore_mem>>
    %dma_start3A_49 = tpu.memref_slice %arg9[%mul3A_2] : memref<16384xi32, #tpu.memory_space<hbm>> -> memref<512xi32, #tpu.memory_space<hbm>>
    tpu.enqueue_dma source(%dma_start3A_49 : memref<512xi32, #tpu.memory_space<hbm>>) target(%arg21 : memref<512xi32, #tpu.memory_space<vmem>>) target_semaphore(%dma_start3A_48 : memref<!tpu.dma_semaphore, #tpu.memory_space<semaphore_mem>>)
    %dma_start3A_50 = arith.constant 1 : i32
    %dma_start3A_51 = arith.constant 2 : i32
    %dma_start3A_52 = tpu.memref_slice %arg10[%mul3A_2] : memref<16384xi32, #tpu.memory_space<hbm>> -> memref<512xi32, #tpu.memory_space<hbm>>
    %dma_start3A_53 = tpu.memref_slice %arg36[%dma_start3A_50, %dma_start3A_51] : memref<2x12x!tpu.dma_semaphore, #tpu.memory_space<semaphore_mem>> -> memref<1x1x!tpu.dma_semaphore, #tpu.memory_space<semaphore_mem>>
    %dma_start3A_54 = tpu.memref_squeeze %dma_start3A_53 : memref<1x1x!tpu.dma_semaphore, #tpu.memory_space<semaphore_mem>> -> memref<!tpu.dma_semaphore, #tpu.memory_space<semaphore_mem>>
    %dma_start3A_55 = tpu.memref_slice %arg10[%mul3A_2] : memref<16384xi32, #tpu.memory_space<hbm>> -> memref<512xi32, #tpu.memory_space<hbm>>
    tpu.enqueue_dma source(%dma_start3A_55 : memref<512xi32, #tpu.memory_space<hbm>>) target(%arg22 : memref<512xi32, #tpu.memory_space<vmem>>) target_semaphore(%dma_start3A_54 : memref<!tpu.dma_semaphore, #tpu.memory_space<semaphore_mem>>)
    %dma_start3A_56 = arith.constant 1 : i32
    %dma_start3A_57 = arith.constant 3 : i32
    %dma_start3A_58 = tpu.memref_slice %arg11[%mul3A_2] : memref<16384xi32, #tpu.memory_space<hbm>> -> memref<512xi32, #tpu.memory_space<hbm>>
    %dma_start3A_59 = tpu.memref_slice %arg36[%dma_start3A_56, %dma_start3A_57] : memref<2x12x!tpu.dma_semaphore, #tpu.memory_space<semaphore_mem>> -> memref<1x1x!tpu.dma_semaphore, #tpu.memory_space<semaphore_mem>>
    %dma_start3A_60 = tpu.memref_squeeze %dma_start3A_59 : memref<1x1x!tpu.dma_semaphore, #tpu.memory_space<semaphore_mem>> -> memref<!tpu.dma_semaphore, #tpu.memory_space<semaphore_mem>>
    %dma_start3A_61 = tpu.memref_slice %arg11[%mul3A_2] : memref<16384xi32, #tpu.memory_space<hbm>> -> memref<512xi32, #tpu.memory_space<hbm>>
    tpu.enqueue_dma source(%dma_start3A_61 : memref<512xi32, #tpu.memory_space<hbm>>) target(%arg26 : memref<512xi32, #tpu.memory_space<vmem>>) target_semaphore(%dma_start3A_60 : memref<!tpu.dma_semaphore, #tpu.memory_space<semaphore_mem>>)
    %dma_start3A_62 = arith.constant 1 : i32
    %dma_start3A_63 = arith.constant 4 : i32
    %dma_start3A_64 = tpu.memref_slice %arg12[%mul3A_2] : memref<16384xi32, #tpu.memory_space<hbm>> -> memref<512xi32, #tpu.memory_space<hbm>>
    %dma_start3A_65 = tpu.memref_slice %arg36[%dma_start3A_62, %dma_start3A_63] : memref<2x12x!tpu.dma_semaphore, #tpu.memory_space<semaphore_mem>> -> memref<1x1x!tpu.dma_semaphore, #tpu.memory_space<semaphore_mem>>
    %dma_start3A_66 = tpu.memref_squeeze %dma_start3A_65 : memref<1x1x!tpu.dma_semaphore, #tpu.memory_space<semaphore_mem>> -> memref<!tpu.dma_semaphore, #tpu.memory_space<semaphore_mem>>
    %dma_start3A_67 = tpu.memref_slice %arg12[%mul3A_2] : memref<16384xi32, #tpu.memory_space<hbm>> -> memref<512xi32, #tpu.memory_space<hbm>>
    tpu.enqueue_dma source(%dma_start3A_67 : memref<512xi32, #tpu.memory_space<hbm>>) target(%arg27 : memref<512xi32, #tpu.memory_space<vmem>>) target_semaphore(%dma_start3A_66 : memref<!tpu.dma_semaphore, #tpu.memory_space<semaphore_mem>>)
    %dma_start3A_68 = arith.constant 1 : i32
    %dma_start3A_69 = arith.constant 5 : i32
    %dma_start3A_70 = tpu.memref_slice %arg13[%mul3A_2] : memref<16384xi32, #tpu.memory_space<hbm>> -> memref<512xi32, #tpu.memory_space<hbm>>
    %dma_start3A_71 = tpu.memref_slice %arg36[%dma_start3A_68, %dma_start3A_69] : memref<2x12x!tpu.dma_semaphore, #tpu.memory_space<semaphore_mem>> -> memref<1x1x!tpu.dma_semaphore, #tpu.memory_space<semaphore_mem>>
    %dma_start3A_72 = tpu.memref_squeeze %dma_start3A_71 : memref<1x1x!tpu.dma_semaphore, #tpu.memory_space<semaphore_mem>> -> memref<!tpu.dma_semaphore, #tpu.memory_space<semaphore_mem>>
    %dma_start3A_73 = tpu.memref_slice %arg13[%mul3A_2] : memref<16384xi32, #tpu.memory_space<hbm>> -> memref<512xi32, #tpu.memory_space<hbm>>
    tpu.enqueue_dma source(%dma_start3A_73 : memref<512xi32, #tpu.memory_space<hbm>>) target(%arg28 : memref<512xi32, #tpu.memory_space<vmem>>) target_semaphore(%dma_start3A_72 : memref<!tpu.dma_semaphore, #tpu.memory_space<semaphore_mem>>)
    %dma_wait3A = arith.constant 0 : i32
    %dma_wait3A_74 = arith.constant 0 : i32
    %dma_wait3A_75 = tpu.memref_slice %arg2[%mul3A_2] : memref<16384xi32, #tpu.memory_space<hbm>> -> memref<512xi32, #tpu.memory_space<hbm>>
    %dma_wait3A_76 = tpu.memref_slice %arg36[%dma_wait3A, %dma_wait3A_74] : memref<2x12x!tpu.dma_semaphore, #tpu.memory_space<semaphore_mem>> -> memref<1x1x!tpu.dma_semaphore, #tpu.memory_space<semaphore_mem>>
    %dma_wait3A_77 = tpu.memref_squeeze %dma_wait3A_76 : memref<1x1x!tpu.dma_semaphore, #tpu.memory_space<semaphore_mem>> -> memref<!tpu.dma_semaphore, #tpu.memory_space<semaphore_mem>>
    %dma_wait3A_78 = tpu.memref_slice %arg2[%mul3A_2] : memref<16384xi32, #tpu.memory_space<hbm>> -> memref<512xi32, #tpu.memory_space<hbm>>
    tpu.wait_dma2 semaphore(%dma_wait3A_77 : memref<!tpu.dma_semaphore, #tpu.memory_space<semaphore_mem>>) src(%dma_wait3A_78 : memref<512xi32, #tpu.memory_space<hbm>>) dst(%arg17 : memref<512xi32, #tpu.memory_space<vmem>>)
    %dma_wait3A_79 = arith.constant 0 : i32
    %dma_wait3A_80 = arith.constant 1 : i32
    %dma_wait3A_81 = tpu.memref_slice %arg3[%mul3A_2] : memref<16384xi32, #tpu.memory_space<hbm>> -> memref<512xi32, #tpu.memory_space<hbm>>
    %dma_wait3A_82 = tpu.memref_slice %arg36[%dma_wait3A_79, %dma_wait3A_80] : memref<2x12x!tpu.dma_semaphore, #tpu.memory_space<semaphore_mem>> -> memref<1x1x!tpu.dma_semaphore, #tpu.memory_space<semaphore_mem>>
    %dma_wait3A_83 = tpu.memref_squeeze %dma_wait3A_82 : memref<1x1x!tpu.dma_semaphore, #tpu.memory_space<semaphore_mem>> -> memref<!tpu.dma_semaphore, #tpu.memory_space<semaphore_mem>>
    %dma_wait3A_84 = tpu.memref_slice %arg3[%mul3A_2] : memref<16384xi32, #tpu.memory_space<hbm>> -> memref<512xi32, #tpu.memory_space<hbm>>
    tpu.wait_dma2 semaphore(%dma_wait3A_83 : memref<!tpu.dma_semaphore, #tpu.memory_space<semaphore_mem>>) src(%dma_wait3A_84 : memref<512xi32, #tpu.memory_space<hbm>>) dst(%arg18 : memref<512xi32, #tpu.memory_space<vmem>>)
    %dma_wait3A_85 = arith.constant 0 : i32
    %dma_wait3A_86 = arith.constant 2 : i32
    %dma_wait3A_87 = tpu.memref_slice %arg4[%mul3A_2] : memref<16384xi32, #tpu.memory_space<hbm>> -> memref<512xi32, #tpu.memory_space<hbm>>
    %dma_wait3A_88 = tpu.memref_slice %arg36[%dma_wait3A_85, %dma_wait3A_86] : memref<2x12x!tpu.dma_semaphore, #tpu.memory_space<semaphore_mem>> -> memref<1x1x!tpu.dma_semaphore, #tpu.memory_space<semaphore_mem>>
    %dma_wait3A_89 = tpu.memref_squeeze %dma_wait3A_88 : memref<1x1x!tpu.dma_semaphore, #tpu.memory_space<semaphore_mem>> -> memref<!tpu.dma_semaphore, #tpu.memory_space<semaphore_mem>>
    %dma_wait3A_90 = tpu.memref_slice %arg4[%mul3A_2] : memref<16384xi32, #tpu.memory_space<hbm>> -> memref<512xi32, #tpu.memory_space<hbm>>
    tpu.wait_dma2 semaphore(%dma_wait3A_89 : memref<!tpu.dma_semaphore, #tpu.memory_space<semaphore_mem>>) src(%dma_wait3A_90 : memref<512xi32, #tpu.memory_space<hbm>>) dst(%arg19 : memref<512xi32, #tpu.memory_space<vmem>>)
    %dma_wait3A_91 = arith.constant 0 : i32
    %dma_wait3A_92 = arith.constant 3 : i32
    %dma_wait3A_93 = tpu.memref_slice %arg5[%mul3A_2] : memref<16384xi32, #tpu.memory_space<hbm>> -> memref<512xi32, #tpu.memory_space<hbm>>
    %dma_wait3A_94 = tpu.memref_slice %arg36[%dma_wait3A_91, %dma_wait3A_92] : memref<2x12x!tpu.dma_semaphore, #tpu.memory_space<semaphore_mem>> -> memref<1x1x!tpu.dma_semaphore, #tpu.memory_space<semaphore_mem>>
    %dma_wait3A_95 = tpu.memref_squeeze %dma_wait3A_94 : memref<1x1x!tpu.dma_semaphore, #tpu.memory_space<semaphore_mem>> -> memref<!tpu.dma_semaphore, #tpu.memory_space<semaphore_mem>>
    %dma_wait3A_96 = tpu.memref_slice %arg5[%mul3A_2] : memref<16384xi32, #tpu.memory_space<hbm>> -> memref<512xi32, #tpu.memory_space<hbm>>
    tpu.wait_dma2 semaphore(%dma_wait3A_95 : memref<!tpu.dma_semaphore, #tpu.memory_space<semaphore_mem>>) src(%dma_wait3A_96 : memref<512xi32, #tpu.memory_space<hbm>>) dst(%arg23 : memref<512xi32, #tpu.memory_space<vmem>>)
    %dma_wait3A_97 = arith.constant 0 : i32
    %dma_wait3A_98 = arith.constant 4 : i32
    %dma_wait3A_99 = tpu.memref_slice %arg6[%mul3A_2] : memref<16384xi32, #tpu.memory_space<hbm>> -> memref<512xi32, #tpu.memory_space<hbm>>
    %dma_wait3A_100 = tpu.memref_slice %arg36[%dma_wait3A_97, %dma_wait3A_98] : memref<2x12x!tpu.dma_semaphore, #tpu.memory_space<semaphore_mem>> -> memref<1x1x!tpu.dma_semaphore, #tpu.memory_space<semaphore_mem>>
    %dma_wait3A_101 = tpu.memref_squeeze %dma_wait3A_100 : memref<1x1x!tpu.dma_semaphore, #tpu.memory_space<semaphore_mem>> -> memref<!tpu.dma_semaphore, #tpu.memory_space<semaphore_mem>>
    %dma_wait3A_102 = tpu.memref_slice %arg6[%mul3A_2] : memref<16384xi32, #tpu.memory_space<hbm>> -> memref<512xi32, #tpu.memory_space<hbm>>
    tpu.wait_dma2 semaphore(%dma_wait3A_101 : memref<!tpu.dma_semaphore, #tpu.memory_space<semaphore_mem>>) src(%dma_wait3A_102 : memref<512xi32, #tpu.memory_space<hbm>>) dst(%arg24 : memref<512xi32, #tpu.memory_space<vmem>>)
    %dma_wait3A_103 = arith.constant 0 : i32
    %dma_wait3A_104 = arith.constant 5 : i32
    %dma_wait3A_105 = tpu.memref_slice %arg7[%mul3A_2] : memref<16384xi32, #tpu.memory_space<hbm>> -> memref<512xi32, #tpu.memory_space<hbm>>
    %dma_wait3A_106 = tpu.memref_slice %arg36[%dma_wait3A_103, %dma_wait3A_104] : memref<2x12x!tpu.dma_semaphore, #tpu.memory_space<semaphore_mem>> -> memref<1x1x!tpu.dma_semaphore, #tpu.memory_space<semaphore_mem>>
    %dma_wait3A_107 = tpu.memref_squeeze %dma_wait3A_106 : memref<1x1x!tpu.dma_semaphore, #tpu.memory_space<semaphore_mem>> -> memref<!tpu.dma_semaphore, #tpu.memory_space<semaphore_mem>>
    %dma_wait3A_108 = tpu.memref_slice %arg7[%mul3A_2] : memref<16384xi32, #tpu.memory_space<hbm>> -> memref<512xi32, #tpu.memory_space<hbm>>
    tpu.wait_dma2 semaphore(%dma_wait3A_107 : memref<!tpu.dma_semaphore, #tpu.memory_space<semaphore_mem>>) src(%dma_wait3A_108 : memref<512xi32, #tpu.memory_space<hbm>>) dst(%arg25 : memref<512xi32, #tpu.memory_space<vmem>>)
    %dma_wait3A_109 = arith.constant 1 : i32
    %dma_wait3A_110 = arith.constant 0 : i32
    %dma_wait3A_111 = tpu.memref_slice %arg8[%mul3A_2] : memref<16384xi32, #tpu.memory_space<hbm>> -> memref<512xi32, #tpu.memory_space<hbm>>
    %dma_wait3A_112 = tpu.memref_slice %arg36[%dma_wait3A_109, %dma_wait3A_110] : memref<2x12x!tpu.dma_semaphore, #tpu.memory_space<semaphore_mem>> -> memref<1x1x!tpu.dma_semaphore, #tpu.memory_space<semaphore_mem>>
    %dma_wait3A_113 = tpu.memref_squeeze %dma_wait3A_112 : memref<1x1x!tpu.dma_semaphore, #tpu.memory_space<semaphore_mem>> -> memref<!tpu.dma_semaphore, #tpu.memory_space<semaphore_mem>>
    %dma_wait3A_114 = tpu.memref_slice %arg8[%mul3A_2] : memref<16384xi32, #tpu.memory_space<hbm>> -> memref<512xi32, #tpu.memory_space<hbm>>
    tpu.wait_dma2 semaphore(%dma_wait3A_113 : memref<!tpu.dma_semaphore, #tpu.memory_space<semaphore_mem>>) src(%dma_wait3A_114 : memref<512xi32, #tpu.memory_space<hbm>>) dst(%arg20 : memref<512xi32, #tpu.memory_space<vmem>>)
    %dma_wait3A_115 = arith.constant 1 : i32
    %dma_wait3A_116 = arith.constant 1 : i32
    %dma_wait3A_117 = tpu.memref_slice %arg9[%mul3A_2] : memref<16384xi32, #tpu.memory_space<hbm>> -> memref<512xi32, #tpu.memory_space<hbm>>
    %dma_wait3A_118 = tpu.memref_slice %arg36[%dma_wait3A_115, %dma_wait3A_116] : memref<2x12x!tpu.dma_semaphore, #tpu.memory_space<semaphore_mem>> -> memref<1x1x!tpu.dma_semaphore, #tpu.memory_space<semaphore_mem>>
    %dma_wait3A_119 = tpu.memref_squeeze %dma_wait3A_118 : memref<1x1x!tpu.dma_semaphore, #tpu.memory_space<semaphore_mem>> -> memref<!tpu.dma_semaphore, #tpu.memory_space<semaphore_mem>>
    %dma_wait3A_120 = tpu.memref_slice %arg9[%mul3A_2] : memref<16384xi32, #tpu.memory_space<hbm>> -> memref<512xi32, #tpu.memory_space<hbm>>
    tpu.wait_dma2 semaphore(%dma_wait3A_119 : memref<!tpu.dma_semaphore, #tpu.memory_space<semaphore_mem>>) src(%dma_wait3A_120 : memref<512xi32, #tpu.memory_space<hbm>>) dst(%arg21 : memref<512xi32, #tpu.memory_space<vmem>>)
    %dma_wait3A_121 = arith.constant 1 : i32
    %dma_wait3A_122 = arith.constant 2 : i32
    %dma_wait3A_123 = tpu.memref_slice %arg10[%mul3A_2] : memref<16384xi32, #tpu.memory_space<hbm>> -> memref<512xi32, #tpu.memory_space<hbm>>
    %dma_wait3A_124 = tpu.memref_slice %arg36[%dma_wait3A_121, %dma_wait3A_122] : memref<2x12x!tpu.dma_semaphore, #tpu.memory_space<semaphore_mem>> -> memref<1x1x!tpu.dma_semaphore, #tpu.memory_space<semaphore_mem>>
    %dma_wait3A_125 = tpu.memref_squeeze %dma_wait3A_124 : memref<1x1x!tpu.dma_semaphore, #tpu.memory_space<semaphore_mem>> -> memref<!tpu.dma_semaphore, #tpu.memory_space<semaphore_mem>>
    %dma_wait3A_126 = tpu.memref_slice %arg10[%mul3A_2] : memref<16384xi32, #tpu.memory_space<hbm>> -> memref<512xi32, #tpu.memory_space<hbm>>
    tpu.wait_dma2 semaphore(%dma_wait3A_125 : memref<!tpu.dma_semaphore, #tpu.memory_space<semaphore_mem>>) src(%dma_wait3A_126 : memref<512xi32, #tpu.memory_space<hbm>>) dst(%arg22 : memref<512xi32, #tpu.memory_space<vmem>>)
    %dma_wait3A_127 = arith.constant 1 : i32
    %dma_wait3A_128 = arith.constant 3 : i32
    %dma_wait3A_129 = tpu.memref_slice %arg11[%mul3A_2] : memref<16384xi32, #tpu.memory_space<hbm>> -> memref<512xi32, #tpu.memory_space<hbm>>
    %dma_wait3A_130 = tpu.memref_slice %arg36[%dma_wait3A_127, %dma_wait3A_128] : memref<2x12x!tpu.dma_semaphore, #tpu.memory_space<semaphore_mem>> -> memref<1x1x!tpu.dma_semaphore, #tpu.memory_space<semaphore_mem>>
    %dma_wait3A_131 = tpu.memref_squeeze %dma_wait3A_130 : memref<1x1x!tpu.dma_semaphore, #tpu.memory_space<semaphore_mem>> -> memref<!tpu.dma_semaphore, #tpu.memory_space<semaphore_mem>>
    %dma_wait3A_132 = tpu.memref_slice %arg11[%mul3A_2] : memref<16384xi32, #tpu.memory_space<hbm>> -> memref<512xi32, #tpu.memory_space<hbm>>
    tpu.wait_dma2 semaphore(%dma_wait3A_131 : memref<!tpu.dma_semaphore, #tpu.memory_space<semaphore_mem>>) src(%dma_wait3A_132 : memref<512xi32, #tpu.memory_space<hbm>>) dst(%arg26 : memref<512xi32, #tpu.memory_space<vmem>>)
    %dma_wait3A_133 = arith.constant 1 : i32
    %dma_wait3A_134 = arith.constant 4 : i32
    %dma_wait3A_135 = tpu.memref_slice %arg12[%mul3A_2] : memref<16384xi32, #tpu.memory_space<hbm>> -> memref<512xi32, #tpu.memory_space<hbm>>
    %dma_wait3A_136 = tpu.memref_slice %arg36[%dma_wait3A_133, %dma_wait3A_134] : memref<2x12x!tpu.dma_semaphore, #tpu.memory_space<semaphore_mem>> -> memref<1x1x!tpu.dma_semaphore, #tpu.memory_space<semaphore_mem>>
    %dma_wait3A_137 = tpu.memref_squeeze %dma_wait3A_136 : memref<1x1x!tpu.dma_semaphore, #tpu.memory_space<semaphore_mem>> -> memref<!tpu.dma_semaphore, #tpu.memory_space<semaphore_mem>>
    %dma_wait3A_138 = tpu.memref_slice %arg12[%mul3A_2] : memref<16384xi32, #tpu.memory_space<hbm>> -> memref<512xi32, #tpu.memory_space<hbm>>
    tpu.wait_dma2 semaphore(%dma_wait3A_137 : memref<!tpu.dma_semaphore, #tpu.memory_space<semaphore_mem>>) src(%dma_wait3A_138 : memref<512xi32, #tpu.memory_space<hbm>>) dst(%arg27 : memref<512xi32, #tpu.memory_space<vmem>>)
    %dma_wait3A_139 = arith.constant 1 : i32
    %dma_wait3A_140 = arith.constant 5 : i32
    %dma_wait3A_141 = tpu.memref_slice %arg13[%mul3A_2] : memref<16384xi32, #tpu.memory_space<hbm>> -> memref<512xi32, #tpu.memory_space<hbm>>
    %dma_wait3A_142 = tpu.memref_slice %arg36[%dma_wait3A_139, %dma_wait3A_140] : memref<2x12x!tpu.dma_semaphore, #tpu.memory_space<semaphore_mem>> -> memref<1x1x!tpu.dma_semaphore, #tpu.memory_space<semaphore_mem>>
    %dma_wait3A_143 = tpu.memref_squeeze %dma_wait3A_142 : memref<1x1x!tpu.dma_semaphore, #tpu.memory_space<semaphore_mem>> -> memref<!tpu.dma_semaphore, #tpu.memory_space<semaphore_mem>>
    %dma_wait3A_144 = tpu.memref_slice %arg13[%mul3A_2] : memref<16384xi32, #tpu.memory_space<hbm>> -> memref<512xi32, #tpu.memory_space<hbm>>
    tpu.wait_dma2 semaphore(%dma_wait3A_143 : memref<!tpu.dma_semaphore, #tpu.memory_space<semaphore_mem>>) src(%dma_wait3A_144 : memref<512xi32, #tpu.memory_space<hbm>>) dst(%arg28 : memref<512xi32, #tpu.memory_space<vmem>>)
    %dma_start3A_145 = arith.constant 0 : i32
    %dma_start3A_146 = arith.constant 0 : i32
    %dma_start3A_147 = arith.constant 0 : i32
    %dma_start3A_148 = arith.constant 0 : i32
    %dma_start3A_149 = arith.constant 0 : i32
    %dma_start3A_150 = tpu.memref_slice %arg29[%dma_start3A_145, %dma_start3A_148, %dma_start3A_149] : memref<2x64x128xf32, #tpu.memory_space<vmem>> -> memref<1x32x128xf32, #tpu.memory_space<vmem>>
    %dma_start3A_151 = tpu.memref_squeeze %dma_start3A_150 : memref<1x32x128xf32, #tpu.memory_space<vmem>> -> memref<32x128xf32, #tpu.memory_space<vmem>>
    %dma_start3A_152 = arith.constant 0 : i32
    %dma_start3A_153 = tpu.memref_slice %arg17[%dma_start3A_152] : memref<512xi32, #tpu.memory_space<vmem>> -> memref<32xi32, #tpu.memory_space<vmem>>
    %dma_start3A_154 = arith.constant 0 : i32
    %dma_start3A_155 = arith.constant 0 : i32
    %dma_start3A_156 = tpu.memref_slice %arg14[%dma_start3A_154, %dma_start3A_155] : memref<500000x128xf32, #tpu.memory_space<hbm>> -> memref<500000x128xf32, #tpu.memory_space<hbm>>
    %dma_start3A_157 = tpu.memref_slice %arg36[%dma_start3A_146, %dma_start3A_147] : memref<2x12x!tpu.dma_semaphore, #tpu.memory_space<semaphore_mem>> -> memref<1x1x!tpu.dma_semaphore, #tpu.memory_space<semaphore_mem>>
    %dma_start3A_158 = tpu.memref_squeeze %dma_start3A_157 : memref<1x1x!tpu.dma_semaphore, #tpu.memory_space<semaphore_mem>> -> memref<!tpu.dma_semaphore, #tpu.memory_space<semaphore_mem>>
    tpu.enqueue_indirect_dma source(%dma_start3A_156 : memref<500000x128xf32, #tpu.memory_space<hbm>>) target(%dma_start3A_151 : memref<32x128xf32, #tpu.memory_space<vmem>>) offsets(%dma_start3A_153 : memref<32xi32, #tpu.memory_space<vmem>>) semaphore(%dma_start3A_158 : memref<!tpu.dma_semaphore, #tpu.memory_space<semaphore_mem>>)
    %dma_start3A_159 = arith.constant 0 : i32
    %dma_start3A_160 = arith.constant 0 : i32
    %dma_start3A_161 = arith.constant 1 : i32
    %dma_start3A_162 = arith.constant 32 : i32
    %dma_start3A_163 = arith.constant 0 : i32
    %dma_start3A_164 = tpu.memref_slice %arg29[%dma_start3A_159, %dma_start3A_162, %dma_start3A_163] : memref<2x64x128xf32, #tpu.memory_space<vmem>> -> memref<1x32x128xf32, #tpu.memory_space<vmem>>
    %dma_start3A_165 = tpu.memref_squeeze %dma_start3A_164 : memref<1x32x128xf32, #tpu.memory_space<vmem>> -> memref<32x128xf32, #tpu.memory_space<vmem>>
    %dma_start3A_166 = arith.constant 32 : i32
    %dma_start3A_167 = tpu.memref_slice %arg17[%dma_start3A_166] : memref<512xi32, #tpu.memory_space<vmem>> -> memref<32xi32, #tpu.memory_space<vmem>>
    %dma_start3A_168 = arith.constant 0 : i32
    %dma_start3A_169 = arith.constant 0 : i32
    %dma_start3A_170 = tpu.memref_slice %arg14[%dma_start3A_168, %dma_start3A_169] : memref<500000x128xf32, #tpu.memory_space<hbm>> -> memref<500000x128xf32, #tpu.memory_space<hbm>>
    %dma_start3A_171 = tpu.memref_slice %arg36[%dma_start3A_160, %dma_start3A_161] : memref<2x12x!tpu.dma_semaphore, #tpu.memory_space<semaphore_mem>> -> memref<1x1x!tpu.dma_semaphore, #tpu.memory_space<semaphore_mem>>
    %dma_start3A_172 = tpu.memref_squeeze %dma_start3A_171 : memref<1x1x!tpu.dma_semaphore, #tpu.memory_space<semaphore_mem>> -> memref<!tpu.dma_semaphore, #tpu.memory_space<semaphore_mem>>
    tpu.enqueue_indirect_dma source(%dma_start3A_170 : memref<500000x128xf32, #tpu.memory_space<hbm>>) target(%dma_start3A_165 : memref<32x128xf32, #tpu.memory_space<vmem>>) offsets(%dma_start3A_167 : memref<32xi32, #tpu.memory_space<vmem>>) semaphore(%dma_start3A_172 : memref<!tpu.dma_semaphore, #tpu.memory_space<semaphore_mem>>)
    %dma_start3A_173 = arith.constant 0 : i32
    %dma_start3A_174 = arith.constant 0 : i32
    %dma_start3A_175 = arith.constant 2 : i32
    %dma_start3A_176 = arith.constant 0 : i32
    %dma_start3A_177 = arith.constant 0 : i32
    %dma_start3A_178 = tpu.memref_slice %arg30[%dma_start3A_173, %dma_start3A_176, %dma_start3A_177] : memref<2x64x128xf32, #tpu.memory_space<vmem>> -> memref<1x32x128xf32, #tpu.memory_space<vmem>>
    %dma_start3A_179 = tpu.memref_squeeze %dma_start3A_178 : memref<1x32x128xf32, #tpu.memory_space<vmem>> -> memref<32x128xf32, #tpu.memory_space<vmem>>
    %dma_start3A_180 = arith.constant 0 : i32
    %dma_start3A_181 = tpu.memref_slice %arg18[%dma_start3A_180] : memref<512xi32, #tpu.memory_space<vmem>> -> memref<32xi32, #tpu.memory_space<vmem>>
    %dma_start3A_182 = arith.constant 0 : i32
    %dma_start3A_183 = arith.constant 0 : i32
    %dma_start3A_184 = tpu.memref_slice %arg15[%dma_start3A_182, %dma_start3A_183] : memref<500x128xf32, #tpu.memory_space<hbm>> -> memref<500x128xf32, #tpu.memory_space<hbm>>
    %dma_start3A_185 = tpu.memref_slice %arg36[%dma_start3A_174, %dma_start3A_175] : memref<2x12x!tpu.dma_semaphore, #tpu.memory_space<semaphore_mem>> -> memref<1x1x!tpu.dma_semaphore, #tpu.memory_space<semaphore_mem>>
    %dma_start3A_186 = tpu.memref_squeeze %dma_start3A_185 : memref<1x1x!tpu.dma_semaphore, #tpu.memory_space<semaphore_mem>> -> memref<!tpu.dma_semaphore, #tpu.memory_space<semaphore_mem>>
    tpu.enqueue_indirect_dma source(%dma_start3A_184 : memref<500x128xf32, #tpu.memory_space<hbm>>) target(%dma_start3A_179 : memref<32x128xf32, #tpu.memory_space<vmem>>) offsets(%dma_start3A_181 : memref<32xi32, #tpu.memory_space<vmem>>) semaphore(%dma_start3A_186 : memref<!tpu.dma_semaphore, #tpu.memory_space<semaphore_mem>>)
    %dma_start3A_187 = arith.constant 0 : i32
    %dma_start3A_188 = arith.constant 0 : i32
    %dma_start3A_189 = arith.constant 3 : i32
    %dma_start3A_190 = arith.constant 32 : i32
    %dma_start3A_191 = arith.constant 0 : i32
    %dma_start3A_192 = tpu.memref_slice %arg30[%dma_start3A_187, %dma_start3A_190, %dma_start3A_191] : memref<2x64x128xf32, #tpu.memory_space<vmem>> -> memref<1x32x128xf32, #tpu.memory_space<vmem>>
    %dma_start3A_193 = tpu.memref_squeeze %dma_start3A_192 : memref<1x32x128xf32, #tpu.memory_space<vmem>> -> memref<32x128xf32, #tpu.memory_space<vmem>>
    %dma_start3A_194 = arith.constant 32 : i32
    %dma_start3A_195 = tpu.memref_slice %arg18[%dma_start3A_194] : memref<512xi32, #tpu.memory_space<vmem>> -> memref<32xi32, #tpu.memory_space<vmem>>
    %dma_start3A_196 = arith.constant 0 : i32
    %dma_start3A_197 = arith.constant 0 : i32
    %dma_start3A_198 = tpu.memref_slice %arg15[%dma_start3A_196, %dma_start3A_197] : memref<500x128xf32, #tpu.memory_space<hbm>> -> memref<500x128xf32, #tpu.memory_space<hbm>>
    %dma_start3A_199 = tpu.memref_slice %arg36[%dma_start3A_188, %dma_start3A_189] : memref<2x12x!tpu.dma_semaphore, #tpu.memory_space<semaphore_mem>> -> memref<1x1x!tpu.dma_semaphore, #tpu.memory_space<semaphore_mem>>
    %dma_start3A_200 = tpu.memref_squeeze %dma_start3A_199 : memref<1x1x!tpu.dma_semaphore, #tpu.memory_space<semaphore_mem>> -> memref<!tpu.dma_semaphore, #tpu.memory_space<semaphore_mem>>
    tpu.enqueue_indirect_dma source(%dma_start3A_198 : memref<500x128xf32, #tpu.memory_space<hbm>>) target(%dma_start3A_193 : memref<32x128xf32, #tpu.memory_space<vmem>>) offsets(%dma_start3A_195 : memref<32xi32, #tpu.memory_space<vmem>>) semaphore(%dma_start3A_200 : memref<!tpu.dma_semaphore, #tpu.memory_space<semaphore_mem>>)
    %dma_start3A_201 = arith.constant 0 : i32
    %dma_start3A_202 = arith.constant 0 : i32
    %dma_start3A_203 = arith.constant 4 : i32
    %dma_start3A_204 = arith.constant 0 : i32
    %dma_start3A_205 = arith.constant 0 : i32
    %dma_start3A_206 = tpu.memref_slice %arg31[%dma_start3A_201, %dma_start3A_204, %dma_start3A_205] : memref<2x64x128xf32, #tpu.memory_space<vmem>> -> memref<1x32x128xf32, #tpu.memory_space<vmem>>
    %dma_start3A_207 = tpu.memref_squeeze %dma_start3A_206 : memref<1x32x128xf32, #tpu.memory_space<vmem>> -> memref<32x128xf32, #tpu.memory_space<vmem>>
    %dma_start3A_208 = arith.constant 0 : i32
    %dma_start3A_209 = tpu.memref_slice %arg19[%dma_start3A_208] : memref<512xi32, #tpu.memory_space<vmem>> -> memref<32xi32, #tpu.memory_space<vmem>>
    %dma_start3A_210 = arith.constant 0 : i32
    %dma_start3A_211 = arith.constant 0 : i32
    %dma_start3A_212 = tpu.memref_slice %arg14[%dma_start3A_210, %dma_start3A_211] : memref<500000x128xf32, #tpu.memory_space<hbm>> -> memref<500000x128xf32, #tpu.memory_space<hbm>>
    %dma_start3A_213 = tpu.memref_slice %arg36[%dma_start3A_202, %dma_start3A_203] : memref<2x12x!tpu.dma_semaphore, #tpu.memory_space<semaphore_mem>> -> memref<1x1x!tpu.dma_semaphore, #tpu.memory_space<semaphore_mem>>
    %dma_start3A_214 = tpu.memref_squeeze %dma_start3A_213 : memref<1x1x!tpu.dma_semaphore, #tpu.memory_space<semaphore_mem>> -> memref<!tpu.dma_semaphore, #tpu.memory_space<semaphore_mem>>
    tpu.enqueue_indirect_dma source(%dma_start3A_212 : memref<500000x128xf32, #tpu.memory_space<hbm>>) target(%dma_start3A_207 : memref<32x128xf32, #tpu.memory_space<vmem>>) offsets(%dma_start3A_209 : memref<32xi32, #tpu.memory_space<vmem>>) semaphore(%dma_start3A_214 : memref<!tpu.dma_semaphore, #tpu.memory_space<semaphore_mem>>)
    %dma_start3A_215 = arith.constant 0 : i32
    %dma_start3A_216 = arith.constant 0 : i32
    %dma_start3A_217 = arith.constant 5 : i32
    %dma_start3A_218 = arith.constant 32 : i32
    %dma_start3A_219 = arith.constant 0 : i32
    %dma_start3A_220 = tpu.memref_slice %arg31[%dma_start3A_215, %dma_start3A_218, %dma_start3A_219] : memref<2x64x128xf32, #tpu.memory_space<vmem>> -> memref<1x32x128xf32, #tpu.memory_space<vmem>>
    %dma_start3A_221 = tpu.memref_squeeze %dma_start3A_220 : memref<1x32x128xf32, #tpu.memory_space<vmem>> -> memref<32x128xf32, #tpu.memory_space<vmem>>
    %dma_start3A_222 = arith.constant 32 : i32
    %dma_start3A_223 = tpu.memref_slice %arg19[%dma_start3A_222] : memref<512xi32, #tpu.memory_space<vmem>> -> memref<32xi32, #tpu.memory_space<vmem>>
    %dma_start3A_224 = arith.constant 0 : i32
    %dma_start3A_225 = arith.constant 0 : i32
    %dma_start3A_226 = tpu.memref_slice %arg14[%dma_start3A_224, %dma_start3A_225] : memref<500000x128xf32, #tpu.memory_space<hbm>> -> memref<500000x128xf32, #tpu.memory_space<hbm>>
    %dma_start3A_227 = tpu.memref_slice %arg36[%dma_start3A_216, %dma_start3A_217] : memref<2x12x!tpu.dma_semaphore, #tpu.memory_space<semaphore_mem>> -> memref<1x1x!tpu.dma_semaphore, #tpu.memory_space<semaphore_mem>>
    %dma_start3A_228 = tpu.memref_squeeze %dma_start3A_227 : memref<1x1x!tpu.dma_semaphore, #tpu.memory_space<semaphore_mem>> -> memref<!tpu.dma_semaphore, #tpu.memory_space<semaphore_mem>>
    tpu.enqueue_indirect_dma source(%dma_start3A_226 : memref<500000x128xf32, #tpu.memory_space<hbm>>) target(%dma_start3A_221 : memref<32x128xf32, #tpu.memory_space<vmem>>) offsets(%dma_start3A_223 : memref<32xi32, #tpu.memory_space<vmem>>) semaphore(%dma_start3A_228 : memref<!tpu.dma_semaphore, #tpu.memory_space<semaphore_mem>>)
    %dma_start3A_229 = arith.constant 0 : i32
    %dma_start3A_230 = arith.constant 0 : i32
    %dma_start3A_231 = arith.constant 6 : i32
    %dma_start3A_232 = arith.constant 0 : i32
    %dma_start3A_233 = arith.constant 0 : i32
    %dma_start3A_234 = tpu.memref_slice %arg32[%dma_start3A_229, %dma_start3A_232, %dma_start3A_233] : memref<2x64x128xf32, #tpu.memory_space<vmem>> -> memref<1x32x128xf32, #tpu.memory_space<vmem>>
    %dma_start3A_235 = tpu.memref_squeeze %dma_start3A_234 : memref<1x32x128xf32, #tpu.memory_space<vmem>> -> memref<32x128xf32, #tpu.memory_space<vmem>>
    %dma_start3A_236 = arith.constant 0 : i32
    %dma_start3A_237 = tpu.memref_slice %arg20[%dma_start3A_236] : memref<512xi32, #tpu.memory_space<vmem>> -> memref<32xi32, #tpu.memory_space<vmem>>
    %dma_start3A_238 = arith.constant 0 : i32
    %dma_start3A_239 = arith.constant 0 : i32
    %dma_start3A_240 = tpu.memref_slice %arg14[%dma_start3A_238, %dma_start3A_239] : memref<500000x128xf32, #tpu.memory_space<hbm>> -> memref<500000x128xf32, #tpu.memory_space<hbm>>
    %dma_start3A_241 = tpu.memref_slice %arg36[%dma_start3A_230, %dma_start3A_231] : memref<2x12x!tpu.dma_semaphore, #tpu.memory_space<semaphore_mem>> -> memref<1x1x!tpu.dma_semaphore, #tpu.memory_space<semaphore_mem>>
    %dma_start3A_242 = tpu.memref_squeeze %dma_start3A_241 : memref<1x1x!tpu.dma_semaphore, #tpu.memory_space<semaphore_mem>> -> memref<!tpu.dma_semaphore, #tpu.memory_space<semaphore_mem>>
    tpu.enqueue_indirect_dma source(%dma_start3A_240 : memref<500000x128xf32, #tpu.memory_space<hbm>>) target(%dma_start3A_235 : memref<32x128xf32, #tpu.memory_space<vmem>>) offsets(%dma_start3A_237 : memref<32xi32, #tpu.memory_space<vmem>>) semaphore(%dma_start3A_242 : memref<!tpu.dma_semaphore, #tpu.memory_space<semaphore_mem>>)
    %dma_start3A_243 = arith.constant 0 : i32
    %dma_start3A_244 = arith.constant 0 : i32
    %dma_start3A_245 = arith.constant 7 : i32
    %dma_start3A_246 = arith.constant 32 : i32
    %dma_start3A_247 = arith.constant 0 : i32
    %dma_start3A_248 = tpu.memref_slice %arg32[%dma_start3A_243, %dma_start3A_246, %dma_start3A_247] : memref<2x64x128xf32, #tpu.memory_space<vmem>> -> memref<1x32x128xf32, #tpu.memory_space<vmem>>
    %dma_start3A_249 = tpu.memref_squeeze %dma_start3A_248 : memref<1x32x128xf32, #tpu.memory_space<vmem>> -> memref<32x128xf32, #tpu.memory_space<vmem>>
    %dma_start3A_250 = arith.constant 32 : i32
    %dma_start3A_251 = tpu.memref_slice %arg20[%dma_start3A_250] : memref<512xi32, #tpu.memory_space<vmem>> -> memref<32xi32, #tpu.memory_space<vmem>>
    %dma_start3A_252 = arith.constant 0 : i32
    %dma_start3A_253 = arith.constant 0 : i32
    %dma_start3A_254 = tpu.memref_slice %arg14[%dma_start3A_252, %dma_start3A_253] : memref<500000x128xf32, #tpu.memory_space<hbm>> -> memref<500000x128xf32, #tpu.memory_space<hbm>>
    %dma_start3A_255 = tpu.memref_slice %arg36[%dma_start3A_244, %dma_start3A_245] : memref<2x12x!tpu.dma_semaphore, #tpu.memory_space<semaphore_mem>> -> memref<1x1x!tpu.dma_semaphore, #tpu.memory_space<semaphore_mem>>
    %dma_start3A_256 = tpu.memref_squeeze %dma_start3A_255 : memref<1x1x!tpu.dma_semaphore, #tpu.memory_space<semaphore_mem>> -> memref<!tpu.dma_semaphore, #tpu.memory_space<semaphore_mem>>
    tpu.enqueue_indirect_dma source(%dma_start3A_254 : memref<500000x128xf32, #tpu.memory_space<hbm>>) target(%dma_start3A_249 : memref<32x128xf32, #tpu.memory_space<vmem>>) offsets(%dma_start3A_251 : memref<32xi32, #tpu.memory_space<vmem>>) semaphore(%dma_start3A_256 : memref<!tpu.dma_semaphore, #tpu.memory_space<semaphore_mem>>)
    %dma_start3A_257 = arith.constant 0 : i32
    %dma_start3A_258 = arith.constant 0 : i32
    %dma_start3A_259 = arith.constant 8 : i32
    %dma_start3A_260 = arith.constant 0 : i32
    %dma_start3A_261 = arith.constant 0 : i32
    %dma_start3A_262 = tpu.memref_slice %arg33[%dma_start3A_257, %dma_start3A_260, %dma_start3A_261] : memref<2x64x128xf32, #tpu.memory_space<vmem>> -> memref<1x32x128xf32, #tpu.memory_space<vmem>>
    %dma_start3A_263 = tpu.memref_squeeze %dma_start3A_262 : memref<1x32x128xf32, #tpu.memory_space<vmem>> -> memref<32x128xf32, #tpu.memory_space<vmem>>
    %dma_start3A_264 = arith.constant 0 : i32
    %dma_start3A_265 = tpu.memref_slice %arg21[%dma_start3A_264] : memref<512xi32, #tpu.memory_space<vmem>> -> memref<32xi32, #tpu.memory_space<vmem>>
    %dma_start3A_266 = arith.constant 0 : i32
    %dma_start3A_267 = arith.constant 0 : i32
    %dma_start3A_268 = tpu.memref_slice %arg15[%dma_start3A_266, %dma_start3A_267] : memref<500x128xf32, #tpu.memory_space<hbm>> -> memref<500x128xf32, #tpu.memory_space<hbm>>
    %dma_start3A_269 = tpu.memref_slice %arg36[%dma_start3A_258, %dma_start3A_259] : memref<2x12x!tpu.dma_semaphore, #tpu.memory_space<semaphore_mem>> -> memref<1x1x!tpu.dma_semaphore, #tpu.memory_space<semaphore_mem>>
    %dma_start3A_270 = tpu.memref_squeeze %dma_start3A_269 : memref<1x1x!tpu.dma_semaphore, #tpu.memory_space<semaphore_mem>> -> memref<!tpu.dma_semaphore, #tpu.memory_space<semaphore_mem>>
    tpu.enqueue_indirect_dma source(%dma_start3A_268 : memref<500x128xf32, #tpu.memory_space<hbm>>) target(%dma_start3A_263 : memref<32x128xf32, #tpu.memory_space<vmem>>) offsets(%dma_start3A_265 : memref<32xi32, #tpu.memory_space<vmem>>) semaphore(%dma_start3A_270 : memref<!tpu.dma_semaphore, #tpu.memory_space<semaphore_mem>>)
    %dma_start3A_271 = arith.constant 0 : i32
    %dma_start3A_272 = arith.constant 0 : i32
    %dma_start3A_273 = arith.constant 9 : i32
    %dma_start3A_274 = arith.constant 32 : i32
    %dma_start3A_275 = arith.constant 0 : i32
    %dma_start3A_276 = tpu.memref_slice %arg33[%dma_start3A_271, %dma_start3A_274, %dma_start3A_275] : memref<2x64x128xf32, #tpu.memory_space<vmem>> -> memref<1x32x128xf32, #tpu.memory_space<vmem>>
    %dma_start3A_277 = tpu.memref_squeeze %dma_start3A_276 : memref<1x32x128xf32, #tpu.memory_space<vmem>> -> memref<32x128xf32, #tpu.memory_space<vmem>>
    %dma_start3A_278 = arith.constant 32 : i32
    %dma_start3A_279 = tpu.memref_slice %arg21[%dma_start3A_278] : memref<512xi32, #tpu.memory_space<vmem>> -> memref<32xi32, #tpu.memory_space<vmem>>
    %dma_start3A_280 = arith.constant 0 : i32
    %dma_start3A_281 = arith.constant 0 : i32
    %dma_start3A_282 = tpu.memref_slice %arg15[%dma_start3A_280, %dma_start3A_281] : memref<500x128xf32, #tpu.memory_space<hbm>> -> memref<500x128xf32, #tpu.memory_space<hbm>>
    %dma_start3A_283 = tpu.memref_slice %arg36[%dma_start3A_272, %dma_start3A_273] : memref<2x12x!tpu.dma_semaphore, #tpu.memory_space<semaphore_mem>> -> memref<1x1x!tpu.dma_semaphore, #tpu.memory_space<semaphore_mem>>
    %dma_start3A_284 = tpu.memref_squeeze %dma_start3A_283 : memref<1x1x!tpu.dma_semaphore, #tpu.memory_space<semaphore_mem>> -> memref<!tpu.dma_semaphore, #tpu.memory_space<semaphore_mem>>
    tpu.enqueue_indirect_dma source(%dma_start3A_282 : memref<500x128xf32, #tpu.memory_space<hbm>>) target(%dma_start3A_277 : memref<32x128xf32, #tpu.memory_space<vmem>>) offsets(%dma_start3A_279 : memref<32xi32, #tpu.memory_space<vmem>>) semaphore(%dma_start3A_284 : memref<!tpu.dma_semaphore, #tpu.memory_space<semaphore_mem>>)
    %dma_start3A_285 = arith.constant 0 : i32
    %dma_start3A_286 = arith.constant 0 : i32
    %dma_start3A_287 = arith.constant 10 : i32
    %dma_start3A_288 = arith.constant 0 : i32
    %dma_start3A_289 = arith.constant 0 : i32
    %dma_start3A_290 = tpu.memref_slice %arg34[%dma_start3A_285, %dma_start3A_288, %dma_start3A_289] : memref<2x64x128xf32, #tpu.memory_space<vmem>> -> memref<1x32x128xf32, #tpu.memory_space<vmem>>
    %dma_start3A_291 = tpu.memref_squeeze %dma_start3A_290 : memref<1x32x128xf32, #tpu.memory_space<vmem>> -> memref<32x128xf32, #tpu.memory_space<vmem>>
    %dma_start3A_292 = arith.constant 0 : i32
    %dma_start3A_293 = tpu.memref_slice %arg22[%dma_start3A_292] : memref<512xi32, #tpu.memory_space<vmem>> -> memref<32xi32, #tpu.memory_space<vmem>>
    %dma_start3A_294 = arith.constant 0 : i32
    %dma_start3A_295 = arith.constant 0 : i32
    %dma_start3A_296 = tpu.memref_slice %arg14[%dma_start3A_294, %dma_start3A_295] : memref<500000x128xf32, #tpu.memory_space<hbm>> -> memref<500000x128xf32, #tpu.memory_space<hbm>>
    %dma_start3A_297 = tpu.memref_slice %arg36[%dma_start3A_286, %dma_start3A_287] : memref<2x12x!tpu.dma_semaphore, #tpu.memory_space<semaphore_mem>> -> memref<1x1x!tpu.dma_semaphore, #tpu.memory_space<semaphore_mem>>
    %dma_start3A_298 = tpu.memref_squeeze %dma_start3A_297 : memref<1x1x!tpu.dma_semaphore, #tpu.memory_space<semaphore_mem>> -> memref<!tpu.dma_semaphore, #tpu.memory_space<semaphore_mem>>
    tpu.enqueue_indirect_dma source(%dma_start3A_296 : memref<500000x128xf32, #tpu.memory_space<hbm>>) target(%dma_start3A_291 : memref<32x128xf32, #tpu.memory_space<vmem>>) offsets(%dma_start3A_293 : memref<32xi32, #tpu.memory_space<vmem>>) semaphore(%dma_start3A_298 : memref<!tpu.dma_semaphore, #tpu.memory_space<semaphore_mem>>)
    %dma_start3A_299 = arith.constant 0 : i32
    %dma_start3A_300 = arith.constant 0 : i32
    %dma_start3A_301 = arith.constant 11 : i32
    %dma_start3A_302 = arith.constant 32 : i32
    %dma_start3A_303 = arith.constant 0 : i32
    %dma_start3A_304 = tpu.memref_slice %arg34[%dma_start3A_299, %dma_start3A_302, %dma_start3A_303] : memref<2x64x128xf32, #tpu.memory_space<vmem>> -> memref<1x32x128xf32, #tpu.memory_space<vmem>>
    %dma_start3A_305 = tpu.memref_squeeze %dma_start3A_304 : memref<1x32x128xf32, #tpu.memory_space<vmem>> -> memref<32x128xf32, #tpu.memory_space<vmem>>
    %dma_start3A_306 = arith.constant 32 : i32
    %dma_start3A_307 = tpu.memref_slice %arg22[%dma_start3A_306] : memref<512xi32, #tpu.memory_space<vmem>> -> memref<32xi32, #tpu.memory_space<vmem>>
    %dma_start3A_308 = arith.constant 0 : i32
    %dma_start3A_309 = arith.constant 0 : i32
    %dma_start3A_310 = tpu.memref_slice %arg14[%dma_start3A_308, %dma_start3A_309] : memref<500000x128xf32, #tpu.memory_space<hbm>> -> memref<500000x128xf32, #tpu.memory_space<hbm>>
    %dma_start3A_311 = tpu.memref_slice %arg36[%dma_start3A_300, %dma_start3A_301] : memref<2x12x!tpu.dma_semaphore, #tpu.memory_space<semaphore_mem>> -> memref<1x1x!tpu.dma_semaphore, #tpu.memory_space<semaphore_mem>>
    %dma_start3A_312 = tpu.memref_squeeze %dma_start3A_311 : memref<1x1x!tpu.dma_semaphore, #tpu.memory_space<semaphore_mem>> -> memref<!tpu.dma_semaphore, #tpu.memory_space<semaphore_mem>>
    tpu.enqueue_indirect_dma source(%dma_start3A_310 : memref<500000x128xf32, #tpu.memory_space<hbm>>) target(%dma_start3A_305 : memref<32x128xf32, #tpu.memory_space<vmem>>) offsets(%dma_start3A_307 : memref<32xi32, #tpu.memory_space<vmem>>) semaphore(%dma_start3A_312 : memref<!tpu.dma_semaphore, #tpu.memory_space<semaphore_mem>>)
    %scan3A = arith.constant 0 : i32
    %scan3A_313 = arith.constant 0 : i32
    %scan3A_314 = arith.constant 8 : i32
    %scan3A_315 = arith.addi %scan3A_313, %scan3A_314 : i32
    %scan3A_316 = arith.constant 1 : i32
    %scan3A_317 = scf.for %scan3A_319 = %scan3A_313 to %scan3A_315 step %scan3A_316 iter_args(%scan3A_320 = %scan3A) -> (i32)  : i32 {
      %rem3A = arith.constant 2 : i32
      %rem3A_321 = arith.remsi %scan3A_319, %rem3A : i32
      %mul3A_322 = arith.constant 64 : i32
      %mul3A_323 = arith.muli %scan3A_319, %mul3A_322 : i32
      %add3A_324 = arith.constant 1 : i32
      %add3A_325 = arith.addi %scan3A_319, %add3A_324 : i32
      %lt3A = arith.constant 8 : i32
      %lt3A_326 = arith.cmpi slt, %add3A_325, %lt3A : i32
      %convert_element_type3A = arith.extui %lt3A_326 : i1 to i32
      %cond3A = arith.constant 0 : i32
      %cond3A_327 = arith.cmpi ne, %convert_element_type3A, %cond3A : i32
      scf.if %cond3A_327 {
        %eq3A_345 = arith.constant 0 : i32
        %eq3A_346 = arith.cmpi eq, %rem3A_321, %eq3A_345 : i32
        %convert_element_type3A_347 = arith.extui %eq3A_346 : i1 to i32
        %cond3A_348 = arith.constant 0 : i32
        %cond3A_349 = arith.cmpi ne, %convert_element_type3A_347, %cond3A_348 : i32
        scf.if %cond3A_349 {
          %add3A_355 = arith.constant 1 : i32
          %add3A_356 = arith.addi %scan3A_319, %add3A_355 : i32
          %mul3A_357 = arith.constant 64 : i32
          %mul3A_358 = arith.muli %add3A_356, %mul3A_357 : i32
          %add3A_359 = arith.constant 0 : i32
          %add3A_360 = arith.addi %mul3A_358, %add3A_359 : i32
          %dma_start3A_361 = arith.constant 1 : i32
          %dma_start3A_362 = arith.constant 1 : i32
          %dma_start3A_363 = arith.constant 0 : i32
          %dma_start3A_364 = arith.constant 0 : i32
          %dma_start3A_365 = arith.constant 0 : i32
          %dma_start3A_366 = tpu.memref_slice %arg29[%dma_start3A_361, %dma_start3A_364, %dma_start3A_365] : memref<2x64x128xf32, #tpu.memory_space<vmem>> -> memref<1x32x128xf32, #tpu.memory_space<vmem>>
          %dma_start3A_367 = tpu.memref_squeeze %dma_start3A_366 : memref<1x32x128xf32, #tpu.memory_space<vmem>> -> memref<32x128xf32, #tpu.memory_space<vmem>>
          %dma_start3A_368 = tpu.memref_slice %arg17[%add3A_360] : memref<512xi32, #tpu.memory_space<vmem>> -> memref<32xi32, #tpu.memory_space<vmem>>
          %dma_start3A_369 = arith.constant 0 : i32
          %dma_start3A_370 = arith.constant 0 : i32
          %dma_start3A_371 = tpu.memref_slice %arg14[%dma_start3A_369, %dma_start3A_370] : memref<500000x128xf32, #tpu.memory_space<hbm>> -> memref<500000x128xf32, #tpu.memory_space<hbm>>
          %dma_start3A_372 = tpu.memref_slice %arg36[%dma_start3A_362, %dma_start3A_363] : memref<2x12x!tpu.dma_semaphore, #tpu.memory_space<semaphore_mem>> -> memref<1x1x!tpu.dma_semaphore, #tpu.memory_space<semaphore_mem>>
          %dma_start3A_373 = tpu.memref_squeeze %dma_start3A_372 : memref<1x1x!tpu.dma_semaphore, #tpu.memory_space<semaphore_mem>> -> memref<!tpu.dma_semaphore, #tpu.memory_space<semaphore_mem>>
          tpu.enqueue_indirect_dma source(%dma_start3A_371 : memref<500000x128xf32, #tpu.memory_space<hbm>>) target(%dma_start3A_367 : memref<32x128xf32, #tpu.memory_space<vmem>>) offsets(%dma_start3A_368 : memref<32xi32, #tpu.memory_space<vmem>>) semaphore(%dma_start3A_373 : memref<!tpu.dma_semaphore, #tpu.memory_space<semaphore_mem>>)
          %add3A_374 = arith.constant 32 : i32
          %add3A_375 = arith.addi %mul3A_358, %add3A_374 : i32
          %dma_start3A_376 = arith.constant 1 : i32
          %dma_start3A_377 = arith.constant 1 : i32
          %dma_start3A_378 = arith.constant 1 : i32
          %dma_start3A_379 = arith.constant 32 : i32
          %dma_start3A_380 = arith.constant 0 : i32
          %dma_start3A_381 = tpu.memref_slice %arg29[%dma_start3A_376, %dma_start3A_379, %dma_start3A_380] : memref<2x64x128xf32, #tpu.memory_space<vmem>> -> memref<1x32x128xf32, #tpu.memory_space<vmem>>
          %dma_start3A_382 = tpu.memref_squeeze %dma_start3A_381 : memref<1x32x128xf32, #tpu.memory_space<vmem>> -> memref<32x128xf32, #tpu.memory_space<vmem>>
          %dma_start3A_383 = tpu.memref_slice %arg17[%add3A_375] : memref<512xi32, #tpu.memory_space<vmem>> -> memref<32xi32, #tpu.memory_space<vmem>>
          %dma_start3A_384 = arith.constant 0 : i32
          %dma_start3A_385 = arith.constant 0 : i32
          %dma_start3A_386 = tpu.memref_slice %arg14[%dma_start3A_384, %dma_start3A_385] : memref<500000x128xf32, #tpu.memory_space<hbm>> -> memref<500000x128xf32, #tpu.memory_space<hbm>>
          %dma_start3A_387 = tpu.memref_slice %arg36[%dma_start3A_377, %dma_start3A_378] : memref<2x12x!tpu.dma_semaphore, #tpu.memory_space<semaphore_mem>> -> memref<1x1x!tpu.dma_semaphore, #tpu.memory_space<semaphore_mem>>
          %dma_start3A_388 = tpu.memref_squeeze %dma_start3A_387 : memref<1x1x!tpu.dma_semaphore, #tpu.memory_space<semaphore_mem>> -> memref<!tpu.dma_semaphore, #tpu.memory_space<semaphore_mem>>
          tpu.enqueue_indirect_dma source(%dma_start3A_386 : memref<500000x128xf32, #tpu.memory_space<hbm>>) target(%dma_start3A_382 : memref<32x128xf32, #tpu.memory_space<vmem>>) offsets(%dma_start3A_383 : memref<32xi32, #tpu.memory_space<vmem>>) semaphore(%dma_start3A_388 : memref<!tpu.dma_semaphore, #tpu.memory_space<semaphore_mem>>)
          %add3A_389 = arith.constant 0 : i32
          %add3A_390 = arith.addi %mul3A_358, %add3A_389 : i32
          %dma_start3A_391 = arith.constant 1 : i32
          %dma_start3A_392 = arith.constant 1 : i32
          %dma_start3A_393 = arith.constant 2 : i32
          %dma_start3A_394 = arith.constant 0 : i32
          %dma_start3A_395 = arith.constant 0 : i32
          %dma_start3A_396 = tpu.memref_slice %arg30[%dma_start3A_391, %dma_start3A_394, %dma_start3A_395] : memref<2x64x128xf32, #tpu.memory_space<vmem>> -> memref<1x32x128xf32, #tpu.memory_space<vmem>>
          %dma_start3A_397 = tpu.memref_squeeze %dma_start3A_396 : memref<1x32x128xf32, #tpu.memory_space<vmem>> -> memref<32x128xf32, #tpu.memory_space<vmem>>
          %dma_start3A_398 = tpu.memref_slice %arg18[%add3A_390] : memref<512xi32, #tpu.memory_space<vmem>> -> memref<32xi32, #tpu.memory_space<vmem>>
          %dma_start3A_399 = arith.constant 0 : i32
          %dma_start3A_400 = arith.constant 0 : i32
          %dma_start3A_401 = tpu.memref_slice %arg15[%dma_start3A_399, %dma_start3A_400] : memref<500x128xf32, #tpu.memory_space<hbm>> -> memref<500x128xf32, #tpu.memory_space<hbm>>
          %dma_start3A_402 = tpu.memref_slice %arg36[%dma_start3A_392, %dma_start3A_393] : memref<2x12x!tpu.dma_semaphore, #tpu.memory_space<semaphore_mem>> -> memref<1x1x!tpu.dma_semaphore, #tpu.memory_space<semaphore_mem>>
          %dma_start3A_403 = tpu.memref_squeeze %dma_start3A_402 : memref<1x1x!tpu.dma_semaphore, #tpu.memory_space<semaphore_mem>> -> memref<!tpu.dma_semaphore, #tpu.memory_space<semaphore_mem>>
          tpu.enqueue_indirect_dma source(%dma_start3A_401 : memref<500x128xf32, #tpu.memory_space<hbm>>) target(%dma_start3A_397 : memref<32x128xf32, #tpu.memory_space<vmem>>) offsets(%dma_start3A_398 : memref<32xi32, #tpu.memory_space<vmem>>) semaphore(%dma_start3A_403 : memref<!tpu.dma_semaphore, #tpu.memory_space<semaphore_mem>>)
          %add3A_404 = arith.constant 32 : i32
          %add3A_405 = arith.addi %mul3A_358, %add3A_404 : i32
          %dma_start3A_406 = arith.constant 1 : i32
          %dma_start3A_407 = arith.constant 1 : i32
          %dma_start3A_408 = arith.constant 3 : i32
          %dma_start3A_409 = arith.constant 32 : i32
          %dma_start3A_410 = arith.constant 0 : i32
          %dma_start3A_411 = tpu.memref_slice %arg30[%dma_start3A_406, %dma_start3A_409, %dma_start3A_410] : memref<2x64x128xf32, #tpu.memory_space<vmem>> -> memref<1x32x128xf32, #tpu.memory_space<vmem>>
          %dma_start3A_412 = tpu.memref_squeeze %dma_start3A_411 : memref<1x32x128xf32, #tpu.memory_space<vmem>> -> memref<32x128xf32, #tpu.memory_space<vmem>>
          %dma_start3A_413 = tpu.memref_slice %arg18[%add3A_405] : memref<512xi32, #tpu.memory_space<vmem>> -> memref<32xi32, #tpu.memory_space<vmem>>
          %dma_start3A_414 = arith.constant 0 : i32
          %dma_start3A_415 = arith.constant 0 : i32
          %dma_start3A_416 = tpu.memref_slice %arg15[%dma_start3A_414, %dma_start3A_415] : memref<500x128xf32, #tpu.memory_space<hbm>> -> memref<500x128xf32, #tpu.memory_space<hbm>>
          %dma_start3A_417 = tpu.memref_slice %arg36[%dma_start3A_407, %dma_start3A_408] : memref<2x12x!tpu.dma_semaphore, #tpu.memory_space<semaphore_mem>> -> memref<1x1x!tpu.dma_semaphore, #tpu.memory_space<semaphore_mem>>
          %dma_start3A_418 = tpu.memref_squeeze %dma_start3A_417 : memref<1x1x!tpu.dma_semaphore, #tpu.memory_space<semaphore_mem>> -> memref<!tpu.dma_semaphore, #tpu.memory_space<semaphore_mem>>
          tpu.enqueue_indirect_dma source(%dma_start3A_416 : memref<500x128xf32, #tpu.memory_space<hbm>>) target(%dma_start3A_412 : memref<32x128xf32, #tpu.memory_space<vmem>>) offsets(%dma_start3A_413 : memref<32xi32, #tpu.memory_space<vmem>>) semaphore(%dma_start3A_418 : memref<!tpu.dma_semaphore, #tpu.memory_space<semaphore_mem>>)
          %add3A_419 = arith.constant 0 : i32
          %add3A_420 = arith.addi %mul3A_358, %add3A_419 : i32
          %dma_start3A_421 = arith.constant 1 : i32
          %dma_start3A_422 = arith.constant 1 : i32
          %dma_start3A_423 = arith.constant 4 : i32
          %dma_start3A_424 = arith.constant 0 : i32
          %dma_start3A_425 = arith.constant 0 : i32
          %dma_start3A_426 = tpu.memref_slice %arg31[%dma_start3A_421, %dma_start3A_424, %dma_start3A_425] : memref<2x64x128xf32, #tpu.memory_space<vmem>> -> memref<1x32x128xf32, #tpu.memory_space<vmem>>
          %dma_start3A_427 = tpu.memref_squeeze %dma_start3A_426 : memref<1x32x128xf32, #tpu.memory_space<vmem>> -> memref<32x128xf32, #tpu.memory_space<vmem>>
          %dma_start3A_428 = tpu.memref_slice %arg19[%add3A_420] : memref<512xi32, #tpu.memory_space<vmem>> -> memref<32xi32, #tpu.memory_space<vmem>>
          %dma_start3A_429 = arith.constant 0 : i32
          %dma_start3A_430 = arith.constant 0 : i32
          %dma_start3A_431 = tpu.memref_slice %arg14[%dma_start3A_429, %dma_start3A_430] : memref<500000x128xf32, #tpu.memory_space<hbm>> -> memref<500000x128xf32, #tpu.memory_space<hbm>>
          %dma_start3A_432 = tpu.memref_slice %arg36[%dma_start3A_422, %dma_start3A_423] : memref<2x12x!tpu.dma_semaphore, #tpu.memory_space<semaphore_mem>> -> memref<1x1x!tpu.dma_semaphore, #tpu.memory_space<semaphore_mem>>
          %dma_start3A_433 = tpu.memref_squeeze %dma_start3A_432 : memref<1x1x!tpu.dma_semaphore, #tpu.memory_space<semaphore_mem>> -> memref<!tpu.dma_semaphore, #tpu.memory_space<semaphore_mem>>
          tpu.enqueue_indirect_dma source(%dma_start3A_431 : memref<500000x128xf32, #tpu.memory_space<hbm>>) target(%dma_start3A_427 : memref<32x128xf32, #tpu.memory_space<vmem>>) offsets(%dma_start3A_428 : memref<32xi32, #tpu.memory_space<vmem>>) semaphore(%dma_start3A_433 : memref<!tpu.dma_semaphore, #tpu.memory_space<semaphore_mem>>)
          %add3A_434 = arith.constant 32 : i32
          %add3A_435 = arith.addi %mul3A_358, %add3A_434 : i32
          %dma_start3A_436 = arith.constant 1 : i32
          %dma_start3A_437 = arith.constant 1 : i32
          %dma_start3A_438 = arith.constant 5 : i32
          %dma_start3A_439 = arith.constant 32 : i32
          %dma_start3A_440 = arith.constant 0 : i32
          %dma_start3A_441 = tpu.memref_slice %arg31[%dma_start3A_436, %dma_start3A_439, %dma_start3A_440] : memref<2x64x128xf32, #tpu.memory_space<vmem>> -> memref<1x32x128xf32, #tpu.memory_space<vmem>>
          %dma_start3A_442 = tpu.memref_squeeze %dma_start3A_441 : memref<1x32x128xf32, #tpu.memory_space<vmem>> -> memref<32x128xf32, #tpu.memory_space<vmem>>
          %dma_start3A_443 = tpu.memref_slice %arg19[%add3A_435] : memref<512xi32, #tpu.memory_space<vmem>> -> memref<32xi32, #tpu.memory_space<vmem>>
          %dma_start3A_444 = arith.constant 0 : i32
          %dma_start3A_445 = arith.constant 0 : i32
          %dma_start3A_446 = tpu.memref_slice %arg14[%dma_start3A_444, %dma_start3A_445] : memref<500000x128xf32, #tpu.memory_space<hbm>> -> memref<500000x128xf32, #tpu.memory_space<hbm>>
          %dma_start3A_447 = tpu.memref_slice %arg36[%dma_start3A_437, %dma_start3A_438] : memref<2x12x!tpu.dma_semaphore, #tpu.memory_space<semaphore_mem>> -> memref<1x1x!tpu.dma_semaphore, #tpu.memory_space<semaphore_mem>>
          %dma_start3A_448 = tpu.memref_squeeze %dma_start3A_447 : memref<1x1x!tpu.dma_semaphore, #tpu.memory_space<semaphore_mem>> -> memref<!tpu.dma_semaphore, #tpu.memory_space<semaphore_mem>>
          tpu.enqueue_indirect_dma source(%dma_start3A_446 : memref<500000x128xf32, #tpu.memory_space<hbm>>) target(%dma_start3A_442 : memref<32x128xf32, #tpu.memory_space<vmem>>) offsets(%dma_start3A_443 : memref<32xi32, #tpu.memory_space<vmem>>) semaphore(%dma_start3A_448 : memref<!tpu.dma_semaphore, #tpu.memory_space<semaphore_mem>>)
          %add3A_449 = arith.constant 0 : i32
          %add3A_450 = arith.addi %mul3A_358, %add3A_449 : i32
          %dma_start3A_451 = arith.constant 1 : i32
          %dma_start3A_452 = arith.constant 1 : i32
          %dma_start3A_453 = arith.constant 6 : i32
          %dma_start3A_454 = arith.constant 0 : i32
          %dma_start3A_455 = arith.constant 0 : i32
          %dma_start3A_456 = tpu.memref_slice %arg32[%dma_start3A_451, %dma_start3A_454, %dma_start3A_455] : memref<2x64x128xf32, #tpu.memory_space<vmem>> -> memref<1x32x128xf32, #tpu.memory_space<vmem>>
          %dma_start3A_457 = tpu.memref_squeeze %dma_start3A_456 : memref<1x32x128xf32, #tpu.memory_space<vmem>> -> memref<32x128xf32, #tpu.memory_space<vmem>>
          %dma_start3A_458 = tpu.memref_slice %arg20[%add3A_450] : memref<512xi32, #tpu.memory_space<vmem>> -> memref<32xi32, #tpu.memory_space<vmem>>
          %dma_start3A_459 = arith.constant 0 : i32
          %dma_start3A_460 = arith.constant 0 : i32
          %dma_start3A_461 = tpu.memref_slice %arg14[%dma_start3A_459, %dma_start3A_460] : memref<500000x128xf32, #tpu.memory_space<hbm>> -> memref<500000x128xf32, #tpu.memory_space<hbm>>
          %dma_start3A_462 = tpu.memref_slice %arg36[%dma_start3A_452, %dma_start3A_453] : memref<2x12x!tpu.dma_semaphore, #tpu.memory_space<semaphore_mem>> -> memref<1x1x!tpu.dma_semaphore, #tpu.memory_space<semaphore_mem>>
          %dma_start3A_463 = tpu.memref_squeeze %dma_start3A_462 : memref<1x1x!tpu.dma_semaphore, #tpu.memory_space<semaphore_mem>> -> memref<!tpu.dma_semaphore, #tpu.memory_space<semaphore_mem>>
          tpu.enqueue_indirect_dma source(%dma_start3A_461 : memref<500000x128xf32, #tpu.memory_space<hbm>>) target(%dma_start3A_457 : memref<32x128xf32, #tpu.memory_space<vmem>>) offsets(%dma_start3A_458 : memref<32xi32, #tpu.memory_space<vmem>>) semaphore(%dma_start3A_463 : memref<!tpu.dma_semaphore, #tpu.memory_space<semaphore_mem>>)
          %add3A_464 = arith.constant 32 : i32
          %add3A_465 = arith.addi %mul3A_358, %add3A_464 : i32
          %dma_start3A_466 = arith.constant 1 : i32
          %dma_start3A_467 = arith.constant 1 : i32
          %dma_start3A_468 = arith.constant 7 : i32
          %dma_start3A_469 = arith.constant 32 : i32
          %dma_start3A_470 = arith.constant 0 : i32
          %dma_start3A_471 = tpu.memref_slice %arg32[%dma_start3A_466, %dma_start3A_469, %dma_start3A_470] : memref<2x64x128xf32, #tpu.memory_space<vmem>> -> memref<1x32x128xf32, #tpu.memory_space<vmem>>
          %dma_start3A_472 = tpu.memref_squeeze %dma_start3A_471 : memref<1x32x128xf32, #tpu.memory_space<vmem>> -> memref<32x128xf32, #tpu.memory_space<vmem>>
          %dma_start3A_473 = tpu.memref_slice %arg20[%add3A_465] : memref<512xi32, #tpu.memory_space<vmem>> -> memref<32xi32, #tpu.memory_space<vmem>>
          %dma_start3A_474 = arith.constant 0 : i32
          %dma_start3A_475 = arith.constant 0 : i32
          %dma_start3A_476 = tpu.memref_slice %arg14[%dma_start3A_474, %dma_start3A_475] : memref<500000x128xf32, #tpu.memory_space<hbm>> -> memref<500000x128xf32, #tpu.memory_space<hbm>>
          %dma_start3A_477 = tpu.memref_slice %arg36[%dma_start3A_467, %dma_start3A_468] : memref<2x12x!tpu.dma_semaphore, #tpu.memory_space<semaphore_mem>> -> memref<1x1x!tpu.dma_semaphore, #tpu.memory_space<semaphore_mem>>
          %dma_start3A_478 = tpu.memref_squeeze %dma_start3A_477 : memref<1x1x!tpu.dma_semaphore, #tpu.memory_space<semaphore_mem>> -> memref<!tpu.dma_semaphore, #tpu.memory_space<semaphore_mem>>
          tpu.enqueue_indirect_dma source(%dma_start3A_476 : memref<500000x128xf32, #tpu.memory_space<hbm>>) target(%dma_start3A_472 : memref<32x128xf32, #tpu.memory_space<vmem>>) offsets(%dma_start3A_473 : memref<32xi32, #tpu.memory_space<vmem>>) semaphore(%dma_start3A_478 : memref<!tpu.dma_semaphore, #tpu.memory_space<semaphore_mem>>)
          %add3A_479 = arith.constant 0 : i32
          %add3A_480 = arith.addi %mul3A_358, %add3A_479 : i32
          %dma_start3A_481 = arith.constant 1 : i32
          %dma_start3A_482 = arith.constant 1 : i32
          %dma_start3A_483 = arith.constant 8 : i32
          %dma_start3A_484 = arith.constant 0 : i32
          %dma_start3A_485 = arith.constant 0 : i32
          %dma_start3A_486 = tpu.memref_slice %arg33[%dma_start3A_481, %dma_start3A_484, %dma_start3A_485] : memref<2x64x128xf32, #tpu.memory_space<vmem>> -> memref<1x32x128xf32, #tpu.memory_space<vmem>>
          %dma_start3A_487 = tpu.memref_squeeze %dma_start3A_486 : memref<1x32x128xf32, #tpu.memory_space<vmem>> -> memref<32x128xf32, #tpu.memory_space<vmem>>
          %dma_start3A_488 = tpu.memref_slice %arg21[%add3A_480] : memref<512xi32, #tpu.memory_space<vmem>> -> memref<32xi32, #tpu.memory_space<vmem>>
          %dma_start3A_489 = arith.constant 0 : i32
          %dma_start3A_490 = arith.constant 0 : i32
          %dma_start3A_491 = tpu.memref_slice %arg15[%dma_start3A_489, %dma_start3A_490] : memref<500x128xf32, #tpu.memory_space<hbm>> -> memref<500x128xf32, #tpu.memory_space<hbm>>
          %dma_start3A_492 = tpu.memref_slice %arg36[%dma_start3A_482, %dma_start3A_483] : memref<2x12x!tpu.dma_semaphore, #tpu.memory_space<semaphore_mem>> -> memref<1x1x!tpu.dma_semaphore, #tpu.memory_space<semaphore_mem>>
          %dma_start3A_493 = tpu.memref_squeeze %dma_start3A_492 : memref<1x1x!tpu.dma_semaphore, #tpu.memory_space<semaphore_mem>> -> memref<!tpu.dma_semaphore, #tpu.memory_space<semaphore_mem>>
          tpu.enqueue_indirect_dma source(%dma_start3A_491 : memref<500x128xf32, #tpu.memory_space<hbm>>) target(%dma_start3A_487 : memref<32x128xf32, #tpu.memory_space<vmem>>) offsets(%dma_start3A_488 : memref<32xi32, #tpu.memory_space<vmem>>) semaphore(%dma_start3A_493 : memref<!tpu.dma_semaphore, #tpu.memory_space<semaphore_mem>>)
          %add3A_494 = arith.constant 32 : i32
          %add3A_495 = arith.addi %mul3A_358, %add3A_494 : i32
          %dma_start3A_496 = arith.constant 1 : i32
          %dma_start3A_497 = arith.constant 1 : i32
          %dma_start3A_498 = arith.constant 9 : i32
          %dma_start3A_499 = arith.constant 32 : i32
          %dma_start3A_500 = arith.constant 0 : i32
          %dma_start3A_501 = tpu.memref_slice %arg33[%dma_start3A_496, %dma_start3A_499, %dma_start3A_500] : memref<2x64x128xf32, #tpu.memory_space<vmem>> -> memref<1x32x128xf32, #tpu.memory_space<vmem>>
          %dma_start3A_502 = tpu.memref_squeeze %dma_start3A_501 : memref<1x32x128xf32, #tpu.memory_space<vmem>> -> memref<32x128xf32, #tpu.memory_space<vmem>>
          %dma_start3A_503 = tpu.memref_slice %arg21[%add3A_495] : memref<512xi32, #tpu.memory_space<vmem>> -> memref<32xi32, #tpu.memory_space<vmem>>
          %dma_start3A_504 = arith.constant 0 : i32
          %dma_start3A_505 = arith.constant 0 : i32
          %dma_start3A_506 = tpu.memref_slice %arg15[%dma_start3A_504, %dma_start3A_505] : memref<500x128xf32, #tpu.memory_space<hbm>> -> memref<500x128xf32, #tpu.memory_space<hbm>>
          %dma_start3A_507 = tpu.memref_slice %arg36[%dma_start3A_497, %dma_start3A_498] : memref<2x12x!tpu.dma_semaphore, #tpu.memory_space<semaphore_mem>> -> memref<1x1x!tpu.dma_semaphore, #tpu.memory_space<semaphore_mem>>
          %dma_start3A_508 = tpu.memref_squeeze %dma_start3A_507 : memref<1x1x!tpu.dma_semaphore, #tpu.memory_space<semaphore_mem>> -> memref<!tpu.dma_semaphore, #tpu.memory_space<semaphore_mem>>
          tpu.enqueue_indirect_dma source(%dma_start3A_506 : memref<500x128xf32, #tpu.memory_space<hbm>>) target(%dma_start3A_502 : memref<32x128xf32, #tpu.memory_space<vmem>>) offsets(%dma_start3A_503 : memref<32xi32, #tpu.memory_space<vmem>>) semaphore(%dma_start3A_508 : memref<!tpu.dma_semaphore, #tpu.memory_space<semaphore_mem>>)
          %add3A_509 = arith.constant 0 : i32
          %add3A_510 = arith.addi %mul3A_358, %add3A_509 : i32
          %dma_start3A_511 = arith.constant 1 : i32
          %dma_start3A_512 = arith.constant 1 : i32
          %dma_start3A_513 = arith.constant 10 : i32
          %dma_start3A_514 = arith.constant 0 : i32
          %dma_start3A_515 = arith.constant 0 : i32
          %dma_start3A_516 = tpu.memref_slice %arg34[%dma_start3A_511, %dma_start3A_514, %dma_start3A_515] : memref<2x64x128xf32, #tpu.memory_space<vmem>> -> memref<1x32x128xf32, #tpu.memory_space<vmem>>
          %dma_start3A_517 = tpu.memref_squeeze %dma_start3A_516 : memref<1x32x128xf32, #tpu.memory_space<vmem>> -> memref<32x128xf32, #tpu.memory_space<vmem>>
          %dma_start3A_518 = tpu.memref_slice %arg22[%add3A_510] : memref<512xi32, #tpu.memory_space<vmem>> -> memref<32xi32, #tpu.memory_space<vmem>>
          %dma_start3A_519 = arith.constant 0 : i32
          %dma_start3A_520 = arith.constant 0 : i32
          %dma_start3A_521 = tpu.memref_slice %arg14[%dma_start3A_519, %dma_start3A_520] : memref<500000x128xf32, #tpu.memory_space<hbm>> -> memref<500000x128xf32, #tpu.memory_space<hbm>>
          %dma_start3A_522 = tpu.memref_slice %arg36[%dma_start3A_512, %dma_start3A_513] : memref<2x12x!tpu.dma_semaphore, #tpu.memory_space<semaphore_mem>> -> memref<1x1x!tpu.dma_semaphore, #tpu.memory_space<semaphore_mem>>
          %dma_start3A_523 = tpu.memref_squeeze %dma_start3A_522 : memref<1x1x!tpu.dma_semaphore, #tpu.memory_space<semaphore_mem>> -> memref<!tpu.dma_semaphore, #tpu.memory_space<semaphore_mem>>
          tpu.enqueue_indirect_dma source(%dma_start3A_521 : memref<500000x128xf32, #tpu.memory_space<hbm>>) target(%dma_start3A_517 : memref<32x128xf32, #tpu.memory_space<vmem>>) offsets(%dma_start3A_518 : memref<32xi32, #tpu.memory_space<vmem>>) semaphore(%dma_start3A_523 : memref<!tpu.dma_semaphore, #tpu.memory_space<semaphore_mem>>)
          %add3A_524 = arith.constant 32 : i32
          %add3A_525 = arith.addi %mul3A_358, %add3A_524 : i32
          %dma_start3A_526 = arith.constant 1 : i32
          %dma_start3A_527 = arith.constant 1 : i32
          %dma_start3A_528 = arith.constant 11 : i32
          %dma_start3A_529 = arith.constant 32 : i32
          %dma_start3A_530 = arith.constant 0 : i32
          %dma_start3A_531 = tpu.memref_slice %arg34[%dma_start3A_526, %dma_start3A_529, %dma_start3A_530] : memref<2x64x128xf32, #tpu.memory_space<vmem>> -> memref<1x32x128xf32, #tpu.memory_space<vmem>>
          %dma_start3A_532 = tpu.memref_squeeze %dma_start3A_531 : memref<1x32x128xf32, #tpu.memory_space<vmem>> -> memref<32x128xf32, #tpu.memory_space<vmem>>
          %dma_start3A_533 = tpu.memref_slice %arg22[%add3A_525] : memref<512xi32, #tpu.memory_space<vmem>> -> memref<32xi32, #tpu.memory_space<vmem>>
          %dma_start3A_534 = arith.constant 0 : i32
          %dma_start3A_535 = arith.constant 0 : i32
          %dma_start3A_536 = tpu.memref_slice %arg14[%dma_start3A_534, %dma_start3A_535] : memref<500000x128xf32, #tpu.memory_space<hbm>> -> memref<500000x128xf32, #tpu.memory_space<hbm>>
          %dma_start3A_537 = tpu.memref_slice %arg36[%dma_start3A_527, %dma_start3A_528] : memref<2x12x!tpu.dma_semaphore, #tpu.memory_space<semaphore_mem>> -> memref<1x1x!tpu.dma_semaphore, #tpu.memory_space<semaphore_mem>>
          %dma_start3A_538 = tpu.memref_squeeze %dma_start3A_537 : memref<1x1x!tpu.dma_semaphore, #tpu.memory_space<semaphore_mem>> -> memref<!tpu.dma_semaphore, #tpu.memory_space<semaphore_mem>>
          tpu.enqueue_indirect_dma source(%dma_start3A_536 : memref<500000x128xf32, #tpu.memory_space<hbm>>) target(%dma_start3A_532 : memref<32x128xf32, #tpu.memory_space<vmem>>) offsets(%dma_start3A_533 : memref<32xi32, #tpu.memory_space<vmem>>) semaphore(%dma_start3A_538 : memref<!tpu.dma_semaphore, #tpu.memory_space<semaphore_mem>>)
        } else {
        }
        %eq3A_350 = arith.constant 1 : i32
        %eq3A_351 = arith.cmpi eq, %rem3A_321, %eq3A_350 : i32
        %convert_element_type3A_352 = arith.extui %eq3A_351 : i1 to i32
        %cond3A_353 = arith.constant 0 : i32
        %cond3A_354 = arith.cmpi ne, %convert_element_type3A_352, %cond3A_353 : i32
        scf.if %cond3A_354 {
          %add3A_355 = arith.constant 1 : i32
          %add3A_356 = arith.addi %scan3A_319, %add3A_355 : i32
          %mul3A_357 = arith.constant 64 : i32
          %mul3A_358 = arith.muli %add3A_356, %mul3A_357 : i32
          %add3A_359 = arith.constant 0 : i32
          %add3A_360 = arith.addi %mul3A_358, %add3A_359 : i32
          %dma_start3A_361 = arith.constant 0 : i32
          %dma_start3A_362 = arith.constant 0 : i32
          %dma_start3A_363 = arith.constant 0 : i32
          %dma_start3A_364 = arith.constant 0 : i32
          %dma_start3A_365 = arith.constant 0 : i32
          %dma_start3A_366 = tpu.memref_slice %arg29[%dma_start3A_361, %dma_start3A_364, %dma_start3A_365] : memref<2x64x128xf32, #tpu.memory_space<vmem>> -> memref<1x32x128xf32, #tpu.memory_space<vmem>>
          %dma_start3A_367 = tpu.memref_squeeze %dma_start3A_366 : memref<1x32x128xf32, #tpu.memory_space<vmem>> -> memref<32x128xf32, #tpu.memory_space<vmem>>
          %dma_start3A_368 = tpu.memref_slice %arg17[%add3A_360] : memref<512xi32, #tpu.memory_space<vmem>> -> memref<32xi32, #tpu.memory_space<vmem>>
          %dma_start3A_369 = arith.constant 0 : i32
          %dma_start3A_370 = arith.constant 0 : i32
          %dma_start3A_371 = tpu.memref_slice %arg14[%dma_start3A_369, %dma_start3A_370] : memref<500000x128xf32, #tpu.memory_space<hbm>> -> memref<500000x128xf32, #tpu.memory_space<hbm>>
          %dma_start3A_372 = tpu.memref_slice %arg36[%dma_start3A_362, %dma_start3A_363] : memref<2x12x!tpu.dma_semaphore, #tpu.memory_space<semaphore_mem>> -> memref<1x1x!tpu.dma_semaphore, #tpu.memory_space<semaphore_mem>>
          %dma_start3A_373 = tpu.memref_squeeze %dma_start3A_372 : memref<1x1x!tpu.dma_semaphore, #tpu.memory_space<semaphore_mem>> -> memref<!tpu.dma_semaphore, #tpu.memory_space<semaphore_mem>>
          tpu.enqueue_indirect_dma source(%dma_start3A_371 : memref<500000x128xf32, #tpu.memory_space<hbm>>) target(%dma_start3A_367 : memref<32x128xf32, #tpu.memory_space<vmem>>) offsets(%dma_start3A_368 : memref<32xi32, #tpu.memory_space<vmem>>) semaphore(%dma_start3A_373 : memref<!tpu.dma_semaphore, #tpu.memory_space<semaphore_mem>>)
          %add3A_374 = arith.constant 32 : i32
          %add3A_375 = arith.addi %mul3A_358, %add3A_374 : i32
          %dma_start3A_376 = arith.constant 0 : i32
          %dma_start3A_377 = arith.constant 0 : i32
          %dma_start3A_378 = arith.constant 1 : i32
          %dma_start3A_379 = arith.constant 32 : i32
          %dma_start3A_380 = arith.constant 0 : i32
          %dma_start3A_381 = tpu.memref_slice %arg29[%dma_start3A_376, %dma_start3A_379, %dma_start3A_380] : memref<2x64x128xf32, #tpu.memory_space<vmem>> -> memref<1x32x128xf32, #tpu.memory_space<vmem>>
          %dma_start3A_382 = tpu.memref_squeeze %dma_start3A_381 : memref<1x32x128xf32, #tpu.memory_space<vmem>> -> memref<32x128xf32, #tpu.memory_space<vmem>>
          %dma_start3A_383 = tpu.memref_slice %arg17[%add3A_375] : memref<512xi32, #tpu.memory_space<vmem>> -> memref<32xi32, #tpu.memory_space<vmem>>
          %dma_start3A_384 = arith.constant 0 : i32
          %dma_start3A_385 = arith.constant 0 : i32
          %dma_start3A_386 = tpu.memref_slice %arg14[%dma_start3A_384, %dma_start3A_385] : memref<500000x128xf32, #tpu.memory_space<hbm>> -> memref<500000x128xf32, #tpu.memory_space<hbm>>
          %dma_start3A_387 = tpu.memref_slice %arg36[%dma_start3A_377, %dma_start3A_378] : memref<2x12x!tpu.dma_semaphore, #tpu.memory_space<semaphore_mem>> -> memref<1x1x!tpu.dma_semaphore, #tpu.memory_space<semaphore_mem>>
          %dma_start3A_388 = tpu.memref_squeeze %dma_start3A_387 : memref<1x1x!tpu.dma_semaphore, #tpu.memory_space<semaphore_mem>> -> memref<!tpu.dma_semaphore, #tpu.memory_space<semaphore_mem>>
          tpu.enqueue_indirect_dma source(%dma_start3A_386 : memref<500000x128xf32, #tpu.memory_space<hbm>>) target(%dma_start3A_382 : memref<32x128xf32, #tpu.memory_space<vmem>>) offsets(%dma_start3A_383 : memref<32xi32, #tpu.memory_space<vmem>>) semaphore(%dma_start3A_388 : memref<!tpu.dma_semaphore, #tpu.memory_space<semaphore_mem>>)
          %add3A_389 = arith.constant 0 : i32
          %add3A_390 = arith.addi %mul3A_358, %add3A_389 : i32
          %dma_start3A_391 = arith.constant 0 : i32
          %dma_start3A_392 = arith.constant 0 : i32
          %dma_start3A_393 = arith.constant 2 : i32
          %dma_start3A_394 = arith.constant 0 : i32
          %dma_start3A_395 = arith.constant 0 : i32
          %dma_start3A_396 = tpu.memref_slice %arg30[%dma_start3A_391, %dma_start3A_394, %dma_start3A_395] : memref<2x64x128xf32, #tpu.memory_space<vmem>> -> memref<1x32x128xf32, #tpu.memory_space<vmem>>
          %dma_start3A_397 = tpu.memref_squeeze %dma_start3A_396 : memref<1x32x128xf32, #tpu.memory_space<vmem>> -> memref<32x128xf32, #tpu.memory_space<vmem>>
          %dma_start3A_398 = tpu.memref_slice %arg18[%add3A_390] : memref<512xi32, #tpu.memory_space<vmem>> -> memref<32xi32, #tpu.memory_space<vmem>>
          %dma_start3A_399 = arith.constant 0 : i32
          %dma_start3A_400 = arith.constant 0 : i32
          %dma_start3A_401 = tpu.memref_slice %arg15[%dma_start3A_399, %dma_start3A_400] : memref<500x128xf32, #tpu.memory_space<hbm>> -> memref<500x128xf32, #tpu.memory_space<hbm>>
          %dma_start3A_402 = tpu.memref_slice %arg36[%dma_start3A_392, %dma_start3A_393] : memref<2x12x!tpu.dma_semaphore, #tpu.memory_space<semaphore_mem>> -> memref<1x1x!tpu.dma_semaphore, #tpu.memory_space<semaphore_mem>>
          %dma_start3A_403 = tpu.memref_squeeze %dma_start3A_402 : memref<1x1x!tpu.dma_semaphore, #tpu.memory_space<semaphore_mem>> -> memref<!tpu.dma_semaphore, #tpu.memory_space<semaphore_mem>>
          tpu.enqueue_indirect_dma source(%dma_start3A_401 : memref<500x128xf32, #tpu.memory_space<hbm>>) target(%dma_start3A_397 : memref<32x128xf32, #tpu.memory_space<vmem>>) offsets(%dma_start3A_398 : memref<32xi32, #tpu.memory_space<vmem>>) semaphore(%dma_start3A_403 : memref<!tpu.dma_semaphore, #tpu.memory_space<semaphore_mem>>)
          %add3A_404 = arith.constant 32 : i32
          %add3A_405 = arith.addi %mul3A_358, %add3A_404 : i32
          %dma_start3A_406 = arith.constant 0 : i32
          %dma_start3A_407 = arith.constant 0 : i32
          %dma_start3A_408 = arith.constant 3 : i32
          %dma_start3A_409 = arith.constant 32 : i32
          %dma_start3A_410 = arith.constant 0 : i32
          %dma_start3A_411 = tpu.memref_slice %arg30[%dma_start3A_406, %dma_start3A_409, %dma_start3A_410] : memref<2x64x128xf32, #tpu.memory_space<vmem>> -> memref<1x32x128xf32, #tpu.memory_space<vmem>>
          %dma_start3A_412 = tpu.memref_squeeze %dma_start3A_411 : memref<1x32x128xf32, #tpu.memory_space<vmem>> -> memref<32x128xf32, #tpu.memory_space<vmem>>
          %dma_start3A_413 = tpu.memref_slice %arg18[%add3A_405] : memref<512xi32, #tpu.memory_space<vmem>> -> memref<32xi32, #tpu.memory_space<vmem>>
          %dma_start3A_414 = arith.constant 0 : i32
          %dma_start3A_415 = arith.constant 0 : i32
          %dma_start3A_416 = tpu.memref_slice %arg15[%dma_start3A_414, %dma_start3A_415] : memref<500x128xf32, #tpu.memory_space<hbm>> -> memref<500x128xf32, #tpu.memory_space<hbm>>
          %dma_start3A_417 = tpu.memref_slice %arg36[%dma_start3A_407, %dma_start3A_408] : memref<2x12x!tpu.dma_semaphore, #tpu.memory_space<semaphore_mem>> -> memref<1x1x!tpu.dma_semaphore, #tpu.memory_space<semaphore_mem>>
          %dma_start3A_418 = tpu.memref_squeeze %dma_start3A_417 : memref<1x1x!tpu.dma_semaphore, #tpu.memory_space<semaphore_mem>> -> memref<!tpu.dma_semaphore, #tpu.memory_space<semaphore_mem>>
          tpu.enqueue_indirect_dma source(%dma_start3A_416 : memref<500x128xf32, #tpu.memory_space<hbm>>) target(%dma_start3A_412 : memref<32x128xf32, #tpu.memory_space<vmem>>) offsets(%dma_start3A_413 : memref<32xi32, #tpu.memory_space<vmem>>) semaphore(%dma_start3A_418 : memref<!tpu.dma_semaphore, #tpu.memory_space<semaphore_mem>>)
          %add3A_419 = arith.constant 0 : i32
          %add3A_420 = arith.addi %mul3A_358, %add3A_419 : i32
          %dma_start3A_421 = arith.constant 0 : i32
          %dma_start3A_422 = arith.constant 0 : i32
          %dma_start3A_423 = arith.constant 4 : i32
          %dma_start3A_424 = arith.constant 0 : i32
          %dma_start3A_425 = arith.constant 0 : i32
          %dma_start3A_426 = tpu.memref_slice %arg31[%dma_start3A_421, %dma_start3A_424, %dma_start3A_425] : memref<2x64x128xf32, #tpu.memory_space<vmem>> -> memref<1x32x128xf32, #tpu.memory_space<vmem>>
          %dma_start3A_427 = tpu.memref_squeeze %dma_start3A_426 : memref<1x32x128xf32, #tpu.memory_space<vmem>> -> memref<32x128xf32, #tpu.memory_space<vmem>>
          %dma_start3A_428 = tpu.memref_slice %arg19[%add3A_420] : memref<512xi32, #tpu.memory_space<vmem>> -> memref<32xi32, #tpu.memory_space<vmem>>
          %dma_start3A_429 = arith.constant 0 : i32
          %dma_start3A_430 = arith.constant 0 : i32
          %dma_start3A_431 = tpu.memref_slice %arg14[%dma_start3A_429, %dma_start3A_430] : memref<500000x128xf32, #tpu.memory_space<hbm>> -> memref<500000x128xf32, #tpu.memory_space<hbm>>
          %dma_start3A_432 = tpu.memref_slice %arg36[%dma_start3A_422, %dma_start3A_423] : memref<2x12x!tpu.dma_semaphore, #tpu.memory_space<semaphore_mem>> -> memref<1x1x!tpu.dma_semaphore, #tpu.memory_space<semaphore_mem>>
          %dma_start3A_433 = tpu.memref_squeeze %dma_start3A_432 : memref<1x1x!tpu.dma_semaphore, #tpu.memory_space<semaphore_mem>> -> memref<!tpu.dma_semaphore, #tpu.memory_space<semaphore_mem>>
          tpu.enqueue_indirect_dma source(%dma_start3A_431 : memref<500000x128xf32, #tpu.memory_space<hbm>>) target(%dma_start3A_427 : memref<32x128xf32, #tpu.memory_space<vmem>>) offsets(%dma_start3A_428 : memref<32xi32, #tpu.memory_space<vmem>>) semaphore(%dma_start3A_433 : memref<!tpu.dma_semaphore, #tpu.memory_space<semaphore_mem>>)
          %add3A_434 = arith.constant 32 : i32
          %add3A_435 = arith.addi %mul3A_358, %add3A_434 : i32
          %dma_start3A_436 = arith.constant 0 : i32
          %dma_start3A_437 = arith.constant 0 : i32
          %dma_start3A_438 = arith.constant 5 : i32
          %dma_start3A_439 = arith.constant 32 : i32
          %dma_start3A_440 = arith.constant 0 : i32
          %dma_start3A_441 = tpu.memref_slice %arg31[%dma_start3A_436, %dma_start3A_439, %dma_start3A_440] : memref<2x64x128xf32, #tpu.memory_space<vmem>> -> memref<1x32x128xf32, #tpu.memory_space<vmem>>
          %dma_start3A_442 = tpu.memref_squeeze %dma_start3A_441 : memref<1x32x128xf32, #tpu.memory_space<vmem>> -> memref<32x128xf32, #tpu.memory_space<vmem>>
          %dma_start3A_443 = tpu.memref_slice %arg19[%add3A_435] : memref<512xi32, #tpu.memory_space<vmem>> -> memref<32xi32, #tpu.memory_space<vmem>>
          %dma_start3A_444 = arith.constant 0 : i32
          %dma_start3A_445 = arith.constant 0 : i32
          %dma_start3A_446 = tpu.memref_slice %arg14[%dma_start3A_444, %dma_start3A_445] : memref<500000x128xf32, #tpu.memory_space<hbm>> -> memref<500000x128xf32, #tpu.memory_space<hbm>>
          %dma_start3A_447 = tpu.memref_slice %arg36[%dma_start3A_437, %dma_start3A_438] : memref<2x12x!tpu.dma_semaphore, #tpu.memory_space<semaphore_mem>> -> memref<1x1x!tpu.dma_semaphore, #tpu.memory_space<semaphore_mem>>
          %dma_start3A_448 = tpu.memref_squeeze %dma_start3A_447 : memref<1x1x!tpu.dma_semaphore, #tpu.memory_space<semaphore_mem>> -> memref<!tpu.dma_semaphore, #tpu.memory_space<semaphore_mem>>
          tpu.enqueue_indirect_dma source(%dma_start3A_446 : memref<500000x128xf32, #tpu.memory_space<hbm>>) target(%dma_start3A_442 : memref<32x128xf32, #tpu.memory_space<vmem>>) offsets(%dma_start3A_443 : memref<32xi32, #tpu.memory_space<vmem>>) semaphore(%dma_start3A_448 : memref<!tpu.dma_semaphore, #tpu.memory_space<semaphore_mem>>)
          %add3A_449 = arith.constant 0 : i32
          %add3A_450 = arith.addi %mul3A_358, %add3A_449 : i32
          %dma_start3A_451 = arith.constant 0 : i32
          %dma_start3A_452 = arith.constant 0 : i32
          %dma_start3A_453 = arith.constant 6 : i32
          %dma_start3A_454 = arith.constant 0 : i32
          %dma_start3A_455 = arith.constant 0 : i32
          %dma_start3A_456 = tpu.memref_slice %arg32[%dma_start3A_451, %dma_start3A_454, %dma_start3A_455] : memref<2x64x128xf32, #tpu.memory_space<vmem>> -> memref<1x32x128xf32, #tpu.memory_space<vmem>>
          %dma_start3A_457 = tpu.memref_squeeze %dma_start3A_456 : memref<1x32x128xf32, #tpu.memory_space<vmem>> -> memref<32x128xf32, #tpu.memory_space<vmem>>
          %dma_start3A_458 = tpu.memref_slice %arg20[%add3A_450] : memref<512xi32, #tpu.memory_space<vmem>> -> memref<32xi32, #tpu.memory_space<vmem>>
          %dma_start3A_459 = arith.constant 0 : i32
          %dma_start3A_460 = arith.constant 0 : i32
          %dma_start3A_461 = tpu.memref_slice %arg14[%dma_start3A_459, %dma_start3A_460] : memref<500000x128xf32, #tpu.memory_space<hbm>> -> memref<500000x128xf32, #tpu.memory_space<hbm>>
          %dma_start3A_462 = tpu.memref_slice %arg36[%dma_start3A_452, %dma_start3A_453] : memref<2x12x!tpu.dma_semaphore, #tpu.memory_space<semaphore_mem>> -> memref<1x1x!tpu.dma_semaphore, #tpu.memory_space<semaphore_mem>>
          %dma_start3A_463 = tpu.memref_squeeze %dma_start3A_462 : memref<1x1x!tpu.dma_semaphore, #tpu.memory_space<semaphore_mem>> -> memref<!tpu.dma_semaphore, #tpu.memory_space<semaphore_mem>>
          tpu.enqueue_indirect_dma source(%dma_start3A_461 : memref<500000x128xf32, #tpu.memory_space<hbm>>) target(%dma_start3A_457 : memref<32x128xf32, #tpu.memory_space<vmem>>) offsets(%dma_start3A_458 : memref<32xi32, #tpu.memory_space<vmem>>) semaphore(%dma_start3A_463 : memref<!tpu.dma_semaphore, #tpu.memory_space<semaphore_mem>>)
          %add3A_464 = arith.constant 32 : i32
          %add3A_465 = arith.addi %mul3A_358, %add3A_464 : i32
          %dma_start3A_466 = arith.constant 0 : i32
          %dma_start3A_467 = arith.constant 0 : i32
          %dma_start3A_468 = arith.constant 7 : i32
          %dma_start3A_469 = arith.constant 32 : i32
          %dma_start3A_470 = arith.constant 0 : i32
          %dma_start3A_471 = tpu.memref_slice %arg32[%dma_start3A_466, %dma_start3A_469, %dma_start3A_470] : memref<2x64x128xf32, #tpu.memory_space<vmem>> -> memref<1x32x128xf32, #tpu.memory_space<vmem>>
          %dma_start3A_472 = tpu.memref_squeeze %dma_start3A_471 : memref<1x32x128xf32, #tpu.memory_space<vmem>> -> memref<32x128xf32, #tpu.memory_space<vmem>>
          %dma_start3A_473 = tpu.memref_slice %arg20[%add3A_465] : memref<512xi32, #tpu.memory_space<vmem>> -> memref<32xi32, #tpu.memory_space<vmem>>
          %dma_start3A_474 = arith.constant 0 : i32
          %dma_start3A_475 = arith.constant 0 : i32
          %dma_start3A_476 = tpu.memref_slice %arg14[%dma_start3A_474, %dma_start3A_475] : memref<500000x128xf32, #tpu.memory_space<hbm>> -> memref<500000x128xf32, #tpu.memory_space<hbm>>
          %dma_start3A_477 = tpu.memref_slice %arg36[%dma_start3A_467, %dma_start3A_468] : memref<2x12x!tpu.dma_semaphore, #tpu.memory_space<semaphore_mem>> -> memref<1x1x!tpu.dma_semaphore, #tpu.memory_space<semaphore_mem>>
          %dma_start3A_478 = tpu.memref_squeeze %dma_start3A_477 : memref<1x1x!tpu.dma_semaphore, #tpu.memory_space<semaphore_mem>> -> memref<!tpu.dma_semaphore, #tpu.memory_space<semaphore_mem>>
          tpu.enqueue_indirect_dma source(%dma_start3A_476 : memref<500000x128xf32, #tpu.memory_space<hbm>>) target(%dma_start3A_472 : memref<32x128xf32, #tpu.memory_space<vmem>>) offsets(%dma_start3A_473 : memref<32xi32, #tpu.memory_space<vmem>>) semaphore(%dma_start3A_478 : memref<!tpu.dma_semaphore, #tpu.memory_space<semaphore_mem>>)
          %add3A_479 = arith.constant 0 : i32
          %add3A_480 = arith.addi %mul3A_358, %add3A_479 : i32
          %dma_start3A_481 = arith.constant 0 : i32
          %dma_start3A_482 = arith.constant 0 : i32
          %dma_start3A_483 = arith.constant 8 : i32
          %dma_start3A_484 = arith.constant 0 : i32
          %dma_start3A_485 = arith.constant 0 : i32
          %dma_start3A_486 = tpu.memref_slice %arg33[%dma_start3A_481, %dma_start3A_484, %dma_start3A_485] : memref<2x64x128xf32, #tpu.memory_space<vmem>> -> memref<1x32x128xf32, #tpu.memory_space<vmem>>
          %dma_start3A_487 = tpu.memref_squeeze %dma_start3A_486 : memref<1x32x128xf32, #tpu.memory_space<vmem>> -> memref<32x128xf32, #tpu.memory_space<vmem>>
          %dma_start3A_488 = tpu.memref_slice %arg21[%add3A_480] : memref<512xi32, #tpu.memory_space<vmem>> -> memref<32xi32, #tpu.memory_space<vmem>>
          %dma_start3A_489 = arith.constant 0 : i32
          %dma_start3A_490 = arith.constant 0 : i32
          %dma_start3A_491 = tpu.memref_slice %arg15[%dma_start3A_489, %dma_start3A_490] : memref<500x128xf32, #tpu.memory_space<hbm>> -> memref<500x128xf32, #tpu.memory_space<hbm>>
          %dma_start3A_492 = tpu.memref_slice %arg36[%dma_start3A_482, %dma_start3A_483] : memref<2x12x!tpu.dma_semaphore, #tpu.memory_space<semaphore_mem>> -> memref<1x1x!tpu.dma_semaphore, #tpu.memory_space<semaphore_mem>>
          %dma_start3A_493 = tpu.memref_squeeze %dma_start3A_492 : memref<1x1x!tpu.dma_semaphore, #tpu.memory_space<semaphore_mem>> -> memref<!tpu.dma_semaphore, #tpu.memory_space<semaphore_mem>>
          tpu.enqueue_indirect_dma source(%dma_start3A_491 : memref<500x128xf32, #tpu.memory_space<hbm>>) target(%dma_start3A_487 : memref<32x128xf32, #tpu.memory_space<vmem>>) offsets(%dma_start3A_488 : memref<32xi32, #tpu.memory_space<vmem>>) semaphore(%dma_start3A_493 : memref<!tpu.dma_semaphore, #tpu.memory_space<semaphore_mem>>)
          %add3A_494 = arith.constant 32 : i32
          %add3A_495 = arith.addi %mul3A_358, %add3A_494 : i32
          %dma_start3A_496 = arith.constant 0 : i32
          %dma_start3A_497 = arith.constant 0 : i32
          %dma_start3A_498 = arith.constant 9 : i32
          %dma_start3A_499 = arith.constant 32 : i32
          %dma_start3A_500 = arith.constant 0 : i32
          %dma_start3A_501 = tpu.memref_slice %arg33[%dma_start3A_496, %dma_start3A_499, %dma_start3A_500] : memref<2x64x128xf32, #tpu.memory_space<vmem>> -> memref<1x32x128xf32, #tpu.memory_space<vmem>>
          %dma_start3A_502 = tpu.memref_squeeze %dma_start3A_501 : memref<1x32x128xf32, #tpu.memory_space<vmem>> -> memref<32x128xf32, #tpu.memory_space<vmem>>
          %dma_start3A_503 = tpu.memref_slice %arg21[%add3A_495] : memref<512xi32, #tpu.memory_space<vmem>> -> memref<32xi32, #tpu.memory_space<vmem>>
          %dma_start3A_504 = arith.constant 0 : i32
          %dma_start3A_505 = arith.constant 0 : i32
          %dma_start3A_506 = tpu.memref_slice %arg15[%dma_start3A_504, %dma_start3A_505] : memref<500x128xf32, #tpu.memory_space<hbm>> -> memref<500x128xf32, #tpu.memory_space<hbm>>
          %dma_start3A_507 = tpu.memref_slice %arg36[%dma_start3A_497, %dma_start3A_498] : memref<2x12x!tpu.dma_semaphore, #tpu.memory_space<semaphore_mem>> -> memref<1x1x!tpu.dma_semaphore, #tpu.memory_space<semaphore_mem>>
          %dma_start3A_508 = tpu.memref_squeeze %dma_start3A_507 : memref<1x1x!tpu.dma_semaphore, #tpu.memory_space<semaphore_mem>> -> memref<!tpu.dma_semaphore, #tpu.memory_space<semaphore_mem>>
          tpu.enqueue_indirect_dma source(%dma_start3A_506 : memref<500x128xf32, #tpu.memory_space<hbm>>) target(%dma_start3A_502 : memref<32x128xf32, #tpu.memory_space<vmem>>) offsets(%dma_start3A_503 : memref<32xi32, #tpu.memory_space<vmem>>) semaphore(%dma_start3A_508 : memref<!tpu.dma_semaphore, #tpu.memory_space<semaphore_mem>>)
          %add3A_509 = arith.constant 0 : i32
          %add3A_510 = arith.addi %mul3A_358, %add3A_509 : i32
          %dma_start3A_511 = arith.constant 0 : i32
          %dma_start3A_512 = arith.constant 0 : i32
          %dma_start3A_513 = arith.constant 10 : i32
          %dma_start3A_514 = arith.constant 0 : i32
          %dma_start3A_515 = arith.constant 0 : i32
          %dma_start3A_516 = tpu.memref_slice %arg34[%dma_start3A_511, %dma_start3A_514, %dma_start3A_515] : memref<2x64x128xf32, #tpu.memory_space<vmem>> -> memref<1x32x128xf32, #tpu.memory_space<vmem>>
          %dma_start3A_517 = tpu.memref_squeeze %dma_start3A_516 : memref<1x32x128xf32, #tpu.memory_space<vmem>> -> memref<32x128xf32, #tpu.memory_space<vmem>>
          %dma_start3A_518 = tpu.memref_slice %arg22[%add3A_510] : memref<512xi32, #tpu.memory_space<vmem>> -> memref<32xi32, #tpu.memory_space<vmem>>
          %dma_start3A_519 = arith.constant 0 : i32
          %dma_start3A_520 = arith.constant 0 : i32
          %dma_start3A_521 = tpu.memref_slice %arg14[%dma_start3A_519, %dma_start3A_520] : memref<500000x128xf32, #tpu.memory_space<hbm>> -> memref<500000x128xf32, #tpu.memory_space<hbm>>
          %dma_start3A_522 = tpu.memref_slice %arg36[%dma_start3A_512, %dma_start3A_513] : memref<2x12x!tpu.dma_semaphore, #tpu.memory_space<semaphore_mem>> -> memref<1x1x!tpu.dma_semaphore, #tpu.memory_space<semaphore_mem>>
          %dma_start3A_523 = tpu.memref_squeeze %dma_start3A_522 : memref<1x1x!tpu.dma_semaphore, #tpu.memory_space<semaphore_mem>> -> memref<!tpu.dma_semaphore, #tpu.memory_space<semaphore_mem>>
          tpu.enqueue_indirect_dma source(%dma_start3A_521 : memref<500000x128xf32, #tpu.memory_space<hbm>>) target(%dma_start3A_517 : memref<32x128xf32, #tpu.memory_space<vmem>>) offsets(%dma_start3A_518 : memref<32xi32, #tpu.memory_space<vmem>>) semaphore(%dma_start3A_523 : memref<!tpu.dma_semaphore, #tpu.memory_space<semaphore_mem>>)
          %add3A_524 = arith.constant 32 : i32
          %add3A_525 = arith.addi %mul3A_358, %add3A_524 : i32
          %dma_start3A_526 = arith.constant 0 : i32
          %dma_start3A_527 = arith.constant 0 : i32
          %dma_start3A_528 = arith.constant 11 : i32
          %dma_start3A_529 = arith.constant 32 : i32
          %dma_start3A_530 = arith.constant 0 : i32
          %dma_start3A_531 = tpu.memref_slice %arg34[%dma_start3A_526, %dma_start3A_529, %dma_start3A_530] : memref<2x64x128xf32, #tpu.memory_space<vmem>> -> memref<1x32x128xf32, #tpu.memory_space<vmem>>
          %dma_start3A_532 = tpu.memref_squeeze %dma_start3A_531 : memref<1x32x128xf32, #tpu.memory_space<vmem>> -> memref<32x128xf32, #tpu.memory_space<vmem>>
          %dma_start3A_533 = tpu.memref_slice %arg22[%add3A_525] : memref<512xi32, #tpu.memory_space<vmem>> -> memref<32xi32, #tpu.memory_space<vmem>>
          %dma_start3A_534 = arith.constant 0 : i32
          %dma_start3A_535 = arith.constant 0 : i32
          %dma_start3A_536 = tpu.memref_slice %arg14[%dma_start3A_534, %dma_start3A_535] : memref<500000x128xf32, #tpu.memory_space<hbm>> -> memref<500000x128xf32, #tpu.memory_space<hbm>>
          %dma_start3A_537 = tpu.memref_slice %arg36[%dma_start3A_527, %dma_start3A_528] : memref<2x12x!tpu.dma_semaphore, #tpu.memory_space<semaphore_mem>> -> memref<1x1x!tpu.dma_semaphore, #tpu.memory_space<semaphore_mem>>
          %dma_start3A_538 = tpu.memref_squeeze %dma_start3A_537 : memref<1x1x!tpu.dma_semaphore, #tpu.memory_space<semaphore_mem>> -> memref<!tpu.dma_semaphore, #tpu.memory_space<semaphore_mem>>
          tpu.enqueue_indirect_dma source(%dma_start3A_536 : memref<500000x128xf32, #tpu.memory_space<hbm>>) target(%dma_start3A_532 : memref<32x128xf32, #tpu.memory_space<vmem>>) offsets(%dma_start3A_533 : memref<32xi32, #tpu.memory_space<vmem>>) semaphore(%dma_start3A_538 : memref<!tpu.dma_semaphore, #tpu.memory_space<semaphore_mem>>)
        } else {
        }
      } else {
      }
      %eq3A = arith.constant 0 : i32
      %eq3A_328 = arith.cmpi eq, %rem3A_321, %eq3A : i32
      %convert_element_type3A_329 = arith.extui %eq3A_328 : i1 to i32
      %cond3A_330 = arith.constant 0 : i32
      %cond3A_331 = arith.cmpi ne, %convert_element_type3A_329, %cond3A_330 : i32
      scf.if %cond3A_331 {
        %dma_wait3A_345 = arith.constant 0 : i32
        %dma_wait3A_346 = arith.constant 0 : i32
        %dma_wait3A_347 = arith.constant 0 : i32
        %dma_wait3A_348 = arith.constant 0 : i32
        %dma_wait3A_349 = arith.constant 0 : i32
        %dma_wait3A_350 = tpu.memref_slice %arg29[%dma_wait3A_345, %dma_wait3A_348, %dma_wait3A_349] : memref<2x64x128xf32, #tpu.memory_space<vmem>> -> memref<1x32x128xf32, #tpu.memory_space<vmem>>
        %dma_wait3A_351 = tpu.memref_squeeze %dma_wait3A_350 : memref<1x32x128xf32, #tpu.memory_space<vmem>> -> memref<32x128xf32, #tpu.memory_space<vmem>>
        %dma_wait3A_352 = arith.constant 0 : i32
        %dma_wait3A_353 = tpu.memref_slice %arg17[%dma_wait3A_352] : memref<512xi32, #tpu.memory_space<vmem>> -> memref<32xi32, #tpu.memory_space<vmem>>
        %dma_wait3A_354 = arith.constant 0 : i32
        %dma_wait3A_355 = arith.constant 0 : i32
        %dma_wait3A_356 = tpu.memref_slice %arg14[%dma_wait3A_354, %dma_wait3A_355] : memref<500000x128xf32, #tpu.memory_space<hbm>> -> memref<500000x128xf32, #tpu.memory_space<hbm>>
        %dma_wait3A_357 = tpu.memref_slice %arg36[%dma_wait3A_346, %dma_wait3A_347] : memref<2x12x!tpu.dma_semaphore, #tpu.memory_space<semaphore_mem>> -> memref<1x1x!tpu.dma_semaphore, #tpu.memory_space<semaphore_mem>>
        %dma_wait3A_358 = tpu.memref_squeeze %dma_wait3A_357 : memref<1x1x!tpu.dma_semaphore, #tpu.memory_space<semaphore_mem>> -> memref<!tpu.dma_semaphore, #tpu.memory_space<semaphore_mem>>
        tpu.wait_indirect_dma semaphore(%dma_wait3A_358 : memref<!tpu.dma_semaphore, #tpu.memory_space<semaphore_mem>>) src(%dma_wait3A_356 : memref<500000x128xf32, #tpu.memory_space<hbm>>) dst(%dma_wait3A_351 : memref<32x128xf32, #tpu.memory_space<vmem>>)
        %dma_wait3A_359 = arith.constant 0 : i32
        %dma_wait3A_360 = arith.constant 0 : i32
        %dma_wait3A_361 = arith.constant 1 : i32
        %dma_wait3A_362 = arith.constant 32 : i32
        %dma_wait3A_363 = arith.constant 0 : i32
        %dma_wait3A_364 = tpu.memref_slice %arg29[%dma_wait3A_359, %dma_wait3A_362, %dma_wait3A_363] : memref<2x64x128xf32, #tpu.memory_space<vmem>> -> memref<1x32x128xf32, #tpu.memory_space<vmem>>
        %dma_wait3A_365 = tpu.memref_squeeze %dma_wait3A_364 : memref<1x32x128xf32, #tpu.memory_space<vmem>> -> memref<32x128xf32, #tpu.memory_space<vmem>>
        %dma_wait3A_366 = arith.constant 32 : i32
        %dma_wait3A_367 = tpu.memref_slice %arg17[%dma_wait3A_366] : memref<512xi32, #tpu.memory_space<vmem>> -> memref<32xi32, #tpu.memory_space<vmem>>
        %dma_wait3A_368 = arith.constant 0 : i32
        %dma_wait3A_369 = arith.constant 0 : i32
        %dma_wait3A_370 = tpu.memref_slice %arg14[%dma_wait3A_368, %dma_wait3A_369] : memref<500000x128xf32, #tpu.memory_space<hbm>> -> memref<500000x128xf32, #tpu.memory_space<hbm>>
        %dma_wait3A_371 = tpu.memref_slice %arg36[%dma_wait3A_360, %dma_wait3A_361] : memref<2x12x!tpu.dma_semaphore, #tpu.memory_space<semaphore_mem>> -> memref<1x1x!tpu.dma_semaphore, #tpu.memory_space<semaphore_mem>>
        %dma_wait3A_372 = tpu.memref_squeeze %dma_wait3A_371 : memref<1x1x!tpu.dma_semaphore, #tpu.memory_space<semaphore_mem>> -> memref<!tpu.dma_semaphore, #tpu.memory_space<semaphore_mem>>
        tpu.wait_indirect_dma semaphore(%dma_wait3A_372 : memref<!tpu.dma_semaphore, #tpu.memory_space<semaphore_mem>>) src(%dma_wait3A_370 : memref<500000x128xf32, #tpu.memory_space<hbm>>) dst(%dma_wait3A_365 : memref<32x128xf32, #tpu.memory_space<vmem>>)
        %dma_wait3A_373 = arith.constant 0 : i32
        %dma_wait3A_374 = arith.constant 0 : i32
        %dma_wait3A_375 = arith.constant 2 : i32
        %dma_wait3A_376 = arith.constant 0 : i32
        %dma_wait3A_377 = arith.constant 0 : i32
        %dma_wait3A_378 = tpu.memref_slice %arg30[%dma_wait3A_373, %dma_wait3A_376, %dma_wait3A_377] : memref<2x64x128xf32, #tpu.memory_space<vmem>> -> memref<1x32x128xf32, #tpu.memory_space<vmem>>
        %dma_wait3A_379 = tpu.memref_squeeze %dma_wait3A_378 : memref<1x32x128xf32, #tpu.memory_space<vmem>> -> memref<32x128xf32, #tpu.memory_space<vmem>>
        %dma_wait3A_380 = arith.constant 0 : i32
        %dma_wait3A_381 = tpu.memref_slice %arg18[%dma_wait3A_380] : memref<512xi32, #tpu.memory_space<vmem>> -> memref<32xi32, #tpu.memory_space<vmem>>
        %dma_wait3A_382 = arith.constant 0 : i32
        %dma_wait3A_383 = arith.constant 0 : i32
        %dma_wait3A_384 = tpu.memref_slice %arg15[%dma_wait3A_382, %dma_wait3A_383] : memref<500x128xf32, #tpu.memory_space<hbm>> -> memref<500x128xf32, #tpu.memory_space<hbm>>
        %dma_wait3A_385 = tpu.memref_slice %arg36[%dma_wait3A_374, %dma_wait3A_375] : memref<2x12x!tpu.dma_semaphore, #tpu.memory_space<semaphore_mem>> -> memref<1x1x!tpu.dma_semaphore, #tpu.memory_space<semaphore_mem>>
        %dma_wait3A_386 = tpu.memref_squeeze %dma_wait3A_385 : memref<1x1x!tpu.dma_semaphore, #tpu.memory_space<semaphore_mem>> -> memref<!tpu.dma_semaphore, #tpu.memory_space<semaphore_mem>>
        tpu.wait_indirect_dma semaphore(%dma_wait3A_386 : memref<!tpu.dma_semaphore, #tpu.memory_space<semaphore_mem>>) src(%dma_wait3A_384 : memref<500x128xf32, #tpu.memory_space<hbm>>) dst(%dma_wait3A_379 : memref<32x128xf32, #tpu.memory_space<vmem>>)
        %dma_wait3A_387 = arith.constant 0 : i32
        %dma_wait3A_388 = arith.constant 0 : i32
        %dma_wait3A_389 = arith.constant 3 : i32
        %dma_wait3A_390 = arith.constant 32 : i32
        %dma_wait3A_391 = arith.constant 0 : i32
        %dma_wait3A_392 = tpu.memref_slice %arg30[%dma_wait3A_387, %dma_wait3A_390, %dma_wait3A_391] : memref<2x64x128xf32, #tpu.memory_space<vmem>> -> memref<1x32x128xf32, #tpu.memory_space<vmem>>
        %dma_wait3A_393 = tpu.memref_squeeze %dma_wait3A_392 : memref<1x32x128xf32, #tpu.memory_space<vmem>> -> memref<32x128xf32, #tpu.memory_space<vmem>>
        %dma_wait3A_394 = arith.constant 32 : i32
        %dma_wait3A_395 = tpu.memref_slice %arg18[%dma_wait3A_394] : memref<512xi32, #tpu.memory_space<vmem>> -> memref<32xi32, #tpu.memory_space<vmem>>
        %dma_wait3A_396 = arith.constant 0 : i32
        %dma_wait3A_397 = arith.constant 0 : i32
        %dma_wait3A_398 = tpu.memref_slice %arg15[%dma_wait3A_396, %dma_wait3A_397] : memref<500x128xf32, #tpu.memory_space<hbm>> -> memref<500x128xf32, #tpu.memory_space<hbm>>
        %dma_wait3A_399 = tpu.memref_slice %arg36[%dma_wait3A_388, %dma_wait3A_389] : memref<2x12x!tpu.dma_semaphore, #tpu.memory_space<semaphore_mem>> -> memref<1x1x!tpu.dma_semaphore, #tpu.memory_space<semaphore_mem>>
        %dma_wait3A_400 = tpu.memref_squeeze %dma_wait3A_399 : memref<1x1x!tpu.dma_semaphore, #tpu.memory_space<semaphore_mem>> -> memref<!tpu.dma_semaphore, #tpu.memory_space<semaphore_mem>>
        tpu.wait_indirect_dma semaphore(%dma_wait3A_400 : memref<!tpu.dma_semaphore, #tpu.memory_space<semaphore_mem>>) src(%dma_wait3A_398 : memref<500x128xf32, #tpu.memory_space<hbm>>) dst(%dma_wait3A_393 : memref<32x128xf32, #tpu.memory_space<vmem>>)
        %dma_wait3A_401 = arith.constant 0 : i32
        %dma_wait3A_402 = arith.constant 0 : i32
        %dma_wait3A_403 = arith.constant 4 : i32
        %dma_wait3A_404 = arith.constant 0 : i32
        %dma_wait3A_405 = arith.constant 0 : i32
        %dma_wait3A_406 = tpu.memref_slice %arg31[%dma_wait3A_401, %dma_wait3A_404, %dma_wait3A_405] : memref<2x64x128xf32, #tpu.memory_space<vmem>> -> memref<1x32x128xf32, #tpu.memory_space<vmem>>
        %dma_wait3A_407 = tpu.memref_squeeze %dma_wait3A_406 : memref<1x32x128xf32, #tpu.memory_space<vmem>> -> memref<32x128xf32, #tpu.memory_space<vmem>>
        %dma_wait3A_408 = arith.constant 0 : i32
        %dma_wait3A_409 = tpu.memref_slice %arg19[%dma_wait3A_408] : memref<512xi32, #tpu.memory_space<vmem>> -> memref<32xi32, #tpu.memory_space<vmem>>
        %dma_wait3A_410 = arith.constant 0 : i32
        %dma_wait3A_411 = arith.constant 0 : i32
        %dma_wait3A_412 = tpu.memref_slice %arg14[%dma_wait3A_410, %dma_wait3A_411] : memref<500000x128xf32, #tpu.memory_space<hbm>> -> memref<500000x128xf32, #tpu.memory_space<hbm>>
        %dma_wait3A_413 = tpu.memref_slice %arg36[%dma_wait3A_402, %dma_wait3A_403] : memref<2x12x!tpu.dma_semaphore, #tpu.memory_space<semaphore_mem>> -> memref<1x1x!tpu.dma_semaphore, #tpu.memory_space<semaphore_mem>>
        %dma_wait3A_414 = tpu.memref_squeeze %dma_wait3A_413 : memref<1x1x!tpu.dma_semaphore, #tpu.memory_space<semaphore_mem>> -> memref<!tpu.dma_semaphore, #tpu.memory_space<semaphore_mem>>
        tpu.wait_indirect_dma semaphore(%dma_wait3A_414 : memref<!tpu.dma_semaphore, #tpu.memory_space<semaphore_mem>>) src(%dma_wait3A_412 : memref<500000x128xf32, #tpu.memory_space<hbm>>) dst(%dma_wait3A_407 : memref<32x128xf32, #tpu.memory_space<vmem>>)
        %dma_wait3A_415 = arith.constant 0 : i32
        %dma_wait3A_416 = arith.constant 0 : i32
        %dma_wait3A_417 = arith.constant 5 : i32
        %dma_wait3A_418 = arith.constant 32 : i32
        %dma_wait3A_419 = arith.constant 0 : i32
        %dma_wait3A_420 = tpu.memref_slice %arg31[%dma_wait3A_415, %dma_wait3A_418, %dma_wait3A_419] : memref<2x64x128xf32, #tpu.memory_space<vmem>> -> memref<1x32x128xf32, #tpu.memory_space<vmem>>
        %dma_wait3A_421 = tpu.memref_squeeze %dma_wait3A_420 : memref<1x32x128xf32, #tpu.memory_space<vmem>> -> memref<32x128xf32, #tpu.memory_space<vmem>>
        %dma_wait3A_422 = arith.constant 32 : i32
        %dma_wait3A_423 = tpu.memref_slice %arg19[%dma_wait3A_422] : memref<512xi32, #tpu.memory_space<vmem>> -> memref<32xi32, #tpu.memory_space<vmem>>
        %dma_wait3A_424 = arith.constant 0 : i32
        %dma_wait3A_425 = arith.constant 0 : i32
        %dma_wait3A_426 = tpu.memref_slice %arg14[%dma_wait3A_424, %dma_wait3A_425] : memref<500000x128xf32, #tpu.memory_space<hbm>> -> memref<500000x128xf32, #tpu.memory_space<hbm>>
        %dma_wait3A_427 = tpu.memref_slice %arg36[%dma_wait3A_416, %dma_wait3A_417] : memref<2x12x!tpu.dma_semaphore, #tpu.memory_space<semaphore_mem>> -> memref<1x1x!tpu.dma_semaphore, #tpu.memory_space<semaphore_mem>>
        %dma_wait3A_428 = tpu.memref_squeeze %dma_wait3A_427 : memref<1x1x!tpu.dma_semaphore, #tpu.memory_space<semaphore_mem>> -> memref<!tpu.dma_semaphore, #tpu.memory_space<semaphore_mem>>
        tpu.wait_indirect_dma semaphore(%dma_wait3A_428 : memref<!tpu.dma_semaphore, #tpu.memory_space<semaphore_mem>>) src(%dma_wait3A_426 : memref<500000x128xf32, #tpu.memory_space<hbm>>) dst(%dma_wait3A_421 : memref<32x128xf32, #tpu.memory_space<vmem>>)
        %dma_wait3A_429 = arith.constant 0 : i32
        %dma_wait3A_430 = arith.constant 0 : i32
        %dma_wait3A_431 = arith.constant 6 : i32
        %dma_wait3A_432 = arith.constant 0 : i32
        %dma_wait3A_433 = arith.constant 0 : i32
        %dma_wait3A_434 = tpu.memref_slice %arg32[%dma_wait3A_429, %dma_wait3A_432, %dma_wait3A_433] : memref<2x64x128xf32, #tpu.memory_space<vmem>> -> memref<1x32x128xf32, #tpu.memory_space<vmem>>
        %dma_wait3A_435 = tpu.memref_squeeze %dma_wait3A_434 : memref<1x32x128xf32, #tpu.memory_space<vmem>> -> memref<32x128xf32, #tpu.memory_space<vmem>>
        %dma_wait3A_436 = arith.constant 0 : i32
        %dma_wait3A_437 = tpu.memref_slice %arg20[%dma_wait3A_436] : memref<512xi32, #tpu.memory_space<vmem>> -> memref<32xi32, #tpu.memory_space<vmem>>
        %dma_wait3A_438 = arith.constant 0 : i32
        %dma_wait3A_439 = arith.constant 0 : i32
        %dma_wait3A_440 = tpu.memref_slice %arg14[%dma_wait3A_438, %dma_wait3A_439] : memref<500000x128xf32, #tpu.memory_space<hbm>> -> memref<500000x128xf32, #tpu.memory_space<hbm>>
        %dma_wait3A_441 = tpu.memref_slice %arg36[%dma_wait3A_430, %dma_wait3A_431] : memref<2x12x!tpu.dma_semaphore, #tpu.memory_space<semaphore_mem>> -> memref<1x1x!tpu.dma_semaphore, #tpu.memory_space<semaphore_mem>>
        %dma_wait3A_442 = tpu.memref_squeeze %dma_wait3A_441 : memref<1x1x!tpu.dma_semaphore, #tpu.memory_space<semaphore_mem>> -> memref<!tpu.dma_semaphore, #tpu.memory_space<semaphore_mem>>
        tpu.wait_indirect_dma semaphore(%dma_wait3A_442 : memref<!tpu.dma_semaphore, #tpu.memory_space<semaphore_mem>>) src(%dma_wait3A_440 : memref<500000x128xf32, #tpu.memory_space<hbm>>) dst(%dma_wait3A_435 : memref<32x128xf32, #tpu.memory_space<vmem>>)
        %dma_wait3A_443 = arith.constant 0 : i32
        %dma_wait3A_444 = arith.constant 0 : i32
        %dma_wait3A_445 = arith.constant 7 : i32
        %dma_wait3A_446 = arith.constant 32 : i32
        %dma_wait3A_447 = arith.constant 0 : i32
        %dma_wait3A_448 = tpu.memref_slice %arg32[%dma_wait3A_443, %dma_wait3A_446, %dma_wait3A_447] : memref<2x64x128xf32, #tpu.memory_space<vmem>> -> memref<1x32x128xf32, #tpu.memory_space<vmem>>
        %dma_wait3A_449 = tpu.memref_squeeze %dma_wait3A_448 : memref<1x32x128xf32, #tpu.memory_space<vmem>> -> memref<32x128xf32, #tpu.memory_space<vmem>>
        %dma_wait3A_450 = arith.constant 32 : i32
        %dma_wait3A_451 = tpu.memref_slice %arg20[%dma_wait3A_450] : memref<512xi32, #tpu.memory_space<vmem>> -> memref<32xi32, #tpu.memory_space<vmem>>
        %dma_wait3A_452 = arith.constant 0 : i32
        %dma_wait3A_453 = arith.constant 0 : i32
        %dma_wait3A_454 = tpu.memref_slice %arg14[%dma_wait3A_452, %dma_wait3A_453] : memref<500000x128xf32, #tpu.memory_space<hbm>> -> memref<500000x128xf32, #tpu.memory_space<hbm>>
        %dma_wait3A_455 = tpu.memref_slice %arg36[%dma_wait3A_444, %dma_wait3A_445] : memref<2x12x!tpu.dma_semaphore, #tpu.memory_space<semaphore_mem>> -> memref<1x1x!tpu.dma_semaphore, #tpu.memory_space<semaphore_mem>>
        %dma_wait3A_456 = tpu.memref_squeeze %dma_wait3A_455 : memref<1x1x!tpu.dma_semaphore, #tpu.memory_space<semaphore_mem>> -> memref<!tpu.dma_semaphore, #tpu.memory_space<semaphore_mem>>
        tpu.wait_indirect_dma semaphore(%dma_wait3A_456 : memref<!tpu.dma_semaphore, #tpu.memory_space<semaphore_mem>>) src(%dma_wait3A_454 : memref<500000x128xf32, #tpu.memory_space<hbm>>) dst(%dma_wait3A_449 : memref<32x128xf32, #tpu.memory_space<vmem>>)
        %dma_wait3A_457 = arith.constant 0 : i32
        %dma_wait3A_458 = arith.constant 0 : i32
        %dma_wait3A_459 = arith.constant 8 : i32
        %dma_wait3A_460 = arith.constant 0 : i32
        %dma_wait3A_461 = arith.constant 0 : i32
        %dma_wait3A_462 = tpu.memref_slice %arg33[%dma_wait3A_457, %dma_wait3A_460, %dma_wait3A_461] : memref<2x64x128xf32, #tpu.memory_space<vmem>> -> memref<1x32x128xf32, #tpu.memory_space<vmem>>
        %dma_wait3A_463 = tpu.memref_squeeze %dma_wait3A_462 : memref<1x32x128xf32, #tpu.memory_space<vmem>> -> memref<32x128xf32, #tpu.memory_space<vmem>>
        %dma_wait3A_464 = arith.constant 0 : i32
        %dma_wait3A_465 = tpu.memref_slice %arg21[%dma_wait3A_464] : memref<512xi32, #tpu.memory_space<vmem>> -> memref<32xi32, #tpu.memory_space<vmem>>
        %dma_wait3A_466 = arith.constant 0 : i32
        %dma_wait3A_467 = arith.constant 0 : i32
        %dma_wait3A_468 = tpu.memref_slice %arg15[%dma_wait3A_466, %dma_wait3A_467] : memref<500x128xf32, #tpu.memory_space<hbm>> -> memref<500x128xf32, #tpu.memory_space<hbm>>
        %dma_wait3A_469 = tpu.memref_slice %arg36[%dma_wait3A_458, %dma_wait3A_459] : memref<2x12x!tpu.dma_semaphore, #tpu.memory_space<semaphore_mem>> -> memref<1x1x!tpu.dma_semaphore, #tpu.memory_space<semaphore_mem>>
        %dma_wait3A_470 = tpu.memref_squeeze %dma_wait3A_469 : memref<1x1x!tpu.dma_semaphore, #tpu.memory_space<semaphore_mem>> -> memref<!tpu.dma_semaphore, #tpu.memory_space<semaphore_mem>>
        tpu.wait_indirect_dma semaphore(%dma_wait3A_470 : memref<!tpu.dma_semaphore, #tpu.memory_space<semaphore_mem>>) src(%dma_wait3A_468 : memref<500x128xf32, #tpu.memory_space<hbm>>) dst(%dma_wait3A_463 : memref<32x128xf32, #tpu.memory_space<vmem>>)
        %dma_wait3A_471 = arith.constant 0 : i32
        %dma_wait3A_472 = arith.constant 0 : i32
        %dma_wait3A_473 = arith.constant 9 : i32
        %dma_wait3A_474 = arith.constant 32 : i32
        %dma_wait3A_475 = arith.constant 0 : i32
        %dma_wait3A_476 = tpu.memref_slice %arg33[%dma_wait3A_471, %dma_wait3A_474, %dma_wait3A_475] : memref<2x64x128xf32, #tpu.memory_space<vmem>> -> memref<1x32x128xf32, #tpu.memory_space<vmem>>
        %dma_wait3A_477 = tpu.memref_squeeze %dma_wait3A_476 : memref<1x32x128xf32, #tpu.memory_space<vmem>> -> memref<32x128xf32, #tpu.memory_space<vmem>>
        %dma_wait3A_478 = arith.constant 32 : i32
        %dma_wait3A_479 = tpu.memref_slice %arg21[%dma_wait3A_478] : memref<512xi32, #tpu.memory_space<vmem>> -> memref<32xi32, #tpu.memory_space<vmem>>
        %dma_wait3A_480 = arith.constant 0 : i32
        %dma_wait3A_481 = arith.constant 0 : i32
        %dma_wait3A_482 = tpu.memref_slice %arg15[%dma_wait3A_480, %dma_wait3A_481] : memref<500x128xf32, #tpu.memory_space<hbm>> -> memref<500x128xf32, #tpu.memory_space<hbm>>
        %dma_wait3A_483 = tpu.memref_slice %arg36[%dma_wait3A_472, %dma_wait3A_473] : memref<2x12x!tpu.dma_semaphore, #tpu.memory_space<semaphore_mem>> -> memref<1x1x!tpu.dma_semaphore, #tpu.memory_space<semaphore_mem>>
        %dma_wait3A_484 = tpu.memref_squeeze %dma_wait3A_483 : memref<1x1x!tpu.dma_semaphore, #tpu.memory_space<semaphore_mem>> -> memref<!tpu.dma_semaphore, #tpu.memory_space<semaphore_mem>>
        tpu.wait_indirect_dma semaphore(%dma_wait3A_484 : memref<!tpu.dma_semaphore, #tpu.memory_space<semaphore_mem>>) src(%dma_wait3A_482 : memref<500x128xf32, #tpu.memory_space<hbm>>) dst(%dma_wait3A_477 : memref<32x128xf32, #tpu.memory_space<vmem>>)
        %dma_wait3A_485 = arith.constant 0 : i32
        %dma_wait3A_486 = arith.constant 0 : i32
        %dma_wait3A_487 = arith.constant 10 : i32
        %dma_wait3A_488 = arith.constant 0 : i32
        %dma_wait3A_489 = arith.constant 0 : i32
        %dma_wait3A_490 = tpu.memref_slice %arg34[%dma_wait3A_485, %dma_wait3A_488, %dma_wait3A_489] : memref<2x64x128xf32, #tpu.memory_space<vmem>> -> memref<1x32x128xf32, #tpu.memory_space<vmem>>
        %dma_wait3A_491 = tpu.memref_squeeze %dma_wait3A_490 : memref<1x32x128xf32, #tpu.memory_space<vmem>> -> memref<32x128xf32, #tpu.memory_space<vmem>>
        %dma_wait3A_492 = arith.constant 0 : i32
        %dma_wait3A_493 = tpu.memref_slice %arg22[%dma_wait3A_492] : memref<512xi32, #tpu.memory_space<vmem>> -> memref<32xi32, #tpu.memory_space<vmem>>
        %dma_wait3A_494 = arith.constant 0 : i32
        %dma_wait3A_495 = arith.constant 0 : i32
        %dma_wait3A_496 = tpu.memref_slice %arg14[%dma_wait3A_494, %dma_wait3A_495] : memref<500000x128xf32, #tpu.memory_space<hbm>> -> memref<500000x128xf32, #tpu.memory_space<hbm>>
        %dma_wait3A_497 = tpu.memref_slice %arg36[%dma_wait3A_486, %dma_wait3A_487] : memref<2x12x!tpu.dma_semaphore, #tpu.memory_space<semaphore_mem>> -> memref<1x1x!tpu.dma_semaphore, #tpu.memory_space<semaphore_mem>>
        %dma_wait3A_498 = tpu.memref_squeeze %dma_wait3A_497 : memref<1x1x!tpu.dma_semaphore, #tpu.memory_space<semaphore_mem>> -> memref<!tpu.dma_semaphore, #tpu.memory_space<semaphore_mem>>
        tpu.wait_indirect_dma semaphore(%dma_wait3A_498 : memref<!tpu.dma_semaphore, #tpu.memory_space<semaphore_mem>>) src(%dma_wait3A_496 : memref<500000x128xf32, #tpu.memory_space<hbm>>) dst(%dma_wait3A_491 : memref<32x128xf32, #tpu.memory_space<vmem>>)
        %dma_wait3A_499 = arith.constant 0 : i32
        %dma_wait3A_500 = arith.constant 0 : i32
        %dma_wait3A_501 = arith.constant 11 : i32
        %dma_wait3A_502 = arith.constant 32 : i32
        %dma_wait3A_503 = arith.constant 0 : i32
        %dma_wait3A_504 = tpu.memref_slice %arg34[%dma_wait3A_499, %dma_wait3A_502, %dma_wait3A_503] : memref<2x64x128xf32, #tpu.memory_space<vmem>> -> memref<1x32x128xf32, #tpu.memory_space<vmem>>
        %dma_wait3A_505 = tpu.memref_squeeze %dma_wait3A_504 : memref<1x32x128xf32, #tpu.memory_space<vmem>> -> memref<32x128xf32, #tpu.memory_space<vmem>>
        %dma_wait3A_506 = arith.constant 32 : i32
        %dma_wait3A_507 = tpu.memref_slice %arg22[%dma_wait3A_506] : memref<512xi32, #tpu.memory_space<vmem>> -> memref<32xi32, #tpu.memory_space<vmem>>
        %dma_wait3A_508 = arith.constant 0 : i32
        %dma_wait3A_509 = arith.constant 0 : i32
        %dma_wait3A_510 = tpu.memref_slice %arg14[%dma_wait3A_508, %dma_wait3A_509] : memref<500000x128xf32, #tpu.memory_space<hbm>> -> memref<500000x128xf32, #tpu.memory_space<hbm>>
        %dma_wait3A_511 = tpu.memref_slice %arg36[%dma_wait3A_500, %dma_wait3A_501] : memref<2x12x!tpu.dma_semaphore, #tpu.memory_space<semaphore_mem>> -> memref<1x1x!tpu.dma_semaphore, #tpu.memory_space<semaphore_mem>>
        %dma_wait3A_512 = tpu.memref_squeeze %dma_wait3A_511 : memref<1x1x!tpu.dma_semaphore, #tpu.memory_space<semaphore_mem>> -> memref<!tpu.dma_semaphore, #tpu.memory_space<semaphore_mem>>
        tpu.wait_indirect_dma semaphore(%dma_wait3A_512 : memref<!tpu.dma_semaphore, #tpu.memory_space<semaphore_mem>>) src(%dma_wait3A_510 : memref<500000x128xf32, #tpu.memory_space<hbm>>) dst(%dma_wait3A_505 : memref<32x128xf32, #tpu.memory_space<vmem>>)
      } else {
      }
      %eq3A_332 = arith.constant 1 : i32
      %eq3A_333 = arith.cmpi eq, %rem3A_321, %eq3A_332 : i32
      %convert_element_type3A_334 = arith.extui %eq3A_333 : i1 to i32
      %cond3A_335 = arith.constant 0 : i32
      %cond3A_336 = arith.cmpi ne, %convert_element_type3A_334, %cond3A_335 : i32
      scf.if %cond3A_336 {
        %dma_wait3A_345 = arith.constant 1 : i32
        %dma_wait3A_346 = arith.constant 1 : i32
        %dma_wait3A_347 = arith.constant 0 : i32
        %dma_wait3A_348 = arith.constant 0 : i32
        %dma_wait3A_349 = arith.constant 0 : i32
        %dma_wait3A_350 = tpu.memref_slice %arg29[%dma_wait3A_345, %dma_wait3A_348, %dma_wait3A_349] : memref<2x64x128xf32, #tpu.memory_space<vmem>> -> memref<1x32x128xf32, #tpu.memory_space<vmem>>
        %dma_wait3A_351 = tpu.memref_squeeze %dma_wait3A_350 : memref<1x32x128xf32, #tpu.memory_space<vmem>> -> memref<32x128xf32, #tpu.memory_space<vmem>>
        %dma_wait3A_352 = arith.constant 0 : i32
        %dma_wait3A_353 = tpu.memref_slice %arg17[%dma_wait3A_352] : memref<512xi32, #tpu.memory_space<vmem>> -> memref<32xi32, #tpu.memory_space<vmem>>
        %dma_wait3A_354 = arith.constant 0 : i32
        %dma_wait3A_355 = arith.constant 0 : i32
        %dma_wait3A_356 = tpu.memref_slice %arg14[%dma_wait3A_354, %dma_wait3A_355] : memref<500000x128xf32, #tpu.memory_space<hbm>> -> memref<500000x128xf32, #tpu.memory_space<hbm>>
        %dma_wait3A_357 = tpu.memref_slice %arg36[%dma_wait3A_346, %dma_wait3A_347] : memref<2x12x!tpu.dma_semaphore, #tpu.memory_space<semaphore_mem>> -> memref<1x1x!tpu.dma_semaphore, #tpu.memory_space<semaphore_mem>>
        %dma_wait3A_358 = tpu.memref_squeeze %dma_wait3A_357 : memref<1x1x!tpu.dma_semaphore, #tpu.memory_space<semaphore_mem>> -> memref<!tpu.dma_semaphore, #tpu.memory_space<semaphore_mem>>
        tpu.wait_indirect_dma semaphore(%dma_wait3A_358 : memref<!tpu.dma_semaphore, #tpu.memory_space<semaphore_mem>>) src(%dma_wait3A_356 : memref<500000x128xf32, #tpu.memory_space<hbm>>) dst(%dma_wait3A_351 : memref<32x128xf32, #tpu.memory_space<vmem>>)
        %dma_wait3A_359 = arith.constant 1 : i32
        %dma_wait3A_360 = arith.constant 1 : i32
        %dma_wait3A_361 = arith.constant 1 : i32
        %dma_wait3A_362 = arith.constant 32 : i32
        %dma_wait3A_363 = arith.constant 0 : i32
        %dma_wait3A_364 = tpu.memref_slice %arg29[%dma_wait3A_359, %dma_wait3A_362, %dma_wait3A_363] : memref<2x64x128xf32, #tpu.memory_space<vmem>> -> memref<1x32x128xf32, #tpu.memory_space<vmem>>
        %dma_wait3A_365 = tpu.memref_squeeze %dma_wait3A_364 : memref<1x32x128xf32, #tpu.memory_space<vmem>> -> memref<32x128xf32, #tpu.memory_space<vmem>>
        %dma_wait3A_366 = arith.constant 32 : i32
        %dma_wait3A_367 = tpu.memref_slice %arg17[%dma_wait3A_366] : memref<512xi32, #tpu.memory_space<vmem>> -> memref<32xi32, #tpu.memory_space<vmem>>
        %dma_wait3A_368 = arith.constant 0 : i32
        %dma_wait3A_369 = arith.constant 0 : i32
        %dma_wait3A_370 = tpu.memref_slice %arg14[%dma_wait3A_368, %dma_wait3A_369] : memref<500000x128xf32, #tpu.memory_space<hbm>> -> memref<500000x128xf32, #tpu.memory_space<hbm>>
        %dma_wait3A_371 = tpu.memref_slice %arg36[%dma_wait3A_360, %dma_wait3A_361] : memref<2x12x!tpu.dma_semaphore, #tpu.memory_space<semaphore_mem>> -> memref<1x1x!tpu.dma_semaphore, #tpu.memory_space<semaphore_mem>>
        %dma_wait3A_372 = tpu.memref_squeeze %dma_wait3A_371 : memref<1x1x!tpu.dma_semaphore, #tpu.memory_space<semaphore_mem>> -> memref<!tpu.dma_semaphore, #tpu.memory_space<semaphore_mem>>
        tpu.wait_indirect_dma semaphore(%dma_wait3A_372 : memref<!tpu.dma_semaphore, #tpu.memory_space<semaphore_mem>>) src(%dma_wait3A_370 : memref<500000x128xf32, #tpu.memory_space<hbm>>) dst(%dma_wait3A_365 : memref<32x128xf32, #tpu.memory_space<vmem>>)
        %dma_wait3A_373 = arith.constant 1 : i32
        %dma_wait3A_374 = arith.constant 1 : i32
        %dma_wait3A_375 = arith.constant 2 : i32
        %dma_wait3A_376 = arith.constant 0 : i32
        %dma_wait3A_377 = arith.constant 0 : i32
        %dma_wait3A_378 = tpu.memref_slice %arg30[%dma_wait3A_373, %dma_wait3A_376, %dma_wait3A_377] : memref<2x64x128xf32, #tpu.memory_space<vmem>> -> memref<1x32x128xf32, #tpu.memory_space<vmem>>
        %dma_wait3A_379 = tpu.memref_squeeze %dma_wait3A_378 : memref<1x32x128xf32, #tpu.memory_space<vmem>> -> memref<32x128xf32, #tpu.memory_space<vmem>>
        %dma_wait3A_380 = arith.constant 0 : i32
        %dma_wait3A_381 = tpu.memref_slice %arg18[%dma_wait3A_380] : memref<512xi32, #tpu.memory_space<vmem>> -> memref<32xi32, #tpu.memory_space<vmem>>
        %dma_wait3A_382 = arith.constant 0 : i32
        %dma_wait3A_383 = arith.constant 0 : i32
        %dma_wait3A_384 = tpu.memref_slice %arg15[%dma_wait3A_382, %dma_wait3A_383] : memref<500x128xf32, #tpu.memory_space<hbm>> -> memref<500x128xf32, #tpu.memory_space<hbm>>
        %dma_wait3A_385 = tpu.memref_slice %arg36[%dma_wait3A_374, %dma_wait3A_375] : memref<2x12x!tpu.dma_semaphore, #tpu.memory_space<semaphore_mem>> -> memref<1x1x!tpu.dma_semaphore, #tpu.memory_space<semaphore_mem>>
        %dma_wait3A_386 = tpu.memref_squeeze %dma_wait3A_385 : memref<1x1x!tpu.dma_semaphore, #tpu.memory_space<semaphore_mem>> -> memref<!tpu.dma_semaphore, #tpu.memory_space<semaphore_mem>>
        tpu.wait_indirect_dma semaphore(%dma_wait3A_386 : memref<!tpu.dma_semaphore, #tpu.memory_space<semaphore_mem>>) src(%dma_wait3A_384 : memref<500x128xf32, #tpu.memory_space<hbm>>) dst(%dma_wait3A_379 : memref<32x128xf32, #tpu.memory_space<vmem>>)
        %dma_wait3A_387 = arith.constant 1 : i32
        %dma_wait3A_388 = arith.constant 1 : i32
        %dma_wait3A_389 = arith.constant 3 : i32
        %dma_wait3A_390 = arith.constant 32 : i32
        %dma_wait3A_391 = arith.constant 0 : i32
        %dma_wait3A_392 = tpu.memref_slice %arg30[%dma_wait3A_387, %dma_wait3A_390, %dma_wait3A_391] : memref<2x64x128xf32, #tpu.memory_space<vmem>> -> memref<1x32x128xf32, #tpu.memory_space<vmem>>
        %dma_wait3A_393 = tpu.memref_squeeze %dma_wait3A_392 : memref<1x32x128xf32, #tpu.memory_space<vmem>> -> memref<32x128xf32, #tpu.memory_space<vmem>>
        %dma_wait3A_394 = arith.constant 32 : i32
        %dma_wait3A_395 = tpu.memref_slice %arg18[%dma_wait3A_394] : memref<512xi32, #tpu.memory_space<vmem>> -> memref<32xi32, #tpu.memory_space<vmem>>
        %dma_wait3A_396 = arith.constant 0 : i32
        %dma_wait3A_397 = arith.constant 0 : i32
        %dma_wait3A_398 = tpu.memref_slice %arg15[%dma_wait3A_396, %dma_wait3A_397] : memref<500x128xf32, #tpu.memory_space<hbm>> -> memref<500x128xf32, #tpu.memory_space<hbm>>
        %dma_wait3A_399 = tpu.memref_slice %arg36[%dma_wait3A_388, %dma_wait3A_389] : memref<2x12x!tpu.dma_semaphore, #tpu.memory_space<semaphore_mem>> -> memref<1x1x!tpu.dma_semaphore, #tpu.memory_space<semaphore_mem>>
        %dma_wait3A_400 = tpu.memref_squeeze %dma_wait3A_399 : memref<1x1x!tpu.dma_semaphore, #tpu.memory_space<semaphore_mem>> -> memref<!tpu.dma_semaphore, #tpu.memory_space<semaphore_mem>>
        tpu.wait_indirect_dma semaphore(%dma_wait3A_400 : memref<!tpu.dma_semaphore, #tpu.memory_space<semaphore_mem>>) src(%dma_wait3A_398 : memref<500x128xf32, #tpu.memory_space<hbm>>) dst(%dma_wait3A_393 : memref<32x128xf32, #tpu.memory_space<vmem>>)
        %dma_wait3A_401 = arith.constant 1 : i32
        %dma_wait3A_402 = arith.constant 1 : i32
        %dma_wait3A_403 = arith.constant 4 : i32
        %dma_wait3A_404 = arith.constant 0 : i32
        %dma_wait3A_405 = arith.constant 0 : i32
        %dma_wait3A_406 = tpu.memref_slice %arg31[%dma_wait3A_401, %dma_wait3A_404, %dma_wait3A_405] : memref<2x64x128xf32, #tpu.memory_space<vmem>> -> memref<1x32x128xf32, #tpu.memory_space<vmem>>
        %dma_wait3A_407 = tpu.memref_squeeze %dma_wait3A_406 : memref<1x32x128xf32, #tpu.memory_space<vmem>> -> memref<32x128xf32, #tpu.memory_space<vmem>>
        %dma_wait3A_408 = arith.constant 0 : i32
        %dma_wait3A_409 = tpu.memref_slice %arg19[%dma_wait3A_408] : memref<512xi32, #tpu.memory_space<vmem>> -> memref<32xi32, #tpu.memory_space<vmem>>
        %dma_wait3A_410 = arith.constant 0 : i32
        %dma_wait3A_411 = arith.constant 0 : i32
        %dma_wait3A_412 = tpu.memref_slice %arg14[%dma_wait3A_410, %dma_wait3A_411] : memref<500000x128xf32, #tpu.memory_space<hbm>> -> memref<500000x128xf32, #tpu.memory_space<hbm>>
        %dma_wait3A_413 = tpu.memref_slice %arg36[%dma_wait3A_402, %dma_wait3A_403] : memref<2x12x!tpu.dma_semaphore, #tpu.memory_space<semaphore_mem>> -> memref<1x1x!tpu.dma_semaphore, #tpu.memory_space<semaphore_mem>>
        %dma_wait3A_414 = tpu.memref_squeeze %dma_wait3A_413 : memref<1x1x!tpu.dma_semaphore, #tpu.memory_space<semaphore_mem>> -> memref<!tpu.dma_semaphore, #tpu.memory_space<semaphore_mem>>
        tpu.wait_indirect_dma semaphore(%dma_wait3A_414 : memref<!tpu.dma_semaphore, #tpu.memory_space<semaphore_mem>>) src(%dma_wait3A_412 : memref<500000x128xf32, #tpu.memory_space<hbm>>) dst(%dma_wait3A_407 : memref<32x128xf32, #tpu.memory_space<vmem>>)
        %dma_wait3A_415 = arith.constant 1 : i32
        %dma_wait3A_416 = arith.constant 1 : i32
        %dma_wait3A_417 = arith.constant 5 : i32
        %dma_wait3A_418 = arith.constant 32 : i32
        %dma_wait3A_419 = arith.constant 0 : i32
        %dma_wait3A_420 = tpu.memref_slice %arg31[%dma_wait3A_415, %dma_wait3A_418, %dma_wait3A_419] : memref<2x64x128xf32, #tpu.memory_space<vmem>> -> memref<1x32x128xf32, #tpu.memory_space<vmem>>
        %dma_wait3A_421 = tpu.memref_squeeze %dma_wait3A_420 : memref<1x32x128xf32, #tpu.memory_space<vmem>> -> memref<32x128xf32, #tpu.memory_space<vmem>>
        %dma_wait3A_422 = arith.constant 32 : i32
        %dma_wait3A_423 = tpu.memref_slice %arg19[%dma_wait3A_422] : memref<512xi32, #tpu.memory_space<vmem>> -> memref<32xi32, #tpu.memory_space<vmem>>
        %dma_wait3A_424 = arith.constant 0 : i32
        %dma_wait3A_425 = arith.constant 0 : i32
        %dma_wait3A_426 = tpu.memref_slice %arg14[%dma_wait3A_424, %dma_wait3A_425] : memref<500000x128xf32, #tpu.memory_space<hbm>> -> memref<500000x128xf32, #tpu.memory_space<hbm>>
        %dma_wait3A_427 = tpu.memref_slice %arg36[%dma_wait3A_416, %dma_wait3A_417] : memref<2x12x!tpu.dma_semaphore, #tpu.memory_space<semaphore_mem>> -> memref<1x1x!tpu.dma_semaphore, #tpu.memory_space<semaphore_mem>>
        %dma_wait3A_428 = tpu.memref_squeeze %dma_wait3A_427 : memref<1x1x!tpu.dma_semaphore, #tpu.memory_space<semaphore_mem>> -> memref<!tpu.dma_semaphore, #tpu.memory_space<semaphore_mem>>
        tpu.wait_indirect_dma semaphore(%dma_wait3A_428 : memref<!tpu.dma_semaphore, #tpu.memory_space<semaphore_mem>>) src(%dma_wait3A_426 : memref<500000x128xf32, #tpu.memory_space<hbm>>) dst(%dma_wait3A_421 : memref<32x128xf32, #tpu.memory_space<vmem>>)
        %dma_wait3A_429 = arith.constant 1 : i32
        %dma_wait3A_430 = arith.constant 1 : i32
        %dma_wait3A_431 = arith.constant 6 : i32
        %dma_wait3A_432 = arith.constant 0 : i32
        %dma_wait3A_433 = arith.constant 0 : i32
        %dma_wait3A_434 = tpu.memref_slice %arg32[%dma_wait3A_429, %dma_wait3A_432, %dma_wait3A_433] : memref<2x64x128xf32, #tpu.memory_space<vmem>> -> memref<1x32x128xf32, #tpu.memory_space<vmem>>
        %dma_wait3A_435 = tpu.memref_squeeze %dma_wait3A_434 : memref<1x32x128xf32, #tpu.memory_space<vmem>> -> memref<32x128xf32, #tpu.memory_space<vmem>>
        %dma_wait3A_436 = arith.constant 0 : i32
        %dma_wait3A_437 = tpu.memref_slice %arg20[%dma_wait3A_436] : memref<512xi32, #tpu.memory_space<vmem>> -> memref<32xi32, #tpu.memory_space<vmem>>
        %dma_wait3A_438 = arith.constant 0 : i32
        %dma_wait3A_439 = arith.constant 0 : i32
        %dma_wait3A_440 = tpu.memref_slice %arg14[%dma_wait3A_438, %dma_wait3A_439] : memref<500000x128xf32, #tpu.memory_space<hbm>> -> memref<500000x128xf32, #tpu.memory_space<hbm>>
        %dma_wait3A_441 = tpu.memref_slice %arg36[%dma_wait3A_430, %dma_wait3A_431] : memref<2x12x!tpu.dma_semaphore, #tpu.memory_space<semaphore_mem>> -> memref<1x1x!tpu.dma_semaphore, #tpu.memory_space<semaphore_mem>>
        %dma_wait3A_442 = tpu.memref_squeeze %dma_wait3A_441 : memref<1x1x!tpu.dma_semaphore, #tpu.memory_space<semaphore_mem>> -> memref<!tpu.dma_semaphore, #tpu.memory_space<semaphore_mem>>
        tpu.wait_indirect_dma semaphore(%dma_wait3A_442 : memref<!tpu.dma_semaphore, #tpu.memory_space<semaphore_mem>>) src(%dma_wait3A_440 : memref<500000x128xf32, #tpu.memory_space<hbm>>) dst(%dma_wait3A_435 : memref<32x128xf32, #tpu.memory_space<vmem>>)
        %dma_wait3A_443 = arith.constant 1 : i32
        %dma_wait3A_444 = arith.constant 1 : i32
        %dma_wait3A_445 = arith.constant 7 : i32
        %dma_wait3A_446 = arith.constant 32 : i32
        %dma_wait3A_447 = arith.constant 0 : i32
        %dma_wait3A_448 = tpu.memref_slice %arg32[%dma_wait3A_443, %dma_wait3A_446, %dma_wait3A_447] : memref<2x64x128xf32, #tpu.memory_space<vmem>> -> memref<1x32x128xf32, #tpu.memory_space<vmem>>
        %dma_wait3A_449 = tpu.memref_squeeze %dma_wait3A_448 : memref<1x32x128xf32, #tpu.memory_space<vmem>> -> memref<32x128xf32, #tpu.memory_space<vmem>>
        %dma_wait3A_450 = arith.constant 32 : i32
        %dma_wait3A_451 = tpu.memref_slice %arg20[%dma_wait3A_450] : memref<512xi32, #tpu.memory_space<vmem>> -> memref<32xi32, #tpu.memory_space<vmem>>
        %dma_wait3A_452 = arith.constant 0 : i32
        %dma_wait3A_453 = arith.constant 0 : i32
        %dma_wait3A_454 = tpu.memref_slice %arg14[%dma_wait3A_452, %dma_wait3A_453] : memref<500000x128xf32, #tpu.memory_space<hbm>> -> memref<500000x128xf32, #tpu.memory_space<hbm>>
        %dma_wait3A_455 = tpu.memref_slice %arg36[%dma_wait3A_444, %dma_wait3A_445] : memref<2x12x!tpu.dma_semaphore, #tpu.memory_space<semaphore_mem>> -> memref<1x1x!tpu.dma_semaphore, #tpu.memory_space<semaphore_mem>>
        %dma_wait3A_456 = tpu.memref_squeeze %dma_wait3A_455 : memref<1x1x!tpu.dma_semaphore, #tpu.memory_space<semaphore_mem>> -> memref<!tpu.dma_semaphore, #tpu.memory_space<semaphore_mem>>
        tpu.wait_indirect_dma semaphore(%dma_wait3A_456 : memref<!tpu.dma_semaphore, #tpu.memory_space<semaphore_mem>>) src(%dma_wait3A_454 : memref<500000x128xf32, #tpu.memory_space<hbm>>) dst(%dma_wait3A_449 : memref<32x128xf32, #tpu.memory_space<vmem>>)
        %dma_wait3A_457 = arith.constant 1 : i32
        %dma_wait3A_458 = arith.constant 1 : i32
        %dma_wait3A_459 = arith.constant 8 : i32
        %dma_wait3A_460 = arith.constant 0 : i32
        %dma_wait3A_461 = arith.constant 0 : i32
        %dma_wait3A_462 = tpu.memref_slice %arg33[%dma_wait3A_457, %dma_wait3A_460, %dma_wait3A_461] : memref<2x64x128xf32, #tpu.memory_space<vmem>> -> memref<1x32x128xf32, #tpu.memory_space<vmem>>
        %dma_wait3A_463 = tpu.memref_squeeze %dma_wait3A_462 : memref<1x32x128xf32, #tpu.memory_space<vmem>> -> memref<32x128xf32, #tpu.memory_space<vmem>>
        %dma_wait3A_464 = arith.constant 0 : i32
        %dma_wait3A_465 = tpu.memref_slice %arg21[%dma_wait3A_464] : memref<512xi32, #tpu.memory_space<vmem>> -> memref<32xi32, #tpu.memory_space<vmem>>
        %dma_wait3A_466 = arith.constant 0 : i32
        %dma_wait3A_467 = arith.constant 0 : i32
        %dma_wait3A_468 = tpu.memref_slice %arg15[%dma_wait3A_466, %dma_wait3A_467] : memref<500x128xf32, #tpu.memory_space<hbm>> -> memref<500x128xf32, #tpu.memory_space<hbm>>
        %dma_wait3A_469 = tpu.memref_slice %arg36[%dma_wait3A_458, %dma_wait3A_459] : memref<2x12x!tpu.dma_semaphore, #tpu.memory_space<semaphore_mem>> -> memref<1x1x!tpu.dma_semaphore, #tpu.memory_space<semaphore_mem>>
        %dma_wait3A_470 = tpu.memref_squeeze %dma_wait3A_469 : memref<1x1x!tpu.dma_semaphore, #tpu.memory_space<semaphore_mem>> -> memref<!tpu.dma_semaphore, #tpu.memory_space<semaphore_mem>>
        tpu.wait_indirect_dma semaphore(%dma_wait3A_470 : memref<!tpu.dma_semaphore, #tpu.memory_space<semaphore_mem>>) src(%dma_wait3A_468 : memref<500x128xf32, #tpu.memory_space<hbm>>) dst(%dma_wait3A_463 : memref<32x128xf32, #tpu.memory_space<vmem>>)
        %dma_wait3A_471 = arith.constant 1 : i32
        %dma_wait3A_472 = arith.constant 1 : i32
        %dma_wait3A_473 = arith.constant 9 : i32
        %dma_wait3A_474 = arith.constant 32 : i32
        %dma_wait3A_475 = arith.constant 0 : i32
        %dma_wait3A_476 = tpu.memref_slice %arg33[%dma_wait3A_471, %dma_wait3A_474, %dma_wait3A_475] : memref<2x64x128xf32, #tpu.memory_space<vmem>> -> memref<1x32x128xf32, #tpu.memory_space<vmem>>
        %dma_wait3A_477 = tpu.memref_squeeze %dma_wait3A_476 : memref<1x32x128xf32, #tpu.memory_space<vmem>> -> memref<32x128xf32, #tpu.memory_space<vmem>>
        %dma_wait3A_478 = arith.constant 32 : i32
        %dma_wait3A_479 = tpu.memref_slice %arg21[%dma_wait3A_478] : memref<512xi32, #tpu.memory_space<vmem>> -> memref<32xi32, #tpu.memory_space<vmem>>
        %dma_wait3A_480 = arith.constant 0 : i32
        %dma_wait3A_481 = arith.constant 0 : i32
        %dma_wait3A_482 = tpu.memref_slice %arg15[%dma_wait3A_480, %dma_wait3A_481] : memref<500x128xf32, #tpu.memory_space<hbm>> -> memref<500x128xf32, #tpu.memory_space<hbm>>
        %dma_wait3A_483 = tpu.memref_slice %arg36[%dma_wait3A_472, %dma_wait3A_473] : memref<2x12x!tpu.dma_semaphore, #tpu.memory_space<semaphore_mem>> -> memref<1x1x!tpu.dma_semaphore, #tpu.memory_space<semaphore_mem>>
        %dma_wait3A_484 = tpu.memref_squeeze %dma_wait3A_483 : memref<1x1x!tpu.dma_semaphore, #tpu.memory_space<semaphore_mem>> -> memref<!tpu.dma_semaphore, #tpu.memory_space<semaphore_mem>>
        tpu.wait_indirect_dma semaphore(%dma_wait3A_484 : memref<!tpu.dma_semaphore, #tpu.memory_space<semaphore_mem>>) src(%dma_wait3A_482 : memref<500x128xf32, #tpu.memory_space<hbm>>) dst(%dma_wait3A_477 : memref<32x128xf32, #tpu.memory_space<vmem>>)
        %dma_wait3A_485 = arith.constant 1 : i32
        %dma_wait3A_486 = arith.constant 1 : i32
        %dma_wait3A_487 = arith.constant 10 : i32
        %dma_wait3A_488 = arith.constant 0 : i32
        %dma_wait3A_489 = arith.constant 0 : i32
        %dma_wait3A_490 = tpu.memref_slice %arg34[%dma_wait3A_485, %dma_wait3A_488, %dma_wait3A_489] : memref<2x64x128xf32, #tpu.memory_space<vmem>> -> memref<1x32x128xf32, #tpu.memory_space<vmem>>
        %dma_wait3A_491 = tpu.memref_squeeze %dma_wait3A_490 : memref<1x32x128xf32, #tpu.memory_space<vmem>> -> memref<32x128xf32, #tpu.memory_space<vmem>>
        %dma_wait3A_492 = arith.constant 0 : i32
        %dma_wait3A_493 = tpu.memref_slice %arg22[%dma_wait3A_492] : memref<512xi32, #tpu.memory_space<vmem>> -> memref<32xi32, #tpu.memory_space<vmem>>
        %dma_wait3A_494 = arith.constant 0 : i32
        %dma_wait3A_495 = arith.constant 0 : i32
        %dma_wait3A_496 = tpu.memref_slice %arg14[%dma_wait3A_494, %dma_wait3A_495] : memref<500000x128xf32, #tpu.memory_space<hbm>> -> memref<500000x128xf32, #tpu.memory_space<hbm>>
        %dma_wait3A_497 = tpu.memref_slice %arg36[%dma_wait3A_486, %dma_wait3A_487] : memref<2x12x!tpu.dma_semaphore, #tpu.memory_space<semaphore_mem>> -> memref<1x1x!tpu.dma_semaphore, #tpu.memory_space<semaphore_mem>>
        %dma_wait3A_498 = tpu.memref_squeeze %dma_wait3A_497 : memref<1x1x!tpu.dma_semaphore, #tpu.memory_space<semaphore_mem>> -> memref<!tpu.dma_semaphore, #tpu.memory_space<semaphore_mem>>
        tpu.wait_indirect_dma semaphore(%dma_wait3A_498 : memref<!tpu.dma_semaphore, #tpu.memory_space<semaphore_mem>>) src(%dma_wait3A_496 : memref<500000x128xf32, #tpu.memory_space<hbm>>) dst(%dma_wait3A_491 : memref<32x128xf32, #tpu.memory_space<vmem>>)
        %dma_wait3A_499 = arith.constant 1 : i32
        %dma_wait3A_500 = arith.constant 1 : i32
        %dma_wait3A_501 = arith.constant 11 : i32
        %dma_wait3A_502 = arith.constant 32 : i32
        %dma_wait3A_503 = arith.constant 0 : i32
        %dma_wait3A_504 = tpu.memref_slice %arg34[%dma_wait3A_499, %dma_wait3A_502, %dma_wait3A_503] : memref<2x64x128xf32, #tpu.memory_space<vmem>> -> memref<1x32x128xf32, #tpu.memory_space<vmem>>
        %dma_wait3A_505 = tpu.memref_squeeze %dma_wait3A_504 : memref<1x32x128xf32, #tpu.memory_space<vmem>> -> memref<32x128xf32, #tpu.memory_space<vmem>>
        %dma_wait3A_506 = arith.constant 32 : i32
        %dma_wait3A_507 = tpu.memref_slice %arg22[%dma_wait3A_506] : memref<512xi32, #tpu.memory_space<vmem>> -> memref<32xi32, #tpu.memory_space<vmem>>
        %dma_wait3A_508 = arith.constant 0 : i32
        %dma_wait3A_509 = arith.constant 0 : i32
        %dma_wait3A_510 = tpu.memref_slice %arg14[%dma_wait3A_508, %dma_wait3A_509] : memref<500000x128xf32, #tpu.memory_space<hbm>> -> memref<500000x128xf32, #tpu.memory_space<hbm>>
        %dma_wait3A_511 = tpu.memref_slice %arg36[%dma_wait3A_500, %dma_wait3A_501] : memref<2x12x!tpu.dma_semaphore, #tpu.memory_space<semaphore_mem>> -> memref<1x1x!tpu.dma_semaphore, #tpu.memory_space<semaphore_mem>>
        %dma_wait3A_512 = tpu.memref_squeeze %dma_wait3A_511 : memref<1x1x!tpu.dma_semaphore, #tpu.memory_space<semaphore_mem>> -> memref<!tpu.dma_semaphore, #tpu.memory_space<semaphore_mem>>
        tpu.wait_indirect_dma semaphore(%dma_wait3A_512 : memref<!tpu.dma_semaphore, #tpu.memory_space<semaphore_mem>>) src(%dma_wait3A_510 : memref<500000x128xf32, #tpu.memory_space<hbm>>) dst(%dma_wait3A_505 : memref<32x128xf32, #tpu.memory_space<vmem>>)
      } else {
      }
      %broadcast_in_dim3A = vector.broadcast %rem3A_321 : i32 to vector<16xi32>
      %scan3A_337 = arith.constant 0 : i32
      %scan3A_338 = arith.constant 0 : i32
      %scan3A_339 = arith.constant 4 : i32
      %scan3A_340 = arith.addi %scan3A_338, %scan3A_339 : i32
      %scan3A_341 = arith.constant 1 : i32
      %scan3A_342 = scf.for %scan3A_345 = %scan3A_338 to %scan3A_340 step %scan3A_341 iter_args(%scan3A_346 = %scan3A_337) -> (i32)  : i32 {
        %iota3A = tpu.iota {dimensions = array<i32: 0>} : vector<16xi32>
        %mul3A_347 = arith.constant 16 : i32
        %mul3A_348 = arith.muli %scan3A_345, %mul3A_347 : i32
        %add3A_349 = vector.broadcast %mul3A_348 : i32 to vector<16xi32>
        %add3A_350 = arith.addi %iota3A, %add3A_349 : vector<16xi32>
        %mul3A_351 = arith.constant 16 : i32
        %mul3A_352 = arith.muli %scan3A_345, %mul3A_351 : i32
        %add3A_353 = arith.addi %mul3A_323, %mul3A_352 : i32
        %get3A = arith.index_cast %add3A_353 : i32 to index
        %get3A_354 = tpu.vector_load %arg23[%get3A] {strides = array<i32>} : memref<512xi32, #tpu.memory_space<vmem>>, vector<16xi32>,
        %get3A_355 = arith.index_cast %add3A_353 : i32 to index
        %get3A_356 = tpu.vector_load %arg24[%get3A_355] {strides = array<i32>} : memref<512xi32, #tpu.memory_space<vmem>>, vector<16xi32>,
        %get3A_357 = arith.index_cast %add3A_353 : i32 to index
        %get3A_358 = tpu.vector_load %arg25[%get3A_357] {strides = array<i32>} : memref<512xi32, #tpu.memory_space<vmem>>, vector<16xi32>,
        %get3A_359 = arith.index_cast %add3A_353 : i32 to index
        %get3A_360 = tpu.vector_load %arg26[%get3A_359] {strides = array<i32>} : memref<512xi32, #tpu.memory_space<vmem>>, vector<16xi32>,
        %get3A_361 = arith.index_cast %add3A_353 : i32 to index
        %get3A_362 = tpu.vector_load %arg27[%get3A_361] {strides = array<i32>} : memref<512xi32, #tpu.memory_space<vmem>>, vector<16xi32>,
        %get3A_363 = arith.index_cast %add3A_353 : i32 to index
        %get3A_364 = tpu.vector_load %arg28[%get3A_363] {strides = array<i32>} : memref<512xi32, #tpu.memory_space<vmem>>, vector<16xi32>,
        %broadcast_in_dim3A_365 = arith.constant 1 : i32
        %broadcast_in_dim3A_366 = vector.broadcast %broadcast_in_dim3A_365 : i32 to vector<16xi32>
        %broadcast_in_dim3A_367 = arith.constant 0.000000e+00 : f32
        %broadcast_in_dim3A_368 = vector.broadcast %broadcast_in_dim3A_367 : f32 to vector<16xf32>
        %broadcast_in_dim3A_369 = arith.constant 0.000000e+00 : f32
        %broadcast_in_dim3A_370 = vector.broadcast %broadcast_in_dim3A_369 : f32 to vector<16xf32>
        %gather3A = tpu.vector_load_idx %arg29[%broadcast_in_dim3A, %add3A_350, %get3A_354] : memref<2x64x128xf32, #tpu.memory_space<vmem>>[vector<16xi32>, vector<16xi32>, vector<16xi32>], vector<16xf32>,
        %gather3A_371 = tpu.vector_load_idx %arg30[%broadcast_in_dim3A, %add3A_350, %get3A_356] : memref<2x64x128xf32, #tpu.memory_space<vmem>>[vector<16xi32>, vector<16xi32>, vector<16xi32>], vector<16xf32>,
        %gather3A_372 = tpu.vector_load_idx %arg31[%broadcast_in_dim3A, %add3A_350, %get3A_358] : memref<2x64x128xf32, #tpu.memory_space<vmem>>[vector<16xi32>, vector<16xi32>, vector<16xi32>], vector<16xf32>,
        %gather3A_373 = tpu.vector_load_idx %arg32[%broadcast_in_dim3A, %add3A_350, %get3A_360] : memref<2x64x128xf32, #tpu.memory_space<vmem>>[vector<16xi32>, vector<16xi32>, vector<16xi32>], vector<16xf32>,
        %gather3A_374 = tpu.vector_load_idx %arg33[%broadcast_in_dim3A, %add3A_350, %get3A_362] : memref<2x64x128xf32, #tpu.memory_space<vmem>>[vector<16xi32>, vector<16xi32>, vector<16xi32>], vector<16xf32>,
        %gather3A_375 = tpu.vector_load_idx %arg34[%broadcast_in_dim3A, %add3A_350, %get3A_364] : memref<2x64x128xf32, #tpu.memory_space<vmem>>[vector<16xi32>, vector<16xi32>, vector<16xi32>], vector<16xf32>,
        %add3A_376 = arith.addf %gather3A, %gather3A_371 : vector<16xf32>
        %sub3A = arith.subf %add3A_376, %gather3A_372 : vector<16xf32>
        %add3A_377 = arith.addf %gather3A_373, %gather3A_374 : vector<16xf32>
        %sub3A_378 = arith.subf %add3A_377, %gather3A_375 : vector<16xf32>
        %mul3A_379 = arith.mulf %sub3A, %sub3A : vector<16xf32>
        %add3A_380 = arith.addf %broadcast_in_dim3A_368, %mul3A_379 : vector<16xf32>
        %mul3A_381 = arith.mulf %sub3A_378, %sub3A_378 : vector<16xf32>
        %add3A_382 = arith.addf %broadcast_in_dim3A_370, %mul3A_381 : vector<16xf32>
        %add3A_383 = arith.addi %get3A_354, %broadcast_in_dim3A_366 : vector<16xi32>
        %add3A_384 = arith.addi %get3A_356, %broadcast_in_dim3A_366 : vector<16xi32>
        %add3A_385 = arith.addi %get3A_358, %broadcast_in_dim3A_366 : vector<16xi32>
        %add3A_386 = arith.addi %get3A_360, %broadcast_in_dim3A_366 : vector<16xi32>
        %add3A_387 = arith.addi %get3A_362, %broadcast_in_dim3A_366 : vector<16xi32>
        %add3A_388 = arith.addi %get3A_364, %broadcast_in_dim3A_366 : vector<16xi32>
        %gather3A_389 = tpu.vector_load_idx %arg29[%broadcast_in_dim3A, %add3A_350, %add3A_383] : memref<2x64x128xf32, #tpu.memory_space<vmem>>[vector<16xi32>, vector<16xi32>, vector<16xi32>], vector<16xf32>,
        %gather3A_390 = tpu.vector_load_idx %arg30[%broadcast_in_dim3A, %add3A_350, %add3A_384] : memref<2x64x128xf32, #tpu.memory_space<vmem>>[vector<16xi32>, vector<16xi32>, vector<16xi32>], vector<16xf32>,
        %gather3A_391 = tpu.vector_load_idx %arg31[%broadcast_in_dim3A, %add3A_350, %add3A_385] : memref<2x64x128xf32, #tpu.memory_space<vmem>>[vector<16xi32>, vector<16xi32>, vector<16xi32>], vector<16xf32>,
        %gather3A_392 = tpu.vector_load_idx %arg32[%broadcast_in_dim3A, %add3A_350, %add3A_386] : memref<2x64x128xf32, #tpu.memory_space<vmem>>[vector<16xi32>, vector<16xi32>, vector<16xi32>], vector<16xf32>,
        %gather3A_393 = tpu.vector_load_idx %arg33[%broadcast_in_dim3A, %add3A_350, %add3A_387] : memref<2x64x128xf32, #tpu.memory_space<vmem>>[vector<16xi32>, vector<16xi32>, vector<16xi32>], vector<16xf32>,
        %gather3A_394 = tpu.vector_load_idx %arg34[%broadcast_in_dim3A, %add3A_350, %add3A_388] : memref<2x64x128xf32, #tpu.memory_space<vmem>>[vector<16xi32>, vector<16xi32>, vector<16xi32>], vector<16xf32>,
        %add3A_395 = arith.addf %gather3A_389, %gather3A_390 : vector<16xf32>
        %sub3A_396 = arith.subf %add3A_395, %gather3A_391 : vector<16xf32>
        %add3A_397 = arith.addf %gather3A_392, %gather3A_393 : vector<16xf32>
        %sub3A_398 = arith.subf %add3A_397, %gather3A_394 : vector<16xf32>
        %mul3A_399 = arith.mulf %sub3A_396, %sub3A_396 : vector<16xf32>
        %add3A_400 = arith.addf %add3A_380, %mul3A_399 : vector<16xf32>
        %mul3A_401 = arith.mulf %sub3A_398, %sub3A_398 : vector<16xf32>
        %add3A_402 = arith.addf %add3A_382, %mul3A_401 : vector<16xf32>
        %add3A_403 = arith.addi %add3A_383, %broadcast_in_dim3A_366 : vector<16xi32>
        %add3A_404 = arith.addi %add3A_384, %broadcast_in_dim3A_366 : vector<16xi32>
        %add3A_405 = arith.addi %add3A_385, %broadcast_in_dim3A_366 : vector<16xi32>
        %add3A_406 = arith.addi %add3A_386, %broadcast_in_dim3A_366 : vector<16xi32>
        %add3A_407 = arith.addi %add3A_387, %broadcast_in_dim3A_366 : vector<16xi32>
        %add3A_408 = arith.addi %add3A_388, %broadcast_in_dim3A_366 : vector<16xi32>
        %gather3A_409 = tpu.vector_load_idx %arg29[%broadcast_in_dim3A, %add3A_350, %add3A_403] : memref<2x64x128xf32, #tpu.memory_space<vmem>>[vector<16xi32>, vector<16xi32>, vector<16xi32>], vector<16xf32>,
        %gather3A_410 = tpu.vector_load_idx %arg30[%broadcast_in_dim3A, %add3A_350, %add3A_404] : memref<2x64x128xf32, #tpu.memory_space<vmem>>[vector<16xi32>, vector<16xi32>, vector<16xi32>], vector<16xf32>,
        %gather3A_411 = tpu.vector_load_idx %arg31[%broadcast_in_dim3A, %add3A_350, %add3A_405] : memref<2x64x128xf32, #tpu.memory_space<vmem>>[vector<16xi32>, vector<16xi32>, vector<16xi32>], vector<16xf32>,
        %gather3A_412 = tpu.vector_load_idx %arg32[%broadcast_in_dim3A, %add3A_350, %add3A_406] : memref<2x64x128xf32, #tpu.memory_space<vmem>>[vector<16xi32>, vector<16xi32>, vector<16xi32>], vector<16xf32>,
        %gather3A_413 = tpu.vector_load_idx %arg33[%broadcast_in_dim3A, %add3A_350, %add3A_407] : memref<2x64x128xf32, #tpu.memory_space<vmem>>[vector<16xi32>, vector<16xi32>, vector<16xi32>], vector<16xf32>,
        %gather3A_414 = tpu.vector_load_idx %arg34[%broadcast_in_dim3A, %add3A_350, %add3A_408] : memref<2x64x128xf32, #tpu.memory_space<vmem>>[vector<16xi32>, vector<16xi32>, vector<16xi32>], vector<16xf32>,
        %add3A_415 = arith.addf %gather3A_409, %gather3A_410 : vector<16xf32>
        %sub3A_416 = arith.subf %add3A_415, %gather3A_411 : vector<16xf32>
        %add3A_417 = arith.addf %gather3A_412, %gather3A_413 : vector<16xf32>
        %sub3A_418 = arith.subf %add3A_417, %gather3A_414 : vector<16xf32>
        %mul3A_419 = arith.mulf %sub3A_416, %sub3A_416 : vector<16xf32>
        %add3A_420 = arith.addf %add3A_400, %mul3A_419 : vector<16xf32>
        %mul3A_421 = arith.mulf %sub3A_418, %sub3A_418 : vector<16xf32>
        %add3A_422 = arith.addf %add3A_402, %mul3A_421 : vector<16xf32>
        %add3A_423 = arith.addi %add3A_403, %broadcast_in_dim3A_366 : vector<16xi32>
        %add3A_424 = arith.addi %add3A_404, %broadcast_in_dim3A_366 : vector<16xi32>
        %add3A_425 = arith.addi %add3A_405, %broadcast_in_dim3A_366 : vector<16xi32>
        %add3A_426 = arith.addi %add3A_406, %broadcast_in_dim3A_366 : vector<16xi32>
        %add3A_427 = arith.addi %add3A_407, %broadcast_in_dim3A_366 : vector<16xi32>
        %add3A_428 = arith.addi %add3A_408, %broadcast_in_dim3A_366 : vector<16xi32>
        %gather3A_429 = tpu.vector_load_idx %arg29[%broadcast_in_dim3A, %add3A_350, %add3A_423] : memref<2x64x128xf32, #tpu.memory_space<vmem>>[vector<16xi32>, vector<16xi32>, vector<16xi32>], vector<16xf32>,
        %gather3A_430 = tpu.vector_load_idx %arg30[%broadcast_in_dim3A, %add3A_350, %add3A_424] : memref<2x64x128xf32, #tpu.memory_space<vmem>>[vector<16xi32>, vector<16xi32>, vector<16xi32>], vector<16xf32>,
        %gather3A_431 = tpu.vector_load_idx %arg31[%broadcast_in_dim3A, %add3A_350, %add3A_425] : memref<2x64x128xf32, #tpu.memory_space<vmem>>[vector<16xi32>, vector<16xi32>, vector<16xi32>], vector<16xf32>,
        %gather3A_432 = tpu.vector_load_idx %arg32[%broadcast_in_dim3A, %add3A_350, %add3A_426] : memref<2x64x128xf32, #tpu.memory_space<vmem>>[vector<16xi32>, vector<16xi32>, vector<16xi32>], vector<16xf32>,
        %gather3A_433 = tpu.vector_load_idx %arg33[%broadcast_in_dim3A, %add3A_350, %add3A_427] : memref<2x64x128xf32, #tpu.memory_space<vmem>>[vector<16xi32>, vector<16xi32>, vector<16xi32>], vector<16xf32>,
        %gather3A_434 = tpu.vector_load_idx %arg34[%broadcast_in_dim3A, %add3A_350, %add3A_428] : memref<2x64x128xf32, #tpu.memory_space<vmem>>[vector<16xi32>, vector<16xi32>, vector<16xi32>], vector<16xf32>,
        %add3A_435 = arith.addf %gather3A_429, %gather3A_430 : vector<16xf32>
        %sub3A_436 = arith.subf %add3A_435, %gather3A_431 : vector<16xf32>
        %add3A_437 = arith.addf %gather3A_432, %gather3A_433 : vector<16xf32>
        %sub3A_438 = arith.subf %add3A_437, %gather3A_434 : vector<16xf32>
        %mul3A_439 = arith.mulf %sub3A_436, %sub3A_436 : vector<16xf32>
        %add3A_440 = arith.addf %add3A_420, %mul3A_439 : vector<16xf32>
        %mul3A_441 = arith.mulf %sub3A_438, %sub3A_438 : vector<16xf32>
        %add3A_442 = arith.addf %add3A_422, %mul3A_441 : vector<16xf32>
        %add3A_443 = arith.addi %add3A_423, %broadcast_in_dim3A_366 : vector<16xi32>
        %add3A_444 = arith.addi %add3A_424, %broadcast_in_dim3A_366 : vector<16xi32>
        %add3A_445 = arith.addi %add3A_425, %broadcast_in_dim3A_366 : vector<16xi32>
        %add3A_446 = arith.addi %add3A_426, %broadcast_in_dim3A_366 : vector<16xi32>
        %add3A_447 = arith.addi %add3A_427, %broadcast_in_dim3A_366 : vector<16xi32>
        %add3A_448 = arith.addi %add3A_428, %broadcast_in_dim3A_366 : vector<16xi32>
        %gather3A_449 = tpu.vector_load_idx %arg29[%broadcast_in_dim3A, %add3A_350, %add3A_443] : memref<2x64x128xf32, #tpu.memory_space<vmem>>[vector<16xi32>, vector<16xi32>, vector<16xi32>], vector<16xf32>,
        %gather3A_450 = tpu.vector_load_idx %arg30[%broadcast_in_dim3A, %add3A_350, %add3A_444] : memref<2x64x128xf32, #tpu.memory_space<vmem>>[vector<16xi32>, vector<16xi32>, vector<16xi32>], vector<16xf32>,
        %gather3A_451 = tpu.vector_load_idx %arg31[%broadcast_in_dim3A, %add3A_350, %add3A_445] : memref<2x64x128xf32, #tpu.memory_space<vmem>>[vector<16xi32>, vector<16xi32>, vector<16xi32>], vector<16xf32>,
        %gather3A_452 = tpu.vector_load_idx %arg32[%broadcast_in_dim3A, %add3A_350, %add3A_446] : memref<2x64x128xf32, #tpu.memory_space<vmem>>[vector<16xi32>, vector<16xi32>, vector<16xi32>], vector<16xf32>,
        %gather3A_453 = tpu.vector_load_idx %arg33[%broadcast_in_dim3A, %add3A_350, %add3A_447] : memref<2x64x128xf32, #tpu.memory_space<vmem>>[vector<16xi32>, vector<16xi32>, vector<16xi32>], vector<16xf32>,
        %gather3A_454 = tpu.vector_load_idx %arg34[%broadcast_in_dim3A, %add3A_350, %add3A_448] : memref<2x64x128xf32, #tpu.memory_space<vmem>>[vector<16xi32>, vector<16xi32>, vector<16xi32>], vector<16xf32>,
        %add3A_455 = arith.addf %gather3A_449, %gather3A_450 : vector<16xf32>
        %sub3A_456 = arith.subf %add3A_455, %gather3A_451 : vector<16xf32>
        %add3A_457 = arith.addf %gather3A_452, %gather3A_453 : vector<16xf32>
        %sub3A_458 = arith.subf %add3A_457, %gather3A_454 : vector<16xf32>
        %mul3A_459 = arith.mulf %sub3A_456, %sub3A_456 : vector<16xf32>
        %add3A_460 = arith.addf %add3A_440, %mul3A_459 : vector<16xf32>
        %mul3A_461 = arith.mulf %sub3A_458, %sub3A_458 : vector<16xf32>
        %add3A_462 = arith.addf %add3A_442, %mul3A_461 : vector<16xf32>
        %add3A_463 = arith.addi %add3A_443, %broadcast_in_dim3A_366 : vector<16xi32>
        %add3A_464 = arith.addi %add3A_444, %broadcast_in_dim3A_366 : vector<16xi32>
        %add3A_465 = arith.addi %add3A_445, %broadcast_in_dim3A_366 : vector<16xi32>
        %add3A_466 = arith.addi %add3A_446, %broadcast_in_dim3A_366 : vector<16xi32>
        %add3A_467 = arith.addi %add3A_447, %broadcast_in_dim3A_366 : vector<16xi32>
        %add3A_468 = arith.addi %add3A_448, %broadcast_in_dim3A_366 : vector<16xi32>
        %gather3A_469 = tpu.vector_load_idx %arg29[%broadcast_in_dim3A, %add3A_350, %add3A_463] : memref<2x64x128xf32, #tpu.memory_space<vmem>>[vector<16xi32>, vector<16xi32>, vector<16xi32>], vector<16xf32>,
        %gather3A_470 = tpu.vector_load_idx %arg30[%broadcast_in_dim3A, %add3A_350, %add3A_464] : memref<2x64x128xf32, #tpu.memory_space<vmem>>[vector<16xi32>, vector<16xi32>, vector<16xi32>], vector<16xf32>,
        %gather3A_471 = tpu.vector_load_idx %arg31[%broadcast_in_dim3A, %add3A_350, %add3A_465] : memref<2x64x128xf32, #tpu.memory_space<vmem>>[vector<16xi32>, vector<16xi32>, vector<16xi32>], vector<16xf32>,
        %gather3A_472 = tpu.vector_load_idx %arg32[%broadcast_in_dim3A, %add3A_350, %add3A_466] : memref<2x64x128xf32, #tpu.memory_space<vmem>>[vector<16xi32>, vector<16xi32>, vector<16xi32>], vector<16xf32>,
        %gather3A_473 = tpu.vector_load_idx %arg33[%broadcast_in_dim3A, %add3A_350, %add3A_467] : memref<2x64x128xf32, #tpu.memory_space<vmem>>[vector<16xi32>, vector<16xi32>, vector<16xi32>], vector<16xf32>,
        %gather3A_474 = tpu.vector_load_idx %arg34[%broadcast_in_dim3A, %add3A_350, %add3A_468] : memref<2x64x128xf32, #tpu.memory_space<vmem>>[vector<16xi32>, vector<16xi32>, vector<16xi32>], vector<16xf32>,
        %add3A_475 = arith.addf %gather3A_469, %gather3A_470 : vector<16xf32>
        %sub3A_476 = arith.subf %add3A_475, %gather3A_471 : vector<16xf32>
        %add3A_477 = arith.addf %gather3A_472, %gather3A_473 : vector<16xf32>
        %sub3A_478 = arith.subf %add3A_477, %gather3A_474 : vector<16xf32>
        %mul3A_479 = arith.mulf %sub3A_476, %sub3A_476 : vector<16xf32>
        %add3A_480 = arith.addf %add3A_460, %mul3A_479 : vector<16xf32>
        %mul3A_481 = arith.mulf %sub3A_478, %sub3A_478 : vector<16xf32>
        %add3A_482 = arith.addf %add3A_462, %mul3A_481 : vector<16xf32>
        %add3A_483 = arith.addi %add3A_463, %broadcast_in_dim3A_366 : vector<16xi32>
        %add3A_484 = arith.addi %add3A_464, %broadcast_in_dim3A_366 : vector<16xi32>
        %add3A_485 = arith.addi %add3A_465, %broadcast_in_dim3A_366 : vector<16xi32>
        %add3A_486 = arith.addi %add3A_466, %broadcast_in_dim3A_366 : vector<16xi32>
        %add3A_487 = arith.addi %add3A_467, %broadcast_in_dim3A_366 : vector<16xi32>
        %add3A_488 = arith.addi %add3A_468, %broadcast_in_dim3A_366 : vector<16xi32>
        %gather3A_489 = tpu.vector_load_idx %arg29[%broadcast_in_dim3A, %add3A_350, %add3A_483] : memref<2x64x128xf32, #tpu.memory_space<vmem>>[vector<16xi32>, vector<16xi32>, vector<16xi32>], vector<16xf32>,
        %gather3A_490 = tpu.vector_load_idx %arg30[%broadcast_in_dim3A, %add3A_350, %add3A_484] : memref<2x64x128xf32, #tpu.memory_space<vmem>>[vector<16xi32>, vector<16xi32>, vector<16xi32>], vector<16xf32>,
        %gather3A_491 = tpu.vector_load_idx %arg31[%broadcast_in_dim3A, %add3A_350, %add3A_485] : memref<2x64x128xf32, #tpu.memory_space<vmem>>[vector<16xi32>, vector<16xi32>, vector<16xi32>], vector<16xf32>,
        %gather3A_492 = tpu.vector_load_idx %arg32[%broadcast_in_dim3A, %add3A_350, %add3A_486] : memref<2x64x128xf32, #tpu.memory_space<vmem>>[vector<16xi32>, vector<16xi32>, vector<16xi32>], vector<16xf32>,
        %gather3A_493 = tpu.vector_load_idx %arg33[%broadcast_in_dim3A, %add3A_350, %add3A_487] : memref<2x64x128xf32, #tpu.memory_space<vmem>>[vector<16xi32>, vector<16xi32>, vector<16xi32>], vector<16xf32>,
        %gather3A_494 = tpu.vector_load_idx %arg34[%broadcast_in_dim3A, %add3A_350, %add3A_488] : memref<2x64x128xf32, #tpu.memory_space<vmem>>[vector<16xi32>, vector<16xi32>, vector<16xi32>], vector<16xf32>,
        %add3A_495 = arith.addf %gather3A_489, %gather3A_490 : vector<16xf32>
        %sub3A_496 = arith.subf %add3A_495, %gather3A_491 : vector<16xf32>
        %add3A_497 = arith.addf %gather3A_492, %gather3A_493 : vector<16xf32>
        %sub3A_498 = arith.subf %add3A_497, %gather3A_494 : vector<16xf32>
        %mul3A_499 = arith.mulf %sub3A_496, %sub3A_496 : vector<16xf32>
        %add3A_500 = arith.addf %add3A_480, %mul3A_499 : vector<16xf32>
        %mul3A_501 = arith.mulf %sub3A_498, %sub3A_498 : vector<16xf32>
        %add3A_502 = arith.addf %add3A_482, %mul3A_501 : vector<16xf32>
        %add3A_503 = arith.addi %add3A_483, %broadcast_in_dim3A_366 : vector<16xi32>
        %add3A_504 = arith.addi %add3A_484, %broadcast_in_dim3A_366 : vector<16xi32>
        %add3A_505 = arith.addi %add3A_485, %broadcast_in_dim3A_366 : vector<16xi32>
        %add3A_506 = arith.addi %add3A_486, %broadcast_in_dim3A_366 : vector<16xi32>
        %add3A_507 = arith.addi %add3A_487, %broadcast_in_dim3A_366 : vector<16xi32>
        %add3A_508 = arith.addi %add3A_488, %broadcast_in_dim3A_366 : vector<16xi32>
        %gather3A_509 = tpu.vector_load_idx %arg29[%broadcast_in_dim3A, %add3A_350, %add3A_503] : memref<2x64x128xf32, #tpu.memory_space<vmem>>[vector<16xi32>, vector<16xi32>, vector<16xi32>], vector<16xf32>,
        %gather3A_510 = tpu.vector_load_idx %arg30[%broadcast_in_dim3A, %add3A_350, %add3A_504] : memref<2x64x128xf32, #tpu.memory_space<vmem>>[vector<16xi32>, vector<16xi32>, vector<16xi32>], vector<16xf32>,
        %gather3A_511 = tpu.vector_load_idx %arg31[%broadcast_in_dim3A, %add3A_350, %add3A_505] : memref<2x64x128xf32, #tpu.memory_space<vmem>>[vector<16xi32>, vector<16xi32>, vector<16xi32>], vector<16xf32>,
        %gather3A_512 = tpu.vector_load_idx %arg32[%broadcast_in_dim3A, %add3A_350, %add3A_506] : memref<2x64x128xf32, #tpu.memory_space<vmem>>[vector<16xi32>, vector<16xi32>, vector<16xi32>], vector<16xf32>,
        %gather3A_513 = tpu.vector_load_idx %arg33[%broadcast_in_dim3A, %add3A_350, %add3A_507] : memref<2x64x128xf32, #tpu.memory_space<vmem>>[vector<16xi32>, vector<16xi32>, vector<16xi32>], vector<16xf32>,
        %gather3A_514 = tpu.vector_load_idx %arg34[%broadcast_in_dim3A, %add3A_350, %add3A_508] : memref<2x64x128xf32, #tpu.memory_space<vmem>>[vector<16xi32>, vector<16xi32>, vector<16xi32>], vector<16xf32>,
        %add3A_515 = arith.addf %gather3A_509, %gather3A_510 : vector<16xf32>
        %sub3A_516 = arith.subf %add3A_515, %gather3A_511 : vector<16xf32>
        %add3A_517 = arith.addf %gather3A_512, %gather3A_513 : vector<16xf32>
        %sub3A_518 = arith.subf %add3A_517, %gather3A_514 : vector<16xf32>
        %mul3A_519 = arith.mulf %sub3A_516, %sub3A_516 : vector<16xf32>
        %add3A_520 = arith.addf %add3A_500, %mul3A_519 : vector<16xf32>
        %mul3A_521 = arith.mulf %sub3A_518, %sub3A_518 : vector<16xf32>
        %add3A_522 = arith.addf %add3A_502, %mul3A_521 : vector<16xf32>
        %add3A_523 = arith.addi %add3A_503, %broadcast_in_dim3A_366 : vector<16xi32>
        %add3A_524 = arith.addi %add3A_504, %broadcast_in_dim3A_366 : vector<16xi32>
        %add3A_525 = arith.addi %add3A_505, %broadcast_in_dim3A_366 : vector<16xi32>
        %add3A_526 = arith.addi %add3A_506, %broadcast_in_dim3A_366 : vector<16xi32>
        %add3A_527 = arith.addi %add3A_507, %broadcast_in_dim3A_366 : vector<16xi32>
        %add3A_528 = arith.addi %add3A_508, %broadcast_in_dim3A_366 : vector<16xi32>
        %gather3A_529 = tpu.vector_load_idx %arg29[%broadcast_in_dim3A, %add3A_350, %add3A_523] : memref<2x64x128xf32, #tpu.memory_space<vmem>>[vector<16xi32>, vector<16xi32>, vector<16xi32>], vector<16xf32>,
        %gather3A_530 = tpu.vector_load_idx %arg30[%broadcast_in_dim3A, %add3A_350, %add3A_524] : memref<2x64x128xf32, #tpu.memory_space<vmem>>[vector<16xi32>, vector<16xi32>, vector<16xi32>], vector<16xf32>,
        %gather3A_531 = tpu.vector_load_idx %arg31[%broadcast_in_dim3A, %add3A_350, %add3A_525] : memref<2x64x128xf32, #tpu.memory_space<vmem>>[vector<16xi32>, vector<16xi32>, vector<16xi32>], vector<16xf32>,
        %gather3A_532 = tpu.vector_load_idx %arg32[%broadcast_in_dim3A, %add3A_350, %add3A_526] : memref<2x64x128xf32, #tpu.memory_space<vmem>>[vector<16xi32>, vector<16xi32>, vector<16xi32>], vector<16xf32>,
        %gather3A_533 = tpu.vector_load_idx %arg33[%broadcast_in_dim3A, %add3A_350, %add3A_527] : memref<2x64x128xf32, #tpu.memory_space<vmem>>[vector<16xi32>, vector<16xi32>, vector<16xi32>], vector<16xf32>,
        %gather3A_534 = tpu.vector_load_idx %arg34[%broadcast_in_dim3A, %add3A_350, %add3A_528] : memref<2x64x128xf32, #tpu.memory_space<vmem>>[vector<16xi32>, vector<16xi32>, vector<16xi32>], vector<16xf32>,
        %add3A_535 = arith.addf %gather3A_529, %gather3A_530 : vector<16xf32>
        %sub3A_536 = arith.subf %add3A_535, %gather3A_531 : vector<16xf32>
        %add3A_537 = arith.addf %gather3A_532, %gather3A_533 : vector<16xf32>
        %sub3A_538 = arith.subf %add3A_537, %gather3A_534 : vector<16xf32>
        %mul3A_539 = arith.mulf %sub3A_536, %sub3A_536 : vector<16xf32>
        %add3A_540 = arith.addf %add3A_520, %mul3A_539 : vector<16xf32>
        %mul3A_541 = arith.mulf %sub3A_538, %sub3A_538 : vector<16xf32>
        %add3A_542 = arith.addf %add3A_522, %mul3A_541 : vector<16xf32>
        %add3A_543 = arith.addi %add3A_523, %broadcast_in_dim3A_366 : vector<16xi32>
        %add3A_544 = arith.addi %add3A_524, %broadcast_in_dim3A_366 : vector<16xi32>
        %add3A_545 = arith.addi %add3A_525, %broadcast_in_dim3A_366 : vector<16xi32>
        %add3A_546 = arith.addi %add3A_526, %broadcast_in_dim3A_366 : vector<16xi32>
        %add3A_547 = arith.addi %add3A_527, %broadcast_in_dim3A_366 : vector<16xi32>
        %add3A_548 = arith.addi %add3A_528, %broadcast_in_dim3A_366 : vector<16xi32>
        %gather3A_549 = tpu.vector_load_idx %arg29[%broadcast_in_dim3A, %add3A_350, %add3A_543] : memref<2x64x128xf32, #tpu.memory_space<vmem>>[vector<16xi32>, vector<16xi32>, vector<16xi32>], vector<16xf32>,
        %gather3A_550 = tpu.vector_load_idx %arg30[%broadcast_in_dim3A, %add3A_350, %add3A_544] : memref<2x64x128xf32, #tpu.memory_space<vmem>>[vector<16xi32>, vector<16xi32>, vector<16xi32>], vector<16xf32>,
        %gather3A_551 = tpu.vector_load_idx %arg31[%broadcast_in_dim3A, %add3A_350, %add3A_545] : memref<2x64x128xf32, #tpu.memory_space<vmem>>[vector<16xi32>, vector<16xi32>, vector<16xi32>], vector<16xf32>,
        %gather3A_552 = tpu.vector_load_idx %arg32[%broadcast_in_dim3A, %add3A_350, %add3A_546] : memref<2x64x128xf32, #tpu.memory_space<vmem>>[vector<16xi32>, vector<16xi32>, vector<16xi32>], vector<16xf32>,
        %gather3A_553 = tpu.vector_load_idx %arg33[%broadcast_in_dim3A, %add3A_350, %add3A_547] : memref<2x64x128xf32, #tpu.memory_space<vmem>>[vector<16xi32>, vector<16xi32>, vector<16xi32>], vector<16xf32>,
        %gather3A_554 = tpu.vector_load_idx %arg34[%broadcast_in_dim3A, %add3A_350, %add3A_548] : memref<2x64x128xf32, #tpu.memory_space<vmem>>[vector<16xi32>, vector<16xi32>, vector<16xi32>], vector<16xf32>,
        %add3A_555 = arith.addf %gather3A_549, %gather3A_550 : vector<16xf32>
        %sub3A_556 = arith.subf %add3A_555, %gather3A_551 : vector<16xf32>
        %add3A_557 = arith.addf %gather3A_552, %gather3A_553 : vector<16xf32>
        %sub3A_558 = arith.subf %add3A_557, %gather3A_554 : vector<16xf32>
        %mul3A_559 = arith.mulf %sub3A_556, %sub3A_556 : vector<16xf32>
        %add3A_560 = arith.addf %add3A_540, %mul3A_559 : vector<16xf32>
        %mul3A_561 = arith.mulf %sub3A_558, %sub3A_558 : vector<16xf32>
        %add3A_562 = arith.addf %add3A_542, %mul3A_561 : vector<16xf32>
        %add3A_563 = arith.addi %add3A_543, %broadcast_in_dim3A_366 : vector<16xi32>
        %add3A_564 = arith.addi %add3A_544, %broadcast_in_dim3A_366 : vector<16xi32>
        %add3A_565 = arith.addi %add3A_545, %broadcast_in_dim3A_366 : vector<16xi32>
        %add3A_566 = arith.addi %add3A_546, %broadcast_in_dim3A_366 : vector<16xi32>
        %add3A_567 = arith.addi %add3A_547, %broadcast_in_dim3A_366 : vector<16xi32>
        %add3A_568 = arith.addi %add3A_548, %broadcast_in_dim3A_366 : vector<16xi32>
        %gather3A_569 = tpu.vector_load_idx %arg29[%broadcast_in_dim3A, %add3A_350, %add3A_563] : memref<2x64x128xf32, #tpu.memory_space<vmem>>[vector<16xi32>, vector<16xi32>, vector<16xi32>], vector<16xf32>,
        %gather3A_570 = tpu.vector_load_idx %arg30[%broadcast_in_dim3A, %add3A_350, %add3A_564] : memref<2x64x128xf32, #tpu.memory_space<vmem>>[vector<16xi32>, vector<16xi32>, vector<16xi32>], vector<16xf32>,
        %gather3A_571 = tpu.vector_load_idx %arg31[%broadcast_in_dim3A, %add3A_350, %add3A_565] : memref<2x64x128xf32, #tpu.memory_space<vmem>>[vector<16xi32>, vector<16xi32>, vector<16xi32>], vector<16xf32>,
        %gather3A_572 = tpu.vector_load_idx %arg32[%broadcast_in_dim3A, %add3A_350, %add3A_566] : memref<2x64x128xf32, #tpu.memory_space<vmem>>[vector<16xi32>, vector<16xi32>, vector<16xi32>], vector<16xf32>,
        %gather3A_573 = tpu.vector_load_idx %arg33[%broadcast_in_dim3A, %add3A_350, %add3A_567] : memref<2x64x128xf32, #tpu.memory_space<vmem>>[vector<16xi32>, vector<16xi32>, vector<16xi32>], vector<16xf32>,
        %gather3A_574 = tpu.vector_load_idx %arg34[%broadcast_in_dim3A, %add3A_350, %add3A_568] : memref<2x64x128xf32, #tpu.memory_space<vmem>>[vector<16xi32>, vector<16xi32>, vector<16xi32>], vector<16xf32>,
        %add3A_575 = arith.addf %gather3A_569, %gather3A_570 : vector<16xf32>
        %sub3A_576 = arith.subf %add3A_575, %gather3A_571 : vector<16xf32>
        %add3A_577 = arith.addf %gather3A_572, %gather3A_573 : vector<16xf32>
        %sub3A_578 = arith.subf %add3A_577, %gather3A_574 : vector<16xf32>
        %mul3A_579 = arith.mulf %sub3A_576, %sub3A_576 : vector<16xf32>
        %add3A_580 = arith.addf %add3A_560, %mul3A_579 : vector<16xf32>
        %mul3A_581 = arith.mulf %sub3A_578, %sub3A_578 : vector<16xf32>
        %add3A_582 = arith.addf %add3A_562, %mul3A_581 : vector<16xf32>
        %add3A_583 = arith.addi %add3A_563, %broadcast_in_dim3A_366 : vector<16xi32>
        %add3A_584 = arith.addi %add3A_564, %broadcast_in_dim3A_366 : vector<16xi32>
        %add3A_585 = arith.addi %add3A_565, %broadcast_in_dim3A_366 : vector<16xi32>
        %add3A_586 = arith.addi %add3A_566, %broadcast_in_dim3A_366 : vector<16xi32>
        %add3A_587 = arith.addi %add3A_567, %broadcast_in_dim3A_366 : vector<16xi32>
        %add3A_588 = arith.addi %add3A_568, %broadcast_in_dim3A_366 : vector<16xi32>
        %gather3A_589 = tpu.vector_load_idx %arg29[%broadcast_in_dim3A, %add3A_350, %add3A_583] : memref<2x64x128xf32, #tpu.memory_space<vmem>>[vector<16xi32>, vector<16xi32>, vector<16xi32>], vector<16xf32>,
        %gather3A_590 = tpu.vector_load_idx %arg30[%broadcast_in_dim3A, %add3A_350, %add3A_584] : memref<2x64x128xf32, #tpu.memory_space<vmem>>[vector<16xi32>, vector<16xi32>, vector<16xi32>], vector<16xf32>,
        %gather3A_591 = tpu.vector_load_idx %arg31[%broadcast_in_dim3A, %add3A_350, %add3A_585] : memref<2x64x128xf32, #tpu.memory_space<vmem>>[vector<16xi32>, vector<16xi32>, vector<16xi32>], vector<16xf32>,
        %gather3A_592 = tpu.vector_load_idx %arg32[%broadcast_in_dim3A, %add3A_350, %add3A_586] : memref<2x64x128xf32, #tpu.memory_space<vmem>>[vector<16xi32>, vector<16xi32>, vector<16xi32>], vector<16xf32>,
        %gather3A_593 = tpu.vector_load_idx %arg33[%broadcast_in_dim3A, %add3A_350, %add3A_587] : memref<2x64x128xf32, #tpu.memory_space<vmem>>[vector<16xi32>, vector<16xi32>, vector<16xi32>], vector<16xf32>,
        %gather3A_594 = tpu.vector_load_idx %arg34[%broadcast_in_dim3A, %add3A_350, %add3A_588] : memref<2x64x128xf32, #tpu.memory_space<vmem>>[vector<16xi32>, vector<16xi32>, vector<16xi32>], vector<16xf32>,
        %add3A_595 = arith.addf %gather3A_589, %gather3A_590 : vector<16xf32>
        %sub3A_596 = arith.subf %add3A_595, %gather3A_591 : vector<16xf32>
        %add3A_597 = arith.addf %gather3A_592, %gather3A_593 : vector<16xf32>
        %sub3A_598 = arith.subf %add3A_597, %gather3A_594 : vector<16xf32>
        %mul3A_599 = arith.mulf %sub3A_596, %sub3A_596 : vector<16xf32>
        %add3A_600 = arith.addf %add3A_580, %mul3A_599 : vector<16xf32>
        %mul3A_601 = arith.mulf %sub3A_598, %sub3A_598 : vector<16xf32>
        %add3A_602 = arith.addf %add3A_582, %mul3A_601 : vector<16xf32>
        %add3A_603 = arith.addi %add3A_583, %broadcast_in_dim3A_366 : vector<16xi32>
        %add3A_604 = arith.addi %add3A_584, %broadcast_in_dim3A_366 : vector<16xi32>
        %add3A_605 = arith.addi %add3A_585, %broadcast_in_dim3A_366 : vector<16xi32>
        %add3A_606 = arith.addi %add3A_586, %broadcast_in_dim3A_366 : vector<16xi32>
        %add3A_607 = arith.addi %add3A_587, %broadcast_in_dim3A_366 : vector<16xi32>
        %add3A_608 = arith.addi %add3A_588, %broadcast_in_dim3A_366 : vector<16xi32>
        %gather3A_609 = tpu.vector_load_idx %arg29[%broadcast_in_dim3A, %add3A_350, %add3A_603] : memref<2x64x128xf32, #tpu.memory_space<vmem>>[vector<16xi32>, vector<16xi32>, vector<16xi32>], vector<16xf32>,
        %gather3A_610 = tpu.vector_load_idx %arg30[%broadcast_in_dim3A, %add3A_350, %add3A_604] : memref<2x64x128xf32, #tpu.memory_space<vmem>>[vector<16xi32>, vector<16xi32>, vector<16xi32>], vector<16xf32>,
        %gather3A_611 = tpu.vector_load_idx %arg31[%broadcast_in_dim3A, %add3A_350, %add3A_605] : memref<2x64x128xf32, #tpu.memory_space<vmem>>[vector<16xi32>, vector<16xi32>, vector<16xi32>], vector<16xf32>,
        %gather3A_612 = tpu.vector_load_idx %arg32[%broadcast_in_dim3A, %add3A_350, %add3A_606] : memref<2x64x128xf32, #tpu.memory_space<vmem>>[vector<16xi32>, vector<16xi32>, vector<16xi32>], vector<16xf32>,
        %gather3A_613 = tpu.vector_load_idx %arg33[%broadcast_in_dim3A, %add3A_350, %add3A_607] : memref<2x64x128xf32, #tpu.memory_space<vmem>>[vector<16xi32>, vector<16xi32>, vector<16xi32>], vector<16xf32>,
        %gather3A_614 = tpu.vector_load_idx %arg34[%broadcast_in_dim3A, %add3A_350, %add3A_608] : memref<2x64x128xf32, #tpu.memory_space<vmem>>[vector<16xi32>, vector<16xi32>, vector<16xi32>], vector<16xf32>,
        %add3A_615 = arith.addf %gather3A_609, %gather3A_610 : vector<16xf32>
        %sub3A_616 = arith.subf %add3A_615, %gather3A_611 : vector<16xf32>
        %add3A_617 = arith.addf %gather3A_612, %gather3A_613 : vector<16xf32>
        %sub3A_618 = arith.subf %add3A_617, %gather3A_614 : vector<16xf32>
        %mul3A_619 = arith.mulf %sub3A_616, %sub3A_616 : vector<16xf32>
        %add3A_620 = arith.addf %add3A_600, %mul3A_619 : vector<16xf32>
        %mul3A_621 = arith.mulf %sub3A_618, %sub3A_618 : vector<16xf32>
        %add3A_622 = arith.addf %add3A_602, %mul3A_621 : vector<16xf32>
        %add3A_623 = arith.addi %add3A_603, %broadcast_in_dim3A_366 : vector<16xi32>
        %add3A_624 = arith.addi %add3A_604, %broadcast_in_dim3A_366 : vector<16xi32>
        %add3A_625 = arith.addi %add3A_605, %broadcast_in_dim3A_366 : vector<16xi32>
        %add3A_626 = arith.addi %add3A_606, %broadcast_in_dim3A_366 : vector<16xi32>
        %add3A_627 = arith.addi %add3A_607, %broadcast_in_dim3A_366 : vector<16xi32>
        %add3A_628 = arith.addi %add3A_608, %broadcast_in_dim3A_366 : vector<16xi32>
        %gather3A_629 = tpu.vector_load_idx %arg29[%broadcast_in_dim3A, %add3A_350, %add3A_623] : memref<2x64x128xf32, #tpu.memory_space<vmem>>[vector<16xi32>, vector<16xi32>, vector<16xi32>], vector<16xf32>,
        %gather3A_630 = tpu.vector_load_idx %arg30[%broadcast_in_dim3A, %add3A_350, %add3A_624] : memref<2x64x128xf32, #tpu.memory_space<vmem>>[vector<16xi32>, vector<16xi32>, vector<16xi32>], vector<16xf32>,
        %gather3A_631 = tpu.vector_load_idx %arg31[%broadcast_in_dim3A, %add3A_350, %add3A_625] : memref<2x64x128xf32, #tpu.memory_space<vmem>>[vector<16xi32>, vector<16xi32>, vector<16xi32>], vector<16xf32>,
        %gather3A_632 = tpu.vector_load_idx %arg32[%broadcast_in_dim3A, %add3A_350, %add3A_626] : memref<2x64x128xf32, #tpu.memory_space<vmem>>[vector<16xi32>, vector<16xi32>, vector<16xi32>], vector<16xf32>,
        %gather3A_633 = tpu.vector_load_idx %arg33[%broadcast_in_dim3A, %add3A_350, %add3A_627] : memref<2x64x128xf32, #tpu.memory_space<vmem>>[vector<16xi32>, vector<16xi32>, vector<16xi32>], vector<16xf32>,
        %gather3A_634 = tpu.vector_load_idx %arg34[%broadcast_in_dim3A, %add3A_350, %add3A_628] : memref<2x64x128xf32, #tpu.memory_space<vmem>>[vector<16xi32>, vector<16xi32>, vector<16xi32>], vector<16xf32>,
        %add3A_635 = arith.addf %gather3A_629, %gather3A_630 : vector<16xf32>
        %sub3A_636 = arith.subf %add3A_635, %gather3A_631 : vector<16xf32>
        %add3A_637 = arith.addf %gather3A_632, %gather3A_633 : vector<16xf32>
        %sub3A_638 = arith.subf %add3A_637, %gather3A_634 : vector<16xf32>
        %mul3A_639 = arith.mulf %sub3A_636, %sub3A_636 : vector<16xf32>
        %add3A_640 = arith.addf %add3A_620, %mul3A_639 : vector<16xf32>
        %mul3A_641 = arith.mulf %sub3A_638, %sub3A_638 : vector<16xf32>
        %add3A_642 = arith.addf %add3A_622, %mul3A_641 : vector<16xf32>
        %add3A_643 = arith.addi %add3A_623, %broadcast_in_dim3A_366 : vector<16xi32>
        %add3A_644 = arith.addi %add3A_624, %broadcast_in_dim3A_366 : vector<16xi32>
        %add3A_645 = arith.addi %add3A_625, %broadcast_in_dim3A_366 : vector<16xi32>
        %add3A_646 = arith.addi %add3A_626, %broadcast_in_dim3A_366 : vector<16xi32>
        %add3A_647 = arith.addi %add3A_627, %broadcast_in_dim3A_366 : vector<16xi32>
        %add3A_648 = arith.addi %add3A_628, %broadcast_in_dim3A_366 : vector<16xi32>
        %gather3A_649 = tpu.vector_load_idx %arg29[%broadcast_in_dim3A, %add3A_350, %add3A_643] : memref<2x64x128xf32, #tpu.memory_space<vmem>>[vector<16xi32>, vector<16xi32>, vector<16xi32>], vector<16xf32>,
        %gather3A_650 = tpu.vector_load_idx %arg30[%broadcast_in_dim3A, %add3A_350, %add3A_644] : memref<2x64x128xf32, #tpu.memory_space<vmem>>[vector<16xi32>, vector<16xi32>, vector<16xi32>], vector<16xf32>,
        %gather3A_651 = tpu.vector_load_idx %arg31[%broadcast_in_dim3A, %add3A_350, %add3A_645] : memref<2x64x128xf32, #tpu.memory_space<vmem>>[vector<16xi32>, vector<16xi32>, vector<16xi32>], vector<16xf32>,
        %gather3A_652 = tpu.vector_load_idx %arg32[%broadcast_in_dim3A, %add3A_350, %add3A_646] : memref<2x64x128xf32, #tpu.memory_space<vmem>>[vector<16xi32>, vector<16xi32>, vector<16xi32>], vector<16xf32>,
        %gather3A_653 = tpu.vector_load_idx %arg33[%broadcast_in_dim3A, %add3A_350, %add3A_647] : memref<2x64x128xf32, #tpu.memory_space<vmem>>[vector<16xi32>, vector<16xi32>, vector<16xi32>], vector<16xf32>,
        %gather3A_654 = tpu.vector_load_idx %arg34[%broadcast_in_dim3A, %add3A_350, %add3A_648] : memref<2x64x128xf32, #tpu.memory_space<vmem>>[vector<16xi32>, vector<16xi32>, vector<16xi32>], vector<16xf32>,
        %add3A_655 = arith.addf %gather3A_649, %gather3A_650 : vector<16xf32>
        %sub3A_656 = arith.subf %add3A_655, %gather3A_651 : vector<16xf32>
        %add3A_657 = arith.addf %gather3A_652, %gather3A_653 : vector<16xf32>
        %sub3A_658 = arith.subf %add3A_657, %gather3A_654 : vector<16xf32>
        %mul3A_659 = arith.mulf %sub3A_656, %sub3A_656 : vector<16xf32>
        %add3A_660 = arith.addf %add3A_640, %mul3A_659 : vector<16xf32>
        %mul3A_661 = arith.mulf %sub3A_658, %sub3A_658 : vector<16xf32>
        %add3A_662 = arith.addf %add3A_642, %mul3A_661 : vector<16xf32>
        %add3A_663 = arith.addi %add3A_643, %broadcast_in_dim3A_366 : vector<16xi32>
        %add3A_664 = arith.addi %add3A_644, %broadcast_in_dim3A_366 : vector<16xi32>
        %add3A_665 = arith.addi %add3A_645, %broadcast_in_dim3A_366 : vector<16xi32>
        %add3A_666 = arith.addi %add3A_646, %broadcast_in_dim3A_366 : vector<16xi32>
        %add3A_667 = arith.addi %add3A_647, %broadcast_in_dim3A_366 : vector<16xi32>
        %add3A_668 = arith.addi %add3A_648, %broadcast_in_dim3A_366 : vector<16xi32>
        %gather3A_669 = tpu.vector_load_idx %arg29[%broadcast_in_dim3A, %add3A_350, %add3A_663] : memref<2x64x128xf32, #tpu.memory_space<vmem>>[vector<16xi32>, vector<16xi32>, vector<16xi32>], vector<16xf32>,
        %gather3A_670 = tpu.vector_load_idx %arg30[%broadcast_in_dim3A, %add3A_350, %add3A_664] : memref<2x64x128xf32, #tpu.memory_space<vmem>>[vector<16xi32>, vector<16xi32>, vector<16xi32>], vector<16xf32>,
        %gather3A_671 = tpu.vector_load_idx %arg31[%broadcast_in_dim3A, %add3A_350, %add3A_665] : memref<2x64x128xf32, #tpu.memory_space<vmem>>[vector<16xi32>, vector<16xi32>, vector<16xi32>], vector<16xf32>,
        %gather3A_672 = tpu.vector_load_idx %arg32[%broadcast_in_dim3A, %add3A_350, %add3A_666] : memref<2x64x128xf32, #tpu.memory_space<vmem>>[vector<16xi32>, vector<16xi32>, vector<16xi32>], vector<16xf32>,
        %gather3A_673 = tpu.vector_load_idx %arg33[%broadcast_in_dim3A, %add3A_350, %add3A_667] : memref<2x64x128xf32, #tpu.memory_space<vmem>>[vector<16xi32>, vector<16xi32>, vector<16xi32>], vector<16xf32>,
        %gather3A_674 = tpu.vector_load_idx %arg34[%broadcast_in_dim3A, %add3A_350, %add3A_668] : memref<2x64x128xf32, #tpu.memory_space<vmem>>[vector<16xi32>, vector<16xi32>, vector<16xi32>], vector<16xf32>,
        %add3A_675 = arith.addf %gather3A_669, %gather3A_670 : vector<16xf32>
        %sub3A_676 = arith.subf %add3A_675, %gather3A_671 : vector<16xf32>
        %add3A_677 = arith.addf %gather3A_672, %gather3A_673 : vector<16xf32>
        %sub3A_678 = arith.subf %add3A_677, %gather3A_674 : vector<16xf32>
        %mul3A_679 = arith.mulf %sub3A_676, %sub3A_676 : vector<16xf32>
        %add3A_680 = arith.addf %add3A_660, %mul3A_679 : vector<16xf32>
        %mul3A_681 = arith.mulf %sub3A_678, %sub3A_678 : vector<16xf32>
        %add3A_682 = arith.addf %add3A_662, %mul3A_681 : vector<16xf32>
        %add3A_683 = arith.addi %add3A_663, %broadcast_in_dim3A_366 : vector<16xi32>
        %add3A_684 = arith.addi %add3A_664, %broadcast_in_dim3A_366 : vector<16xi32>
        %add3A_685 = arith.addi %add3A_665, %broadcast_in_dim3A_366 : vector<16xi32>
        %add3A_686 = arith.addi %add3A_666, %broadcast_in_dim3A_366 : vector<16xi32>
        %add3A_687 = arith.addi %add3A_667, %broadcast_in_dim3A_366 : vector<16xi32>
        %add3A_688 = arith.addi %add3A_668, %broadcast_in_dim3A_366 : vector<16xi32>
        %gather3A_689 = tpu.vector_load_idx %arg29[%broadcast_in_dim3A, %add3A_350, %add3A_683] : memref<2x64x128xf32, #tpu.memory_space<vmem>>[vector<16xi32>, vector<16xi32>, vector<16xi32>], vector<16xf32>,
        %gather3A_690 = tpu.vector_load_idx %arg30[%broadcast_in_dim3A, %add3A_350, %add3A_684] : memref<2x64x128xf32, #tpu.memory_space<vmem>>[vector<16xi32>, vector<16xi32>, vector<16xi32>], vector<16xf32>,
        %gather3A_691 = tpu.vector_load_idx %arg31[%broadcast_in_dim3A, %add3A_350, %add3A_685] : memref<2x64x128xf32, #tpu.memory_space<vmem>>[vector<16xi32>, vector<16xi32>, vector<16xi32>], vector<16xf32>,
        %gather3A_692 = tpu.vector_load_idx %arg32[%broadcast_in_dim3A, %add3A_350, %add3A_686] : memref<2x64x128xf32, #tpu.memory_space<vmem>>[vector<16xi32>, vector<16xi32>, vector<16xi32>], vector<16xf32>,
        %gather3A_693 = tpu.vector_load_idx %arg33[%broadcast_in_dim3A, %add3A_350, %add3A_687] : memref<2x64x128xf32, #tpu.memory_space<vmem>>[vector<16xi32>, vector<16xi32>, vector<16xi32>], vector<16xf32>,
        %gather3A_694 = tpu.vector_load_idx %arg34[%broadcast_in_dim3A, %add3A_350, %add3A_688] : memref<2x64x128xf32, #tpu.memory_space<vmem>>[vector<16xi32>, vector<16xi32>, vector<16xi32>], vector<16xf32>,
        %add3A_695 = arith.addf %gather3A_689, %gather3A_690 : vector<16xf32>
        %sub3A_696 = arith.subf %add3A_695, %gather3A_691 : vector<16xf32>
        %add3A_697 = arith.addf %gather3A_692, %gather3A_693 : vector<16xf32>
        %sub3A_698 = arith.subf %add3A_697, %gather3A_694 : vector<16xf32>
        %mul3A_699 = arith.mulf %sub3A_696, %sub3A_696 : vector<16xf32>
        %add3A_700 = arith.addf %add3A_680, %mul3A_699 : vector<16xf32>
        %mul3A_701 = arith.mulf %sub3A_698, %sub3A_698 : vector<16xf32>
        %add3A_702 = arith.addf %add3A_682, %mul3A_701 : vector<16xf32>
        %add3A_703 = arith.addi %add3A_683, %broadcast_in_dim3A_366 : vector<16xi32>
        %add3A_704 = arith.addi %add3A_684, %broadcast_in_dim3A_366 : vector<16xi32>
        %add3A_705 = arith.addi %add3A_685, %broadcast_in_dim3A_366 : vector<16xi32>
        %add3A_706 = arith.addi %add3A_686, %broadcast_in_dim3A_366 : vector<16xi32>
        %add3A_707 = arith.addi %add3A_687, %broadcast_in_dim3A_366 : vector<16xi32>
        %add3A_708 = arith.addi %add3A_688, %broadcast_in_dim3A_366 : vector<16xi32>
        %gather3A_709 = tpu.vector_load_idx %arg29[%broadcast_in_dim3A, %add3A_350, %add3A_703] : memref<2x64x128xf32, #tpu.memory_space<vmem>>[vector<16xi32>, vector<16xi32>, vector<16xi32>], vector<16xf32>,
        %gather3A_710 = tpu.vector_load_idx %arg30[%broadcast_in_dim3A, %add3A_350, %add3A_704] : memref<2x64x128xf32, #tpu.memory_space<vmem>>[vector<16xi32>, vector<16xi32>, vector<16xi32>], vector<16xf32>,
        %gather3A_711 = tpu.vector_load_idx %arg31[%broadcast_in_dim3A, %add3A_350, %add3A_705] : memref<2x64x128xf32, #tpu.memory_space<vmem>>[vector<16xi32>, vector<16xi32>, vector<16xi32>], vector<16xf32>,
        %gather3A_712 = tpu.vector_load_idx %arg32[%broadcast_in_dim3A, %add3A_350, %add3A_706] : memref<2x64x128xf32, #tpu.memory_space<vmem>>[vector<16xi32>, vector<16xi32>, vector<16xi32>], vector<16xf32>,
        %gather3A_713 = tpu.vector_load_idx %arg33[%broadcast_in_dim3A, %add3A_350, %add3A_707] : memref<2x64x128xf32, #tpu.memory_space<vmem>>[vector<16xi32>, vector<16xi32>, vector<16xi32>], vector<16xf32>,
        %gather3A_714 = tpu.vector_load_idx %arg34[%broadcast_in_dim3A, %add3A_350, %add3A_708] : memref<2x64x128xf32, #tpu.memory_space<vmem>>[vector<16xi32>, vector<16xi32>, vector<16xi32>], vector<16xf32>,
        %add3A_715 = arith.addf %gather3A_709, %gather3A_710 : vector<16xf32>
        %sub3A_716 = arith.subf %add3A_715, %gather3A_711 : vector<16xf32>
        %add3A_717 = arith.addf %gather3A_712, %gather3A_713 : vector<16xf32>
        %sub3A_718 = arith.subf %add3A_717, %gather3A_714 : vector<16xf32>
        %mul3A_719 = arith.mulf %sub3A_716, %sub3A_716 : vector<16xf32>
        %add3A_720 = arith.addf %add3A_700, %mul3A_719 : vector<16xf32>
        %mul3A_721 = arith.mulf %sub3A_718, %sub3A_718 : vector<16xf32>
        %add3A_722 = arith.addf %add3A_702, %mul3A_721 : vector<16xf32>
        %add3A_723 = arith.addi %add3A_703, %broadcast_in_dim3A_366 : vector<16xi32>
        %add3A_724 = arith.addi %add3A_704, %broadcast_in_dim3A_366 : vector<16xi32>
        %add3A_725 = arith.addi %add3A_705, %broadcast_in_dim3A_366 : vector<16xi32>
        %add3A_726 = arith.addi %add3A_706, %broadcast_in_dim3A_366 : vector<16xi32>
        %add3A_727 = arith.addi %add3A_707, %broadcast_in_dim3A_366 : vector<16xi32>
        %add3A_728 = arith.addi %add3A_708, %broadcast_in_dim3A_366 : vector<16xi32>
        %gather3A_729 = tpu.vector_load_idx %arg29[%broadcast_in_dim3A, %add3A_350, %add3A_723] : memref<2x64x128xf32, #tpu.memory_space<vmem>>[vector<16xi32>, vector<16xi32>, vector<16xi32>], vector<16xf32>,
        %gather3A_730 = tpu.vector_load_idx %arg30[%broadcast_in_dim3A, %add3A_350, %add3A_724] : memref<2x64x128xf32, #tpu.memory_space<vmem>>[vector<16xi32>, vector<16xi32>, vector<16xi32>], vector<16xf32>,
        %gather3A_731 = tpu.vector_load_idx %arg31[%broadcast_in_dim3A, %add3A_350, %add3A_725] : memref<2x64x128xf32, #tpu.memory_space<vmem>>[vector<16xi32>, vector<16xi32>, vector<16xi32>], vector<16xf32>,
        %gather3A_732 = tpu.vector_load_idx %arg32[%broadcast_in_dim3A, %add3A_350, %add3A_726] : memref<2x64x128xf32, #tpu.memory_space<vmem>>[vector<16xi32>, vector<16xi32>, vector<16xi32>], vector<16xf32>,
        %gather3A_733 = tpu.vector_load_idx %arg33[%broadcast_in_dim3A, %add3A_350, %add3A_727] : memref<2x64x128xf32, #tpu.memory_space<vmem>>[vector<16xi32>, vector<16xi32>, vector<16xi32>], vector<16xf32>,
        %gather3A_734 = tpu.vector_load_idx %arg34[%broadcast_in_dim3A, %add3A_350, %add3A_728] : memref<2x64x128xf32, #tpu.memory_space<vmem>>[vector<16xi32>, vector<16xi32>, vector<16xi32>], vector<16xf32>,
        %add3A_735 = arith.addf %gather3A_729, %gather3A_730 : vector<16xf32>
        %sub3A_736 = arith.subf %add3A_735, %gather3A_731 : vector<16xf32>
        %add3A_737 = arith.addf %gather3A_732, %gather3A_733 : vector<16xf32>
        %sub3A_738 = arith.subf %add3A_737, %gather3A_734 : vector<16xf32>
        %mul3A_739 = arith.mulf %sub3A_736, %sub3A_736 : vector<16xf32>
        %add3A_740 = arith.addf %add3A_720, %mul3A_739 : vector<16xf32>
        %mul3A_741 = arith.mulf %sub3A_738, %sub3A_738 : vector<16xf32>
        %add3A_742 = arith.addf %add3A_722, %mul3A_741 : vector<16xf32>
        %add3A_743 = arith.addi %add3A_723, %broadcast_in_dim3A_366 : vector<16xi32>
        %add3A_744 = arith.addi %add3A_724, %broadcast_in_dim3A_366 : vector<16xi32>
        %add3A_745 = arith.addi %add3A_725, %broadcast_in_dim3A_366 : vector<16xi32>
        %add3A_746 = arith.addi %add3A_726, %broadcast_in_dim3A_366 : vector<16xi32>
        %add3A_747 = arith.addi %add3A_727, %broadcast_in_dim3A_366 : vector<16xi32>
        %add3A_748 = arith.addi %add3A_728, %broadcast_in_dim3A_366 : vector<16xi32>
        %gather3A_749 = tpu.vector_load_idx %arg29[%broadcast_in_dim3A, %add3A_350, %add3A_743] : memref<2x64x128xf32, #tpu.memory_space<vmem>>[vector<16xi32>, vector<16xi32>, vector<16xi32>], vector<16xf32>,
        %gather3A_750 = tpu.vector_load_idx %arg30[%broadcast_in_dim3A, %add3A_350, %add3A_744] : memref<2x64x128xf32, #tpu.memory_space<vmem>>[vector<16xi32>, vector<16xi32>, vector<16xi32>], vector<16xf32>,
        %gather3A_751 = tpu.vector_load_idx %arg31[%broadcast_in_dim3A, %add3A_350, %add3A_745] : memref<2x64x128xf32, #tpu.memory_space<vmem>>[vector<16xi32>, vector<16xi32>, vector<16xi32>], vector<16xf32>,
        %gather3A_752 = tpu.vector_load_idx %arg32[%broadcast_in_dim3A, %add3A_350, %add3A_746] : memref<2x64x128xf32, #tpu.memory_space<vmem>>[vector<16xi32>, vector<16xi32>, vector<16xi32>], vector<16xf32>,
        %gather3A_753 = tpu.vector_load_idx %arg33[%broadcast_in_dim3A, %add3A_350, %add3A_747] : memref<2x64x128xf32, #tpu.memory_space<vmem>>[vector<16xi32>, vector<16xi32>, vector<16xi32>], vector<16xf32>,
        %gather3A_754 = tpu.vector_load_idx %arg34[%broadcast_in_dim3A, %add3A_350, %add3A_748] : memref<2x64x128xf32, #tpu.memory_space<vmem>>[vector<16xi32>, vector<16xi32>, vector<16xi32>], vector<16xf32>,
        %add3A_755 = arith.addf %gather3A_749, %gather3A_750 : vector<16xf32>
        %sub3A_756 = arith.subf %add3A_755, %gather3A_751 : vector<16xf32>
        %add3A_757 = arith.addf %gather3A_752, %gather3A_753 : vector<16xf32>
        %sub3A_758 = arith.subf %add3A_757, %gather3A_754 : vector<16xf32>
        %mul3A_759 = arith.mulf %sub3A_756, %sub3A_756 : vector<16xf32>
        %add3A_760 = arith.addf %add3A_740, %mul3A_759 : vector<16xf32>
        %mul3A_761 = arith.mulf %sub3A_758, %sub3A_758 : vector<16xf32>
        %add3A_762 = arith.addf %add3A_742, %mul3A_761 : vector<16xf32>
        %add3A_763 = arith.addi %add3A_743, %broadcast_in_dim3A_366 : vector<16xi32>
        %add3A_764 = arith.addi %add3A_744, %broadcast_in_dim3A_366 : vector<16xi32>
        %add3A_765 = arith.addi %add3A_745, %broadcast_in_dim3A_366 : vector<16xi32>
        %add3A_766 = arith.addi %add3A_746, %broadcast_in_dim3A_366 : vector<16xi32>
        %add3A_767 = arith.addi %add3A_747, %broadcast_in_dim3A_366 : vector<16xi32>
        %add3A_768 = arith.addi %add3A_748, %broadcast_in_dim3A_366 : vector<16xi32>
        %gather3A_769 = tpu.vector_load_idx %arg29[%broadcast_in_dim3A, %add3A_350, %add3A_763] : memref<2x64x128xf32, #tpu.memory_space<vmem>>[vector<16xi32>, vector<16xi32>, vector<16xi32>], vector<16xf32>,
        %gather3A_770 = tpu.vector_load_idx %arg30[%broadcast_in_dim3A, %add3A_350, %add3A_764] : memref<2x64x128xf32, #tpu.memory_space<vmem>>[vector<16xi32>, vector<16xi32>, vector<16xi32>], vector<16xf32>,
        %gather3A_771 = tpu.vector_load_idx %arg31[%broadcast_in_dim3A, %add3A_350, %add3A_765] : memref<2x64x128xf32, #tpu.memory_space<vmem>>[vector<16xi32>, vector<16xi32>, vector<16xi32>], vector<16xf32>,
        %gather3A_772 = tpu.vector_load_idx %arg32[%broadcast_in_dim3A, %add3A_350, %add3A_766] : memref<2x64x128xf32, #tpu.memory_space<vmem>>[vector<16xi32>, vector<16xi32>, vector<16xi32>], vector<16xf32>,
        %gather3A_773 = tpu.vector_load_idx %arg33[%broadcast_in_dim3A, %add3A_350, %add3A_767] : memref<2x64x128xf32, #tpu.memory_space<vmem>>[vector<16xi32>, vector<16xi32>, vector<16xi32>], vector<16xf32>,
        %gather3A_774 = tpu.vector_load_idx %arg34[%broadcast_in_dim3A, %add3A_350, %add3A_768] : memref<2x64x128xf32, #tpu.memory_space<vmem>>[vector<16xi32>, vector<16xi32>, vector<16xi32>], vector<16xf32>,
        %add3A_775 = arith.addf %gather3A_769, %gather3A_770 : vector<16xf32>
        %sub3A_776 = arith.subf %add3A_775, %gather3A_771 : vector<16xf32>
        %add3A_777 = arith.addf %gather3A_772, %gather3A_773 : vector<16xf32>
        %sub3A_778 = arith.subf %add3A_777, %gather3A_774 : vector<16xf32>
        %mul3A_779 = arith.mulf %sub3A_776, %sub3A_776 : vector<16xf32>
        %add3A_780 = arith.addf %add3A_760, %mul3A_779 : vector<16xf32>
        %mul3A_781 = arith.mulf %sub3A_778, %sub3A_778 : vector<16xf32>
        %add3A_782 = arith.addf %add3A_762, %mul3A_781 : vector<16xf32>
        %add3A_783 = arith.addi %add3A_763, %broadcast_in_dim3A_366 : vector<16xi32>
        %add3A_784 = arith.addi %add3A_764, %broadcast_in_dim3A_366 : vector<16xi32>
        %add3A_785 = arith.addi %add3A_765, %broadcast_in_dim3A_366 : vector<16xi32>
        %add3A_786 = arith.addi %add3A_766, %broadcast_in_dim3A_366 : vector<16xi32>
        %add3A_787 = arith.addi %add3A_767, %broadcast_in_dim3A_366 : vector<16xi32>
        %add3A_788 = arith.addi %add3A_768, %broadcast_in_dim3A_366 : vector<16xi32>
        %gather3A_789 = tpu.vector_load_idx %arg29[%broadcast_in_dim3A, %add3A_350, %add3A_783] : memref<2x64x128xf32, #tpu.memory_space<vmem>>[vector<16xi32>, vector<16xi32>, vector<16xi32>], vector<16xf32>,
        %gather3A_790 = tpu.vector_load_idx %arg30[%broadcast_in_dim3A, %add3A_350, %add3A_784] : memref<2x64x128xf32, #tpu.memory_space<vmem>>[vector<16xi32>, vector<16xi32>, vector<16xi32>], vector<16xf32>,
        %gather3A_791 = tpu.vector_load_idx %arg31[%broadcast_in_dim3A, %add3A_350, %add3A_785] : memref<2x64x128xf32, #tpu.memory_space<vmem>>[vector<16xi32>, vector<16xi32>, vector<16xi32>], vector<16xf32>,
        %gather3A_792 = tpu.vector_load_idx %arg32[%broadcast_in_dim3A, %add3A_350, %add3A_786] : memref<2x64x128xf32, #tpu.memory_space<vmem>>[vector<16xi32>, vector<16xi32>, vector<16xi32>], vector<16xf32>,
        %gather3A_793 = tpu.vector_load_idx %arg33[%broadcast_in_dim3A, %add3A_350, %add3A_787] : memref<2x64x128xf32, #tpu.memory_space<vmem>>[vector<16xi32>, vector<16xi32>, vector<16xi32>], vector<16xf32>,
        %gather3A_794 = tpu.vector_load_idx %arg34[%broadcast_in_dim3A, %add3A_350, %add3A_788] : memref<2x64x128xf32, #tpu.memory_space<vmem>>[vector<16xi32>, vector<16xi32>, vector<16xi32>], vector<16xf32>,
        %add3A_795 = arith.addf %gather3A_789, %gather3A_790 : vector<16xf32>
        %sub3A_796 = arith.subf %add3A_795, %gather3A_791 : vector<16xf32>
        %add3A_797 = arith.addf %gather3A_792, %gather3A_793 : vector<16xf32>
        %sub3A_798 = arith.subf %add3A_797, %gather3A_794 : vector<16xf32>
        %mul3A_799 = arith.mulf %sub3A_796, %sub3A_796 : vector<16xf32>
        %add3A_800 = arith.addf %add3A_780, %mul3A_799 : vector<16xf32>
        %mul3A_801 = arith.mulf %sub3A_798, %sub3A_798 : vector<16xf32>
        %add3A_802 = arith.addf %add3A_782, %mul3A_801 : vector<16xf32>
        %add3A_803 = arith.addi %add3A_783, %broadcast_in_dim3A_366 : vector<16xi32>
        %add3A_804 = arith.addi %add3A_784, %broadcast_in_dim3A_366 : vector<16xi32>
        %add3A_805 = arith.addi %add3A_785, %broadcast_in_dim3A_366 : vector<16xi32>
        %add3A_806 = arith.addi %add3A_786, %broadcast_in_dim3A_366 : vector<16xi32>
        %add3A_807 = arith.addi %add3A_787, %broadcast_in_dim3A_366 : vector<16xi32>
        %add3A_808 = arith.addi %add3A_788, %broadcast_in_dim3A_366 : vector<16xi32>
        %gather3A_809 = tpu.vector_load_idx %arg29[%broadcast_in_dim3A, %add3A_350, %add3A_803] : memref<2x64x128xf32, #tpu.memory_space<vmem>>[vector<16xi32>, vector<16xi32>, vector<16xi32>], vector<16xf32>,
        %gather3A_810 = tpu.vector_load_idx %arg30[%broadcast_in_dim3A, %add3A_350, %add3A_804] : memref<2x64x128xf32, #tpu.memory_space<vmem>>[vector<16xi32>, vector<16xi32>, vector<16xi32>], vector<16xf32>,
        %gather3A_811 = tpu.vector_load_idx %arg31[%broadcast_in_dim3A, %add3A_350, %add3A_805] : memref<2x64x128xf32, #tpu.memory_space<vmem>>[vector<16xi32>, vector<16xi32>, vector<16xi32>], vector<16xf32>,
        %gather3A_812 = tpu.vector_load_idx %arg32[%broadcast_in_dim3A, %add3A_350, %add3A_806] : memref<2x64x128xf32, #tpu.memory_space<vmem>>[vector<16xi32>, vector<16xi32>, vector<16xi32>], vector<16xf32>,
        %gather3A_813 = tpu.vector_load_idx %arg33[%broadcast_in_dim3A, %add3A_350, %add3A_807] : memref<2x64x128xf32, #tpu.memory_space<vmem>>[vector<16xi32>, vector<16xi32>, vector<16xi32>], vector<16xf32>,
        %gather3A_814 = tpu.vector_load_idx %arg34[%broadcast_in_dim3A, %add3A_350, %add3A_808] : memref<2x64x128xf32, #tpu.memory_space<vmem>>[vector<16xi32>, vector<16xi32>, vector<16xi32>], vector<16xf32>,
        %add3A_815 = arith.addf %gather3A_809, %gather3A_810 : vector<16xf32>
        %sub3A_816 = arith.subf %add3A_815, %gather3A_811 : vector<16xf32>
        %add3A_817 = arith.addf %gather3A_812, %gather3A_813 : vector<16xf32>
        %sub3A_818 = arith.subf %add3A_817, %gather3A_814 : vector<16xf32>
        %mul3A_819 = arith.mulf %sub3A_816, %sub3A_816 : vector<16xf32>
        %add3A_820 = arith.addf %add3A_800, %mul3A_819 : vector<16xf32>
        %mul3A_821 = arith.mulf %sub3A_818, %sub3A_818 : vector<16xf32>
        %add3A_822 = arith.addf %add3A_802, %mul3A_821 : vector<16xf32>
        %add3A_823 = arith.addi %add3A_803, %broadcast_in_dim3A_366 : vector<16xi32>
        %add3A_824 = arith.addi %add3A_804, %broadcast_in_dim3A_366 : vector<16xi32>
        %add3A_825 = arith.addi %add3A_805, %broadcast_in_dim3A_366 : vector<16xi32>
        %add3A_826 = arith.addi %add3A_806, %broadcast_in_dim3A_366 : vector<16xi32>
        %add3A_827 = arith.addi %add3A_807, %broadcast_in_dim3A_366 : vector<16xi32>
        %add3A_828 = arith.addi %add3A_808, %broadcast_in_dim3A_366 : vector<16xi32>
        %gather3A_829 = tpu.vector_load_idx %arg29[%broadcast_in_dim3A, %add3A_350, %add3A_823] : memref<2x64x128xf32, #tpu.memory_space<vmem>>[vector<16xi32>, vector<16xi32>, vector<16xi32>], vector<16xf32>,
        %gather3A_830 = tpu.vector_load_idx %arg30[%broadcast_in_dim3A, %add3A_350, %add3A_824] : memref<2x64x128xf32, #tpu.memory_space<vmem>>[vector<16xi32>, vector<16xi32>, vector<16xi32>], vector<16xf32>,
        %gather3A_831 = tpu.vector_load_idx %arg31[%broadcast_in_dim3A, %add3A_350, %add3A_825] : memref<2x64x128xf32, #tpu.memory_space<vmem>>[vector<16xi32>, vector<16xi32>, vector<16xi32>], vector<16xf32>,
        %gather3A_832 = tpu.vector_load_idx %arg32[%broadcast_in_dim3A, %add3A_350, %add3A_826] : memref<2x64x128xf32, #tpu.memory_space<vmem>>[vector<16xi32>, vector<16xi32>, vector<16xi32>], vector<16xf32>,
        %gather3A_833 = tpu.vector_load_idx %arg33[%broadcast_in_dim3A, %add3A_350, %add3A_827] : memref<2x64x128xf32, #tpu.memory_space<vmem>>[vector<16xi32>, vector<16xi32>, vector<16xi32>], vector<16xf32>,
        %gather3A_834 = tpu.vector_load_idx %arg34[%broadcast_in_dim3A, %add3A_350, %add3A_828] : memref<2x64x128xf32, #tpu.memory_space<vmem>>[vector<16xi32>, vector<16xi32>, vector<16xi32>], vector<16xf32>,
        %add3A_835 = arith.addf %gather3A_829, %gather3A_830 : vector<16xf32>
        %sub3A_836 = arith.subf %add3A_835, %gather3A_831 : vector<16xf32>
        %add3A_837 = arith.addf %gather3A_832, %gather3A_833 : vector<16xf32>
        %sub3A_838 = arith.subf %add3A_837, %gather3A_834 : vector<16xf32>
        %mul3A_839 = arith.mulf %sub3A_836, %sub3A_836 : vector<16xf32>
        %add3A_840 = arith.addf %add3A_820, %mul3A_839 : vector<16xf32>
        %mul3A_841 = arith.mulf %sub3A_838, %sub3A_838 : vector<16xf32>
        %add3A_842 = arith.addf %add3A_822, %mul3A_841 : vector<16xf32>
        %add3A_843 = arith.addi %add3A_823, %broadcast_in_dim3A_366 : vector<16xi32>
        %add3A_844 = arith.addi %add3A_824, %broadcast_in_dim3A_366 : vector<16xi32>
        %add3A_845 = arith.addi %add3A_825, %broadcast_in_dim3A_366 : vector<16xi32>
        %add3A_846 = arith.addi %add3A_826, %broadcast_in_dim3A_366 : vector<16xi32>
        %add3A_847 = arith.addi %add3A_827, %broadcast_in_dim3A_366 : vector<16xi32>
        %add3A_848 = arith.addi %add3A_828, %broadcast_in_dim3A_366 : vector<16xi32>
        %gather3A_849 = tpu.vector_load_idx %arg29[%broadcast_in_dim3A, %add3A_350, %add3A_843] : memref<2x64x128xf32, #tpu.memory_space<vmem>>[vector<16xi32>, vector<16xi32>, vector<16xi32>], vector<16xf32>,
        %gather3A_850 = tpu.vector_load_idx %arg30[%broadcast_in_dim3A, %add3A_350, %add3A_844] : memref<2x64x128xf32, #tpu.memory_space<vmem>>[vector<16xi32>, vector<16xi32>, vector<16xi32>], vector<16xf32>,
        %gather3A_851 = tpu.vector_load_idx %arg31[%broadcast_in_dim3A, %add3A_350, %add3A_845] : memref<2x64x128xf32, #tpu.memory_space<vmem>>[vector<16xi32>, vector<16xi32>, vector<16xi32>], vector<16xf32>,
        %gather3A_852 = tpu.vector_load_idx %arg32[%broadcast_in_dim3A, %add3A_350, %add3A_846] : memref<2x64x128xf32, #tpu.memory_space<vmem>>[vector<16xi32>, vector<16xi32>, vector<16xi32>], vector<16xf32>,
        %gather3A_853 = tpu.vector_load_idx %arg33[%broadcast_in_dim3A, %add3A_350, %add3A_847] : memref<2x64x128xf32, #tpu.memory_space<vmem>>[vector<16xi32>, vector<16xi32>, vector<16xi32>], vector<16xf32>,
        %gather3A_854 = tpu.vector_load_idx %arg34[%broadcast_in_dim3A, %add3A_350, %add3A_848] : memref<2x64x128xf32, #tpu.memory_space<vmem>>[vector<16xi32>, vector<16xi32>, vector<16xi32>], vector<16xf32>,
        %add3A_855 = arith.addf %gather3A_849, %gather3A_850 : vector<16xf32>
        %sub3A_856 = arith.subf %add3A_855, %gather3A_851 : vector<16xf32>
        %add3A_857 = arith.addf %gather3A_852, %gather3A_853 : vector<16xf32>
        %sub3A_858 = arith.subf %add3A_857, %gather3A_854 : vector<16xf32>
        %mul3A_859 = arith.mulf %sub3A_856, %sub3A_856 : vector<16xf32>
        %add3A_860 = arith.addf %add3A_840, %mul3A_859 : vector<16xf32>
        %mul3A_861 = arith.mulf %sub3A_858, %sub3A_858 : vector<16xf32>
        %add3A_862 = arith.addf %add3A_842, %mul3A_861 : vector<16xf32>
        %add3A_863 = arith.addi %add3A_843, %broadcast_in_dim3A_366 : vector<16xi32>
        %add3A_864 = arith.addi %add3A_844, %broadcast_in_dim3A_366 : vector<16xi32>
        %add3A_865 = arith.addi %add3A_845, %broadcast_in_dim3A_366 : vector<16xi32>
        %add3A_866 = arith.addi %add3A_846, %broadcast_in_dim3A_366 : vector<16xi32>
        %add3A_867 = arith.addi %add3A_847, %broadcast_in_dim3A_366 : vector<16xi32>
        %add3A_868 = arith.addi %add3A_848, %broadcast_in_dim3A_366 : vector<16xi32>
        %gather3A_869 = tpu.vector_load_idx %arg29[%broadcast_in_dim3A, %add3A_350, %add3A_863] : memref<2x64x128xf32, #tpu.memory_space<vmem>>[vector<16xi32>, vector<16xi32>, vector<16xi32>], vector<16xf32>,
        %gather3A_870 = tpu.vector_load_idx %arg30[%broadcast_in_dim3A, %add3A_350, %add3A_864] : memref<2x64x128xf32, #tpu.memory_space<vmem>>[vector<16xi32>, vector<16xi32>, vector<16xi32>], vector<16xf32>,
        %gather3A_871 = tpu.vector_load_idx %arg31[%broadcast_in_dim3A, %add3A_350, %add3A_865] : memref<2x64x128xf32, #tpu.memory_space<vmem>>[vector<16xi32>, vector<16xi32>, vector<16xi32>], vector<16xf32>,
        %gather3A_872 = tpu.vector_load_idx %arg32[%broadcast_in_dim3A, %add3A_350, %add3A_866] : memref<2x64x128xf32, #tpu.memory_space<vmem>>[vector<16xi32>, vector<16xi32>, vector<16xi32>], vector<16xf32>,
        %gather3A_873 = tpu.vector_load_idx %arg33[%broadcast_in_dim3A, %add3A_350, %add3A_867] : memref<2x64x128xf32, #tpu.memory_space<vmem>>[vector<16xi32>, vector<16xi32>, vector<16xi32>], vector<16xf32>,
        %gather3A_874 = tpu.vector_load_idx %arg34[%broadcast_in_dim3A, %add3A_350, %add3A_868] : memref<2x64x128xf32, #tpu.memory_space<vmem>>[vector<16xi32>, vector<16xi32>, vector<16xi32>], vector<16xf32>,
        %add3A_875 = arith.addf %gather3A_869, %gather3A_870 : vector<16xf32>
        %sub3A_876 = arith.subf %add3A_875, %gather3A_871 : vector<16xf32>
        %add3A_877 = arith.addf %gather3A_872, %gather3A_873 : vector<16xf32>
        %sub3A_878 = arith.subf %add3A_877, %gather3A_874 : vector<16xf32>
        %mul3A_879 = arith.mulf %sub3A_876, %sub3A_876 : vector<16xf32>
        %add3A_880 = arith.addf %add3A_860, %mul3A_879 : vector<16xf32>
        %mul3A_881 = arith.mulf %sub3A_878, %sub3A_878 : vector<16xf32>
        %add3A_882 = arith.addf %add3A_862, %mul3A_881 : vector<16xf32>
        %add3A_883 = arith.addi %add3A_863, %broadcast_in_dim3A_366 : vector<16xi32>
        %add3A_884 = arith.addi %add3A_864, %broadcast_in_dim3A_366 : vector<16xi32>
        %add3A_885 = arith.addi %add3A_865, %broadcast_in_dim3A_366 : vector<16xi32>
        %add3A_886 = arith.addi %add3A_866, %broadcast_in_dim3A_366 : vector<16xi32>
        %add3A_887 = arith.addi %add3A_867, %broadcast_in_dim3A_366 : vector<16xi32>
        %add3A_888 = arith.addi %add3A_868, %broadcast_in_dim3A_366 : vector<16xi32>
        %gather3A_889 = tpu.vector_load_idx %arg29[%broadcast_in_dim3A, %add3A_350, %add3A_883] : memref<2x64x128xf32, #tpu.memory_space<vmem>>[vector<16xi32>, vector<16xi32>, vector<16xi32>], vector<16xf32>,
        %gather3A_890 = tpu.vector_load_idx %arg30[%broadcast_in_dim3A, %add3A_350, %add3A_884] : memref<2x64x128xf32, #tpu.memory_space<vmem>>[vector<16xi32>, vector<16xi32>, vector<16xi32>], vector<16xf32>,
        %gather3A_891 = tpu.vector_load_idx %arg31[%broadcast_in_dim3A, %add3A_350, %add3A_885] : memref<2x64x128xf32, #tpu.memory_space<vmem>>[vector<16xi32>, vector<16xi32>, vector<16xi32>], vector<16xf32>,
        %gather3A_892 = tpu.vector_load_idx %arg32[%broadcast_in_dim3A, %add3A_350, %add3A_886] : memref<2x64x128xf32, #tpu.memory_space<vmem>>[vector<16xi32>, vector<16xi32>, vector<16xi32>], vector<16xf32>,
        %gather3A_893 = tpu.vector_load_idx %arg33[%broadcast_in_dim3A, %add3A_350, %add3A_887] : memref<2x64x128xf32, #tpu.memory_space<vmem>>[vector<16xi32>, vector<16xi32>, vector<16xi32>], vector<16xf32>,
        %gather3A_894 = tpu.vector_load_idx %arg34[%broadcast_in_dim3A, %add3A_350, %add3A_888] : memref<2x64x128xf32, #tpu.memory_space<vmem>>[vector<16xi32>, vector<16xi32>, vector<16xi32>], vector<16xf32>,
        %add3A_895 = arith.addf %gather3A_889, %gather3A_890 : vector<16xf32>
        %sub3A_896 = arith.subf %add3A_895, %gather3A_891 : vector<16xf32>
        %add3A_897 = arith.addf %gather3A_892, %gather3A_893 : vector<16xf32>
        %sub3A_898 = arith.subf %add3A_897, %gather3A_894 : vector<16xf32>
        %mul3A_899 = arith.mulf %sub3A_896, %sub3A_896 : vector<16xf32>
        %add3A_900 = arith.addf %add3A_880, %mul3A_899 : vector<16xf32>
        %mul3A_901 = arith.mulf %sub3A_898, %sub3A_898 : vector<16xf32>
        %add3A_902 = arith.addf %add3A_882, %mul3A_901 : vector<16xf32>
        %add3A_903 = arith.addi %add3A_883, %broadcast_in_dim3A_366 : vector<16xi32>
        %add3A_904 = arith.addi %add3A_884, %broadcast_in_dim3A_366 : vector<16xi32>
        %add3A_905 = arith.addi %add3A_885, %broadcast_in_dim3A_366 : vector<16xi32>
        %add3A_906 = arith.addi %add3A_886, %broadcast_in_dim3A_366 : vector<16xi32>
        %add3A_907 = arith.addi %add3A_887, %broadcast_in_dim3A_366 : vector<16xi32>
        %add3A_908 = arith.addi %add3A_888, %broadcast_in_dim3A_366 : vector<16xi32>
        %gather3A_909 = tpu.vector_load_idx %arg29[%broadcast_in_dim3A, %add3A_350, %add3A_903] : memref<2x64x128xf32, #tpu.memory_space<vmem>>[vector<16xi32>, vector<16xi32>, vector<16xi32>], vector<16xf32>,
        %gather3A_910 = tpu.vector_load_idx %arg30[%broadcast_in_dim3A, %add3A_350, %add3A_904] : memref<2x64x128xf32, #tpu.memory_space<vmem>>[vector<16xi32>, vector<16xi32>, vector<16xi32>], vector<16xf32>,
        %gather3A_911 = tpu.vector_load_idx %arg31[%broadcast_in_dim3A, %add3A_350, %add3A_905] : memref<2x64x128xf32, #tpu.memory_space<vmem>>[vector<16xi32>, vector<16xi32>, vector<16xi32>], vector<16xf32>,
        %gather3A_912 = tpu.vector_load_idx %arg32[%broadcast_in_dim3A, %add3A_350, %add3A_906] : memref<2x64x128xf32, #tpu.memory_space<vmem>>[vector<16xi32>, vector<16xi32>, vector<16xi32>], vector<16xf32>,
        %gather3A_913 = tpu.vector_load_idx %arg33[%broadcast_in_dim3A, %add3A_350, %add3A_907] : memref<2x64x128xf32, #tpu.memory_space<vmem>>[vector<16xi32>, vector<16xi32>, vector<16xi32>], vector<16xf32>,
        %gather3A_914 = tpu.vector_load_idx %arg34[%broadcast_in_dim3A, %add3A_350, %add3A_908] : memref<2x64x128xf32, #tpu.memory_space<vmem>>[vector<16xi32>, vector<16xi32>, vector<16xi32>], vector<16xf32>,
        %add3A_915 = arith.addf %gather3A_909, %gather3A_910 : vector<16xf32>
        %sub3A_916 = arith.subf %add3A_915, %gather3A_911 : vector<16xf32>
        %add3A_917 = arith.addf %gather3A_912, %gather3A_913 : vector<16xf32>
        %sub3A_918 = arith.subf %add3A_917, %gather3A_914 : vector<16xf32>
        %mul3A_919 = arith.mulf %sub3A_916, %sub3A_916 : vector<16xf32>
        %add3A_920 = arith.addf %add3A_900, %mul3A_919 : vector<16xf32>
        %mul3A_921 = arith.mulf %sub3A_918, %sub3A_918 : vector<16xf32>
        %add3A_922 = arith.addf %add3A_902, %mul3A_921 : vector<16xf32>
        %add3A_923 = arith.addi %add3A_903, %broadcast_in_dim3A_366 : vector<16xi32>
        %add3A_924 = arith.addi %add3A_904, %broadcast_in_dim3A_366 : vector<16xi32>
        %add3A_925 = arith.addi %add3A_905, %broadcast_in_dim3A_366 : vector<16xi32>
        %add3A_926 = arith.addi %add3A_906, %broadcast_in_dim3A_366 : vector<16xi32>
        %add3A_927 = arith.addi %add3A_907, %broadcast_in_dim3A_366 : vector<16xi32>
        %add3A_928 = arith.addi %add3A_908, %broadcast_in_dim3A_366 : vector<16xi32>
        %gather3A_929 = tpu.vector_load_idx %arg29[%broadcast_in_dim3A, %add3A_350, %add3A_923] : memref<2x64x128xf32, #tpu.memory_space<vmem>>[vector<16xi32>, vector<16xi32>, vector<16xi32>], vector<16xf32>,
        %gather3A_930 = tpu.vector_load_idx %arg30[%broadcast_in_dim3A, %add3A_350, %add3A_924] : memref<2x64x128xf32, #tpu.memory_space<vmem>>[vector<16xi32>, vector<16xi32>, vector<16xi32>], vector<16xf32>,
        %gather3A_931 = tpu.vector_load_idx %arg31[%broadcast_in_dim3A, %add3A_350, %add3A_925] : memref<2x64x128xf32, #tpu.memory_space<vmem>>[vector<16xi32>, vector<16xi32>, vector<16xi32>], vector<16xf32>,
        %gather3A_932 = tpu.vector_load_idx %arg32[%broadcast_in_dim3A, %add3A_350, %add3A_926] : memref<2x64x128xf32, #tpu.memory_space<vmem>>[vector<16xi32>, vector<16xi32>, vector<16xi32>], vector<16xf32>,
        %gather3A_933 = tpu.vector_load_idx %arg33[%broadcast_in_dim3A, %add3A_350, %add3A_927] : memref<2x64x128xf32, #tpu.memory_space<vmem>>[vector<16xi32>, vector<16xi32>, vector<16xi32>], vector<16xf32>,
        %gather3A_934 = tpu.vector_load_idx %arg34[%broadcast_in_dim3A, %add3A_350, %add3A_928] : memref<2x64x128xf32, #tpu.memory_space<vmem>>[vector<16xi32>, vector<16xi32>, vector<16xi32>], vector<16xf32>,
        %add3A_935 = arith.addf %gather3A_929, %gather3A_930 : vector<16xf32>
        %sub3A_936 = arith.subf %add3A_935, %gather3A_931 : vector<16xf32>
        %add3A_937 = arith.addf %gather3A_932, %gather3A_933 : vector<16xf32>
        %sub3A_938 = arith.subf %add3A_937, %gather3A_934 : vector<16xf32>
        %mul3A_939 = arith.mulf %sub3A_936, %sub3A_936 : vector<16xf32>
        %add3A_940 = arith.addf %add3A_920, %mul3A_939 : vector<16xf32>
        %mul3A_941 = arith.mulf %sub3A_938, %sub3A_938 : vector<16xf32>
        %add3A_942 = arith.addf %add3A_922, %mul3A_941 : vector<16xf32>
        %add3A_943 = arith.addi %add3A_923, %broadcast_in_dim3A_366 : vector<16xi32>
        %add3A_944 = arith.addi %add3A_924, %broadcast_in_dim3A_366 : vector<16xi32>
        %add3A_945 = arith.addi %add3A_925, %broadcast_in_dim3A_366 : vector<16xi32>
        %add3A_946 = arith.addi %add3A_926, %broadcast_in_dim3A_366 : vector<16xi32>
        %add3A_947 = arith.addi %add3A_927, %broadcast_in_dim3A_366 : vector<16xi32>
        %add3A_948 = arith.addi %add3A_928, %broadcast_in_dim3A_366 : vector<16xi32>
        %gather3A_949 = tpu.vector_load_idx %arg29[%broadcast_in_dim3A, %add3A_350, %add3A_943] : memref<2x64x128xf32, #tpu.memory_space<vmem>>[vector<16xi32>, vector<16xi32>, vector<16xi32>], vector<16xf32>,
        %gather3A_950 = tpu.vector_load_idx %arg30[%broadcast_in_dim3A, %add3A_350, %add3A_944] : memref<2x64x128xf32, #tpu.memory_space<vmem>>[vector<16xi32>, vector<16xi32>, vector<16xi32>], vector<16xf32>,
        %gather3A_951 = tpu.vector_load_idx %arg31[%broadcast_in_dim3A, %add3A_350, %add3A_945] : memref<2x64x128xf32, #tpu.memory_space<vmem>>[vector<16xi32>, vector<16xi32>, vector<16xi32>], vector<16xf32>,
        %gather3A_952 = tpu.vector_load_idx %arg32[%broadcast_in_dim3A, %add3A_350, %add3A_946] : memref<2x64x128xf32, #tpu.memory_space<vmem>>[vector<16xi32>, vector<16xi32>, vector<16xi32>], vector<16xf32>,
        %gather3A_953 = tpu.vector_load_idx %arg33[%broadcast_in_dim3A, %add3A_350, %add3A_947] : memref<2x64x128xf32, #tpu.memory_space<vmem>>[vector<16xi32>, vector<16xi32>, vector<16xi32>], vector<16xf32>,
        %gather3A_954 = tpu.vector_load_idx %arg34[%broadcast_in_dim3A, %add3A_350, %add3A_948] : memref<2x64x128xf32, #tpu.memory_space<vmem>>[vector<16xi32>, vector<16xi32>, vector<16xi32>], vector<16xf32>,
        %add3A_955 = arith.addf %gather3A_949, %gather3A_950 : vector<16xf32>
        %sub3A_956 = arith.subf %add3A_955, %gather3A_951 : vector<16xf32>
        %add3A_957 = arith.addf %gather3A_952, %gather3A_953 : vector<16xf32>
        %sub3A_958 = arith.subf %add3A_957, %gather3A_954 : vector<16xf32>
        %mul3A_959 = arith.mulf %sub3A_956, %sub3A_956 : vector<16xf32>
        %add3A_960 = arith.addf %add3A_940, %mul3A_959 : vector<16xf32>
        %mul3A_961 = arith.mulf %sub3A_958, %sub3A_958 : vector<16xf32>
        %add3A_962 = arith.addf %add3A_942, %mul3A_961 : vector<16xf32>
        %add3A_963 = arith.addi %add3A_943, %broadcast_in_dim3A_366 : vector<16xi32>
        %add3A_964 = arith.addi %add3A_944, %broadcast_in_dim3A_366 : vector<16xi32>
        %add3A_965 = arith.addi %add3A_945, %broadcast_in_dim3A_366 : vector<16xi32>
        %add3A_966 = arith.addi %add3A_946, %broadcast_in_dim3A_366 : vector<16xi32>
        %add3A_967 = arith.addi %add3A_947, %broadcast_in_dim3A_366 : vector<16xi32>
        %add3A_968 = arith.addi %add3A_948, %broadcast_in_dim3A_366 : vector<16xi32>
        %gather3A_969 = tpu.vector_load_idx %arg29[%broadcast_in_dim3A, %add3A_350, %add3A_963] : memref<2x64x128xf32, #tpu.memory_space<vmem>>[vector<16xi32>, vector<16xi32>, vector<16xi32>], vector<16xf32>,
        %gather3A_970 = tpu.vector_load_idx %arg30[%broadcast_in_dim3A, %add3A_350, %add3A_964] : memref<2x64x128xf32, #tpu.memory_space<vmem>>[vector<16xi32>, vector<16xi32>, vector<16xi32>], vector<16xf32>,
        %gather3A_971 = tpu.vector_load_idx %arg31[%broadcast_in_dim3A, %add3A_350, %add3A_965] : memref<2x64x128xf32, #tpu.memory_space<vmem>>[vector<16xi32>, vector<16xi32>, vector<16xi32>], vector<16xf32>,
        %gather3A_972 = tpu.vector_load_idx %arg32[%broadcast_in_dim3A, %add3A_350, %add3A_966] : memref<2x64x128xf32, #tpu.memory_space<vmem>>[vector<16xi32>, vector<16xi32>, vector<16xi32>], vector<16xf32>,
        %gather3A_973 = tpu.vector_load_idx %arg33[%broadcast_in_dim3A, %add3A_350, %add3A_967] : memref<2x64x128xf32, #tpu.memory_space<vmem>>[vector<16xi32>, vector<16xi32>, vector<16xi32>], vector<16xf32>,
        %gather3A_974 = tpu.vector_load_idx %arg34[%broadcast_in_dim3A, %add3A_350, %add3A_968] : memref<2x64x128xf32, #tpu.memory_space<vmem>>[vector<16xi32>, vector<16xi32>, vector<16xi32>], vector<16xf32>,
        %add3A_975 = arith.addf %gather3A_969, %gather3A_970 : vector<16xf32>
        %sub3A_976 = arith.subf %add3A_975, %gather3A_971 : vector<16xf32>
        %add3A_977 = arith.addf %gather3A_972, %gather3A_973 : vector<16xf32>
        %sub3A_978 = arith.subf %add3A_977, %gather3A_974 : vector<16xf32>
        %mul3A_979 = arith.mulf %sub3A_976, %sub3A_976 : vector<16xf32>
        %add3A_980 = arith.addf %add3A_960, %mul3A_979 : vector<16xf32>
        %mul3A_981 = arith.mulf %sub3A_978, %sub3A_978 : vector<16xf32>
        %add3A_982 = arith.addf %add3A_962, %mul3A_981 : vector<16xf32>
        %add3A_983 = arith.addi %add3A_963, %broadcast_in_dim3A_366 : vector<16xi32>
        %add3A_984 = arith.addi %add3A_964, %broadcast_in_dim3A_366 : vector<16xi32>
        %add3A_985 = arith.addi %add3A_965, %broadcast_in_dim3A_366 : vector<16xi32>
        %add3A_986 = arith.addi %add3A_966, %broadcast_in_dim3A_366 : vector<16xi32>
        %add3A_987 = arith.addi %add3A_967, %broadcast_in_dim3A_366 : vector<16xi32>
        %add3A_988 = arith.addi %add3A_968, %broadcast_in_dim3A_366 : vector<16xi32>
        %gather3A_989 = tpu.vector_load_idx %arg29[%broadcast_in_dim3A, %add3A_350, %add3A_983] : memref<2x64x128xf32, #tpu.memory_space<vmem>>[vector<16xi32>, vector<16xi32>, vector<16xi32>], vector<16xf32>,
        %gather3A_990 = tpu.vector_load_idx %arg30[%broadcast_in_dim3A, %add3A_350, %add3A_984] : memref<2x64x128xf32, #tpu.memory_space<vmem>>[vector<16xi32>, vector<16xi32>, vector<16xi32>], vector<16xf32>,
        %gather3A_991 = tpu.vector_load_idx %arg31[%broadcast_in_dim3A, %add3A_350, %add3A_985] : memref<2x64x128xf32, #tpu.memory_space<vmem>>[vector<16xi32>, vector<16xi32>, vector<16xi32>], vector<16xf32>,
        %gather3A_992 = tpu.vector_load_idx %arg32[%broadcast_in_dim3A, %add3A_350, %add3A_986] : memref<2x64x128xf32, #tpu.memory_space<vmem>>[vector<16xi32>, vector<16xi32>, vector<16xi32>], vector<16xf32>,
        %gather3A_993 = tpu.vector_load_idx %arg33[%broadcast_in_dim3A, %add3A_350, %add3A_987] : memref<2x64x128xf32, #tpu.memory_space<vmem>>[vector<16xi32>, vector<16xi32>, vector<16xi32>], vector<16xf32>,
        %gather3A_994 = tpu.vector_load_idx %arg34[%broadcast_in_dim3A, %add3A_350, %add3A_988] : memref<2x64x128xf32, #tpu.memory_space<vmem>>[vector<16xi32>, vector<16xi32>, vector<16xi32>], vector<16xf32>,
        %add3A_995 = arith.addf %gather3A_989, %gather3A_990 : vector<16xf32>
        %sub3A_996 = arith.subf %add3A_995, %gather3A_991 : vector<16xf32>
        %add3A_997 = arith.addf %gather3A_992, %gather3A_993 : vector<16xf32>
        %sub3A_998 = arith.subf %add3A_997, %gather3A_994 : vector<16xf32>
        %mul3A_999 = arith.mulf %sub3A_996, %sub3A_996 : vector<16xf32>
        %add3A_1000 = arith.addf %add3A_980, %mul3A_999 : vector<16xf32>
        %mul3A_1001 = arith.mulf %sub3A_998, %sub3A_998 : vector<16xf32>
        %add3A_1002 = arith.addf %add3A_982, %mul3A_1001 : vector<16xf32>
        %add3A_1003 = arith.addi %add3A_983, %broadcast_in_dim3A_366 : vector<16xi32>
        %add3A_1004 = arith.addi %add3A_984, %broadcast_in_dim3A_366 : vector<16xi32>
        %add3A_1005 = arith.addi %add3A_985, %broadcast_in_dim3A_366 : vector<16xi32>
        %add3A_1006 = arith.addi %add3A_986, %broadcast_in_dim3A_366 : vector<16xi32>
        %add3A_1007 = arith.addi %add3A_987, %broadcast_in_dim3A_366 : vector<16xi32>
        %add3A_1008 = arith.addi %add3A_988, %broadcast_in_dim3A_366 : vector<16xi32>
        %gather3A_1009 = tpu.vector_load_idx %arg29[%broadcast_in_dim3A, %add3A_350, %add3A_1003] : memref<2x64x128xf32, #tpu.memory_space<vmem>>[vector<16xi32>, vector<16xi32>, vector<16xi32>], vector<16xf32>,
        %gather3A_1010 = tpu.vector_load_idx %arg30[%broadcast_in_dim3A, %add3A_350, %add3A_1004] : memref<2x64x128xf32, #tpu.memory_space<vmem>>[vector<16xi32>, vector<16xi32>, vector<16xi32>], vector<16xf32>,
        %gather3A_1011 = tpu.vector_load_idx %arg31[%broadcast_in_dim3A, %add3A_350, %add3A_1005] : memref<2x64x128xf32, #tpu.memory_space<vmem>>[vector<16xi32>, vector<16xi32>, vector<16xi32>], vector<16xf32>,
        %gather3A_1012 = tpu.vector_load_idx %arg32[%broadcast_in_dim3A, %add3A_350, %add3A_1006] : memref<2x64x128xf32, #tpu.memory_space<vmem>>[vector<16xi32>, vector<16xi32>, vector<16xi32>], vector<16xf32>,
        %gather3A_1013 = tpu.vector_load_idx %arg33[%broadcast_in_dim3A, %add3A_350, %add3A_1007] : memref<2x64x128xf32, #tpu.memory_space<vmem>>[vector<16xi32>, vector<16xi32>, vector<16xi32>], vector<16xf32>,
        %gather3A_1014 = tpu.vector_load_idx %arg34[%broadcast_in_dim3A, %add3A_350, %add3A_1008] : memref<2x64x128xf32, #tpu.memory_space<vmem>>[vector<16xi32>, vector<16xi32>, vector<16xi32>], vector<16xf32>,
        %add3A_1015 = arith.addf %gather3A_1009, %gather3A_1010 : vector<16xf32>
        %sub3A_1016 = arith.subf %add3A_1015, %gather3A_1011 : vector<16xf32>
        %add3A_1017 = arith.addf %gather3A_1012, %gather3A_1013 : vector<16xf32>
        %sub3A_1018 = arith.subf %add3A_1017, %gather3A_1014 : vector<16xf32>
        %mul3A_1019 = arith.mulf %sub3A_1016, %sub3A_1016 : vector<16xf32>
        %add3A_1020 = arith.addf %add3A_1000, %mul3A_1019 : vector<16xf32>
        %mul3A_1021 = arith.mulf %sub3A_1018, %sub3A_1018 : vector<16xf32>
        %add3A_1022 = arith.addf %add3A_1002, %mul3A_1021 : vector<16xf32>
        %add3A_1023 = arith.addi %add3A_1003, %broadcast_in_dim3A_366 : vector<16xi32>
        %add3A_1024 = arith.addi %add3A_1004, %broadcast_in_dim3A_366 : vector<16xi32>
        %add3A_1025 = arith.addi %add3A_1005, %broadcast_in_dim3A_366 : vector<16xi32>
        %add3A_1026 = arith.addi %add3A_1006, %broadcast_in_dim3A_366 : vector<16xi32>
        %add3A_1027 = arith.addi %add3A_1007, %broadcast_in_dim3A_366 : vector<16xi32>
        %add3A_1028 = arith.addi %add3A_1008, %broadcast_in_dim3A_366 : vector<16xi32>
        %gather3A_1029 = tpu.vector_load_idx %arg29[%broadcast_in_dim3A, %add3A_350, %add3A_1023] : memref<2x64x128xf32, #tpu.memory_space<vmem>>[vector<16xi32>, vector<16xi32>, vector<16xi32>], vector<16xf32>,
        %gather3A_1030 = tpu.vector_load_idx %arg30[%broadcast_in_dim3A, %add3A_350, %add3A_1024] : memref<2x64x128xf32, #tpu.memory_space<vmem>>[vector<16xi32>, vector<16xi32>, vector<16xi32>], vector<16xf32>,
        %gather3A_1031 = tpu.vector_load_idx %arg31[%broadcast_in_dim3A, %add3A_350, %add3A_1025] : memref<2x64x128xf32, #tpu.memory_space<vmem>>[vector<16xi32>, vector<16xi32>, vector<16xi32>], vector<16xf32>,
        %gather3A_1032 = tpu.vector_load_idx %arg32[%broadcast_in_dim3A, %add3A_350, %add3A_1026] : memref<2x64x128xf32, #tpu.memory_space<vmem>>[vector<16xi32>, vector<16xi32>, vector<16xi32>], vector<16xf32>,
        %gather3A_1033 = tpu.vector_load_idx %arg33[%broadcast_in_dim3A, %add3A_350, %add3A_1027] : memref<2x64x128xf32, #tpu.memory_space<vmem>>[vector<16xi32>, vector<16xi32>, vector<16xi32>], vector<16xf32>,
        %gather3A_1034 = tpu.vector_load_idx %arg34[%broadcast_in_dim3A, %add3A_350, %add3A_1028] : memref<2x64x128xf32, #tpu.memory_space<vmem>>[vector<16xi32>, vector<16xi32>, vector<16xi32>], vector<16xf32>,
        %add3A_1035 = arith.addf %gather3A_1029, %gather3A_1030 : vector<16xf32>
        %sub3A_1036 = arith.subf %add3A_1035, %gather3A_1031 : vector<16xf32>
        %add3A_1037 = arith.addf %gather3A_1032, %gather3A_1033 : vector<16xf32>
        %sub3A_1038 = arith.subf %add3A_1037, %gather3A_1034 : vector<16xf32>
        %mul3A_1039 = arith.mulf %sub3A_1036, %sub3A_1036 : vector<16xf32>
        %add3A_1040 = arith.addf %add3A_1020, %mul3A_1039 : vector<16xf32>
        %mul3A_1041 = arith.mulf %sub3A_1038, %sub3A_1038 : vector<16xf32>
        %add3A_1042 = arith.addf %add3A_1022, %mul3A_1041 : vector<16xf32>
        %add3A_1043 = arith.addi %add3A_1023, %broadcast_in_dim3A_366 : vector<16xi32>
        %add3A_1044 = arith.addi %add3A_1024, %broadcast_in_dim3A_366 : vector<16xi32>
        %add3A_1045 = arith.addi %add3A_1025, %broadcast_in_dim3A_366 : vector<16xi32>
        %add3A_1046 = arith.addi %add3A_1026, %broadcast_in_dim3A_366 : vector<16xi32>
        %add3A_1047 = arith.addi %add3A_1027, %broadcast_in_dim3A_366 : vector<16xi32>
        %add3A_1048 = arith.addi %add3A_1028, %broadcast_in_dim3A_366 : vector<16xi32>
        %gather3A_1049 = tpu.vector_load_idx %arg29[%broadcast_in_dim3A, %add3A_350, %add3A_1043] : memref<2x64x128xf32, #tpu.memory_space<vmem>>[vector<16xi32>, vector<16xi32>, vector<16xi32>], vector<16xf32>,
        %gather3A_1050 = tpu.vector_load_idx %arg30[%broadcast_in_dim3A, %add3A_350, %add3A_1044] : memref<2x64x128xf32, #tpu.memory_space<vmem>>[vector<16xi32>, vector<16xi32>, vector<16xi32>], vector<16xf32>,
        %gather3A_1051 = tpu.vector_load_idx %arg31[%broadcast_in_dim3A, %add3A_350, %add3A_1045] : memref<2x64x128xf32, #tpu.memory_space<vmem>>[vector<16xi32>, vector<16xi32>, vector<16xi32>], vector<16xf32>,
        %gather3A_1052 = tpu.vector_load_idx %arg32[%broadcast_in_dim3A, %add3A_350, %add3A_1046] : memref<2x64x128xf32, #tpu.memory_space<vmem>>[vector<16xi32>, vector<16xi32>, vector<16xi32>], vector<16xf32>,
        %gather3A_1053 = tpu.vector_load_idx %arg33[%broadcast_in_dim3A, %add3A_350, %add3A_1047] : memref<2x64x128xf32, #tpu.memory_space<vmem>>[vector<16xi32>, vector<16xi32>, vector<16xi32>], vector<16xf32>,
        %gather3A_1054 = tpu.vector_load_idx %arg34[%broadcast_in_dim3A, %add3A_350, %add3A_1048] : memref<2x64x128xf32, #tpu.memory_space<vmem>>[vector<16xi32>, vector<16xi32>, vector<16xi32>], vector<16xf32>,
        %add3A_1055 = arith.addf %gather3A_1049, %gather3A_1050 : vector<16xf32>
        %sub3A_1056 = arith.subf %add3A_1055, %gather3A_1051 : vector<16xf32>
        %add3A_1057 = arith.addf %gather3A_1052, %gather3A_1053 : vector<16xf32>
        %sub3A_1058 = arith.subf %add3A_1057, %gather3A_1054 : vector<16xf32>
        %mul3A_1059 = arith.mulf %sub3A_1056, %sub3A_1056 : vector<16xf32>
        %add3A_1060 = arith.addf %add3A_1040, %mul3A_1059 : vector<16xf32>
        %mul3A_1061 = arith.mulf %sub3A_1058, %sub3A_1058 : vector<16xf32>
        %add3A_1062 = arith.addf %add3A_1042, %mul3A_1061 : vector<16xf32>
        %add3A_1063 = arith.addi %add3A_1043, %broadcast_in_dim3A_366 : vector<16xi32>
        %add3A_1064 = arith.addi %add3A_1044, %broadcast_in_dim3A_366 : vector<16xi32>
        %add3A_1065 = arith.addi %add3A_1045, %broadcast_in_dim3A_366 : vector<16xi32>
        %add3A_1066 = arith.addi %add3A_1046, %broadcast_in_dim3A_366 : vector<16xi32>
        %add3A_1067 = arith.addi %add3A_1047, %broadcast_in_dim3A_366 : vector<16xi32>
        %add3A_1068 = arith.addi %add3A_1048, %broadcast_in_dim3A_366 : vector<16xi32>
        %gather3A_1069 = tpu.vector_load_idx %arg29[%broadcast_in_dim3A, %add3A_350, %add3A_1063] : memref<2x64x128xf32, #tpu.memory_space<vmem>>[vector<16xi32>, vector<16xi32>, vector<16xi32>], vector<16xf32>,
        %gather3A_1070 = tpu.vector_load_idx %arg30[%broadcast_in_dim3A, %add3A_350, %add3A_1064] : memref<2x64x128xf32, #tpu.memory_space<vmem>>[vector<16xi32>, vector<16xi32>, vector<16xi32>], vector<16xf32>,
        %gather3A_1071 = tpu.vector_load_idx %arg31[%broadcast_in_dim3A, %add3A_350, %add3A_1065] : memref<2x64x128xf32, #tpu.memory_space<vmem>>[vector<16xi32>, vector<16xi32>, vector<16xi32>], vector<16xf32>,
        %gather3A_1072 = tpu.vector_load_idx %arg32[%broadcast_in_dim3A, %add3A_350, %add3A_1066] : memref<2x64x128xf32, #tpu.memory_space<vmem>>[vector<16xi32>, vector<16xi32>, vector<16xi32>], vector<16xf32>,
        %gather3A_1073 = tpu.vector_load_idx %arg33[%broadcast_in_dim3A, %add3A_350, %add3A_1067] : memref<2x64x128xf32, #tpu.memory_space<vmem>>[vector<16xi32>, vector<16xi32>, vector<16xi32>], vector<16xf32>,
        %gather3A_1074 = tpu.vector_load_idx %arg34[%broadcast_in_dim3A, %add3A_350, %add3A_1068] : memref<2x64x128xf32, #tpu.memory_space<vmem>>[vector<16xi32>, vector<16xi32>, vector<16xi32>], vector<16xf32>,
        %add3A_1075 = arith.addf %gather3A_1069, %gather3A_1070 : vector<16xf32>
        %sub3A_1076 = arith.subf %add3A_1075, %gather3A_1071 : vector<16xf32>
        %add3A_1077 = arith.addf %gather3A_1072, %gather3A_1073 : vector<16xf32>
        %sub3A_1078 = arith.subf %add3A_1077, %gather3A_1074 : vector<16xf32>
        %mul3A_1079 = arith.mulf %sub3A_1076, %sub3A_1076 : vector<16xf32>
        %add3A_1080 = arith.addf %add3A_1060, %mul3A_1079 : vector<16xf32>
        %mul3A_1081 = arith.mulf %sub3A_1078, %sub3A_1078 : vector<16xf32>
        %add3A_1082 = arith.addf %add3A_1062, %mul3A_1081 : vector<16xf32>
        %add3A_1083 = arith.addi %add3A_1063, %broadcast_in_dim3A_366 : vector<16xi32>
        %add3A_1084 = arith.addi %add3A_1064, %broadcast_in_dim3A_366 : vector<16xi32>
        %add3A_1085 = arith.addi %add3A_1065, %broadcast_in_dim3A_366 : vector<16xi32>
        %add3A_1086 = arith.addi %add3A_1066, %broadcast_in_dim3A_366 : vector<16xi32>
        %add3A_1087 = arith.addi %add3A_1067, %broadcast_in_dim3A_366 : vector<16xi32>
        %add3A_1088 = arith.addi %add3A_1068, %broadcast_in_dim3A_366 : vector<16xi32>
        %gather3A_1089 = tpu.vector_load_idx %arg29[%broadcast_in_dim3A, %add3A_350, %add3A_1083] : memref<2x64x128xf32, #tpu.memory_space<vmem>>[vector<16xi32>, vector<16xi32>, vector<16xi32>], vector<16xf32>,
        %gather3A_1090 = tpu.vector_load_idx %arg30[%broadcast_in_dim3A, %add3A_350, %add3A_1084] : memref<2x64x128xf32, #tpu.memory_space<vmem>>[vector<16xi32>, vector<16xi32>, vector<16xi32>], vector<16xf32>,
        %gather3A_1091 = tpu.vector_load_idx %arg31[%broadcast_in_dim3A, %add3A_350, %add3A_1085] : memref<2x64x128xf32, #tpu.memory_space<vmem>>[vector<16xi32>, vector<16xi32>, vector<16xi32>], vector<16xf32>,
        %gather3A_1092 = tpu.vector_load_idx %arg32[%broadcast_in_dim3A, %add3A_350, %add3A_1086] : memref<2x64x128xf32, #tpu.memory_space<vmem>>[vector<16xi32>, vector<16xi32>, vector<16xi32>], vector<16xf32>,
        %gather3A_1093 = tpu.vector_load_idx %arg33[%broadcast_in_dim3A, %add3A_350, %add3A_1087] : memref<2x64x128xf32, #tpu.memory_space<vmem>>[vector<16xi32>, vector<16xi32>, vector<16xi32>], vector<16xf32>,
        %gather3A_1094 = tpu.vector_load_idx %arg34[%broadcast_in_dim3A, %add3A_350, %add3A_1088] : memref<2x64x128xf32, #tpu.memory_space<vmem>>[vector<16xi32>, vector<16xi32>, vector<16xi32>], vector<16xf32>,
        %add3A_1095 = arith.addf %gather3A_1089, %gather3A_1090 : vector<16xf32>
        %sub3A_1096 = arith.subf %add3A_1095, %gather3A_1091 : vector<16xf32>
        %add3A_1097 = arith.addf %gather3A_1092, %gather3A_1093 : vector<16xf32>
        %sub3A_1098 = arith.subf %add3A_1097, %gather3A_1094 : vector<16xf32>
        %mul3A_1099 = arith.mulf %sub3A_1096, %sub3A_1096 : vector<16xf32>
        %add3A_1100 = arith.addf %add3A_1080, %mul3A_1099 : vector<16xf32>
        %mul3A_1101 = arith.mulf %sub3A_1098, %sub3A_1098 : vector<16xf32>
        %add3A_1102 = arith.addf %add3A_1082, %mul3A_1101 : vector<16xf32>
        %add3A_1103 = arith.addi %add3A_1083, %broadcast_in_dim3A_366 : vector<16xi32>
        %add3A_1104 = arith.addi %add3A_1084, %broadcast_in_dim3A_366 : vector<16xi32>
        %add3A_1105 = arith.addi %add3A_1085, %broadcast_in_dim3A_366 : vector<16xi32>
        %add3A_1106 = arith.addi %add3A_1086, %broadcast_in_dim3A_366 : vector<16xi32>
        %add3A_1107 = arith.addi %add3A_1087, %broadcast_in_dim3A_366 : vector<16xi32>
        %add3A_1108 = arith.addi %add3A_1088, %broadcast_in_dim3A_366 : vector<16xi32>
        %gather3A_1109 = tpu.vector_load_idx %arg29[%broadcast_in_dim3A, %add3A_350, %add3A_1103] : memref<2x64x128xf32, #tpu.memory_space<vmem>>[vector<16xi32>, vector<16xi32>, vector<16xi32>], vector<16xf32>,
        %gather3A_1110 = tpu.vector_load_idx %arg30[%broadcast_in_dim3A, %add3A_350, %add3A_1104] : memref<2x64x128xf32, #tpu.memory_space<vmem>>[vector<16xi32>, vector<16xi32>, vector<16xi32>], vector<16xf32>,
        %gather3A_1111 = tpu.vector_load_idx %arg31[%broadcast_in_dim3A, %add3A_350, %add3A_1105] : memref<2x64x128xf32, #tpu.memory_space<vmem>>[vector<16xi32>, vector<16xi32>, vector<16xi32>], vector<16xf32>,
        %gather3A_1112 = tpu.vector_load_idx %arg32[%broadcast_in_dim3A, %add3A_350, %add3A_1106] : memref<2x64x128xf32, #tpu.memory_space<vmem>>[vector<16xi32>, vector<16xi32>, vector<16xi32>], vector<16xf32>,
        %gather3A_1113 = tpu.vector_load_idx %arg33[%broadcast_in_dim3A, %add3A_350, %add3A_1107] : memref<2x64x128xf32, #tpu.memory_space<vmem>>[vector<16xi32>, vector<16xi32>, vector<16xi32>], vector<16xf32>,
        %gather3A_1114 = tpu.vector_load_idx %arg34[%broadcast_in_dim3A, %add3A_350, %add3A_1108] : memref<2x64x128xf32, #tpu.memory_space<vmem>>[vector<16xi32>, vector<16xi32>, vector<16xi32>], vector<16xf32>,
        %add3A_1115 = arith.addf %gather3A_1109, %gather3A_1110 : vector<16xf32>
        %sub3A_1116 = arith.subf %add3A_1115, %gather3A_1111 : vector<16xf32>
        %add3A_1117 = arith.addf %gather3A_1112, %gather3A_1113 : vector<16xf32>
        %sub3A_1118 = arith.subf %add3A_1117, %gather3A_1114 : vector<16xf32>
        %mul3A_1119 = arith.mulf %sub3A_1116, %sub3A_1116 : vector<16xf32>
        %add3A_1120 = arith.addf %add3A_1100, %mul3A_1119 : vector<16xf32>
        %mul3A_1121 = arith.mulf %sub3A_1118, %sub3A_1118 : vector<16xf32>
        %add3A_1122 = arith.addf %add3A_1102, %mul3A_1121 : vector<16xf32>
        %add3A_1123 = arith.addi %add3A_1103, %broadcast_in_dim3A_366 : vector<16xi32>
        %add3A_1124 = arith.addi %add3A_1104, %broadcast_in_dim3A_366 : vector<16xi32>
        %add3A_1125 = arith.addi %add3A_1105, %broadcast_in_dim3A_366 : vector<16xi32>
        %add3A_1126 = arith.addi %add3A_1106, %broadcast_in_dim3A_366 : vector<16xi32>
        %add3A_1127 = arith.addi %add3A_1107, %broadcast_in_dim3A_366 : vector<16xi32>
        %add3A_1128 = arith.addi %add3A_1108, %broadcast_in_dim3A_366 : vector<16xi32>
        %gather3A_1129 = tpu.vector_load_idx %arg29[%broadcast_in_dim3A, %add3A_350, %add3A_1123] : memref<2x64x128xf32, #tpu.memory_space<vmem>>[vector<16xi32>, vector<16xi32>, vector<16xi32>], vector<16xf32>,
        %gather3A_1130 = tpu.vector_load_idx %arg30[%broadcast_in_dim3A, %add3A_350, %add3A_1124] : memref<2x64x128xf32, #tpu.memory_space<vmem>>[vector<16xi32>, vector<16xi32>, vector<16xi32>], vector<16xf32>,
        %gather3A_1131 = tpu.vector_load_idx %arg31[%broadcast_in_dim3A, %add3A_350, %add3A_1125] : memref<2x64x128xf32, #tpu.memory_space<vmem>>[vector<16xi32>, vector<16xi32>, vector<16xi32>], vector<16xf32>,
        %gather3A_1132 = tpu.vector_load_idx %arg32[%broadcast_in_dim3A, %add3A_350, %add3A_1126] : memref<2x64x128xf32, #tpu.memory_space<vmem>>[vector<16xi32>, vector<16xi32>, vector<16xi32>], vector<16xf32>,
        %gather3A_1133 = tpu.vector_load_idx %arg33[%broadcast_in_dim3A, %add3A_350, %add3A_1127] : memref<2x64x128xf32, #tpu.memory_space<vmem>>[vector<16xi32>, vector<16xi32>, vector<16xi32>], vector<16xf32>,
        %gather3A_1134 = tpu.vector_load_idx %arg34[%broadcast_in_dim3A, %add3A_350, %add3A_1128] : memref<2x64x128xf32, #tpu.memory_space<vmem>>[vector<16xi32>, vector<16xi32>, vector<16xi32>], vector<16xf32>,
        %add3A_1135 = arith.addf %gather3A_1129, %gather3A_1130 : vector<16xf32>
        %sub3A_1136 = arith.subf %add3A_1135, %gather3A_1131 : vector<16xf32>
        %add3A_1137 = arith.addf %gather3A_1132, %gather3A_1133 : vector<16xf32>
        %sub3A_1138 = arith.subf %add3A_1137, %gather3A_1134 : vector<16xf32>
        %mul3A_1139 = arith.mulf %sub3A_1136, %sub3A_1136 : vector<16xf32>
        %add3A_1140 = arith.addf %add3A_1120, %mul3A_1139 : vector<16xf32>
        %mul3A_1141 = arith.mulf %sub3A_1138, %sub3A_1138 : vector<16xf32>
        %add3A_1142 = arith.addf %add3A_1122, %mul3A_1141 : vector<16xf32>
        %add3A_1143 = arith.addi %add3A_1123, %broadcast_in_dim3A_366 : vector<16xi32>
        %add3A_1144 = arith.addi %add3A_1124, %broadcast_in_dim3A_366 : vector<16xi32>
        %add3A_1145 = arith.addi %add3A_1125, %broadcast_in_dim3A_366 : vector<16xi32>
        %add3A_1146 = arith.addi %add3A_1126, %broadcast_in_dim3A_366 : vector<16xi32>
        %add3A_1147 = arith.addi %add3A_1127, %broadcast_in_dim3A_366 : vector<16xi32>
        %add3A_1148 = arith.addi %add3A_1128, %broadcast_in_dim3A_366 : vector<16xi32>
        %gather3A_1149 = tpu.vector_load_idx %arg29[%broadcast_in_dim3A, %add3A_350, %add3A_1143] : memref<2x64x128xf32, #tpu.memory_space<vmem>>[vector<16xi32>, vector<16xi32>, vector<16xi32>], vector<16xf32>,
        %gather3A_1150 = tpu.vector_load_idx %arg30[%broadcast_in_dim3A, %add3A_350, %add3A_1144] : memref<2x64x128xf32, #tpu.memory_space<vmem>>[vector<16xi32>, vector<16xi32>, vector<16xi32>], vector<16xf32>,
        %gather3A_1151 = tpu.vector_load_idx %arg31[%broadcast_in_dim3A, %add3A_350, %add3A_1145] : memref<2x64x128xf32, #tpu.memory_space<vmem>>[vector<16xi32>, vector<16xi32>, vector<16xi32>], vector<16xf32>,
        %gather3A_1152 = tpu.vector_load_idx %arg32[%broadcast_in_dim3A, %add3A_350, %add3A_1146] : memref<2x64x128xf32, #tpu.memory_space<vmem>>[vector<16xi32>, vector<16xi32>, vector<16xi32>], vector<16xf32>,
        %gather3A_1153 = tpu.vector_load_idx %arg33[%broadcast_in_dim3A, %add3A_350, %add3A_1147] : memref<2x64x128xf32, #tpu.memory_space<vmem>>[vector<16xi32>, vector<16xi32>, vector<16xi32>], vector<16xf32>,
        %gather3A_1154 = tpu.vector_load_idx %arg34[%broadcast_in_dim3A, %add3A_350, %add3A_1148] : memref<2x64x128xf32, #tpu.memory_space<vmem>>[vector<16xi32>, vector<16xi32>, vector<16xi32>], vector<16xf32>,
        %add3A_1155 = arith.addf %gather3A_1149, %gather3A_1150 : vector<16xf32>
        %sub3A_1156 = arith.subf %add3A_1155, %gather3A_1151 : vector<16xf32>
        %add3A_1157 = arith.addf %gather3A_1152, %gather3A_1153 : vector<16xf32>
        %sub3A_1158 = arith.subf %add3A_1157, %gather3A_1154 : vector<16xf32>
        %mul3A_1159 = arith.mulf %sub3A_1156, %sub3A_1156 : vector<16xf32>
        %add3A_1160 = arith.addf %add3A_1140, %mul3A_1159 : vector<16xf32>
        %mul3A_1161 = arith.mulf %sub3A_1158, %sub3A_1158 : vector<16xf32>
        %add3A_1162 = arith.addf %add3A_1142, %mul3A_1161 : vector<16xf32>
        %add3A_1163 = arith.addi %add3A_1143, %broadcast_in_dim3A_366 : vector<16xi32>
        %add3A_1164 = arith.addi %add3A_1144, %broadcast_in_dim3A_366 : vector<16xi32>
        %add3A_1165 = arith.addi %add3A_1145, %broadcast_in_dim3A_366 : vector<16xi32>
        %add3A_1166 = arith.addi %add3A_1146, %broadcast_in_dim3A_366 : vector<16xi32>
        %add3A_1167 = arith.addi %add3A_1147, %broadcast_in_dim3A_366 : vector<16xi32>
        %add3A_1168 = arith.addi %add3A_1148, %broadcast_in_dim3A_366 : vector<16xi32>
        %gather3A_1169 = tpu.vector_load_idx %arg29[%broadcast_in_dim3A, %add3A_350, %add3A_1163] : memref<2x64x128xf32, #tpu.memory_space<vmem>>[vector<16xi32>, vector<16xi32>, vector<16xi32>], vector<16xf32>,
        %gather3A_1170 = tpu.vector_load_idx %arg30[%broadcast_in_dim3A, %add3A_350, %add3A_1164] : memref<2x64x128xf32, #tpu.memory_space<vmem>>[vector<16xi32>, vector<16xi32>, vector<16xi32>], vector<16xf32>,
        %gather3A_1171 = tpu.vector_load_idx %arg31[%broadcast_in_dim3A, %add3A_350, %add3A_1165] : memref<2x64x128xf32, #tpu.memory_space<vmem>>[vector<16xi32>, vector<16xi32>, vector<16xi32>], vector<16xf32>,
        %gather3A_1172 = tpu.vector_load_idx %arg32[%broadcast_in_dim3A, %add3A_350, %add3A_1166] : memref<2x64x128xf32, #tpu.memory_space<vmem>>[vector<16xi32>, vector<16xi32>, vector<16xi32>], vector<16xf32>,
        %gather3A_1173 = tpu.vector_load_idx %arg33[%broadcast_in_dim3A, %add3A_350, %add3A_1167] : memref<2x64x128xf32, #tpu.memory_space<vmem>>[vector<16xi32>, vector<16xi32>, vector<16xi32>], vector<16xf32>,
        %gather3A_1174 = tpu.vector_load_idx %arg34[%broadcast_in_dim3A, %add3A_350, %add3A_1168] : memref<2x64x128xf32, #tpu.memory_space<vmem>>[vector<16xi32>, vector<16xi32>, vector<16xi32>], vector<16xf32>,
        %add3A_1175 = arith.addf %gather3A_1169, %gather3A_1170 : vector<16xf32>
        %sub3A_1176 = arith.subf %add3A_1175, %gather3A_1171 : vector<16xf32>
        %add3A_1177 = arith.addf %gather3A_1172, %gather3A_1173 : vector<16xf32>
        %sub3A_1178 = arith.subf %add3A_1177, %gather3A_1174 : vector<16xf32>
        %mul3A_1179 = arith.mulf %sub3A_1176, %sub3A_1176 : vector<16xf32>
        %add3A_1180 = arith.addf %add3A_1160, %mul3A_1179 : vector<16xf32>
        %mul3A_1181 = arith.mulf %sub3A_1178, %sub3A_1178 : vector<16xf32>
        %add3A_1182 = arith.addf %add3A_1162, %mul3A_1181 : vector<16xf32>
        %add3A_1183 = arith.addi %add3A_1163, %broadcast_in_dim3A_366 : vector<16xi32>
        %add3A_1184 = arith.addi %add3A_1164, %broadcast_in_dim3A_366 : vector<16xi32>
        %add3A_1185 = arith.addi %add3A_1165, %broadcast_in_dim3A_366 : vector<16xi32>
        %add3A_1186 = arith.addi %add3A_1166, %broadcast_in_dim3A_366 : vector<16xi32>
        %add3A_1187 = arith.addi %add3A_1167, %broadcast_in_dim3A_366 : vector<16xi32>
        %add3A_1188 = arith.addi %add3A_1168, %broadcast_in_dim3A_366 : vector<16xi32>
        %gather3A_1189 = tpu.vector_load_idx %arg29[%broadcast_in_dim3A, %add3A_350, %add3A_1183] : memref<2x64x128xf32, #tpu.memory_space<vmem>>[vector<16xi32>, vector<16xi32>, vector<16xi32>], vector<16xf32>,
        %gather3A_1190 = tpu.vector_load_idx %arg30[%broadcast_in_dim3A, %add3A_350, %add3A_1184] : memref<2x64x128xf32, #tpu.memory_space<vmem>>[vector<16xi32>, vector<16xi32>, vector<16xi32>], vector<16xf32>,
        %gather3A_1191 = tpu.vector_load_idx %arg31[%broadcast_in_dim3A, %add3A_350, %add3A_1185] : memref<2x64x128xf32, #tpu.memory_space<vmem>>[vector<16xi32>, vector<16xi32>, vector<16xi32>], vector<16xf32>,
        %gather3A_1192 = tpu.vector_load_idx %arg32[%broadcast_in_dim3A, %add3A_350, %add3A_1186] : memref<2x64x128xf32, #tpu.memory_space<vmem>>[vector<16xi32>, vector<16xi32>, vector<16xi32>], vector<16xf32>,
        %gather3A_1193 = tpu.vector_load_idx %arg33[%broadcast_in_dim3A, %add3A_350, %add3A_1187] : memref<2x64x128xf32, #tpu.memory_space<vmem>>[vector<16xi32>, vector<16xi32>, vector<16xi32>], vector<16xf32>,
        %gather3A_1194 = tpu.vector_load_idx %arg34[%broadcast_in_dim3A, %add3A_350, %add3A_1188] : memref<2x64x128xf32, #tpu.memory_space<vmem>>[vector<16xi32>, vector<16xi32>, vector<16xi32>], vector<16xf32>,
        %add3A_1195 = arith.addf %gather3A_1189, %gather3A_1190 : vector<16xf32>
        %sub3A_1196 = arith.subf %add3A_1195, %gather3A_1191 : vector<16xf32>
        %add3A_1197 = arith.addf %gather3A_1192, %gather3A_1193 : vector<16xf32>
        %sub3A_1198 = arith.subf %add3A_1197, %gather3A_1194 : vector<16xf32>
        %mul3A_1199 = arith.mulf %sub3A_1196, %sub3A_1196 : vector<16xf32>
        %add3A_1200 = arith.addf %add3A_1180, %mul3A_1199 : vector<16xf32>
        %mul3A_1201 = arith.mulf %sub3A_1198, %sub3A_1198 : vector<16xf32>
        %add3A_1202 = arith.addf %add3A_1182, %mul3A_1201 : vector<16xf32>
        %add3A_1203 = arith.addi %add3A_1183, %broadcast_in_dim3A_366 : vector<16xi32>
        %add3A_1204 = arith.addi %add3A_1184, %broadcast_in_dim3A_366 : vector<16xi32>
        %add3A_1205 = arith.addi %add3A_1185, %broadcast_in_dim3A_366 : vector<16xi32>
        %add3A_1206 = arith.addi %add3A_1186, %broadcast_in_dim3A_366 : vector<16xi32>
        %add3A_1207 = arith.addi %add3A_1187, %broadcast_in_dim3A_366 : vector<16xi32>
        %add3A_1208 = arith.addi %add3A_1188, %broadcast_in_dim3A_366 : vector<16xi32>
        %gather3A_1209 = tpu.vector_load_idx %arg29[%broadcast_in_dim3A, %add3A_350, %add3A_1203] : memref<2x64x128xf32, #tpu.memory_space<vmem>>[vector<16xi32>, vector<16xi32>, vector<16xi32>], vector<16xf32>,
        %gather3A_1210 = tpu.vector_load_idx %arg30[%broadcast_in_dim3A, %add3A_350, %add3A_1204] : memref<2x64x128xf32, #tpu.memory_space<vmem>>[vector<16xi32>, vector<16xi32>, vector<16xi32>], vector<16xf32>,
        %gather3A_1211 = tpu.vector_load_idx %arg31[%broadcast_in_dim3A, %add3A_350, %add3A_1205] : memref<2x64x128xf32, #tpu.memory_space<vmem>>[vector<16xi32>, vector<16xi32>, vector<16xi32>], vector<16xf32>,
        %gather3A_1212 = tpu.vector_load_idx %arg32[%broadcast_in_dim3A, %add3A_350, %add3A_1206] : memref<2x64x128xf32, #tpu.memory_space<vmem>>[vector<16xi32>, vector<16xi32>, vector<16xi32>], vector<16xf32>,
        %gather3A_1213 = tpu.vector_load_idx %arg33[%broadcast_in_dim3A, %add3A_350, %add3A_1207] : memref<2x64x128xf32, #tpu.memory_space<vmem>>[vector<16xi32>, vector<16xi32>, vector<16xi32>], vector<16xf32>,
        %gather3A_1214 = tpu.vector_load_idx %arg34[%broadcast_in_dim3A, %add3A_350, %add3A_1208] : memref<2x64x128xf32, #tpu.memory_space<vmem>>[vector<16xi32>, vector<16xi32>, vector<16xi32>], vector<16xf32>,
        %add3A_1215 = arith.addf %gather3A_1209, %gather3A_1210 : vector<16xf32>
        %sub3A_1216 = arith.subf %add3A_1215, %gather3A_1211 : vector<16xf32>
        %add3A_1217 = arith.addf %gather3A_1212, %gather3A_1213 : vector<16xf32>
        %sub3A_1218 = arith.subf %add3A_1217, %gather3A_1214 : vector<16xf32>
        %mul3A_1219 = arith.mulf %sub3A_1216, %sub3A_1216 : vector<16xf32>
        %add3A_1220 = arith.addf %add3A_1200, %mul3A_1219 : vector<16xf32>
        %mul3A_1221 = arith.mulf %sub3A_1218, %sub3A_1218 : vector<16xf32>
        %add3A_1222 = arith.addf %add3A_1202, %mul3A_1221 : vector<16xf32>
        %add3A_1223 = arith.addi %add3A_1203, %broadcast_in_dim3A_366 : vector<16xi32>
        %add3A_1224 = arith.addi %add3A_1204, %broadcast_in_dim3A_366 : vector<16xi32>
        %add3A_1225 = arith.addi %add3A_1205, %broadcast_in_dim3A_366 : vector<16xi32>
        %add3A_1226 = arith.addi %add3A_1206, %broadcast_in_dim3A_366 : vector<16xi32>
        %add3A_1227 = arith.addi %add3A_1207, %broadcast_in_dim3A_366 : vector<16xi32>
        %add3A_1228 = arith.addi %add3A_1208, %broadcast_in_dim3A_366 : vector<16xi32>
        %gather3A_1229 = tpu.vector_load_idx %arg29[%broadcast_in_dim3A, %add3A_350, %add3A_1223] : memref<2x64x128xf32, #tpu.memory_space<vmem>>[vector<16xi32>, vector<16xi32>, vector<16xi32>], vector<16xf32>,
        %gather3A_1230 = tpu.vector_load_idx %arg30[%broadcast_in_dim3A, %add3A_350, %add3A_1224] : memref<2x64x128xf32, #tpu.memory_space<vmem>>[vector<16xi32>, vector<16xi32>, vector<16xi32>], vector<16xf32>,
        %gather3A_1231 = tpu.vector_load_idx %arg31[%broadcast_in_dim3A, %add3A_350, %add3A_1225] : memref<2x64x128xf32, #tpu.memory_space<vmem>>[vector<16xi32>, vector<16xi32>, vector<16xi32>], vector<16xf32>,
        %gather3A_1232 = tpu.vector_load_idx %arg32[%broadcast_in_dim3A, %add3A_350, %add3A_1226] : memref<2x64x128xf32, #tpu.memory_space<vmem>>[vector<16xi32>, vector<16xi32>, vector<16xi32>], vector<16xf32>,
        %gather3A_1233 = tpu.vector_load_idx %arg33[%broadcast_in_dim3A, %add3A_350, %add3A_1227] : memref<2x64x128xf32, #tpu.memory_space<vmem>>[vector<16xi32>, vector<16xi32>, vector<16xi32>], vector<16xf32>,
        %gather3A_1234 = tpu.vector_load_idx %arg34[%broadcast_in_dim3A, %add3A_350, %add3A_1228] : memref<2x64x128xf32, #tpu.memory_space<vmem>>[vector<16xi32>, vector<16xi32>, vector<16xi32>], vector<16xf32>,
        %add3A_1235 = arith.addf %gather3A_1229, %gather3A_1230 : vector<16xf32>
        %sub3A_1236 = arith.subf %add3A_1235, %gather3A_1231 : vector<16xf32>
        %add3A_1237 = arith.addf %gather3A_1232, %gather3A_1233 : vector<16xf32>
        %sub3A_1238 = arith.subf %add3A_1237, %gather3A_1234 : vector<16xf32>
        %mul3A_1239 = arith.mulf %sub3A_1236, %sub3A_1236 : vector<16xf32>
        %add3A_1240 = arith.addf %add3A_1220, %mul3A_1239 : vector<16xf32>
        %mul3A_1241 = arith.mulf %sub3A_1238, %sub3A_1238 : vector<16xf32>
        %add3A_1242 = arith.addf %add3A_1222, %mul3A_1241 : vector<16xf32>
        %add3A_1243 = arith.addi %add3A_1223, %broadcast_in_dim3A_366 : vector<16xi32>
        %add3A_1244 = arith.addi %add3A_1224, %broadcast_in_dim3A_366 : vector<16xi32>
        %add3A_1245 = arith.addi %add3A_1225, %broadcast_in_dim3A_366 : vector<16xi32>
        %add3A_1246 = arith.addi %add3A_1226, %broadcast_in_dim3A_366 : vector<16xi32>
        %add3A_1247 = arith.addi %add3A_1227, %broadcast_in_dim3A_366 : vector<16xi32>
        %add3A_1248 = arith.addi %add3A_1228, %broadcast_in_dim3A_366 : vector<16xi32>
        %gather3A_1249 = tpu.vector_load_idx %arg29[%broadcast_in_dim3A, %add3A_350, %add3A_1243] : memref<2x64x128xf32, #tpu.memory_space<vmem>>[vector<16xi32>, vector<16xi32>, vector<16xi32>], vector<16xf32>,
        %gather3A_1250 = tpu.vector_load_idx %arg30[%broadcast_in_dim3A, %add3A_350, %add3A_1244] : memref<2x64x128xf32, #tpu.memory_space<vmem>>[vector<16xi32>, vector<16xi32>, vector<16xi32>], vector<16xf32>,
        %gather3A_1251 = tpu.vector_load_idx %arg31[%broadcast_in_dim3A, %add3A_350, %add3A_1245] : memref<2x64x128xf32, #tpu.memory_space<vmem>>[vector<16xi32>, vector<16xi32>, vector<16xi32>], vector<16xf32>,
        %gather3A_1252 = tpu.vector_load_idx %arg32[%broadcast_in_dim3A, %add3A_350, %add3A_1246] : memref<2x64x128xf32, #tpu.memory_space<vmem>>[vector<16xi32>, vector<16xi32>, vector<16xi32>], vector<16xf32>,
        %gather3A_1253 = tpu.vector_load_idx %arg33[%broadcast_in_dim3A, %add3A_350, %add3A_1247] : memref<2x64x128xf32, #tpu.memory_space<vmem>>[vector<16xi32>, vector<16xi32>, vector<16xi32>], vector<16xf32>,
        %gather3A_1254 = tpu.vector_load_idx %arg34[%broadcast_in_dim3A, %add3A_350, %add3A_1248] : memref<2x64x128xf32, #tpu.memory_space<vmem>>[vector<16xi32>, vector<16xi32>, vector<16xi32>], vector<16xf32>,
        %add3A_1255 = arith.addf %gather3A_1249, %gather3A_1250 : vector<16xf32>
        %sub3A_1256 = arith.subf %add3A_1255, %gather3A_1251 : vector<16xf32>
        %add3A_1257 = arith.addf %gather3A_1252, %gather3A_1253 : vector<16xf32>
        %sub3A_1258 = arith.subf %add3A_1257, %gather3A_1254 : vector<16xf32>
        %mul3A_1259 = arith.mulf %sub3A_1256, %sub3A_1256 : vector<16xf32>
        %add3A_1260 = arith.addf %add3A_1240, %mul3A_1259 : vector<16xf32>
        %mul3A_1261 = arith.mulf %sub3A_1258, %sub3A_1258 : vector<16xf32>
        %add3A_1262 = arith.addf %add3A_1242, %mul3A_1261 : vector<16xf32>
        %add3A_1263 = arith.addi %add3A_1243, %broadcast_in_dim3A_366 : vector<16xi32>
        %add3A_1264 = arith.addi %add3A_1244, %broadcast_in_dim3A_366 : vector<16xi32>
        %add3A_1265 = arith.addi %add3A_1245, %broadcast_in_dim3A_366 : vector<16xi32>
        %add3A_1266 = arith.addi %add3A_1246, %broadcast_in_dim3A_366 : vector<16xi32>
        %add3A_1267 = arith.addi %add3A_1247, %broadcast_in_dim3A_366 : vector<16xi32>
        %add3A_1268 = arith.addi %add3A_1248, %broadcast_in_dim3A_366 : vector<16xi32>
        %gather3A_1269 = tpu.vector_load_idx %arg29[%broadcast_in_dim3A, %add3A_350, %add3A_1263] : memref<2x64x128xf32, #tpu.memory_space<vmem>>[vector<16xi32>, vector<16xi32>, vector<16xi32>], vector<16xf32>,
        %gather3A_1270 = tpu.vector_load_idx %arg30[%broadcast_in_dim3A, %add3A_350, %add3A_1264] : memref<2x64x128xf32, #tpu.memory_space<vmem>>[vector<16xi32>, vector<16xi32>, vector<16xi32>], vector<16xf32>,
        %gather3A_1271 = tpu.vector_load_idx %arg31[%broadcast_in_dim3A, %add3A_350, %add3A_1265] : memref<2x64x128xf32, #tpu.memory_space<vmem>>[vector<16xi32>, vector<16xi32>, vector<16xi32>], vector<16xf32>,
        %gather3A_1272 = tpu.vector_load_idx %arg32[%broadcast_in_dim3A, %add3A_350, %add3A_1266] : memref<2x64x128xf32, #tpu.memory_space<vmem>>[vector<16xi32>, vector<16xi32>, vector<16xi32>], vector<16xf32>,
        %gather3A_1273 = tpu.vector_load_idx %arg33[%broadcast_in_dim3A, %add3A_350, %add3A_1267] : memref<2x64x128xf32, #tpu.memory_space<vmem>>[vector<16xi32>, vector<16xi32>, vector<16xi32>], vector<16xf32>,
        %gather3A_1274 = tpu.vector_load_idx %arg34[%broadcast_in_dim3A, %add3A_350, %add3A_1268] : memref<2x64x128xf32, #tpu.memory_space<vmem>>[vector<16xi32>, vector<16xi32>, vector<16xi32>], vector<16xf32>,
        %add3A_1275 = arith.addf %gather3A_1269, %gather3A_1270 : vector<16xf32>
        %sub3A_1276 = arith.subf %add3A_1275, %gather3A_1271 : vector<16xf32>
        %add3A_1277 = arith.addf %gather3A_1272, %gather3A_1273 : vector<16xf32>
        %sub3A_1278 = arith.subf %add3A_1277, %gather3A_1274 : vector<16xf32>
        %mul3A_1279 = arith.mulf %sub3A_1276, %sub3A_1276 : vector<16xf32>
        %add3A_1280 = arith.addf %add3A_1260, %mul3A_1279 : vector<16xf32>
        %mul3A_1281 = arith.mulf %sub3A_1278, %sub3A_1278 : vector<16xf32>
        %add3A_1282 = arith.addf %add3A_1262, %mul3A_1281 : vector<16xf32>
        %add3A_1283 = arith.addi %add3A_1263, %broadcast_in_dim3A_366 : vector<16xi32>
        %add3A_1284 = arith.addi %add3A_1264, %broadcast_in_dim3A_366 : vector<16xi32>
        %add3A_1285 = arith.addi %add3A_1265, %broadcast_in_dim3A_366 : vector<16xi32>
        %add3A_1286 = arith.addi %add3A_1266, %broadcast_in_dim3A_366 : vector<16xi32>
        %add3A_1287 = arith.addi %add3A_1267, %broadcast_in_dim3A_366 : vector<16xi32>
        %add3A_1288 = arith.addi %add3A_1268, %broadcast_in_dim3A_366 : vector<16xi32>
        %gather3A_1289 = tpu.vector_load_idx %arg29[%broadcast_in_dim3A, %add3A_350, %add3A_1283] : memref<2x64x128xf32, #tpu.memory_space<vmem>>[vector<16xi32>, vector<16xi32>, vector<16xi32>], vector<16xf32>,
        %gather3A_1290 = tpu.vector_load_idx %arg30[%broadcast_in_dim3A, %add3A_350, %add3A_1284] : memref<2x64x128xf32, #tpu.memory_space<vmem>>[vector<16xi32>, vector<16xi32>, vector<16xi32>], vector<16xf32>,
        %gather3A_1291 = tpu.vector_load_idx %arg31[%broadcast_in_dim3A, %add3A_350, %add3A_1285] : memref<2x64x128xf32, #tpu.memory_space<vmem>>[vector<16xi32>, vector<16xi32>, vector<16xi32>], vector<16xf32>,
        %gather3A_1292 = tpu.vector_load_idx %arg32[%broadcast_in_dim3A, %add3A_350, %add3A_1286] : memref<2x64x128xf32, #tpu.memory_space<vmem>>[vector<16xi32>, vector<16xi32>, vector<16xi32>], vector<16xf32>,
        %gather3A_1293 = tpu.vector_load_idx %arg33[%broadcast_in_dim3A, %add3A_350, %add3A_1287] : memref<2x64x128xf32, #tpu.memory_space<vmem>>[vector<16xi32>, vector<16xi32>, vector<16xi32>], vector<16xf32>,
        %gather3A_1294 = tpu.vector_load_idx %arg34[%broadcast_in_dim3A, %add3A_350, %add3A_1288] : memref<2x64x128xf32, #tpu.memory_space<vmem>>[vector<16xi32>, vector<16xi32>, vector<16xi32>], vector<16xf32>,
        %add3A_1295 = arith.addf %gather3A_1289, %gather3A_1290 : vector<16xf32>
        %sub3A_1296 = arith.subf %add3A_1295, %gather3A_1291 : vector<16xf32>
        %add3A_1297 = arith.addf %gather3A_1292, %gather3A_1293 : vector<16xf32>
        %sub3A_1298 = arith.subf %add3A_1297, %gather3A_1294 : vector<16xf32>
        %mul3A_1299 = arith.mulf %sub3A_1296, %sub3A_1296 : vector<16xf32>
        %add3A_1300 = arith.addf %add3A_1280, %mul3A_1299 : vector<16xf32>
        %mul3A_1301 = arith.mulf %sub3A_1298, %sub3A_1298 : vector<16xf32>
        %add3A_1302 = arith.addf %add3A_1282, %mul3A_1301 : vector<16xf32>
        %add3A_1303 = arith.addi %add3A_1283, %broadcast_in_dim3A_366 : vector<16xi32>
        %add3A_1304 = arith.addi %add3A_1284, %broadcast_in_dim3A_366 : vector<16xi32>
        %add3A_1305 = arith.addi %add3A_1285, %broadcast_in_dim3A_366 : vector<16xi32>
        %add3A_1306 = arith.addi %add3A_1286, %broadcast_in_dim3A_366 : vector<16xi32>
        %add3A_1307 = arith.addi %add3A_1287, %broadcast_in_dim3A_366 : vector<16xi32>
        %add3A_1308 = arith.addi %add3A_1288, %broadcast_in_dim3A_366 : vector<16xi32>
        %gather3A_1309 = tpu.vector_load_idx %arg29[%broadcast_in_dim3A, %add3A_350, %add3A_1303] : memref<2x64x128xf32, #tpu.memory_space<vmem>>[vector<16xi32>, vector<16xi32>, vector<16xi32>], vector<16xf32>,
        %gather3A_1310 = tpu.vector_load_idx %arg30[%broadcast_in_dim3A, %add3A_350, %add3A_1304] : memref<2x64x128xf32, #tpu.memory_space<vmem>>[vector<16xi32>, vector<16xi32>, vector<16xi32>], vector<16xf32>,
        %gather3A_1311 = tpu.vector_load_idx %arg31[%broadcast_in_dim3A, %add3A_350, %add3A_1305] : memref<2x64x128xf32, #tpu.memory_space<vmem>>[vector<16xi32>, vector<16xi32>, vector<16xi32>], vector<16xf32>,
        %gather3A_1312 = tpu.vector_load_idx %arg32[%broadcast_in_dim3A, %add3A_350, %add3A_1306] : memref<2x64x128xf32, #tpu.memory_space<vmem>>[vector<16xi32>, vector<16xi32>, vector<16xi32>], vector<16xf32>,
        %gather3A_1313 = tpu.vector_load_idx %arg33[%broadcast_in_dim3A, %add3A_350, %add3A_1307] : memref<2x64x128xf32, #tpu.memory_space<vmem>>[vector<16xi32>, vector<16xi32>, vector<16xi32>], vector<16xf32>,
        %gather3A_1314 = tpu.vector_load_idx %arg34[%broadcast_in_dim3A, %add3A_350, %add3A_1308] : memref<2x64x128xf32, #tpu.memory_space<vmem>>[vector<16xi32>, vector<16xi32>, vector<16xi32>], vector<16xf32>,
        %add3A_1315 = arith.addf %gather3A_1309, %gather3A_1310 : vector<16xf32>
        %sub3A_1316 = arith.subf %add3A_1315, %gather3A_1311 : vector<16xf32>
        %add3A_1317 = arith.addf %gather3A_1312, %gather3A_1313 : vector<16xf32>
        %sub3A_1318 = arith.subf %add3A_1317, %gather3A_1314 : vector<16xf32>
        %mul3A_1319 = arith.mulf %sub3A_1316, %sub3A_1316 : vector<16xf32>
        %add3A_1320 = arith.addf %add3A_1300, %mul3A_1319 : vector<16xf32>
        %mul3A_1321 = arith.mulf %sub3A_1318, %sub3A_1318 : vector<16xf32>
        %add3A_1322 = arith.addf %add3A_1302, %mul3A_1321 : vector<16xf32>
        %add3A_1323 = arith.addi %add3A_1303, %broadcast_in_dim3A_366 : vector<16xi32>
        %add3A_1324 = arith.addi %add3A_1304, %broadcast_in_dim3A_366 : vector<16xi32>
        %add3A_1325 = arith.addi %add3A_1305, %broadcast_in_dim3A_366 : vector<16xi32>
        %add3A_1326 = arith.addi %add3A_1306, %broadcast_in_dim3A_366 : vector<16xi32>
        %add3A_1327 = arith.addi %add3A_1307, %broadcast_in_dim3A_366 : vector<16xi32>
        %add3A_1328 = arith.addi %add3A_1308, %broadcast_in_dim3A_366 : vector<16xi32>
        %gather3A_1329 = tpu.vector_load_idx %arg29[%broadcast_in_dim3A, %add3A_350, %add3A_1323] : memref<2x64x128xf32, #tpu.memory_space<vmem>>[vector<16xi32>, vector<16xi32>, vector<16xi32>], vector<16xf32>,
        %gather3A_1330 = tpu.vector_load_idx %arg30[%broadcast_in_dim3A, %add3A_350, %add3A_1324] : memref<2x64x128xf32, #tpu.memory_space<vmem>>[vector<16xi32>, vector<16xi32>, vector<16xi32>], vector<16xf32>,
        %gather3A_1331 = tpu.vector_load_idx %arg31[%broadcast_in_dim3A, %add3A_350, %add3A_1325] : memref<2x64x128xf32, #tpu.memory_space<vmem>>[vector<16xi32>, vector<16xi32>, vector<16xi32>], vector<16xf32>,
        %gather3A_1332 = tpu.vector_load_idx %arg32[%broadcast_in_dim3A, %add3A_350, %add3A_1326] : memref<2x64x128xf32, #tpu.memory_space<vmem>>[vector<16xi32>, vector<16xi32>, vector<16xi32>], vector<16xf32>,
        %gather3A_1333 = tpu.vector_load_idx %arg33[%broadcast_in_dim3A, %add3A_350, %add3A_1327] : memref<2x64x128xf32, #tpu.memory_space<vmem>>[vector<16xi32>, vector<16xi32>, vector<16xi32>], vector<16xf32>,
        %gather3A_1334 = tpu.vector_load_idx %arg34[%broadcast_in_dim3A, %add3A_350, %add3A_1328] : memref<2x64x128xf32, #tpu.memory_space<vmem>>[vector<16xi32>, vector<16xi32>, vector<16xi32>], vector<16xf32>,
        %add3A_1335 = arith.addf %gather3A_1329, %gather3A_1330 : vector<16xf32>
        %sub3A_1336 = arith.subf %add3A_1335, %gather3A_1331 : vector<16xf32>
        %add3A_1337 = arith.addf %gather3A_1332, %gather3A_1333 : vector<16xf32>
        %sub3A_1338 = arith.subf %add3A_1337, %gather3A_1334 : vector<16xf32>
        %mul3A_1339 = arith.mulf %sub3A_1336, %sub3A_1336 : vector<16xf32>
        %add3A_1340 = arith.addf %add3A_1320, %mul3A_1339 : vector<16xf32>
        %mul3A_1341 = arith.mulf %sub3A_1338, %sub3A_1338 : vector<16xf32>
        %add3A_1342 = arith.addf %add3A_1322, %mul3A_1341 : vector<16xf32>
        %add3A_1343 = arith.addi %add3A_1323, %broadcast_in_dim3A_366 : vector<16xi32>
        %add3A_1344 = arith.addi %add3A_1324, %broadcast_in_dim3A_366 : vector<16xi32>
        %add3A_1345 = arith.addi %add3A_1325, %broadcast_in_dim3A_366 : vector<16xi32>
        %add3A_1346 = arith.addi %add3A_1326, %broadcast_in_dim3A_366 : vector<16xi32>
        %add3A_1347 = arith.addi %add3A_1327, %broadcast_in_dim3A_366 : vector<16xi32>
        %add3A_1348 = arith.addi %add3A_1328, %broadcast_in_dim3A_366 : vector<16xi32>
        %gather3A_1349 = tpu.vector_load_idx %arg29[%broadcast_in_dim3A, %add3A_350, %add3A_1343] : memref<2x64x128xf32, #tpu.memory_space<vmem>>[vector<16xi32>, vector<16xi32>, vector<16xi32>], vector<16xf32>,
        %gather3A_1350 = tpu.vector_load_idx %arg30[%broadcast_in_dim3A, %add3A_350, %add3A_1344] : memref<2x64x128xf32, #tpu.memory_space<vmem>>[vector<16xi32>, vector<16xi32>, vector<16xi32>], vector<16xf32>,
        %gather3A_1351 = tpu.vector_load_idx %arg31[%broadcast_in_dim3A, %add3A_350, %add3A_1345] : memref<2x64x128xf32, #tpu.memory_space<vmem>>[vector<16xi32>, vector<16xi32>, vector<16xi32>], vector<16xf32>,
        %gather3A_1352 = tpu.vector_load_idx %arg32[%broadcast_in_dim3A, %add3A_350, %add3A_1346] : memref<2x64x128xf32, #tpu.memory_space<vmem>>[vector<16xi32>, vector<16xi32>, vector<16xi32>], vector<16xf32>,
        %gather3A_1353 = tpu.vector_load_idx %arg33[%broadcast_in_dim3A, %add3A_350, %add3A_1347] : memref<2x64x128xf32, #tpu.memory_space<vmem>>[vector<16xi32>, vector<16xi32>, vector<16xi32>], vector<16xf32>,
        %gather3A_1354 = tpu.vector_load_idx %arg34[%broadcast_in_dim3A, %add3A_350, %add3A_1348] : memref<2x64x128xf32, #tpu.memory_space<vmem>>[vector<16xi32>, vector<16xi32>, vector<16xi32>], vector<16xf32>,
        %add3A_1355 = arith.addf %gather3A_1349, %gather3A_1350 : vector<16xf32>
        %sub3A_1356 = arith.subf %add3A_1355, %gather3A_1351 : vector<16xf32>
        %add3A_1357 = arith.addf %gather3A_1352, %gather3A_1353 : vector<16xf32>
        %sub3A_1358 = arith.subf %add3A_1357, %gather3A_1354 : vector<16xf32>
        %mul3A_1359 = arith.mulf %sub3A_1356, %sub3A_1356 : vector<16xf32>
        %add3A_1360 = arith.addf %add3A_1340, %mul3A_1359 : vector<16xf32>
        %mul3A_1361 = arith.mulf %sub3A_1358, %sub3A_1358 : vector<16xf32>
        %add3A_1362 = arith.addf %add3A_1342, %mul3A_1361 : vector<16xf32>
        %add3A_1363 = arith.addi %add3A_1343, %broadcast_in_dim3A_366 : vector<16xi32>
        %add3A_1364 = arith.addi %add3A_1344, %broadcast_in_dim3A_366 : vector<16xi32>
        %add3A_1365 = arith.addi %add3A_1345, %broadcast_in_dim3A_366 : vector<16xi32>
        %add3A_1366 = arith.addi %add3A_1346, %broadcast_in_dim3A_366 : vector<16xi32>
        %add3A_1367 = arith.addi %add3A_1347, %broadcast_in_dim3A_366 : vector<16xi32>
        %add3A_1368 = arith.addi %add3A_1348, %broadcast_in_dim3A_366 : vector<16xi32>
        %gather3A_1369 = tpu.vector_load_idx %arg29[%broadcast_in_dim3A, %add3A_350, %add3A_1363] : memref<2x64x128xf32, #tpu.memory_space<vmem>>[vector<16xi32>, vector<16xi32>, vector<16xi32>], vector<16xf32>,
        %gather3A_1370 = tpu.vector_load_idx %arg30[%broadcast_in_dim3A, %add3A_350, %add3A_1364] : memref<2x64x128xf32, #tpu.memory_space<vmem>>[vector<16xi32>, vector<16xi32>, vector<16xi32>], vector<16xf32>,
        %gather3A_1371 = tpu.vector_load_idx %arg31[%broadcast_in_dim3A, %add3A_350, %add3A_1365] : memref<2x64x128xf32, #tpu.memory_space<vmem>>[vector<16xi32>, vector<16xi32>, vector<16xi32>], vector<16xf32>,
        %gather3A_1372 = tpu.vector_load_idx %arg32[%broadcast_in_dim3A, %add3A_350, %add3A_1366] : memref<2x64x128xf32, #tpu.memory_space<vmem>>[vector<16xi32>, vector<16xi32>, vector<16xi32>], vector<16xf32>,
        %gather3A_1373 = tpu.vector_load_idx %arg33[%broadcast_in_dim3A, %add3A_350, %add3A_1367] : memref<2x64x128xf32, #tpu.memory_space<vmem>>[vector<16xi32>, vector<16xi32>, vector<16xi32>], vector<16xf32>,
        %gather3A_1374 = tpu.vector_load_idx %arg34[%broadcast_in_dim3A, %add3A_350, %add3A_1368] : memref<2x64x128xf32, #tpu.memory_space<vmem>>[vector<16xi32>, vector<16xi32>, vector<16xi32>], vector<16xf32>,
        %add3A_1375 = arith.addf %gather3A_1369, %gather3A_1370 : vector<16xf32>
        %sub3A_1376 = arith.subf %add3A_1375, %gather3A_1371 : vector<16xf32>
        %add3A_1377 = arith.addf %gather3A_1372, %gather3A_1373 : vector<16xf32>
        %sub3A_1378 = arith.subf %add3A_1377, %gather3A_1374 : vector<16xf32>
        %mul3A_1379 = arith.mulf %sub3A_1376, %sub3A_1376 : vector<16xf32>
        %add3A_1380 = arith.addf %add3A_1360, %mul3A_1379 : vector<16xf32>
        %mul3A_1381 = arith.mulf %sub3A_1378, %sub3A_1378 : vector<16xf32>
        %add3A_1382 = arith.addf %add3A_1362, %mul3A_1381 : vector<16xf32>
        %add3A_1383 = arith.addi %add3A_1363, %broadcast_in_dim3A_366 : vector<16xi32>
        %add3A_1384 = arith.addi %add3A_1364, %broadcast_in_dim3A_366 : vector<16xi32>
        %add3A_1385 = arith.addi %add3A_1365, %broadcast_in_dim3A_366 : vector<16xi32>
        %add3A_1386 = arith.addi %add3A_1366, %broadcast_in_dim3A_366 : vector<16xi32>
        %add3A_1387 = arith.addi %add3A_1367, %broadcast_in_dim3A_366 : vector<16xi32>
        %add3A_1388 = arith.addi %add3A_1368, %broadcast_in_dim3A_366 : vector<16xi32>
        %gather3A_1389 = tpu.vector_load_idx %arg29[%broadcast_in_dim3A, %add3A_350, %add3A_1383] : memref<2x64x128xf32, #tpu.memory_space<vmem>>[vector<16xi32>, vector<16xi32>, vector<16xi32>], vector<16xf32>,
        %gather3A_1390 = tpu.vector_load_idx %arg30[%broadcast_in_dim3A, %add3A_350, %add3A_1384] : memref<2x64x128xf32, #tpu.memory_space<vmem>>[vector<16xi32>, vector<16xi32>, vector<16xi32>], vector<16xf32>,
        %gather3A_1391 = tpu.vector_load_idx %arg31[%broadcast_in_dim3A, %add3A_350, %add3A_1385] : memref<2x64x128xf32, #tpu.memory_space<vmem>>[vector<16xi32>, vector<16xi32>, vector<16xi32>], vector<16xf32>,
        %gather3A_1392 = tpu.vector_load_idx %arg32[%broadcast_in_dim3A, %add3A_350, %add3A_1386] : memref<2x64x128xf32, #tpu.memory_space<vmem>>[vector<16xi32>, vector<16xi32>, vector<16xi32>], vector<16xf32>,
        %gather3A_1393 = tpu.vector_load_idx %arg33[%broadcast_in_dim3A, %add3A_350, %add3A_1387] : memref<2x64x128xf32, #tpu.memory_space<vmem>>[vector<16xi32>, vector<16xi32>, vector<16xi32>], vector<16xf32>,
        %gather3A_1394 = tpu.vector_load_idx %arg34[%broadcast_in_dim3A, %add3A_350, %add3A_1388] : memref<2x64x128xf32, #tpu.memory_space<vmem>>[vector<16xi32>, vector<16xi32>, vector<16xi32>], vector<16xf32>,
        %add3A_1395 = arith.addf %gather3A_1389, %gather3A_1390 : vector<16xf32>
        %sub3A_1396 = arith.subf %add3A_1395, %gather3A_1391 : vector<16xf32>
        %add3A_1397 = arith.addf %gather3A_1392, %gather3A_1393 : vector<16xf32>
        %sub3A_1398 = arith.subf %add3A_1397, %gather3A_1394 : vector<16xf32>
        %mul3A_1399 = arith.mulf %sub3A_1396, %sub3A_1396 : vector<16xf32>
        %add3A_1400 = arith.addf %add3A_1380, %mul3A_1399 : vector<16xf32>
        %mul3A_1401 = arith.mulf %sub3A_1398, %sub3A_1398 : vector<16xf32>
        %add3A_1402 = arith.addf %add3A_1382, %mul3A_1401 : vector<16xf32>
        %add3A_1403 = arith.addi %add3A_1383, %broadcast_in_dim3A_366 : vector<16xi32>
        %add3A_1404 = arith.addi %add3A_1384, %broadcast_in_dim3A_366 : vector<16xi32>
        %add3A_1405 = arith.addi %add3A_1385, %broadcast_in_dim3A_366 : vector<16xi32>
        %add3A_1406 = arith.addi %add3A_1386, %broadcast_in_dim3A_366 : vector<16xi32>
        %add3A_1407 = arith.addi %add3A_1387, %broadcast_in_dim3A_366 : vector<16xi32>
        %add3A_1408 = arith.addi %add3A_1388, %broadcast_in_dim3A_366 : vector<16xi32>
        %gather3A_1409 = tpu.vector_load_idx %arg29[%broadcast_in_dim3A, %add3A_350, %add3A_1403] : memref<2x64x128xf32, #tpu.memory_space<vmem>>[vector<16xi32>, vector<16xi32>, vector<16xi32>], vector<16xf32>,
        %gather3A_1410 = tpu.vector_load_idx %arg30[%broadcast_in_dim3A, %add3A_350, %add3A_1404] : memref<2x64x128xf32, #tpu.memory_space<vmem>>[vector<16xi32>, vector<16xi32>, vector<16xi32>], vector<16xf32>,
        %gather3A_1411 = tpu.vector_load_idx %arg31[%broadcast_in_dim3A, %add3A_350, %add3A_1405] : memref<2x64x128xf32, #tpu.memory_space<vmem>>[vector<16xi32>, vector<16xi32>, vector<16xi32>], vector<16xf32>,
        %gather3A_1412 = tpu.vector_load_idx %arg32[%broadcast_in_dim3A, %add3A_350, %add3A_1406] : memref<2x64x128xf32, #tpu.memory_space<vmem>>[vector<16xi32>, vector<16xi32>, vector<16xi32>], vector<16xf32>,
        %gather3A_1413 = tpu.vector_load_idx %arg33[%broadcast_in_dim3A, %add3A_350, %add3A_1407] : memref<2x64x128xf32, #tpu.memory_space<vmem>>[vector<16xi32>, vector<16xi32>, vector<16xi32>], vector<16xf32>,
        %gather3A_1414 = tpu.vector_load_idx %arg34[%broadcast_in_dim3A, %add3A_350, %add3A_1408] : memref<2x64x128xf32, #tpu.memory_space<vmem>>[vector<16xi32>, vector<16xi32>, vector<16xi32>], vector<16xf32>,
        %add3A_1415 = arith.addf %gather3A_1409, %gather3A_1410 : vector<16xf32>
        %sub3A_1416 = arith.subf %add3A_1415, %gather3A_1411 : vector<16xf32>
        %add3A_1417 = arith.addf %gather3A_1412, %gather3A_1413 : vector<16xf32>
        %sub3A_1418 = arith.subf %add3A_1417, %gather3A_1414 : vector<16xf32>
        %mul3A_1419 = arith.mulf %sub3A_1416, %sub3A_1416 : vector<16xf32>
        %add3A_1420 = arith.addf %add3A_1400, %mul3A_1419 : vector<16xf32>
        %mul3A_1421 = arith.mulf %sub3A_1418, %sub3A_1418 : vector<16xf32>
        %add3A_1422 = arith.addf %add3A_1402, %mul3A_1421 : vector<16xf32>
        %add3A_1423 = arith.addi %add3A_1403, %broadcast_in_dim3A_366 : vector<16xi32>
        %add3A_1424 = arith.addi %add3A_1404, %broadcast_in_dim3A_366 : vector<16xi32>
        %add3A_1425 = arith.addi %add3A_1405, %broadcast_in_dim3A_366 : vector<16xi32>
        %add3A_1426 = arith.addi %add3A_1406, %broadcast_in_dim3A_366 : vector<16xi32>
        %add3A_1427 = arith.addi %add3A_1407, %broadcast_in_dim3A_366 : vector<16xi32>
        %add3A_1428 = arith.addi %add3A_1408, %broadcast_in_dim3A_366 : vector<16xi32>
        %gather3A_1429 = tpu.vector_load_idx %arg29[%broadcast_in_dim3A, %add3A_350, %add3A_1423] : memref<2x64x128xf32, #tpu.memory_space<vmem>>[vector<16xi32>, vector<16xi32>, vector<16xi32>], vector<16xf32>,
        %gather3A_1430 = tpu.vector_load_idx %arg30[%broadcast_in_dim3A, %add3A_350, %add3A_1424] : memref<2x64x128xf32, #tpu.memory_space<vmem>>[vector<16xi32>, vector<16xi32>, vector<16xi32>], vector<16xf32>,
        %gather3A_1431 = tpu.vector_load_idx %arg31[%broadcast_in_dim3A, %add3A_350, %add3A_1425] : memref<2x64x128xf32, #tpu.memory_space<vmem>>[vector<16xi32>, vector<16xi32>, vector<16xi32>], vector<16xf32>,
        %gather3A_1432 = tpu.vector_load_idx %arg32[%broadcast_in_dim3A, %add3A_350, %add3A_1426] : memref<2x64x128xf32, #tpu.memory_space<vmem>>[vector<16xi32>, vector<16xi32>, vector<16xi32>], vector<16xf32>,
        %gather3A_1433 = tpu.vector_load_idx %arg33[%broadcast_in_dim3A, %add3A_350, %add3A_1427] : memref<2x64x128xf32, #tpu.memory_space<vmem>>[vector<16xi32>, vector<16xi32>, vector<16xi32>], vector<16xf32>,
        %gather3A_1434 = tpu.vector_load_idx %arg34[%broadcast_in_dim3A, %add3A_350, %add3A_1428] : memref<2x64x128xf32, #tpu.memory_space<vmem>>[vector<16xi32>, vector<16xi32>, vector<16xi32>], vector<16xf32>,
        %add3A_1435 = arith.addf %gather3A_1429, %gather3A_1430 : vector<16xf32>
        %sub3A_1436 = arith.subf %add3A_1435, %gather3A_1431 : vector<16xf32>
        %add3A_1437 = arith.addf %gather3A_1432, %gather3A_1433 : vector<16xf32>
        %sub3A_1438 = arith.subf %add3A_1437, %gather3A_1434 : vector<16xf32>
        %mul3A_1439 = arith.mulf %sub3A_1436, %sub3A_1436 : vector<16xf32>
        %add3A_1440 = arith.addf %add3A_1420, %mul3A_1439 : vector<16xf32>
        %mul3A_1441 = arith.mulf %sub3A_1438, %sub3A_1438 : vector<16xf32>
        %add3A_1442 = arith.addf %add3A_1422, %mul3A_1441 : vector<16xf32>
        %add3A_1443 = arith.addi %add3A_1423, %broadcast_in_dim3A_366 : vector<16xi32>
        %add3A_1444 = arith.addi %add3A_1424, %broadcast_in_dim3A_366 : vector<16xi32>
        %add3A_1445 = arith.addi %add3A_1425, %broadcast_in_dim3A_366 : vector<16xi32>
        %add3A_1446 = arith.addi %add3A_1426, %broadcast_in_dim3A_366 : vector<16xi32>
        %add3A_1447 = arith.addi %add3A_1427, %broadcast_in_dim3A_366 : vector<16xi32>
        %add3A_1448 = arith.addi %add3A_1428, %broadcast_in_dim3A_366 : vector<16xi32>
        %gather3A_1449 = tpu.vector_load_idx %arg29[%broadcast_in_dim3A, %add3A_350, %add3A_1443] : memref<2x64x128xf32, #tpu.memory_space<vmem>>[vector<16xi32>, vector<16xi32>, vector<16xi32>], vector<16xf32>,
        %gather3A_1450 = tpu.vector_load_idx %arg30[%broadcast_in_dim3A, %add3A_350, %add3A_1444] : memref<2x64x128xf32, #tpu.memory_space<vmem>>[vector<16xi32>, vector<16xi32>, vector<16xi32>], vector<16xf32>,
        %gather3A_1451 = tpu.vector_load_idx %arg31[%broadcast_in_dim3A, %add3A_350, %add3A_1445] : memref<2x64x128xf32, #tpu.memory_space<vmem>>[vector<16xi32>, vector<16xi32>, vector<16xi32>], vector<16xf32>,
        %gather3A_1452 = tpu.vector_load_idx %arg32[%broadcast_in_dim3A, %add3A_350, %add3A_1446] : memref<2x64x128xf32, #tpu.memory_space<vmem>>[vector<16xi32>, vector<16xi32>, vector<16xi32>], vector<16xf32>,
        %gather3A_1453 = tpu.vector_load_idx %arg33[%broadcast_in_dim3A, %add3A_350, %add3A_1447] : memref<2x64x128xf32, #tpu.memory_space<vmem>>[vector<16xi32>, vector<16xi32>, vector<16xi32>], vector<16xf32>,
        %gather3A_1454 = tpu.vector_load_idx %arg34[%broadcast_in_dim3A, %add3A_350, %add3A_1448] : memref<2x64x128xf32, #tpu.memory_space<vmem>>[vector<16xi32>, vector<16xi32>, vector<16xi32>], vector<16xf32>,
        %add3A_1455 = arith.addf %gather3A_1449, %gather3A_1450 : vector<16xf32>
        %sub3A_1456 = arith.subf %add3A_1455, %gather3A_1451 : vector<16xf32>
        %add3A_1457 = arith.addf %gather3A_1452, %gather3A_1453 : vector<16xf32>
        %sub3A_1458 = arith.subf %add3A_1457, %gather3A_1454 : vector<16xf32>
        %mul3A_1459 = arith.mulf %sub3A_1456, %sub3A_1456 : vector<16xf32>
        %add3A_1460 = arith.addf %add3A_1440, %mul3A_1459 : vector<16xf32>
        %mul3A_1461 = arith.mulf %sub3A_1458, %sub3A_1458 : vector<16xf32>
        %add3A_1462 = arith.addf %add3A_1442, %mul3A_1461 : vector<16xf32>
        %add3A_1463 = arith.addi %add3A_1443, %broadcast_in_dim3A_366 : vector<16xi32>
        %add3A_1464 = arith.addi %add3A_1444, %broadcast_in_dim3A_366 : vector<16xi32>
        %add3A_1465 = arith.addi %add3A_1445, %broadcast_in_dim3A_366 : vector<16xi32>
        %add3A_1466 = arith.addi %add3A_1446, %broadcast_in_dim3A_366 : vector<16xi32>
        %add3A_1467 = arith.addi %add3A_1447, %broadcast_in_dim3A_366 : vector<16xi32>
        %add3A_1468 = arith.addi %add3A_1448, %broadcast_in_dim3A_366 : vector<16xi32>
        %gather3A_1469 = tpu.vector_load_idx %arg29[%broadcast_in_dim3A, %add3A_350, %add3A_1463] : memref<2x64x128xf32, #tpu.memory_space<vmem>>[vector<16xi32>, vector<16xi32>, vector<16xi32>], vector<16xf32>,
        %gather3A_1470 = tpu.vector_load_idx %arg30[%broadcast_in_dim3A, %add3A_350, %add3A_1464] : memref<2x64x128xf32, #tpu.memory_space<vmem>>[vector<16xi32>, vector<16xi32>, vector<16xi32>], vector<16xf32>,
        %gather3A_1471 = tpu.vector_load_idx %arg31[%broadcast_in_dim3A, %add3A_350, %add3A_1465] : memref<2x64x128xf32, #tpu.memory_space<vmem>>[vector<16xi32>, vector<16xi32>, vector<16xi32>], vector<16xf32>,
        %gather3A_1472 = tpu.vector_load_idx %arg32[%broadcast_in_dim3A, %add3A_350, %add3A_1466] : memref<2x64x128xf32, #tpu.memory_space<vmem>>[vector<16xi32>, vector<16xi32>, vector<16xi32>], vector<16xf32>,
        %gather3A_1473 = tpu.vector_load_idx %arg33[%broadcast_in_dim3A, %add3A_350, %add3A_1467] : memref<2x64x128xf32, #tpu.memory_space<vmem>>[vector<16xi32>, vector<16xi32>, vector<16xi32>], vector<16xf32>,
        %gather3A_1474 = tpu.vector_load_idx %arg34[%broadcast_in_dim3A, %add3A_350, %add3A_1468] : memref<2x64x128xf32, #tpu.memory_space<vmem>>[vector<16xi32>, vector<16xi32>, vector<16xi32>], vector<16xf32>,
        %add3A_1475 = arith.addf %gather3A_1469, %gather3A_1470 : vector<16xf32>
        %sub3A_1476 = arith.subf %add3A_1475, %gather3A_1471 : vector<16xf32>
        %add3A_1477 = arith.addf %gather3A_1472, %gather3A_1473 : vector<16xf32>
        %sub3A_1478 = arith.subf %add3A_1477, %gather3A_1474 : vector<16xf32>
        %mul3A_1479 = arith.mulf %sub3A_1476, %sub3A_1476 : vector<16xf32>
        %add3A_1480 = arith.addf %add3A_1460, %mul3A_1479 : vector<16xf32>
        %mul3A_1481 = arith.mulf %sub3A_1478, %sub3A_1478 : vector<16xf32>
        %add3A_1482 = arith.addf %add3A_1462, %mul3A_1481 : vector<16xf32>
        %add3A_1483 = arith.addi %add3A_1463, %broadcast_in_dim3A_366 : vector<16xi32>
        %add3A_1484 = arith.addi %add3A_1464, %broadcast_in_dim3A_366 : vector<16xi32>
        %add3A_1485 = arith.addi %add3A_1465, %broadcast_in_dim3A_366 : vector<16xi32>
        %add3A_1486 = arith.addi %add3A_1466, %broadcast_in_dim3A_366 : vector<16xi32>
        %add3A_1487 = arith.addi %add3A_1467, %broadcast_in_dim3A_366 : vector<16xi32>
        %add3A_1488 = arith.addi %add3A_1468, %broadcast_in_dim3A_366 : vector<16xi32>
        %gather3A_1489 = tpu.vector_load_idx %arg29[%broadcast_in_dim3A, %add3A_350, %add3A_1483] : memref<2x64x128xf32, #tpu.memory_space<vmem>>[vector<16xi32>, vector<16xi32>, vector<16xi32>], vector<16xf32>,
        %gather3A_1490 = tpu.vector_load_idx %arg30[%broadcast_in_dim3A, %add3A_350, %add3A_1484] : memref<2x64x128xf32, #tpu.memory_space<vmem>>[vector<16xi32>, vector<16xi32>, vector<16xi32>], vector<16xf32>,
        %gather3A_1491 = tpu.vector_load_idx %arg31[%broadcast_in_dim3A, %add3A_350, %add3A_1485] : memref<2x64x128xf32, #tpu.memory_space<vmem>>[vector<16xi32>, vector<16xi32>, vector<16xi32>], vector<16xf32>,
        %gather3A_1492 = tpu.vector_load_idx %arg32[%broadcast_in_dim3A, %add3A_350, %add3A_1486] : memref<2x64x128xf32, #tpu.memory_space<vmem>>[vector<16xi32>, vector<16xi32>, vector<16xi32>], vector<16xf32>,
        %gather3A_1493 = tpu.vector_load_idx %arg33[%broadcast_in_dim3A, %add3A_350, %add3A_1487] : memref<2x64x128xf32, #tpu.memory_space<vmem>>[vector<16xi32>, vector<16xi32>, vector<16xi32>], vector<16xf32>,
        %gather3A_1494 = tpu.vector_load_idx %arg34[%broadcast_in_dim3A, %add3A_350, %add3A_1488] : memref<2x64x128xf32, #tpu.memory_space<vmem>>[vector<16xi32>, vector<16xi32>, vector<16xi32>], vector<16xf32>,
        %add3A_1495 = arith.addf %gather3A_1489, %gather3A_1490 : vector<16xf32>
        %sub3A_1496 = arith.subf %add3A_1495, %gather3A_1491 : vector<16xf32>
        %add3A_1497 = arith.addf %gather3A_1492, %gather3A_1493 : vector<16xf32>
        %sub3A_1498 = arith.subf %add3A_1497, %gather3A_1494 : vector<16xf32>
        %mul3A_1499 = arith.mulf %sub3A_1496, %sub3A_1496 : vector<16xf32>
        %add3A_1500 = arith.addf %add3A_1480, %mul3A_1499 : vector<16xf32>
        %mul3A_1501 = arith.mulf %sub3A_1498, %sub3A_1498 : vector<16xf32>
        %add3A_1502 = arith.addf %add3A_1482, %mul3A_1501 : vector<16xf32>
        %add3A_1503 = arith.addi %add3A_1483, %broadcast_in_dim3A_366 : vector<16xi32>
        %add3A_1504 = arith.addi %add3A_1484, %broadcast_in_dim3A_366 : vector<16xi32>
        %add3A_1505 = arith.addi %add3A_1485, %broadcast_in_dim3A_366 : vector<16xi32>
        %add3A_1506 = arith.addi %add3A_1486, %broadcast_in_dim3A_366 : vector<16xi32>
        %add3A_1507 = arith.addi %add3A_1487, %broadcast_in_dim3A_366 : vector<16xi32>
        %add3A_1508 = arith.addi %add3A_1488, %broadcast_in_dim3A_366 : vector<16xi32>
        %gather3A_1509 = tpu.vector_load_idx %arg29[%broadcast_in_dim3A, %add3A_350, %add3A_1503] : memref<2x64x128xf32, #tpu.memory_space<vmem>>[vector<16xi32>, vector<16xi32>, vector<16xi32>], vector<16xf32>,
        %gather3A_1510 = tpu.vector_load_idx %arg30[%broadcast_in_dim3A, %add3A_350, %add3A_1504] : memref<2x64x128xf32, #tpu.memory_space<vmem>>[vector<16xi32>, vector<16xi32>, vector<16xi32>], vector<16xf32>,
        %gather3A_1511 = tpu.vector_load_idx %arg31[%broadcast_in_dim3A, %add3A_350, %add3A_1505] : memref<2x64x128xf32, #tpu.memory_space<vmem>>[vector<16xi32>, vector<16xi32>, vector<16xi32>], vector<16xf32>,
        %gather3A_1512 = tpu.vector_load_idx %arg32[%broadcast_in_dim3A, %add3A_350, %add3A_1506] : memref<2x64x128xf32, #tpu.memory_space<vmem>>[vector<16xi32>, vector<16xi32>, vector<16xi32>], vector<16xf32>,
        %gather3A_1513 = tpu.vector_load_idx %arg33[%broadcast_in_dim3A, %add3A_350, %add3A_1507] : memref<2x64x128xf32, #tpu.memory_space<vmem>>[vector<16xi32>, vector<16xi32>, vector<16xi32>], vector<16xf32>,
        %gather3A_1514 = tpu.vector_load_idx %arg34[%broadcast_in_dim3A, %add3A_350, %add3A_1508] : memref<2x64x128xf32, #tpu.memory_space<vmem>>[vector<16xi32>, vector<16xi32>, vector<16xi32>], vector<16xf32>,
        %add3A_1515 = arith.addf %gather3A_1509, %gather3A_1510 : vector<16xf32>
        %sub3A_1516 = arith.subf %add3A_1515, %gather3A_1511 : vector<16xf32>
        %add3A_1517 = arith.addf %gather3A_1512, %gather3A_1513 : vector<16xf32>
        %sub3A_1518 = arith.subf %add3A_1517, %gather3A_1514 : vector<16xf32>
        %mul3A_1519 = arith.mulf %sub3A_1516, %sub3A_1516 : vector<16xf32>
        %add3A_1520 = arith.addf %add3A_1500, %mul3A_1519 : vector<16xf32>
        %mul3A_1521 = arith.mulf %sub3A_1518, %sub3A_1518 : vector<16xf32>
        %add3A_1522 = arith.addf %add3A_1502, %mul3A_1521 : vector<16xf32>
        %add3A_1523 = arith.addi %add3A_1503, %broadcast_in_dim3A_366 : vector<16xi32>
        %add3A_1524 = arith.addi %add3A_1504, %broadcast_in_dim3A_366 : vector<16xi32>
        %add3A_1525 = arith.addi %add3A_1505, %broadcast_in_dim3A_366 : vector<16xi32>
        %add3A_1526 = arith.addi %add3A_1506, %broadcast_in_dim3A_366 : vector<16xi32>
        %add3A_1527 = arith.addi %add3A_1507, %broadcast_in_dim3A_366 : vector<16xi32>
        %add3A_1528 = arith.addi %add3A_1508, %broadcast_in_dim3A_366 : vector<16xi32>
        %gather3A_1529 = tpu.vector_load_idx %arg29[%broadcast_in_dim3A, %add3A_350, %add3A_1523] : memref<2x64x128xf32, #tpu.memory_space<vmem>>[vector<16xi32>, vector<16xi32>, vector<16xi32>], vector<16xf32>,
        %gather3A_1530 = tpu.vector_load_idx %arg30[%broadcast_in_dim3A, %add3A_350, %add3A_1524] : memref<2x64x128xf32, #tpu.memory_space<vmem>>[vector<16xi32>, vector<16xi32>, vector<16xi32>], vector<16xf32>,
        %gather3A_1531 = tpu.vector_load_idx %arg31[%broadcast_in_dim3A, %add3A_350, %add3A_1525] : memref<2x64x128xf32, #tpu.memory_space<vmem>>[vector<16xi32>, vector<16xi32>, vector<16xi32>], vector<16xf32>,
        %gather3A_1532 = tpu.vector_load_idx %arg32[%broadcast_in_dim3A, %add3A_350, %add3A_1526] : memref<2x64x128xf32, #tpu.memory_space<vmem>>[vector<16xi32>, vector<16xi32>, vector<16xi32>], vector<16xf32>,
        %gather3A_1533 = tpu.vector_load_idx %arg33[%broadcast_in_dim3A, %add3A_350, %add3A_1527] : memref<2x64x128xf32, #tpu.memory_space<vmem>>[vector<16xi32>, vector<16xi32>, vector<16xi32>], vector<16xf32>,
        %gather3A_1534 = tpu.vector_load_idx %arg34[%broadcast_in_dim3A, %add3A_350, %add3A_1528] : memref<2x64x128xf32, #tpu.memory_space<vmem>>[vector<16xi32>, vector<16xi32>, vector<16xi32>], vector<16xf32>,
        %add3A_1535 = arith.addf %gather3A_1529, %gather3A_1530 : vector<16xf32>
        %sub3A_1536 = arith.subf %add3A_1535, %gather3A_1531 : vector<16xf32>
        %add3A_1537 = arith.addf %gather3A_1532, %gather3A_1533 : vector<16xf32>
        %sub3A_1538 = arith.subf %add3A_1537, %gather3A_1534 : vector<16xf32>
        %mul3A_1539 = arith.mulf %sub3A_1536, %sub3A_1536 : vector<16xf32>
        %add3A_1540 = arith.addf %add3A_1520, %mul3A_1539 : vector<16xf32>
        %mul3A_1541 = arith.mulf %sub3A_1538, %sub3A_1538 : vector<16xf32>
        %add3A_1542 = arith.addf %add3A_1522, %mul3A_1541 : vector<16xf32>
        %add3A_1543 = arith.addi %add3A_1523, %broadcast_in_dim3A_366 : vector<16xi32>
        %add3A_1544 = arith.addi %add3A_1524, %broadcast_in_dim3A_366 : vector<16xi32>
        %add3A_1545 = arith.addi %add3A_1525, %broadcast_in_dim3A_366 : vector<16xi32>
        %add3A_1546 = arith.addi %add3A_1526, %broadcast_in_dim3A_366 : vector<16xi32>
        %add3A_1547 = arith.addi %add3A_1527, %broadcast_in_dim3A_366 : vector<16xi32>
        %add3A_1548 = arith.addi %add3A_1528, %broadcast_in_dim3A_366 : vector<16xi32>
        %gather3A_1549 = tpu.vector_load_idx %arg29[%broadcast_in_dim3A, %add3A_350, %add3A_1543] : memref<2x64x128xf32, #tpu.memory_space<vmem>>[vector<16xi32>, vector<16xi32>, vector<16xi32>], vector<16xf32>,
        %gather3A_1550 = tpu.vector_load_idx %arg30[%broadcast_in_dim3A, %add3A_350, %add3A_1544] : memref<2x64x128xf32, #tpu.memory_space<vmem>>[vector<16xi32>, vector<16xi32>, vector<16xi32>], vector<16xf32>,
        %gather3A_1551 = tpu.vector_load_idx %arg31[%broadcast_in_dim3A, %add3A_350, %add3A_1545] : memref<2x64x128xf32, #tpu.memory_space<vmem>>[vector<16xi32>, vector<16xi32>, vector<16xi32>], vector<16xf32>,
        %gather3A_1552 = tpu.vector_load_idx %arg32[%broadcast_in_dim3A, %add3A_350, %add3A_1546] : memref<2x64x128xf32, #tpu.memory_space<vmem>>[vector<16xi32>, vector<16xi32>, vector<16xi32>], vector<16xf32>,
        %gather3A_1553 = tpu.vector_load_idx %arg33[%broadcast_in_dim3A, %add3A_350, %add3A_1547] : memref<2x64x128xf32, #tpu.memory_space<vmem>>[vector<16xi32>, vector<16xi32>, vector<16xi32>], vector<16xf32>,
        %gather3A_1554 = tpu.vector_load_idx %arg34[%broadcast_in_dim3A, %add3A_350, %add3A_1548] : memref<2x64x128xf32, #tpu.memory_space<vmem>>[vector<16xi32>, vector<16xi32>, vector<16xi32>], vector<16xf32>,
        %add3A_1555 = arith.addf %gather3A_1549, %gather3A_1550 : vector<16xf32>
        %sub3A_1556 = arith.subf %add3A_1555, %gather3A_1551 : vector<16xf32>
        %add3A_1557 = arith.addf %gather3A_1552, %gather3A_1553 : vector<16xf32>
        %sub3A_1558 = arith.subf %add3A_1557, %gather3A_1554 : vector<16xf32>
        %mul3A_1559 = arith.mulf %sub3A_1556, %sub3A_1556 : vector<16xf32>
        %add3A_1560 = arith.addf %add3A_1540, %mul3A_1559 : vector<16xf32>
        %mul3A_1561 = arith.mulf %sub3A_1558, %sub3A_1558 : vector<16xf32>
        %add3A_1562 = arith.addf %add3A_1542, %mul3A_1561 : vector<16xf32>
        %add3A_1563 = arith.addi %add3A_1543, %broadcast_in_dim3A_366 : vector<16xi32>
        %add3A_1564 = arith.addi %add3A_1544, %broadcast_in_dim3A_366 : vector<16xi32>
        %add3A_1565 = arith.addi %add3A_1545, %broadcast_in_dim3A_366 : vector<16xi32>
        %add3A_1566 = arith.addi %add3A_1546, %broadcast_in_dim3A_366 : vector<16xi32>
        %add3A_1567 = arith.addi %add3A_1547, %broadcast_in_dim3A_366 : vector<16xi32>
        %add3A_1568 = arith.addi %add3A_1548, %broadcast_in_dim3A_366 : vector<16xi32>
        %gather3A_1569 = tpu.vector_load_idx %arg29[%broadcast_in_dim3A, %add3A_350, %add3A_1563] : memref<2x64x128xf32, #tpu.memory_space<vmem>>[vector<16xi32>, vector<16xi32>, vector<16xi32>], vector<16xf32>,
        %gather3A_1570 = tpu.vector_load_idx %arg30[%broadcast_in_dim3A, %add3A_350, %add3A_1564] : memref<2x64x128xf32, #tpu.memory_space<vmem>>[vector<16xi32>, vector<16xi32>, vector<16xi32>], vector<16xf32>,
        %gather3A_1571 = tpu.vector_load_idx %arg31[%broadcast_in_dim3A, %add3A_350, %add3A_1565] : memref<2x64x128xf32, #tpu.memory_space<vmem>>[vector<16xi32>, vector<16xi32>, vector<16xi32>], vector<16xf32>,
        %gather3A_1572 = tpu.vector_load_idx %arg32[%broadcast_in_dim3A, %add3A_350, %add3A_1566] : memref<2x64x128xf32, #tpu.memory_space<vmem>>[vector<16xi32>, vector<16xi32>, vector<16xi32>], vector<16xf32>,
        %gather3A_1573 = tpu.vector_load_idx %arg33[%broadcast_in_dim3A, %add3A_350, %add3A_1567] : memref<2x64x128xf32, #tpu.memory_space<vmem>>[vector<16xi32>, vector<16xi32>, vector<16xi32>], vector<16xf32>,
        %gather3A_1574 = tpu.vector_load_idx %arg34[%broadcast_in_dim3A, %add3A_350, %add3A_1568] : memref<2x64x128xf32, #tpu.memory_space<vmem>>[vector<16xi32>, vector<16xi32>, vector<16xi32>], vector<16xf32>,
        %add3A_1575 = arith.addf %gather3A_1569, %gather3A_1570 : vector<16xf32>
        %sub3A_1576 = arith.subf %add3A_1575, %gather3A_1571 : vector<16xf32>
        %add3A_1577 = arith.addf %gather3A_1572, %gather3A_1573 : vector<16xf32>
        %sub3A_1578 = arith.subf %add3A_1577, %gather3A_1574 : vector<16xf32>
        %mul3A_1579 = arith.mulf %sub3A_1576, %sub3A_1576 : vector<16xf32>
        %add3A_1580 = arith.addf %add3A_1560, %mul3A_1579 : vector<16xf32>
        %mul3A_1581 = arith.mulf %sub3A_1578, %sub3A_1578 : vector<16xf32>
        %add3A_1582 = arith.addf %add3A_1562, %mul3A_1581 : vector<16xf32>
        %add3A_1583 = arith.addi %add3A_1563, %broadcast_in_dim3A_366 : vector<16xi32>
        %add3A_1584 = arith.addi %add3A_1564, %broadcast_in_dim3A_366 : vector<16xi32>
        %add3A_1585 = arith.addi %add3A_1565, %broadcast_in_dim3A_366 : vector<16xi32>
        %add3A_1586 = arith.addi %add3A_1566, %broadcast_in_dim3A_366 : vector<16xi32>
        %add3A_1587 = arith.addi %add3A_1567, %broadcast_in_dim3A_366 : vector<16xi32>
        %add3A_1588 = arith.addi %add3A_1568, %broadcast_in_dim3A_366 : vector<16xi32>
        %gather3A_1589 = tpu.vector_load_idx %arg29[%broadcast_in_dim3A, %add3A_350, %add3A_1583] : memref<2x64x128xf32, #tpu.memory_space<vmem>>[vector<16xi32>, vector<16xi32>, vector<16xi32>], vector<16xf32>,
        %gather3A_1590 = tpu.vector_load_idx %arg30[%broadcast_in_dim3A, %add3A_350, %add3A_1584] : memref<2x64x128xf32, #tpu.memory_space<vmem>>[vector<16xi32>, vector<16xi32>, vector<16xi32>], vector<16xf32>,
        %gather3A_1591 = tpu.vector_load_idx %arg31[%broadcast_in_dim3A, %add3A_350, %add3A_1585] : memref<2x64x128xf32, #tpu.memory_space<vmem>>[vector<16xi32>, vector<16xi32>, vector<16xi32>], vector<16xf32>,
        %gather3A_1592 = tpu.vector_load_idx %arg32[%broadcast_in_dim3A, %add3A_350, %add3A_1586] : memref<2x64x128xf32, #tpu.memory_space<vmem>>[vector<16xi32>, vector<16xi32>, vector<16xi32>], vector<16xf32>,
        %gather3A_1593 = tpu.vector_load_idx %arg33[%broadcast_in_dim3A, %add3A_350, %add3A_1587] : memref<2x64x128xf32, #tpu.memory_space<vmem>>[vector<16xi32>, vector<16xi32>, vector<16xi32>], vector<16xf32>,
        %gather3A_1594 = tpu.vector_load_idx %arg34[%broadcast_in_dim3A, %add3A_350, %add3A_1588] : memref<2x64x128xf32, #tpu.memory_space<vmem>>[vector<16xi32>, vector<16xi32>, vector<16xi32>], vector<16xf32>,
        %add3A_1595 = arith.addf %gather3A_1589, %gather3A_1590 : vector<16xf32>
        %sub3A_1596 = arith.subf %add3A_1595, %gather3A_1591 : vector<16xf32>
        %add3A_1597 = arith.addf %gather3A_1592, %gather3A_1593 : vector<16xf32>
        %sub3A_1598 = arith.subf %add3A_1597, %gather3A_1594 : vector<16xf32>
        %mul3A_1599 = arith.mulf %sub3A_1596, %sub3A_1596 : vector<16xf32>
        %add3A_1600 = arith.addf %add3A_1580, %mul3A_1599 : vector<16xf32>
        %mul3A_1601 = arith.mulf %sub3A_1598, %sub3A_1598 : vector<16xf32>
        %add3A_1602 = arith.addf %add3A_1582, %mul3A_1601 : vector<16xf32>
        %add3A_1603 = arith.addi %add3A_1583, %broadcast_in_dim3A_366 : vector<16xi32>
        %add3A_1604 = arith.addi %add3A_1584, %broadcast_in_dim3A_366 : vector<16xi32>
        %add3A_1605 = arith.addi %add3A_1585, %broadcast_in_dim3A_366 : vector<16xi32>
        %add3A_1606 = arith.addi %add3A_1586, %broadcast_in_dim3A_366 : vector<16xi32>
        %add3A_1607 = arith.addi %add3A_1587, %broadcast_in_dim3A_366 : vector<16xi32>
        %add3A_1608 = arith.addi %add3A_1588, %broadcast_in_dim3A_366 : vector<16xi32>
        %gather3A_1609 = tpu.vector_load_idx %arg29[%broadcast_in_dim3A, %add3A_350, %add3A_1603] : memref<2x64x128xf32, #tpu.memory_space<vmem>>[vector<16xi32>, vector<16xi32>, vector<16xi32>], vector<16xf32>,
        %gather3A_1610 = tpu.vector_load_idx %arg30[%broadcast_in_dim3A, %add3A_350, %add3A_1604] : memref<2x64x128xf32, #tpu.memory_space<vmem>>[vector<16xi32>, vector<16xi32>, vector<16xi32>], vector<16xf32>,
        %gather3A_1611 = tpu.vector_load_idx %arg31[%broadcast_in_dim3A, %add3A_350, %add3A_1605] : memref<2x64x128xf32, #tpu.memory_space<vmem>>[vector<16xi32>, vector<16xi32>, vector<16xi32>], vector<16xf32>,
        %gather3A_1612 = tpu.vector_load_idx %arg32[%broadcast_in_dim3A, %add3A_350, %add3A_1606] : memref<2x64x128xf32, #tpu.memory_space<vmem>>[vector<16xi32>, vector<16xi32>, vector<16xi32>], vector<16xf32>,
        %gather3A_1613 = tpu.vector_load_idx %arg33[%broadcast_in_dim3A, %add3A_350, %add3A_1607] : memref<2x64x128xf32, #tpu.memory_space<vmem>>[vector<16xi32>, vector<16xi32>, vector<16xi32>], vector<16xf32>,
        %gather3A_1614 = tpu.vector_load_idx %arg34[%broadcast_in_dim3A, %add3A_350, %add3A_1608] : memref<2x64x128xf32, #tpu.memory_space<vmem>>[vector<16xi32>, vector<16xi32>, vector<16xi32>], vector<16xf32>,
        %add3A_1615 = arith.addf %gather3A_1609, %gather3A_1610 : vector<16xf32>
        %sub3A_1616 = arith.subf %add3A_1615, %gather3A_1611 : vector<16xf32>
        %add3A_1617 = arith.addf %gather3A_1612, %gather3A_1613 : vector<16xf32>
        %sub3A_1618 = arith.subf %add3A_1617, %gather3A_1614 : vector<16xf32>
        %mul3A_1619 = arith.mulf %sub3A_1616, %sub3A_1616 : vector<16xf32>
        %add3A_1620 = arith.addf %add3A_1600, %mul3A_1619 : vector<16xf32>
        %mul3A_1621 = arith.mulf %sub3A_1618, %sub3A_1618 : vector<16xf32>
        %add3A_1622 = arith.addf %add3A_1602, %mul3A_1621 : vector<16xf32>
        %add3A_1623 = arith.addi %add3A_1603, %broadcast_in_dim3A_366 : vector<16xi32>
        %add3A_1624 = arith.addi %add3A_1604, %broadcast_in_dim3A_366 : vector<16xi32>
        %add3A_1625 = arith.addi %add3A_1605, %broadcast_in_dim3A_366 : vector<16xi32>
        %add3A_1626 = arith.addi %add3A_1606, %broadcast_in_dim3A_366 : vector<16xi32>
        %add3A_1627 = arith.addi %add3A_1607, %broadcast_in_dim3A_366 : vector<16xi32>
        %add3A_1628 = arith.addi %add3A_1608, %broadcast_in_dim3A_366 : vector<16xi32>
        %gather3A_1629 = tpu.vector_load_idx %arg29[%broadcast_in_dim3A, %add3A_350, %add3A_1623] : memref<2x64x128xf32, #tpu.memory_space<vmem>>[vector<16xi32>, vector<16xi32>, vector<16xi32>], vector<16xf32>,
        %gather3A_1630 = tpu.vector_load_idx %arg30[%broadcast_in_dim3A, %add3A_350, %add3A_1624] : memref<2x64x128xf32, #tpu.memory_space<vmem>>[vector<16xi32>, vector<16xi32>, vector<16xi32>], vector<16xf32>,
        %gather3A_1631 = tpu.vector_load_idx %arg31[%broadcast_in_dim3A, %add3A_350, %add3A_1625] : memref<2x64x128xf32, #tpu.memory_space<vmem>>[vector<16xi32>, vector<16xi32>, vector<16xi32>], vector<16xf32>,
        %gather3A_1632 = tpu.vector_load_idx %arg32[%broadcast_in_dim3A, %add3A_350, %add3A_1626] : memref<2x64x128xf32, #tpu.memory_space<vmem>>[vector<16xi32>, vector<16xi32>, vector<16xi32>], vector<16xf32>,
        %gather3A_1633 = tpu.vector_load_idx %arg33[%broadcast_in_dim3A, %add3A_350, %add3A_1627] : memref<2x64x128xf32, #tpu.memory_space<vmem>>[vector<16xi32>, vector<16xi32>, vector<16xi32>], vector<16xf32>,
        %gather3A_1634 = tpu.vector_load_idx %arg34[%broadcast_in_dim3A, %add3A_350, %add3A_1628] : memref<2x64x128xf32, #tpu.memory_space<vmem>>[vector<16xi32>, vector<16xi32>, vector<16xi32>], vector<16xf32>,
        %add3A_1635 = arith.addf %gather3A_1629, %gather3A_1630 : vector<16xf32>
        %sub3A_1636 = arith.subf %add3A_1635, %gather3A_1631 : vector<16xf32>
        %add3A_1637 = arith.addf %gather3A_1632, %gather3A_1633 : vector<16xf32>
        %sub3A_1638 = arith.subf %add3A_1637, %gather3A_1634 : vector<16xf32>
        %mul3A_1639 = arith.mulf %sub3A_1636, %sub3A_1636 : vector<16xf32>
        %add3A_1640 = arith.addf %add3A_1620, %mul3A_1639 : vector<16xf32>
        %mul3A_1641 = arith.mulf %sub3A_1638, %sub3A_1638 : vector<16xf32>
        %add3A_1642 = arith.addf %add3A_1622, %mul3A_1641 : vector<16xf32>
        %add3A_1643 = arith.addi %add3A_1623, %broadcast_in_dim3A_366 : vector<16xi32>
        %add3A_1644 = arith.addi %add3A_1624, %broadcast_in_dim3A_366 : vector<16xi32>
        %add3A_1645 = arith.addi %add3A_1625, %broadcast_in_dim3A_366 : vector<16xi32>
        %add3A_1646 = arith.addi %add3A_1626, %broadcast_in_dim3A_366 : vector<16xi32>
        %add3A_1647 = arith.addi %add3A_1627, %broadcast_in_dim3A_366 : vector<16xi32>
        %add3A_1648 = arith.addi %add3A_1628, %broadcast_in_dim3A_366 : vector<16xi32>
        %add3A_1649 = arith.constant 9.99999996E-13 : f32
        %add3A_1650 = vector.broadcast %add3A_1649 : f32 to vector<16xf32>
        %add3A_1651 = arith.addf %add3A_1640, %add3A_1650 : vector<16xf32>
        %bitcast3A = vector.bitcast %add3A_1651 : vector<16xf32> to vector<16xi32>
        %shift_right_logical3A = arith.constant 1 : i32
        %shift_right_logical3A_1652 = vector.broadcast %shift_right_logical3A : i32 to vector<16xi32>
        %shift_right_logical3A_1653 = arith.shrui %bitcast3A, %shift_right_logical3A_1652 : vector<16xi32>
        %sub3A_1654 = arith.constant 1597463007 : i32
        %sub3A_1655 = vector.broadcast %sub3A_1654 : i32 to vector<16xi32>
        %sub3A_1656 = arith.subi %sub3A_1655, %shift_right_logical3A_1653 : vector<16xi32>
        %bitcast3A_1657 = vector.bitcast %sub3A_1656 : vector<16xi32> to vector<16xf32>
        %mul3A_1658 = arith.constant 5.000000e-01 : f32
        %mul3A_1659 = vector.broadcast %mul3A_1658 : f32 to vector<16xf32>
        %mul3A_1660 = arith.mulf %mul3A_1659, %add3A_1651 : vector<16xf32>
        %mul3A_1661 = arith.mulf %mul3A_1660, %bitcast3A_1657 : vector<16xf32>
        %mul3A_1662 = arith.mulf %mul3A_1661, %bitcast3A_1657 : vector<16xf32>
        %sub3A_1663 = arith.constant 1.500000e+00 : f32
        %sub3A_1664 = vector.broadcast %sub3A_1663 : f32 to vector<16xf32>
        %sub3A_1665 = arith.subf %sub3A_1664, %mul3A_1662 : vector<16xf32>
        %mul3A_1666 = arith.mulf %bitcast3A_1657, %sub3A_1665 : vector<16xf32>
        %mul3A_1667 = arith.constant 5.000000e-01 : f32
        %mul3A_1668 = vector.broadcast %mul3A_1667 : f32 to vector<16xf32>
        %mul3A_1669 = arith.mulf %mul3A_1668, %add3A_1651 : vector<16xf32>
        %mul3A_1670 = arith.mulf %mul3A_1669, %mul3A_1666 : vector<16xf32>
        %mul3A_1671 = arith.mulf %mul3A_1670, %mul3A_1666 : vector<16xf32>
        %sub3A_1672 = arith.constant 1.500000e+00 : f32
        %sub3A_1673 = vector.broadcast %sub3A_1672 : f32 to vector<16xf32>
        %sub3A_1674 = arith.subf %sub3A_1673, %mul3A_1671 : vector<16xf32>
        %mul3A_1675 = arith.mulf %mul3A_1666, %sub3A_1674 : vector<16xf32>
        %mul3A_1676 = arith.constant 5.000000e-01 : f32
        %mul3A_1677 = vector.broadcast %mul3A_1676 : f32 to vector<16xf32>
        %mul3A_1678 = arith.mulf %mul3A_1677, %add3A_1651 : vector<16xf32>
        %mul3A_1679 = arith.mulf %mul3A_1678, %mul3A_1675 : vector<16xf32>
        %mul3A_1680 = arith.mulf %mul3A_1679, %mul3A_1675 : vector<16xf32>
        %sub3A_1681 = arith.constant 1.500000e+00 : f32
        %sub3A_1682 = vector.broadcast %sub3A_1681 : f32 to vector<16xf32>
        %sub3A_1683 = arith.subf %sub3A_1682, %mul3A_1680 : vector<16xf32>
        %mul3A_1684 = arith.mulf %mul3A_1675, %sub3A_1683 : vector<16xf32>
        %mul3A_1685 = arith.mulf %add3A_1651, %mul3A_1684 : vector<16xf32>
        %add3A_1686 = arith.constant 1.000000e+00 : f32
        %add3A_1687 = vector.broadcast %add3A_1686 : f32 to vector<16xf32>
        %add3A_1688 = arith.addf %add3A_1687, %mul3A_1685 : vector<16xf32>
        %add3A_1689 = arith.constant 9.99999996E-13 : f32
        %add3A_1690 = vector.broadcast %add3A_1689 : f32 to vector<16xf32>
        %add3A_1691 = arith.addf %add3A_1642, %add3A_1690 : vector<16xf32>
        %bitcast3A_1692 = vector.bitcast %add3A_1691 : vector<16xf32> to vector<16xi32>
        %shift_right_logical3A_1693 = arith.constant 1 : i32
        %shift_right_logical3A_1694 = vector.broadcast %shift_right_logical3A_1693 : i32 to vector<16xi32>
        %shift_right_logical3A_1695 = arith.shrui %bitcast3A_1692, %shift_right_logical3A_1694 : vector<16xi32>
        %sub3A_1696 = arith.constant 1597463007 : i32
        %sub3A_1697 = vector.broadcast %sub3A_1696 : i32 to vector<16xi32>
        %sub3A_1698 = arith.subi %sub3A_1697, %shift_right_logical3A_1695 : vector<16xi32>
        %bitcast3A_1699 = vector.bitcast %sub3A_1698 : vector<16xi32> to vector<16xf32>
        %mul3A_1700 = arith.constant 5.000000e-01 : f32
        %mul3A_1701 = vector.broadcast %mul3A_1700 : f32 to vector<16xf32>
        %mul3A_1702 = arith.mulf %mul3A_1701, %add3A_1691 : vector<16xf32>
        %mul3A_1703 = arith.mulf %mul3A_1702, %bitcast3A_1699 : vector<16xf32>
        %mul3A_1704 = arith.mulf %mul3A_1703, %bitcast3A_1699 : vector<16xf32>
        %sub3A_1705 = arith.constant 1.500000e+00 : f32
        %sub3A_1706 = vector.broadcast %sub3A_1705 : f32 to vector<16xf32>
        %sub3A_1707 = arith.subf %sub3A_1706, %mul3A_1704 : vector<16xf32>
        %mul3A_1708 = arith.mulf %bitcast3A_1699, %sub3A_1707 : vector<16xf32>
        %mul3A_1709 = arith.constant 5.000000e-01 : f32
        %mul3A_1710 = vector.broadcast %mul3A_1709 : f32 to vector<16xf32>
        %mul3A_1711 = arith.mulf %mul3A_1710, %add3A_1691 : vector<16xf32>
        %mul3A_1712 = arith.mulf %mul3A_1711, %mul3A_1708 : vector<16xf32>
        %mul3A_1713 = arith.mulf %mul3A_1712, %mul3A_1708 : vector<16xf32>
        %sub3A_1714 = arith.constant 1.500000e+00 : f32
        %sub3A_1715 = vector.broadcast %sub3A_1714 : f32 to vector<16xf32>
        %sub3A_1716 = arith.subf %sub3A_1715, %mul3A_1713 : vector<16xf32>
        %mul3A_1717 = arith.mulf %mul3A_1708, %sub3A_1716 : vector<16xf32>
        %mul3A_1718 = arith.constant 5.000000e-01 : f32
        %mul3A_1719 = vector.broadcast %mul3A_1718 : f32 to vector<16xf32>
        %mul3A_1720 = arith.mulf %mul3A_1719, %add3A_1691 : vector<16xf32>
        %mul3A_1721 = arith.mulf %mul3A_1720, %mul3A_1717 : vector<16xf32>
        %mul3A_1722 = arith.mulf %mul3A_1721, %mul3A_1717 : vector<16xf32>
        %sub3A_1723 = arith.constant 1.500000e+00 : f32
        %sub3A_1724 = vector.broadcast %sub3A_1723 : f32 to vector<16xf32>
        %sub3A_1725 = arith.subf %sub3A_1724, %mul3A_1722 : vector<16xf32>
        %mul3A_1726 = arith.mulf %mul3A_1717, %sub3A_1725 : vector<16xf32>
        %mul3A_1727 = arith.mulf %add3A_1691, %mul3A_1726 : vector<16xf32>
        %sub3A_1728 = arith.subf %add3A_1688, %mul3A_1727 : vector<16xf32>
        %max3A = arith.constant 0.000000e+00 : f32
        %max3A_1729 = vector.broadcast %max3A : f32 to vector<16xf32>
        %max3A_1730 = arith.maximumf %sub3A_1728, %max3A_1729 : vector<16xf32>
        %swap3A = arith.index_cast %add3A_353 : i32 to index
        %swap3A_1731 = tpu.vector_load %arg35[%swap3A] {strides = array<i32>} : memref<512xf32, #tpu.memory_space<vmem>>, vector<16xf32>,
        tpu.vector_store %arg35[%swap3A], %max3A_1730 {strides = array<i32>} : memref<512xf32, #tpu.memory_space<vmem>>, vector<16xf32>,
        %scan3A_1732 = arith.constant 0 : i32
        scf.yield %scan3A_1732 : i32
      }
      %scan3A_343 = arith.constant 4 : i32
      %scan3A_344 = arith.constant 0 : i32
      scf.yield %scan3A_344 : i32
    }
    %scan3A_318 = arith.constant 8 : i32
    "tpu.region"() ({
      %run_scoped3A = tpu.sem_alloc : memref<!tpu.dma_semaphore, #tpu.memory_space<semaphore_mem>>
      %dma_start3A_319 = tpu.memref_slice %arg16[%mul3A_2] : memref<16384xf32, #tpu.memory_space<hbm>> -> memref<512xf32, #tpu.memory_space<hbm>>
      %dma_start3A_320 = tpu.memref_slice %arg16[%mul3A_2] : memref<16384xf32, #tpu.memory_space<hbm>> -> memref<512xf32, #tpu.memory_space<hbm>>
      tpu.enqueue_dma source(%arg35 : memref<512xf32, #tpu.memory_space<vmem>>) target(%dma_start3A_320 : memref<512xf32, #tpu.memory_space<hbm>>) target_semaphore(%run_scoped3A : memref<!tpu.dma_semaphore, #tpu.memory_space<semaphore_mem>>)
      %dma_wait3A_321 = tpu.memref_slice %arg16[%mul3A_2] : memref<16384xf32, #tpu.memory_space<hbm>> -> memref<512xf32, #tpu.memory_space<hbm>>
      %dma_wait3A_322 = tpu.memref_slice %arg16[%mul3A_2] : memref<16384xf32, #tpu.memory_space<hbm>> -> memref<512xf32, #tpu.memory_space<hbm>>
      tpu.wait_dma2 semaphore(%run_scoped3A : memref<!tpu.dma_semaphore, #tpu.memory_space<semaphore_mem>>) src(%arg35 : memref<512xf32, #tpu.memory_space<vmem>>) dst(%dma_wait3A_322 : memref<512xf32, #tpu.memory_space<hbm>>)
      tpu.yield
    }) : () -> ()
    return
  }
}

</mosaic_0001>

<sc_bundles>
// kernel: _transe_scores.3.cloned.1.call-start
scs
__scs_entry_jumppad:
0x0: {  	(pc) =	sbr.rel $0x88, $3  }
0x1: {  	(tag) =	ssettag $0x0;
	lr =	simm.s32 $0x1  }
0x2: {  	[smem:$0x3F93] =	sst lr;
	_ =	strace $0xD0000000  }
0x3: {  	_ = 	snop  }
0x4: {  	_ = 	snop  }
0x5: {  	_ = 	snop  }
0x6: {  	_ = 	snop  }
0x7: {  	_ = 	snop  }
__scs_overlays_trampoline_lowered:
0x8: {  	[smem:$0x3FA2] =	sst s0  }
0x9: {  	[smem:$0x3FA3] =	sst s1  }
0xa: {  	[smem:$0x3FA4] =	sst s2  }
0xb: {  	[smem:$0x3FA5] =	sst s3  }
0xc: {  	[smem:$0x3FA6] =	sst s4  }
0xd: {  	[smem:$0x3FA7] =	sst s5  }
0xe: {  	[smem:$0x3FA8] =	sst s6  }
0xf: {  	[smem:$0x3FA9] =	sst s7  }
0x10: {  	[smem:$0x3FAA] =	sst s8  }
0x11: {  	[smem:$0x3FAB] =	sst s9;
	s0 =	simm.s32 @!p0 $0x0  }
0x12: {  	s1 =	sld [smem:$0x3F91];
	s0 =	simm.s32 @p0 $0x1  }
0x13: {  	[smem:$0x3FAC] =	sst s0;
	s0 =	simm.s32 @!p1 $0x0  }
0x14: {  	s2 =	sld [smem:$0x3F90];
	s0 =	simm.s32 @p1 $0x1  }
0x15: {  	[smem:$0x3FAD] =	sst s0;
	s0 =	simm.s32 @!p2 $0x0  }
0x16: {  	s3 =	sld [smem:$0x3FDB];
	s0 =	simm.s32 @p2 $0x1  }
0x17: {  	s4 =	simm.s32 $0x1BF5;
	[smem:$0x3FAF] =	sst s0  }
0x18: {  	s0 =	sld [smem:$0x3F92];
	_ =	swait.ge [sflag:s4], $0x0  }
0x19: {  	s7 =	sld [smem:$0x3F93]  }
0x1a: {  	s8 =	sadd.s32 $0xFFFFE003, lr  }
0x1b: {  	s9 =	sadd.s32 $0xFFFFFEF7, lr;
	s5 =	simm.s32 $0xFFFFFFFF;
	p2 =	slt.u32 s8, $0xFFFFF086  }
0x1c: {  	p1 =	slt.u32 s9, $0xF7A;
	s5 =	simm.s32 @!p2 $0x0  }
0x1d: {  	s5 =	simm.s32 @p1 $0x1;
	p0 =	seq.s32 s7, s2  }
0x1e: {  	s7 =	smul.u32 @!p0 $0xF7A, s2;
	p2 =	seq.s32 @!p0 s5, $0x0  }
0x1f: {  	s9 =	smul.u32 $0xF7A, s1;
	s8 =	simm.s32 @!p0 $0x1BF5;
	p2 =	por !p2, p0  }
0x20: {  	[sflag:s8] =	ssyncset.s32 @!p0 $0xFFFFF086;
	s6 =	sadd.s32 @!p0 s3, s7;
	s7 =	simm.s32 @!p0 $0x108  }
0x21: {  	s3 =	sadd.s32 s3, s9;
	s6 =	sadd.s32 @!p0 $0x88, s6;
	s7 =	simm.s32 @p2 $0x1082  }
0x22: {  	[simem:s7], [sflag:s8] =	dma.local @!p0 [hbm:s6], $0xF7A  }
0x23: {  	s9 =	sor.u32 $0xD0000000, s2;
	s6 =	simm.s32 $0x108;
	_ =	swait.ge @!p0 [sflag:s8], $0x0  }
0x24: {  	s3 =	sadd.s32 $0x88, s3;
	s6 =	simm.s32 @!p1 $0x1082;
	[sflag:s4] =	ssyncset.s32 $0xFFFFF086  }
0x25: {  	[simem:s6], [sflag:s4] =	dma.local [hbm:s3], $0xF7A  }
0x26: {  	[smem:$0x3F93] =	sst s1;
	(tag) =	ssettag s2;
	_ =	strace s9  }
0x27: {  	s1 =	sld [smem:$0x3FA3]  }
0x28: {  	s2 =	sld [smem:$0x3FA4]  }
0x29: {  	s4 =	sld [smem:$0x3FA6]  }
0x2a: {  	p0 =	seq.s32 s5, $0x0;
	s5 =	sld [smem:$0x3FA7]  }
0x2b: {  	s6 =	sld [smem:$0x3FA8]  }
0x2c: {  	s7 =	sld [smem:$0x3FA9]  }
0x2d: {  	s3 =	simm.s32 $0x108;
	s8 =	sld [smem:$0x3FAA]  }
0x2e: {  	s3 =	simm.s32 @!p0 $0x1082;
	s9 =	sld [smem:$0x3FAB]  }
0x2f: {  	lr =	sadd.s32 s0, s3;
	s0 =	sld [smem:$0x3FA2]  }
0x30: {  	s3 =	sld [smem:$0x3FA5]  }
0x31: {  	[smem:$0x3FAE] =	sst s10  }
0x32: {  	s10 =	sld [smem:$0x3FAC];
	_ =	sdelay $0x3  }
0x33: {  	p0 =	seq.s32 s10, $0x1;
	s10 =	sld [smem:$0x3FAE];
	_ =	sdelay $0x3  }
0x34: {  	[smem:$0x3FAE] =	sst s10  }
0x35: {  	s10 =	sld [smem:$0x3FAD];
	_ =	sdelay $0x3  }
0x36: {  	p1 =	seq.s32 s10, $0x1;
	s10 =	sld [smem:$0x3FAE];
	_ =	sdelay $0x3  }
0x37: {  	[smem:$0x3FAE] =	sst s10  }
0x38: {  	s10 =	sld [smem:$0x3FAF]  }
0x39: {  	_ = 	snop;
	(pc) =	sbr.ind lr, $3  }
0x3a: {  	_ = 	snop  }
0x3b: {  	_ = 	snop  }
0x3c: {  	p2 =	seq.s32 s10, $0x1;
	s10 =	sld [smem:$0x3FAE]  }
0x3d: {  	_ =	shalt  }
0x3e: {  	_ =	shalt  }
0x3f: {  	_ =	shalt  }
0x40: {  	_ =	shalt  }
0x41: {  	_ =	shalt  }
0x42: {  	_ =	shalt  }
0x43: {  	_ =	shalt  }
0x44: {  	_ =	shalt  }
0x45: {  	_ =	shalt  }
0x46: {  	_ =	shalt  }
0x47: {  	_ =	shalt  }
0x48: {  	_ =	shalt  }
0x49: {  	_ =	shalt  }
0x4a: {  	_ =	shalt  }
0x4b: {  	_ =	shalt  }
0x4c: {  	_ =	shalt  }
0x4d: {  	_ =	shalt  }
0x4e: {  	_ =	shalt  }
0x4f: {  	_ =	shalt  }
0x50: {  	_ =	shalt  }
0x51: {  	_ =	shalt  }
0x52: {  	_ =	shalt  }
0x53: {  	_ =	shalt  }
0x54: {  	_ =	shalt  }
0x55: {  	_ =	shalt  }
0x56: {  	_ =	shalt  }
0x57: {  	_ =	shalt  }
0x58: {  	_ =	shalt  }
0x59: {  	_ =	shalt  }
0x5a: {  	_ =	shalt  }
0x5b: {  	_ =	shalt  }
0x5c: {  	_ =	shalt  }
0x5d: {  	_ =	shalt  }
0x5e: {  	_ =	shalt  }
0x5f: {  	_ =	shalt  }
0x60: {  	_ =	shalt  }
0x61: {  	_ =	shalt  }
0x62: {  	_ =	shalt  }
0x63: {  	_ =	shalt  }
0x64: {  	_ =	shalt  }
0x65: {  	_ =	shalt  }
0x66: {  	_ =	shalt  }
0x67: {  	_ =	shalt  }
0x68: {  	_ =	shalt  }
0x69: {  	_ =	shalt  }
0x6a: {  	_ =	shalt  }
0x6b: {  	_ =	shalt  }
0x6c: {  	_ =	shalt  }
0x6d: {  	_ =	shalt  }
0x6e: {  	_ =	shalt  }
0x6f: {  	_ =	shalt  }
0x70: {  	_ =	shalt  }
0x71: {  	_ =	shalt  }
0x72: {  	_ =	shalt  }
0x73: {  	_ =	shalt  }
0x74: {  	_ =	shalt  }
0x75: {  	_ =	shalt  }
0x76: {  	_ =	shalt  }
0x77: {  	_ =	shalt  }
0x78: {  	_ =	shalt  }
0x79: {  	_ =	shalt  }
0x7a: {  	_ =	shalt  }
0x7b: {  	_ =	shalt  }
0x7c: {  	_ =	shalt  }
0x7d: {  	_ =	shalt  }
0x7e: {  	_ =	shalt  }
0x7f: {  	_ =	shalt  }
0x80: {  	_ =	shalt  }
0x81: {  	_ =	shalt  }
0x82: {  	_ =	shalt  }
0x83: {  	_ =	shalt  }
0x84: {  	_ =	shalt  }
0x85: {  	_ =	shalt  }
0x86: {  	_ =	shalt  }
0x87: {  	_ =	shalt  }
.Lfunc_end0:
.L_simem_size_0:
called_computation_lowered:
.L_overlay_start_0:
0x88: {  	s2 =	sld [smem:$0x3FD9]  }
0x89: {  	s3 =	sld [smem:$0x3FFE];
	_ =	sdelay $0x1  }
0x8a: {  	s1 =	srdreg.scid  }
0x8b: {  	s0 =	sand.u32 $0x1, s1  }
0x8c: {  	s24 =	sshll.u32 s0, $0xA;
	s2 =	sadd.s32 s3, s2  }
0x8d: {  	s2 =	sadd.s32 s2, s24  }
0x8e: {  	[smem:$0x3FBA] =	sst s2  }
0x8f: {  	_ = 	snop  }
0x90: {  	s2 =	sld [smem:$0x3FC9]  }
0x91: {  	s3 =	sld [smem:$0x3FC8]  }
0x92: {  	s4 =	sld [smem:$0x3FC7]  }
0x93: {  	s5 =	sld [smem:$0x3FC6]  }
0x94: {  	s6 =	sld [smem:$0x3FC5]  }
0x95: {  	s7 =	sld [smem:$0x3FC4]  }
0x96: {  	s8 =	sld [smem:$0x3FC3]  }
0x97: {  	s9 =	sld [smem:$0x3FC2]  }
0x98: {  	s10 =	sld [smem:$0x3FC1]  }
0x99: {  	s11 =	sld [smem:$0x3FC0]  }
0x9a: {  	s12 =	sld [smem:$0x3FBF]  }
0x9b: {  	s13 =	sld [smem:$0x3FBE]  }
0x9c: {  	s14 =	sld [smem:$0x3FBD]  }
0x9d: {  	s15 =	sld [smem:$0x3FBC]  }
0x9e: {  	s17 =	sld [smem:$0x3FD0];
	(tm) =	ssettm $0x1  }
0x9f: {  	s16 =	sld [smem:$0x3FFB];
	_ =	sdelay $0x3  }
0xa0: {  	_ =	strace s16  }
0xa1: {  	s16 =	sld [smem:$0x3FFC];
	_ =	sdelay $0x3  }
0xa2: {  	_ =	strace s16  }
0xa3: {  	s16 =	sld [smem:$0x3FFD];
	_ =	sdelay $0x3  }
0xa4: {  	_ =	strace s16  }
0xa5: {  	_ =	strace $0x8FFFFFFF  }
0xa6: {  	s25 =	sld [smem:$0x3FDB];
	_ =	sdelay $0x1  }
0xa7: {  	s18 =	simm.s32 $_scs_section_size  }
0xa8: {  	s19 =	simm.s32 $_size__tile_task_arg_handler_lowered;
	s20 =	simm.s32 $_tile_task_arg_handler_lowered  }
0xa9: {  	s29 =	simm.s32 $0x1BFF;
	s28 =	sshll.u32 s20, $0x1;
	s18 =	sadd.s32 s18, s25  }
0xaa: {  	s21 =	simm.s32 $0x60;
	s26 =	sshll.u32 s19, $0x1;
	s19 =	sadd.s32 s28, s18  }
0xab: {  	[timem:s21], [sflag:s29] =	dma.local [hbm:s19], s26  }
0xac: {  	_ =	swait.ge [sflag:s29], s26  }
0xad: {  	s30 =	simm.s32 $_tile_overlayer_lowered;
	s16 =	ssub.s32 $0x0, s26;
	[sflag:s29] =	ssyncset.done $0x0  }
0xae: {  	s31 =	simm.s32 $_size__tile_overlayer_lowered;
	s19 =	sshll.u32 s30, $0x1;
	[sflag:s29] =	ssyncadd.s32 s16  }
0xaf: {  	s22 =	simm.s32 $0x0;
	s19 =	sadd.s32 s19, s18;
	s16 =	sshll.u32 s31, $0x1  }
0xb0: {  	[timem:s22], [sflag:s29] =	dma.local [hbm:s19], s16  }
0xb1: {  	_ =	swait.ge [sflag:s29], s16  }
0xb2: {  	s23 =	ssub.s32 $0x0, s16;
	[sflag:s29] =	ssyncset.done $0x0  }
0xb3: {  	[sflag:s29] =	ssyncadd.s32 s23;
	_ =	sdelay $0x1  }
0xb4: {  	s24 =	simm.s32 $0x1B8B  }
0xb5: {  	_ =	swait.ge [sflag:s24], $0x1  }
0xb6: {  	[sflag:s24] =	ssyncset.done $0x0  }
0xb7: {  	s25 =	simm.s32 $0x1B8E;
	[sflag:s24] =	ssyncadd.s32 $0xFFFFFFFF  }
0xb8: {  	s26 =	simm.s32 $execute0_lowered;
	[smem:$0x3FD2] =	sst s25  }
0xb9: {  	s19 =	sshll.u32 s26, $0x1;
	_ =	strace $0x80000046;
	[dreg:$0x1] =	wrdreg $0xFFFFFFFF  }
0xba: {  	s28 =	simm.s32 $_size_execute0_lowered;
	s18 =	sadd.s32 s18, s19;
	[dreg:$0x0] =	wrdreg $0x0  }
0xbb: {  	s19 =	sshll.u32 s28, $0x1;
	[dreg:$0x2] =	wrdreg s18  }
0xbc: {  	[dreg:$0x3] =	wrdreg s19  }
0xbd: {  	[dreg:$0x4] =	wrdreg $0xC0  }
0xbe: {  	_ =	task [dreg:s22], $0x5FFFF  }
0xbf: {  	[dreg:$0x1] =	wrdreg $0xFFFFFFFF  }
0xc0: {  	[dreg:$0x0] =	wrdreg $0x30  }
0xc1: {  	[dreg:$0x2] =	wrdreg $0x0  }
0xc2: {  	[dreg:$0x3] =	wrdreg s17  }
0xc3: {  	[dreg:$0x4] =	wrdreg $0x9  }
0xc4: {  	_ =	task [dreg:s22], $0x5FFFF  }
0xc5: {  	[dreg:$0x1] =	wrdreg $0xFFFFFFFF  }
0xc6: {  	[dreg:$0x0] =	wrdreg $0x60  }
0xc7: {  	[dreg:$0x2] =	wrdreg s2  }
0xc8: {  	[dreg:$0x3] =	wrdreg s3  }
0xc9: {  	[dreg:$0x4] =	wrdreg s4  }
0xca: {  	[dreg:$0x5] =	wrdreg s5  }
0xcb: {  	[dreg:$0x6] =	wrdreg s6  }
0xcc: {  	[dreg:$0x7] =	wrdreg s7  }
0xcd: {  	[dreg:$0x8] =	wrdreg s8  }
0xce: {  	[dreg:$0x9] =	wrdreg s9  }
0xcf: {  	[dreg:$0xa] =	wrdreg s10  }
0xd0: {  	[dreg:$0xb] =	wrdreg s11  }
0xd1: {  	[dreg:$0xc] =	wrdreg s12  }
0xd2: {  	[dreg:$0xd] =	wrdreg s13  }
0xd3: {  	[dreg:$0xe] =	wrdreg s14  }
0xd4: {  	[dreg:$0xf] =	wrdreg s15  }
0xd5: {  	_ =	task.clear_ibuf [dreg:s22], $0x10FFFF;
	_ =	strace $0x90000046  }
0xd6: {  	s29 =	simm.s32 $0x9;
	_ =	strace $0x80000048  }
0xd7: {  	_ =	swait.ge [sflag:s29], $0x1  }
0xd8: {  	[sflag:s29] =	ssyncadd.s32 $0xFFFFFFFF  }
0xd9: {  	_ =	strace $0x90000048  }
0xda: {  	_ =	sfence  }
0xdb: {  	s30 =	sld [smem:$0x0];
	_ =	sdelay $0x2  }
0xdc: {  	s31 =	sshll.u32 s1, $0xD;
	s1 =	sshrl.u32 s1, $0x2  }
0xdd: {  	s3 =	sand.u32 $0x4000, s31;
	s1 =	sadd.s32 s1, s30  }
0xde: {  	s0 =	sor.u32 s3, s0;
	s1 =	sshll.u32 s1, $0x11  }
0xdf: {  	s0 =	sor.u32 s1, s0  }
0xe0: {  	s0 =	sadd.s32 $0x8F2B, s0  }
0xe1: {  	[sflag:s0] =	ssyncadd.remote.s32 $0x1  }
0xe2: {  	_ =	sfence.sel $0xFFFF  }
0xe3: {  	[dreg:$0x0] =	wrdreg $0xFFFFFFFF;
	(pc) =	sbr.abs _section_cstart, $3  }
0xe4: {  	[dreg:$0x1] =	wrdreg $0xFFFFFFFF  }
0xe5: {  	_ =	task.clear_ibuf [dreg:s22], $0x2FFFF;
	_ =	strace $0x9FFFFFFF  }
0xe6: {  	(tm) =	ssettm $0x7FFFFFFF  }
0xe7: {  	_ =	shalt  }
tec
_tile_task_arg_handler_lowered:
.L_overlay_start_1:
0x0: {  	(tag) =	ssettag $0x1  }
0x1: {  	s0 =	rddreg [dreg:$0x0]  }
0x2: {  	s1 =	rddreg [dreg:$0x1]  }
0x3: {  	s2 =	rddreg [dreg:$0x2]  }
0x4: {  	s3 =	rddreg [dreg:$0x3]  }
0x5: {  	s4 =	rddreg [dreg:$0x4]  }
0x6: {  	s5 =	rddreg [dreg:$0x5]  }
0x7: {  	s6 =	rddreg [dreg:$0x6]  }
0x8: {  	s7 =	rddreg [dreg:$0x7]  }
0x9: {  	s8 =	rddreg [dreg:$0x8]  }
0xa: {  	s9 =	rddreg [dreg:$0x9]  }
0xb: {  	s10 =	rddreg [dreg:$0xa]  }
0xc: {  	s11 =	rddreg [dreg:$0xb]  }
0xd: {  	s12 =	rddreg [dreg:$0xc]  }
0xe: {  	s13 =	rddreg [dreg:$0xd]  }
0xf: {  	[smem:s0] =	sst s1  }
0x10: {  	[smem:s0+$0x1] =	sst s2  }
0x11: {  	[smem:s0+$0x2] =	sst s3  }
0x12: {  	[smem:s0+$0x3] =	sst s4  }
0x13: {  	[smem:s0+$0x4] =	sst s5  }
0x14: {  	[smem:s0+$0x5] =	sst s6  }
0x15: {  	[smem:s0+$0x6] =	sst s7  }
0x16: {  	[smem:s0+$0x7] =	sst s8  }
0x17: {  	[smem:s0+$0x8] =	sst s9  }
0x18: {  	[smem:s0+$0x9] =	sst s10  }
0x19: {  	[smem:s0+$0xA] =	sst s11  }
0x1a: {  	[smem:s0+$0xB] =	sst s12  }
0x1b: {  	[smem:s0+$0xC] =	sst s13;
	_ =	shalt  }
.Lfunc_end2:
execute0_lowered:
.L_overlay_start_2:
0x1c: {  	(tag) =	ssettag $0x2  }
0x1d: {  	s1 =	rddreg [dreg:$0x0]  }
0x1e: {  	s2 =	rddreg [dreg:$0x1]  }
0x1f: {  	s3 =	rddreg [dreg:$0x2]  }
0x20: {  	s4 =	rddreg [dreg:$0x3]  }
0x21: {  	s5 =	rddreg [dreg:$0x4]  }
0x22: {  	s6 =	rddreg [dreg:$0x5]  }
0x23: {  	s7 =	rddreg [dreg:$0x6]  }
0x24: {  	s8 =	rddreg [dreg:$0x7]  }
0x25: {  	s9 =	rddreg [dreg:$0x8]  }
0x26: {  	s10 =	rddreg [dreg:$0x9]  }
0x27: {  	s11 =	rddreg [dreg:$0xa]  }
0x28: {  	s12 =	rddreg [dreg:$0xb]  }
0x29: {  	s0 =	rddreg [dreg:$0xc];
	s18 =	simm.s32 $0x0  }
0x2a: {  	s13 =	srdreg.scid;
	[smem:$0x7FF] =	sst s18  }
0x2b: {  	s16 =	stileid.u32;
	s13 =	sand.u32 $0x1, s13;
	s17 =	sld [smem:$0x1]  }
0x2c: {  	s16 =	sshll.u32 s16, $0x7;
	s15 =	ssub.s32 $0x2, s13;
	s13 =	sshll.u32 s13, $0x6  }
0x2d: {  	s14 =	sld [smem:$0x0];
	s13 =	sor.u32 s13, s16  }
0x2e: {  	s1 =	sadd.s32 s1, s13;
	[dreg:$0xe] =	wrdreg s17  }
0x2f: {  	s17 =	sadd.s32 s2, s13;
	_ =	strace $0x80000047;
	[dreg:$0xf] =	wrdreg s1  }
0x30: {  	s19 =	sadd.s32 s3, s13;
	[dreg:$0x10] =	wrdreg s17  }
0x31: {  	s20 =	sadd.s32 s4, s13;
	[dreg:$0x11] =	wrdreg s19  }
0x32: {  	s21 =	sadd.s32 s5, s13;
	[dreg:$0x12] =	wrdreg s20  }
0x33: {  	s22 =	sadd.s32 s6, s13;
	[dreg:$0x13] =	wrdreg s21  }
0x34: {  	s23 =	sadd.s32 s7, s13;
	[dreg:$0x14] =	wrdreg s22  }
0x35: {  	s31 =	sshrl.u32 s15, $0x1;
	s24 =	sadd.s32 s8, s13;
	[dreg:$0x15] =	wrdreg s23  }
0x36: {  	s15 =	ssub.s32 s15, s31;
	s25 =	sadd.s32 s9, s13;
	[dreg:$0x16] =	wrdreg s24  }
0x37: {  	s26 =	sadd.s32 s10, s13;
	s28 =	sadd.s32 s11, s13;
	[dreg:$0x17] =	wrdreg s25  }
0x38: {  	s29 =	sadd.s32 s12, s13;
	s6 =	simm.s32 $0x5800;
	[dreg:$0x18] =	wrdreg s26  }
0x39: {  	s8 =	simm.s32 $0x9800;
	s10 =	simm.s32 $0xD800;
	[dreg:$0x19] =	wrdreg s28  }
0x3a: {  	s12 =	simm.s32 $0x11800;
	s30 =	sadd.s32 s14, s13;
	[dreg:$0x1a] =	wrdreg s29  }
0x3b: {  	s3 =	simm.s32 $0x0;
	s31 =	smax.u32 s15, $0x1;
	[dreg:$0x1b] =	wrdreg s30  }
0x3c: {  	v0 =	vlaneseq.u32;
	s14 =	simm.s32 $0x15800;
	[dreg:$0x1c] =	wrdreg s31;
	s20 =	simm.s32 $0x11  }
0x3d: {  	v0 =	vmul.u32 $0x80, v0;
	s21 =	simm.s32 $0x12;
	s22 =	simm.s32 $0x20;
	s23 =	simm.s32 $0x1800  }
.LBB3_1:
0x3e: {  	[dreg:$0x1d] =	wrdreg s3  }
0x3f: {  	s1 =	rddreg [dreg:$0xf]  }
0x40: {  	[tilespmem:s18], [sflag:$0x1] =	stream.linear.gather [hbm4b:s1+s18], $0x200, $0x38;
	[tilespmem:$0x19A00] =	vst v63  }
0x41: {  	s15 =	rddreg [dreg:$0x10];
	s2 =	simm.s32 $0x200  }
0x42: {  	[tilespmem:s2], [sflag:$0x2] =	stream.linear.gather [hbm4b:s15+s18], $0x200, $0x38;
	[tilespmem:$0x19A00] =	vst v63  }
0x43: {  	s16 =	rddreg [dreg:$0x11];
	s4 =	simm.s32 $0x400  }
0x44: {  	[tilespmem:s4], [sflag:$0x3] =	stream.linear.gather [hbm4b:s16+s18], $0x200, $0x38;
	[tilespmem:$0x19A00] =	vst v63  }
0x45: {  	s17 =	rddreg [dreg:$0x12];
	s15 =	simm.s32 $0xC00  }
0x46: {  	[tilespmem:s15], [sflag:$0x4] =	stream.linear.gather [hbm4b:s17+s18], $0x200, $0x38;
	[tilespmem:$0x19A00] =	vst v63  }
0x47: {  	s3 =	simm.s32 $0xE00;
	s19 =	rddreg [dreg:$0x13]  }
0x48: {  	[tilespmem:s3], [sflag:$0x5] =	stream.linear.gather [hbm4b:s19+s18], $0x200, $0x38;
	[tilespmem:$0x19A00] =	vst v63  }
0x49: {  	s11 =	simm.s32 $0x1000;
	s24 =	rddreg [dreg:$0x14]  }
0x4a: {  	[tilespmem:s11], [sflag:$0x6] =	stream.linear.gather [hbm4b:s24+s18], $0x200, $0x38;
	[tilespmem:$0x19A00] =	vst v63  }
0x4b: {  	s25 =	rddreg [dreg:$0x15];
	s5 =	simm.s32 $0x600  }
0x4c: {  	[tilespmem:s5], [sflag:$0xD] =	stream.linear.gather [hbm4b:s25+s18], $0x200, $0x38;
	[tilespmem:$0x19A00] =	vst v63  }
0x4d: {  	s26 =	rddreg [dreg:$0x16];
	s7 =	simm.s32 $0x800  }
0x4e: {  	[tilespmem:s7], [sflag:$0xE] =	stream.linear.gather [hbm4b:s26+s18], $0x200, $0x38;
	[tilespmem:$0x19A00] =	vst v63  }
0x4f: {  	s29 =	rddreg [dreg:$0x17];
	s9 =	simm.s32 $0xA00  }
0x50: {  	[tilespmem:s9], [sflag:$0xF] =	stream.linear.gather [hbm4b:s29+s18], $0x200, $0x38;
	[tilespmem:$0x19A00] =	vst v63  }
0x51: {  	s13 =	simm.s32 $0x1200;
	s30 =	rddreg [dreg:$0x18]  }
0x52: {  	[tilespmem:s13], [sflag:$0x10] =	stream.linear.gather [hbm4b:s30+s18], $0x200, $0x38;
	[tilespmem:$0x19A00] =	vst v63  }
0x53: {  	s31 =	rddreg [dreg:$0x19];
	s24 =	simm.s32 $0x1400  }
0x54: {  	[tilespmem:s24], [sflag:$0x11] =	stream.linear.gather [hbm4b:s31+s18], $0x200, $0x38;
	[tilespmem:$0x19A00] =	vst v63  }
0x55: {  	s16 =	rddreg [dreg:$0x1a];
	s17 =	simm.s32 $0x1;
	s25 =	simm.s32 $0x1600  }
0x56: {  	[tilespmem:s25], [sflag:$0x12] =	stream.linear.gather [hbm4b:s16+s18], $0x200, $0x38;
	[tilespmem:$0x19A00] =	vst v63  }
0x57: {  	_ =	swait.ge [sflag:s17], $0x200  }
0x58: {  	[sflag:s17] =	ssyncset.done $0x0  }
0x59: {  	s19 =	simm.s32 $0x2;
	[sflag:s17] =	ssyncadd.s32 $0xFFFFFE00  }
0x5a: {  	_ =	swait.ge [sflag:s19], $0x200  }
0x5b: {  	[sflag:s19] =	ssyncset.done $0x0  }
0x5c: {  	s26 =	simm.s32 $0x3;
	[sflag:s19] =	ssyncadd.s32 $0xFFFFFE00  }
0x5d: {  	_ =	swait.ge [sflag:s26], $0x200  }
0x5e: {  	[sflag:s26] =	ssyncset.done $0x0  }
0x5f: {  	s29 =	simm.s32 $0x4;
	[sflag:s26] =	ssyncadd.s32 $0xFFFFFE00  }
0x60: {  	_ =	swait.ge [sflag:s29], $0x200  }
0x61: {  	[sflag:s29] =	ssyncset.done $0x0  }
0x62: {  	s30 =	simm.s32 $0x5;
	[sflag:s29] =	ssyncadd.s32 $0xFFFFFE00  }
0x63: {  	_ =	swait.ge [sflag:s30], $0x200  }
0x64: {  	[sflag:s30] =	ssyncset.done $0x0  }
0x65: {  	s31 =	simm.s32 $0x6;
	[sflag:s30] =	ssyncadd.s32 $0xFFFFFE00  }
0x66: {  	_ =	swait.ge [sflag:s31], $0x200  }
0x67: {  	[sflag:s31] =	ssyncset.done $0x0  }
0x68: {  	s16 =	simm.s32 $0xD;
	[sflag:s31] =	ssyncadd.s32 $0xFFFFFE00  }
0x69: {  	_ =	swait.ge [sflag:s16], $0x200  }
0x6a: {  	[sflag:s16] =	ssyncset.done $0x0  }
0x6b: {  	s17 =	simm.s32 $0xE;
	[sflag:s16] =	ssyncadd.s32 $0xFFFFFE00  }
0x6c: {  	_ =	swait.ge [sflag:s17], $0x200  }
0x6d: {  	[sflag:s17] =	ssyncset.done $0x0  }
0x6e: {  	s19 =	simm.s32 $0xF;
	[sflag:s17] =	ssyncadd.s32 $0xFFFFFE00  }
0x6f: {  	_ =	swait.ge [sflag:s19], $0x200  }
0x70: {  	[sflag:s19] =	ssyncset.done $0x0  }
0x71: {  	s26 =	simm.s32 $0x10;
	[sflag:s19] =	ssyncadd.s32 $0xFFFFFE00  }
0x72: {  	_ =	swait.ge [sflag:s26], $0x200  }
0x73: {  	[sflag:s26] =	ssyncset.done $0x0  }
0x74: {  	[sflag:s26] =	ssyncadd.s32 $0xFFFFFE00  }
0x75: {  	_ =	swait.ge [sflag:s20], $0x200  }
0x76: {  	[sflag:s20] =	ssyncset.done $0x0  }
0x77: {  	[sflag:s20] =	ssyncadd.s32 $0xFFFFFE00  }
0x78: {  	_ =	swait.ge [sflag:s21], $0x200  }
0x79: {  	[sflag:s21] =	ssyncset.done $0x0  }
0x7a: {  	[sflag:s21] =	ssyncadd.s32 $0xFFFFFE00  }
0x7b: {  	[tilespmem:s23], [sflag:$0x1] =	stream.indirect.gather [hbm4b:s0+s22], $0x80, s18, s22, $0xb8;
	[tilespmem:$0x19A00] =	vst v63  }
0x7c: {  	s29 =	simm.s32 $0x2800  }
0x7d: {  	[tilespmem:s29], [sflag:$0x2] =	stream.indirect.gather [hbm4b:s0+s22], $0x80, s22, s22, $0xb8;
	[tilespmem:$0x19A00] =	vst v63  }
0x7e: {  	s30 =	rddreg [dreg:$0xd]  }
0x7f: {  	[tilespmem:s6], [sflag:$0x3] =	stream.indirect.gather [hbm4b:s30+s22], $0x80, s2, s22, $0xb8;
	[tilespmem:$0x19A00] =	vst v63  }
0x80: {  	s31 =	simm.s32 $0x220;
	s16 =	simm.s32 $0x6800  }
0x81: {  	[tilespmem:s16], [sflag:$0x4] =	stream.indirect.gather [hbm4b:s30+s22], $0x80, s31, s22, $0xb8;
	[tilespmem:$0x19A00] =	vst v63  }
0x82: {  	_ = 	snop  }
0x83: {  	[tilespmem:s8], [sflag:$0x5] =	stream.indirect.gather [hbm4b:s0+s22], $0x80, s4, s22, $0xb8;
	[tilespmem:$0x19A00] =	vst v63  }
0x84: {  	s17 =	simm.s32 $0xA800;
	s16 =	simm.s32 $0x420  }
0x85: {  	[tilespmem:s17], [sflag:$0x6] =	stream.indirect.gather [hbm4b:s0+s22], $0x80, s16, s22, $0xb8;
	[tilespmem:$0x19A00] =	vst v63  }
0x86: {  	_ = 	snop  }
0x87: {  	[tilespmem:s10], [sflag:$0x7] =	stream.indirect.gather [hbm4b:s0+s22], $0x80, s5, s22, $0xb8;
	[tilespmem:$0x19A00] =	vst v63  }
0x88: {  	s19 =	simm.s32 $0xE800;
	s18 =	simm.s32 $0x620  }
0x89: {  	[tilespmem:s19], [sflag:$0x8] =	stream.indirect.gather [hbm4b:s0+s22], $0x80, s18, s22, $0xb8;
	[tilespmem:$0x19A00] =	vst v63  }
0x8a: {  	_ = 	snop  }
0x8b: {  	[tilespmem:s12], [sflag:$0x9] =	stream.indirect.gather [hbm4b:s30+s22], $0x80, s7, s22, $0xb8;
	[tilespmem:$0x19A00] =	vst v63  }
0x8c: {  	s26 =	simm.s32 $0x820;
	s29 =	simm.s32 $0x12800  }
0x8d: {  	[tilespmem:s29], [sflag:$0xA] =	stream.indirect.gather [hbm4b:s30+s22], $0x80, s26, s22, $0xb8;
	[tilespmem:$0x19A00] =	vst v63  }
0x8e: {  	s28 =	simm.s32 $0x0  }
0x8f: {  	[tilespmem:s14], [sflag:$0xB] =	stream.indirect.gather [hbm4b:s0+s22], $0x80, s9, s22, $0xb8;
	[tilespmem:$0x19A00] =	vst v63  }
0x90: {  	s31 =	simm.s32 $0x16800;
	s30 =	simm.s32 $0xA20;
	s26 =	simm.s32 $0x19800  }
0x91: {  	[tilespmem:s31], [sflag:$0xC] =	stream.indirect.gather [hbm4b:s0+s22], $0x80, s30, s22, $0xb8;
	[tilespmem:$0x19A00] =	vst v63  }
.LBB3_3:
0x92: {  	p0 =	seq.s32 s28, $0x7  }
.Ltmp0:
0x93: {  	_ = 	snop;
	(pc) =	sbr.rel @p0 .LBB3_7-.Ltmp0, $2  }
0x94: {  	_ =	sdelay $0x2  }
0x95: {  	s1 =	sand.u32 $0x1, s28;
	s28 =	sadd.s32 $0x1, s28  }
0x96: {  	p0 =	seq.s32 s1, $0x1  }
.Ltmp1:
0x97: {  	s4 =	sshll.u32 s28, $0x6;
	(pc) =	sbr.rel @!p0 .LBB3_5-.Ltmp1, $4  }
0x98: {  	s19 =	sor.u32 $0x20, s4;
	s2 =	sadd.s32 $0x200, s4  }
0x99: {  	s31 =	sadd.s32 $0x220, s4;
	s9 =	sadd.s32 $0x400, s4;
	s7 =	sadd.s32 $0x420, s4  }
0x9a: {  	s5 =	sadd.s32 $0x600, s4;
	s18 =	sadd.s32 $0x620, s4;
	s17 =	sadd.s32 $0x800, s4  }
0x9b: {  	s16 =	sadd.s32 $0x820, s4;
	s30 =	sadd.s32 $0xA00, s4;
	s29 =	sadd.s32 $0xA20, s4  }
0x9c: {  	[tilespmem:s23], [sflag:$0x1] =	stream.indirect.gather [hbm4b:s0+s22], $0x80, s4, s22, $0xb8;
	[tilespmem:$0x19A00] =	vst v63  }
0x9d: {  	s4 =	simm.s32 $0x2800  }
0x9e: {  	[tilespmem:s4], [sflag:$0x2] =	stream.indirect.gather [hbm4b:s0+s22], $0x80, s19, s22, $0xb8;
	[tilespmem:$0x19A00] =	vst v63  }
0x9f: {  	s4 =	rddreg [dreg:$0xd]  }
0xa0: {  	[tilespmem:s6], [sflag:$0x3] =	stream.indirect.gather [hbm4b:s4+s22], $0x80, s2, s22, $0xb8;
	[tilespmem:$0x19A00] =	vst v63  }
0xa1: {  	s19 =	simm.s32 $0x6800  }
0xa2: {  	[tilespmem:s19], [sflag:$0x4] =	stream.indirect.gather [hbm4b:s4+s22], $0x80, s31, s22, $0xb8;
	[tilespmem:$0x19A00] =	vst v63  }
0xa3: {  	_ = 	snop  }
0xa4: {  	[tilespmem:s8], [sflag:$0x5] =	stream.indirect.gather [hbm4b:s0+s22], $0x80, s9, s22, $0xb8;
	[tilespmem:$0x19A00] =	vst v63  }
0xa5: {  	s31 =	simm.s32 $0xA800  }
0xa6: {  	[tilespmem:s31], [sflag:$0x6] =	stream.indirect.gather [hbm4b:s0+s22], $0x80, s7, s22, $0xb8;
	[tilespmem:$0x19A00] =	vst v63  }
0xa7: {  	_ = 	snop  }
0xa8: {  	[tilespmem:s10], [sflag:$0x7] =	stream.indirect.gather [hbm4b:s0+s22], $0x80, s5, s22, $0xb8;
	[tilespmem:$0x19A00] =	vst v63  }
0xa9: {  	s9 =	simm.s32 $0xE800  }
0xaa: {  	[tilespmem:s9], [sflag:$0x8] =	stream.indirect.gather [hbm4b:s0+s22], $0x80, s18, s22, $0xb8;
	[tilespmem:$0x19A00] =	vst v63  }
0xab: {  	_ = 	snop  }
0xac: {  	[tilespmem:s12], [sflag:$0x9] =	stream.indirect.gather [hbm4b:s4+s22], $0x80, s17, s22, $0xb8;
	[tilespmem:$0x19A00] =	vst v63  }
0xad: {  	s19 =	simm.s32 $0x12800  }
0xae: {  	[tilespmem:s19], [sflag:$0xA] =	stream.indirect.gather [hbm4b:s4+s22], $0x80, s16, s22, $0xb8;
	[tilespmem:$0x19A00] =	vst v63  }
.Ltmp2:
0xaf: {  	_ = 	snop;
	(pc) =	sbr.rel .LBB3_7-.Ltmp2, $4  }
0xb0: {  	_ = 	snop  }
0xb1: {  	[tilespmem:s14], [sflag:$0xB] =	stream.indirect.gather [hbm4b:s0+s22], $0x80, s30, s22, $0xb8;
	[tilespmem:$0x19A00] =	vst v63  }
0xb2: {  	s31 =	simm.s32 $0x16800  }
0xb3: {  	[tilespmem:s31], [sflag:$0xC] =	stream.indirect.gather [hbm4b:s0+s22], $0x80, s29, s22, $0xb8;
	[tilespmem:$0x19A00] =	vst v63  }
.LBB3_5:
0xb4: {  	s20 =	simm.s32 $0x3800  }
0xb5: {  	[tilespmem:s20], [sflag:$0xD] =	stream.indirect.gather [hbm4b:s0+s22], $0x80, s4, s22, $0xb8;
	[tilespmem:$0x19A00] =	vst v63  }
0xb6: {  	s4 =	simm.s32 $0x4800  }
0xb7: {  	[tilespmem:s4], [sflag:$0xE] =	stream.indirect.gather [hbm4b:s0+s22], $0x80, s19, s22, $0xb8;
	[tilespmem:$0x19A00] =	vst v63  }
0xb8: {  	s4 =	rddreg [dreg:$0xd];
	s19 =	simm.s32 $0x7800  }
0xb9: {  	[tilespmem:s19], [sflag:$0xF] =	stream.indirect.gather [hbm4b:s4+s22], $0x80, s2, s22, $0xb8;
	[tilespmem:$0x19A00] =	vst v63  }
0xba: {  	s19 =	simm.s32 $0x8800  }
0xbb: {  	[tilespmem:s19], [sflag:$0x10] =	stream.indirect.gather [hbm4b:s4+s22], $0x80, s31, s22, $0xb8;
	[tilespmem:$0x19A00] =	vst v63  }
0xbc: {  	s31 =	simm.s32 $0xB800  }
0xbd: {  	[tilespmem:s31], [sflag:$0x11] =	stream.indirect.gather [hbm4b:s0+s22], $0x80, s9, s22, $0xb8;
	[tilespmem:$0x19A00] =	vst v63  }
0xbe: {  	s19 =	simm.s32 $0xC800  }
0xbf: {  	[tilespmem:s19], [sflag:$0x12] =	stream.indirect.gather [hbm4b:s0+s22], $0x80, s7, s22, $0xb8;
	[tilespmem:$0x19A00] =	vst v63  }
0xc0: {  	s31 =	simm.s32 $0xF800  }
0xc1: {  	[tilespmem:s31], [sflag:$0x13] =	stream.indirect.gather [hbm4b:s0+s22], $0x80, s5, s22, $0xb8;
	[tilespmem:$0x19A00] =	vst v63  }
0xc2: {  	s7 =	simm.s32 $0x10800  }
0xc3: {  	[tilespmem:s7], [sflag:$0x14] =	stream.indirect.gather [hbm4b:s0+s22], $0x80, s18, s22, $0xb8;
	[tilespmem:$0x19A00] =	vst v63  }
0xc4: {  	s9 =	simm.s32 $0x13800  }
0xc5: {  	[tilespmem:s9], [sflag:$0x15] =	stream.indirect.gather [hbm4b:s4+s22], $0x80, s17, s22, $0xb8;
	[tilespmem:$0x19A00] =	vst v63  }
0xc6: {  	s18 =	simm.s32 $0x14800  }
0xc7: {  	[tilespmem:s18], [sflag:$0x16] =	stream.indirect.gather [hbm4b:s4+s22], $0x80, s16, s22, $0xb8;
	[tilespmem:$0x19A00] =	vst v63  }
0xc8: {  	s19 =	simm.s32 $0x17800  }
0xc9: {  	[tilespmem:s19], [sflag:$0x17] =	stream.indirect.gather [hbm4b:s0+s22], $0x80, s30, s22, $0xb8;
	[tilespmem:$0x19A00] =	vst v63  }
0xca: {  	s31 =	simm.s32 $0x1;
	s30 =	simm.s32 $0x18800  }
0xcb: {  	[tilespmem:s30], [sflag:$0x18] =	stream.indirect.gather [hbm4b:s0+s22], $0x80, s29, s22, $0xb8;
	[tilespmem:$0x19A00] =	vst v63  }
0xcc: {  	_ =	swait.ge [sflag:s31], $0x1000  }
0xcd: {  	[sflag:s31] =	ssyncset.done $0x0  }
0xce: {  	s4 =	simm.s32 $0x2;
	[sflag:s31] =	ssyncadd.s32 $0xFFFFF000  }
0xcf: {  	_ =	swait.ge [sflag:s4], $0x1000  }
0xd0: {  	[sflag:s4] =	ssyncset.done $0x0  }
0xd1: {  	s5 =	simm.s32 $0x3;
	[sflag:s4] =	ssyncadd.s32 $0xFFFFF000  }
0xd2: {  	_ =	swait.ge [sflag:s5], $0x1000  }
0xd3: {  	[sflag:s5] =	ssyncset.done $0x0  }
0xd4: {  	s7 =	simm.s32 $0x4;
	[sflag:s5] =	ssyncadd.s32 $0xFFFFF000  }
0xd5: {  	_ =	swait.ge [sflag:s7], $0x1000  }
0xd6: {  	[sflag:s7] =	ssyncset.done $0x0  }
0xd7: {  	s9 =	simm.s32 $0x5;
	[sflag:s7] =	ssyncadd.s32 $0xFFFFF000  }
0xd8: {  	_ =	swait.ge [sflag:s9], $0x1000  }
0xd9: {  	[sflag:s9] =	ssyncset.done $0x0  }
0xda: {  	s16 =	simm.s32 $0x6;
	[sflag:s9] =	ssyncadd.s32 $0xFFFFF000  }
0xdb: {  	_ =	swait.ge [sflag:s16], $0x1000  }
0xdc: {  	[sflag:s16] =	ssyncset.done $0x0  }
0xdd: {  	s17 =	simm.s32 $0x7;
	[sflag:s16] =	ssyncadd.s32 $0xFFFFF000  }
0xde: {  	_ =	swait.ge [sflag:s17], $0x1000  }
0xdf: {  	[sflag:s17] =	ssyncset.done $0x0  }
0xe0: {  	s18 =	simm.s32 $0x8;
	[sflag:s17] =	ssyncadd.s32 $0xFFFFF000  }
0xe1: {  	_ =	swait.ge [sflag:s18], $0x1000  }
0xe2: {  	[sflag:s18] =	ssyncset.done $0x0  }
0xe3: {  	s19 =	simm.s32 $0x9;
	[sflag:s18] =	ssyncadd.s32 $0xFFFFF000  }
0xe4: {  	_ =	swait.ge [sflag:s19], $0x1000  }
0xe5: {  	[sflag:s19] =	ssyncset.done $0x0  }
0xe6: {  	s29 =	simm.s32 $0xA;
	[sflag:s19] =	ssyncadd.s32 $0xFFFFF000  }
0xe7: {  	_ =	swait.ge [sflag:s29], $0x1000  }
0xe8: {  	[sflag:s29] =	ssyncset.done $0x0  }
0xe9: {  	s30 =	simm.s32 $0xB;
	[sflag:s29] =	ssyncadd.s32 $0xFFFFF000  }
0xea: {  	p0 =	seq.s32 s1, $0x0;
	_ =	swait.ge [sflag:s30], $0x1000  }
.Ltmp3:
0xeb: {  	[sflag:s30] =	ssyncset.done $0x0;
	(pc) =	sbr.rel @p0 .LBB3_8-.Ltmp3, $4  }
0xec: {  	s31 =	simm.s32 $0xC;
	[sflag:s30] =	ssyncadd.s32 $0xFFFFF000  }
0xed: {  	_ =	swait.ge [sflag:s31], $0x1000  }
0xee: {  	[sflag:s31] =	ssyncset.done $0x0  }
0xef: {  	s20 =	simm.s32 $0x11;
	[sflag:s31] =	ssyncadd.s32 $0xFFFFF000  }
.LBB3_7:
0xf0: {  	s2 =	simm.s32 $0xD  }
0xf1: {  	_ =	swait.ge [sflag:s2], $0x1000  }
0xf2: {  	[sflag:s2] =	ssyncset.done $0x0  }
0xf3: {  	s7 =	simm.s32 $0xE;
	[sflag:s2] =	ssyncadd.s32 $0xFFFFF000  }
0xf4: {  	_ =	swait.ge [sflag:s7], $0x1000  }
0xf5: {  	[sflag:s7] =	ssyncset.done $0x0  }
0xf6: {  	s9 =	simm.s32 $0xF;
	[sflag:s7] =	ssyncadd.s32 $0xFFFFF000  }
0xf7: {  	_ =	swait.ge [sflag:s9], $0x1000  }
0xf8: {  	[sflag:s9] =	ssyncset.done $0x0  }
0xf9: {  	s16 =	simm.s32 $0x10;
	[sflag:s9] =	ssyncadd.s32 $0xFFFFF000  }
0xfa: {  	_ =	swait.ge [sflag:s16], $0x1000  }
0xfb: {  	[sflag:s16] =	ssyncset.done $0x0  }
0xfc: {  	[sflag:s16] =	ssyncadd.s32 $0xFFFFF000  }
0xfd: {  	_ =	swait.ge [sflag:s20], $0x1000  }
0xfe: {  	[sflag:s20] =	ssyncset.done $0x0  }
0xff: {  	[sflag:s20] =	ssyncadd.s32 $0xFFFFF000  }
0x100: {  	_ =	swait.ge [sflag:s21], $0x1000  }
0x101: {  	[sflag:s21] =	ssyncset.done $0x0  }
0x102: {  	s17 =	simm.s32 $0x13;
	[sflag:s21] =	ssyncadd.s32 $0xFFFFF000  }
0x103: {  	_ =	swait.ge [sflag:s17], $0x1000  }
0x104: {  	[sflag:s17] =	ssyncset.done $0x0  }
0x105: {  	s18 =	simm.s32 $0x14;
	[sflag:s17] =	ssyncadd.s32 $0xFFFFF000  }
0x106: {  	_ =	swait.ge [sflag:s18], $0x1000  }
0x107: {  	[sflag:s18] =	ssyncset.done $0x0  }
0x108: {  	s19 =	simm.s32 $0x15;
	[sflag:s18] =	ssyncadd.s32 $0xFFFFF000  }
0x109: {  	_ =	swait.ge [sflag:s19], $0x1000  }
0x10a: {  	[sflag:s19] =	ssyncset.done $0x0  }
0x10b: {  	s29 =	simm.s32 $0x16;
	[sflag:s19] =	ssyncadd.s32 $0xFFFFF000  }
0x10c: {  	_ =	swait.ge [sflag:s29], $0x1000  }
0x10d: {  	[sflag:s29] =	ssyncset.done $0x0  }
0x10e: {  	s30 =	simm.s32 $0x17;
	[sflag:s29] =	ssyncadd.s32 $0xFFFFF000  }
0x10f: {  	_ =	swait.ge [sflag:s30], $0x1000  }
0x110: {  	[sflag:s30] =	ssyncset.done $0x0  }
0x111: {  	s31 =	simm.s32 $0x18;
	[sflag:s30] =	ssyncadd.s32 $0xFFFFF000  }
0x112: {  	_ =	swait.ge [sflag:s31], $0x1000  }
0x113: {  	[sflag:s31] =	ssyncset.done $0x0  }
0x114: {  	[sflag:s31] =	ssyncadd.s32 $0xFFFFF000  }
.LBB3_8:
0x115: {  	v2 =	vmov s15  }
0x116: {  	v3 =	vmov s3  }
0x117: {  	s1 =	sshll.u32 s1, $0xD;
	v4 =	vmov s11;
	v5 =	vmov s13;
	v6 =	vmov s24  }
0x118: {  	s29 =	simm.s32 $0x0;
	v7 =	vmov s25;
	v8 =	vmov s26;
	s30 =	simm.s32 $0x0;
	v1 =	vmov s1  }
.LBB3_9:
0x119: {  	s1 =	sshra.s32 s30, $0x2  }
0x11a: {  	v11 =	vld.idx.msk [tilespmem:v2+s1+$0x0 ss:$0x1], $0xffff  }
0x11b: {  	v12 =	vld.idx.msk [tilespmem:v3+s1+$0x0 ss:$0x1], $0xffff  }
0x11c: {  	v13 =	vld.idx.msk [tilespmem:v4+s1+$0x0 ss:$0x1], $0xffff  }
0x11d: {  	v14 =	vld.idx.msk [tilespmem:v5+s1+$0x0 ss:$0x1], $0xffff  }
0x11e: {  	v9 =	vmov s29;
	v15 =	vld.idx.msk [tilespmem:v6+s1+$0x0 ss:$0x1], $0xffff  }
0x11f: {  	v9 =	vshll.u32 v9, $0x7;
	v10 =	vld.idx.msk [tilespmem:v7+s1+$0x0 ss:$0x1], $0xffff  }
0x120: {  	v9 =	vor.u32 v0, v9  }
0x121: {  	v9 =	vadd.s32 v1, v9;
	v16 =	vand.u32 $0xFFFFFF80, v11;
	v17 =	vand.u32 $0x7F, v11  }
0x122: {  	v18 =	vand.u32 $0xFFFFFF80, v12;
	v19 =	vand.u32 $0x7F, v12;
	v61 =	vand.u32 $0xFFFFFF80, v13  }
0x123: {  	v62 =	vand.u32 $0x7F, v13;
	v20 =	vand.u32 $0xFFFFFF80, v14;
	v21 =	vand.u32 $0x7F, v14  }
0x124: {  	v29 =	vand.u32 $0xFFFFFF80, v15;
	v30 =	vand.u32 $0x7F, v15;
	v22 =	vand.u32 $0xFFFFFF80, v10  }
0x125: {  	v31 =	vand.u32 $0x7F, v10;
	v32 =	vadd.s32 $0x1, v11;
	v23 =	vadd.s32 $0x1, v12  }
0x126: {  	v24 =	vadd.s32 $0x1, v13;
	v25 =	vadd.s32 $0x1, v14;
	v26 =	vadd.s32 $0x1, v15  }
0x127: {  	v43 =	vadd.s32 $0x2, v11;
	v44 =	vadd.s32 $0x2, v12;
	v45 =	vadd.s32 $0x2, v13  }
0x128: {  	v46 =	vadd.s32 $0x2, v14;
	v47 =	vadd.s32 $0x2, v15;
	v49 =	vadd.s32 $0x2, v10  }
0x129: {  	v55 =	vadd.s32 $0x3, v11;
	v56 =	vadd.s32 $0x3, v12;
	v58 =	vadd.s32 $0x3, v13  }
0x12a: {  	v59 =	vadd.s32 $0x3, v14;
	v16 =	vadd.s32 v9, v16;
	v18 =	vadd.s32 v9, v18  }
0x12b: {  	v20 =	vadd.s32 v9, v20;
	v22 =	vadd.s32 v9, v22;
	v27 =	vand.u32 $0xFFFFFF80, v32  }
0x12c: {  	v28 =	vand.u32 $0xFFFFFF80, v23;
	v23 =	vand.u32 $0x7F, v23;
	v33 =	vand.u32 $0xFFFFFF80, v24  }
0x12d: {  	v24 =	vand.u32 $0x7F, v24;
	v34 =	vand.u32 $0xFFFFFF80, v25;
	v25 =	vand.u32 $0x7F, v25  }
0x12e: {  	v48 =	vand.u32 $0xFFFFFF80, v43;
	v50 =	vand.u32 $0xFFFFFF80, v44;
	v51 =	vand.u32 $0xFFFFFF80, v45  }
0x12f: {  	v52 =	vand.u32 $0xFFFFFF80, v46;
	v53 =	vand.u32 $0xFFFFFF80, v47;
	v54 =	vand.u32 $0xFFFFFF80, v49  }
0x130: {  	v57 =	vand.u32 $0xFFFFFF80, v55;
	v16 =	vor.u32 v17, v16;
	v60 =	vor.u32 v19, v18  }
0x131: {  	v18 =	vadd.s32 v9, v61;
	v63 =	vor.u32 v21, v20;
	v20 =	vadd.s32 v9, v29  }
0x132: {  	v21 =	vor.u32 v31, v22;
	v22 =	vand.u32 $0x7F, v32;
	v27 =	vadd.s32 v9, v27  }
0x133: {  	v28 =	vadd.s32 v9, v28;
	v29 =	vadd.s32 $0x1, v10;
	v31 =	vadd.s32 $0x3, v15  }
0x134: {  	v32 =	vand.u32 $0xFFFFFF80, v58;
	v18 =	vor.u32 v62, v18;
	v20 =	vor.u32 v30, v20  }
0x135: {  	v22 =	vor.u32 v22, v27;
	v23 =	vor.u32 v23, v28;
	v28 =	vadd.s32 v9, v34  }
0x136: {  	v30 =	vand.u32 $0xFFFFFF80, v26;
	v26 =	vand.u32 $0x7F, v26;
	v27 =	vadd.s32 v9, v33;
	v16 =	vld.idx.msk [tilespmem:v16+s23+$0x0], $0xffff  }
0x137: {  	v36 =	vand.u32 $0xFFFFFF80, v29;
	v37 =	vand.u32 $0x7F, v29;
	v29 =	vand.u32 $0x7F, v58;
	v17 =	vld.idx.msk [tilespmem:v60+s6+$0x0], $0xffff  }
0x138: {  	v32 =	vadd.s32 v9, v32;
	v62 =	vand.u32 $0xFFFFFF80, v59;
	v33 =	vand.u32 $0x7F, v31;
	v19 =	vld.idx.msk [tilespmem:v63+s10+$0x0], $0xffff  }
0x139: {  	v25 =	vor.u32 v25, v28;
	v35 =	vadd.s32 v9, v30;
	v24 =	vor.u32 v24, v27;
	v21 =	vld.idx.msk [tilespmem:v21+s14+$0x0], $0xffff  }
0x13a: {  	v28 =	vadd.s32 v9, v36;
	v61 =	vor.u32 v29, v32;
	v26 =	vor.u32 v26, v35;
	v20 =	vld.idx.msk [tilespmem:v20+s12+$0x0], $0xffff  }
0x13b: {  	v30 =	vand.u32 $0x7F, v59;
	v29 =	vadd.s32 v9, v62;
	v59 =	vadd.s32 $0x5, v11;
	v22 =	vld.idx.msk [tilespmem:v22+s23+$0x0], $0xffff  }
0x13c: {  	v62 =	vadd.s32 $0x5, v14;
	v27 =	vor.u32 v37, v28;
	v28 =	vadd.s32 v9, v51;
	v23 =	vld.idx.msk [tilespmem:v23+s6+$0x0], $0xffff  }
0x13d: {  	v29 =	vor.u32 v30, v29;
	v51 =	vadd.s32 $0x4, v14;
	v63 =	vand.u32 $0xFFFFFF80, v31;
	v18 =	vld.idx.msk [tilespmem:v18+s8+$0x0], $0xffff  }
0x13e: {  	v60 =	vand.u32 $0xFFFFFF80, v56;
	v31 =	vand.u32 $0x7F, v62;
	v34 =	vadd.s32 v9, v63;
	v25 =	vld.idx.msk [tilespmem:v25+s10+$0x0], $0xffff  }
0x13f: {  	v63 =	vadd.s32 $0x5, v15;
	v30 =	vor.u32 v33, v34;
	v33 =	vand.u32 $0xFFFFFF80, v59;
	v26 =	vld.idx.msk [tilespmem:v26+s12+$0x0], $0xffff  }
0x140: {  	v24 =	vld.idx.msk [tilespmem:v24+s8+$0x0], $0xffff;
	v34 =	vadd.s32 $0x5, v10;
	v32 =	vand.u32 $0x7F, v63;
	v16 =	vadd.f32 v17, v16  }
0x141: {  	v33 =	vadd.s32 v9, v33;
	v38 =	vadd.f32 v20, v19;
	v39 =	vadd.f32 v23, v22  }
0x142: {  	v20 =	vand.u32 $0x7F, v43;
	v22 =	vand.u32 $0x7F, v45;
	v23 =	vand.u32 $0x7F, v46  }
0x143: {  	v46 =	vadd.s32 $0x3, v10;
	v16 =	vsub.f32 v16, v18;
	v22 =	vor.u32 v22, v28  }
0x144: {  	v27 =	vld.idx.msk [tilespmem:v27+s14+$0x0], $0xffff;
	v28 =	vadd.s32 v9, v57;
	v40 =	vadd.f32 v26, v25;
	v17 =	vsub.f32 v38, v21  }
0x145: {  	v41 =	vsub.f32 v39, v24;
	v25 =	vadd.s32 v9, v48;
	v21 =	vand.u32 $0x7F, v44  }
0x146: {  	v24 =	vand.u32 $0x7F, v47;
	v26 =	vand.u32 $0x7F, v49;
	v39 =	vadd.s32 $0x4, v11  }
0x147: {  	v38 =	vld.idx.msk [tilespmem:v61+s8+$0x0], $0xffff;
	v47 =	vand.u32 $0xFFFFFF80, v46;
	v48 =	vand.u32 $0x7F, v46;
	v61 =	vadd.s32 $0x5, v13  }
0x148: {  	v20 =	vor.u32 v20, v25;
	v25 =	vadd.s32 v9, v52;
	v16 =	vmul.f32 v16, v16  }
0x149: {  	v49 =	vadd.s32 v9, v47;
	v52 =	vadd.s32 $0x4, v15;
	v42 =	vsub.f32 v40, v27  }
0x14a: {  	v27 =	vadd.s32 v9, v50;
	v23 =	vor.u32 v23, v25;
	v25 =	vadd.s32 v9, v54  }
0x14b: {  	v18 =	vmul.f32 v41, v41;
	v21 =	vor.u32 v21, v27;
	v27 =	vadd.s32 v9, v53  }
0x14c: {  	v43 =	vld.idx.msk [tilespmem:v30+s12+$0x0], $0xffff;
	v17 =	vmul.f32 v17, v17;
	v41 =	vadd.s32 $0x4, v12;
	v24 =	vor.u32 v24, v27  }
0x14d: {  	v40 =	vld.idx.msk [tilespmem:v29+s10+$0x0], $0xffff;
	v50 =	vadd.s32 $0x4, v13;
	v54 =	vand.u32 $0xFFFFFF80, v51;
	v25 =	vor.u32 v26, v25  }
0x14e: {  	v26 =	vand.u32 $0x7F, v56;
	v44 =	vand.u32 $0xFFFFFF80, v41;
	v27 =	vand.u32 $0x7F, v55;
	v20 =	vld.idx.msk [tilespmem:v20+s23+$0x0], $0xffff  }
0x14f: {  	v53 =	vand.u32 $0xFFFFFF80, v50;
	v27 =	vor.u32 v27, v28;
	v28 =	vadd.s32 v9, v60;
	v23 =	vld.idx.msk [tilespmem:v23+s10+$0x0], $0xffff  }
0x150: {  	v29 =	vadd.s32 v9, v54;
	v56 =	vand.u32 $0xFFFFFF80, v52;
	v26 =	vor.u32 v26, v28;
	v21 =	vld.idx.msk [tilespmem:v21+s6+$0x0], $0xffff  }
0x151: {  	v19 =	vmul.f32 v42, v42;
	v16 =	vadd.f32 v18, v16;
	v55 =	vadd.s32 $0x4, v10;
	v24 =	vld.idx.msk [tilespmem:v24+s12+$0x0], $0xffff  }
0x152: {  	v22 =	vld.idx.msk [tilespmem:v22+s8+$0x0], $0xffff;
	v42 =	vand.u32 $0xFFFFFF80, v39;
	v45 =	vadd.s32 v9, v44;
	v57 =	vand.u32 $0xFFFFFF80, v55  }
0x153: {  	v30 =	vand.u32 $0x7F, v55;
	v60 =	vadd.s32 $0x5, v12;
	v17 =	vadd.f32 v19, v17;
	v25 =	vld.idx.msk [tilespmem:v25+s14+$0x0], $0xffff  }
0x154: {  	v28 =	vadd.s32 v9, v53;
	v35 =	vld.idx.msk [tilespmem:v27+s23+$0x0], $0xffff;
	v27 =	vadd.s32 v9, v42;
	v42 =	vadd.s32 $0x6, v12  }
0x155: {  	v36 =	vld.idx.msk [tilespmem:v26+s6+$0x0], $0xffff;
	v26 =	vand.u32 $0x7F, v41;
	v41 =	vadd.s32 $0x6, v11;
	v20 =	vadd.f32 v21, v20  }
0x156: {  	v44 =	vand.u32 $0xFFFFFF80, v42;
	v26 =	vor.u32 v26, v45;
	v23 =	vadd.f32 v24, v23  }
0x157: {  	v24 =	vand.u32 $0x7F, v50;
	v37 =	vsub.f32 v20, v22;
	v22 =	vand.u32 $0x7F, v39  }
0x158: {  	v20 =	vadd.f32 v43, v40;
	v24 =	vor.u32 v24, v28;
	v28 =	vadd.s32 v9, v56  }
0x159: {  	v39 =	vand.u32 $0xFFFFFF80, v63;
	v40 =	vand.u32 $0xFFFFFF80, v34;
	v34 =	vand.u32 $0x7F, v34  }
0x15a: {  	v43 =	vand.u32 $0xFFFFFF80, v41;
	v22 =	vor.u32 v22, v27;
	v23 =	vsub.f32 v23, v25  }
0x15b: {  	v18 =	vadd.f32 v36, v35;
	v25 =	vand.u32 $0x7F, v51;
	v27 =	vand.u32 $0x7F, v52  }
0x15c: {  	v35 =	vand.u32 $0xFFFFFF80, v60;
	v36 =	vand.u32 $0xFFFFFF80, v61;
	v19 =	vmul.f32 v37, v37  }
0x15d: {  	v25 =	vor.u32 v25, v29;
	v29 =	vadd.s32 v9, v57;
	v27 =	vor.u32 v27, v28  }
0x15e: {  	v35 =	vadd.s32 v9, v35;
	v36 =	vadd.s32 v9, v36;
	v37 =	vadd.s32 $0x6, v13  }
0x15f: {  	v21 =	vmul.f32 v23, v23;
	v58 =	vor.u32 v30, v29;
	v29 =	vand.u32 $0x7F, v60  }
0x160: {  	v23 =	vor.u32 v48, v49;
	v30 =	vand.u32 $0x7F, v61;
	v29 =	vor.u32 v29, v35  }
0x161: {  	v30 =	vor.u32 v30, v36;
	v35 =	vadd.s32 v9, v39;
	v36 =	vadd.s32 v9, v43  }
0x162: {  	v26 =	vld.idx.msk [tilespmem:v26+s6+$0x0], $0xffff;
	v39 =	vadd.s32 $0x6, v15;
	v32 =	vor.u32 v32, v35;
	v35 =	vand.u32 $0x7F, v41  }
0x163: {  	v18 =	vsub.f32 v18, v38;
	v47 =	vand.u32 $0xFFFFFF80, v39;
	v22 =	vld.idx.msk [tilespmem:v22+s23+$0x0], $0xffff;
	v35 =	vor.u32 v35, v36  }
0x164: {  	v38 =	vand.u32 $0xFFFFFF80, v62;
	v48 =	vand.u32 $0x7F, v39;
	v49 =	vadd.s32 v9, v47;
	v25 =	vld.idx.msk [tilespmem:v25+s10+$0x0], $0xffff  }
0x165: {  	v16 =	vadd.f32 v19, v16;
	v18 =	vmul.f32 v18, v18;
	v27 =	vld.idx.msk [tilespmem:v27+s12+$0x0], $0xffff;
	v52 =	vor.u32 v48, v49  }
0x166: {  	v24 =	vld.idx.msk [tilespmem:v24+s8+$0x0], $0xffff;
	v17 =	vadd.f32 v21, v17;
	v39 =	vadd.s32 $0x7, v15;
	v36 =	vadd.s32 v9, v44  }
0x167: {  	v16 =	vadd.f32 v18, v16;
	v48 =	vadd.s32 $0x8, v11;
	v49 =	vadd.s32 $0x8, v12;
	v23 =	vld.idx.msk [tilespmem:v23+s14+$0x0], $0xffff  }
0x168: {  	v22 =	vadd.f32 v26, v22;
	v26 =	vand.u32 $0x7F, v59;
	v54 =	vld.idx.msk [tilespmem:v35+s23+$0x0], $0xffff;
	v35 =	vadd.s32 $0x7, v11  }
0x169: {  	v28 =	vld.idx.msk [tilespmem:v58+s14+$0x0], $0xffff;
	v26 =	vor.u32 v26, v33;
	v33 =	vadd.s32 v9, v38;
	v38 =	vadd.s32 $0x6, v14  }
0x16a: {  	v50 =	vadd.f32 v27, v25;
	v62 =	vld.idx.msk [tilespmem:v52+s12+$0x0], $0xffff;
	v27 =	vand.u32 $0x7F, v39;
	v52 =	vadd.s32 $0x8, v15  }
0x16b: {  	v31 =	vor.u32 v31, v33;
	v33 =	vadd.s32 v9, v40;
	v40 =	vand.u32 $0xFFFFFF80, v37  }
0x16c: {  	v37 =	vand.u32 $0x7F, v37;
	v46 =	vand.u32 $0xFFFFFF80, v38;
	v38 =	vand.u32 $0x7F, v38  }
0x16d: {  	v20 =	vsub.f32 v20, v23;
	v53 =	vsub.f32 v22, v24;
	v33 =	vor.u32 v34, v33  }
0x16e: {  	v34 =	vand.u32 $0x7F, v42;
	v40 =	vadd.s32 v9, v40;
	v55 =	vsub.f32 v50, v28  }
0x16f: {  	v42 =	vadd.s32 $0x7, v10;
	v50 =	vadd.s32 $0x8, v13;
	v34 =	vor.u32 v34, v36  }
0x170: {  	v45 =	vor.u32 v37, v40;
	v37 =	vadd.s32 v9, v46;
	v20 =	vmul.f32 v20, v20  }
0x171: {  	v29 =	vld.idx.msk [tilespmem:v29+s6+$0x0], $0xffff;
	v57 =	vmul.f32 v53, v53;
	v36 =	vadd.s32 $0x7, v12;
	v40 =	vand.u32 $0xFFFFFF80, v35  }
0x172: {  	v32 =	vld.idx.msk [tilespmem:v32+s12+$0x0], $0xffff;
	v46 =	vand.u32 $0xFFFFFF80, v42;
	v47 =	vand.u32 $0x7F, v42;
	v37 =	vor.u32 v38, v37  }
0x173: {  	v53 =	vand.u32 $0xFFFFFF80, v48;
	v42 =	vadd.s32 $0x9, v10;
	v59 =	vmul.f32 v55, v55;
	v26 =	vld.idx.msk [tilespmem:v26+s23+$0x0], $0xffff  }
0x174: {  	v38 =	vadd.s32 $0x7, v14;
	v41 =	vand.u32 $0xFFFFFF80, v36;
	v17 =	vadd.f32 v20, v17;
	v31 =	vld.idx.msk [tilespmem:v31+s10+$0x0], $0xffff  }
0x175: {  	v30 =	vld.idx.msk [tilespmem:v30+s8+$0x0], $0xffff;
	v28 =	vadd.s32 v9, v40;
	v24 =	vand.u32 $0x7F, v36;
	v55 =	vadd.s32 $0x8, v10  }
0x176: {  	v16 =	vadd.f32 v57, v16;
	v44 =	vand.u32 $0xFFFFFF80, v38;
	v17 =	vadd.f32 v59, v17;
	v58 =	vld.idx.msk [tilespmem:v45+s8+$0x0], $0xffff  }
0x177: {  	v59 =	vand.u32 $0xFFFFFF80, v55;
	v45 =	vand.u32 $0xFFFFFF80, v39;
	v60 =	vld.idx.msk [tilespmem:v37+s10+$0x0], $0xffff;
	v37 =	vadd.s32 $0x7, v13  }
0x178: {  	v51 =	vld.idx.msk [tilespmem:v33+s14+$0x0], $0xffff;
	v61 =	vadd.f32 v29, v26;
	v29 =	vadd.s32 v9, v41;
	v43 =	vand.u32 $0xFFFFFF80, v37  }
0x179: {  	v56 =	vld.idx.msk [tilespmem:v34+s6+$0x0], $0xffff;
	v25 =	vand.u32 $0x7F, v37;
	v26 =	vand.u32 $0x7F, v38;
	v63 =	vadd.f32 v32, v31  }
0x17a: {  	v31 =	vadd.s32 $0x6, v10;
	v24 =	vor.u32 v24, v29;
	v29 =	vadd.s32 v9, v44  }
0x17b: {  	v18 =	vsub.f32 v61, v30;
	v32 =	vand.u32 $0xFFFFFF80, v31;
	v33 =	vand.u32 $0x7F, v31  }
0x17c: {  	v26 =	vor.u32 v26, v29;
	v29 =	vadd.s32 v9, v46;
	v30 =	vand.u32 $0x7F, v49  }
0x17d: {  	v31 =	vand.u32 $0x7F, v50;
	v61 =	vadd.s32 $0x9, v11;
	v46 =	vadd.s32 $0x9, v15  }
0x17e: {  	v22 =	vadd.f32 v56, v54;
	v20 =	vsub.f32 v63, v51;
	v34 =	vadd.s32 v9, v32  }
0x17f: {  	v51 =	vadd.s32 $0x8, v14;
	v54 =	vand.u32 $0xFFFFFF80, v49;
	v56 =	vand.u32 $0xFFFFFF80, v50  }
0x180: {  	v63 =	vadd.s32 $0x9, v13;
	v39 =	vand.u32 $0x7F, v46;
	v18 =	vmul.f32 v18, v18  }
0x181: {  	v23 =	vor.u32 v33, v34;
	v21 =	vadd.f32 v62, v60;
	v34 =	vadd.s32 v9, v53  }
0x182: {  	v57 =	vand.u32 $0xFFFFFF80, v51;
	v32 =	vand.u32 $0x7F, v51;
	v33 =	vand.u32 $0x7F, v52  }
0x183: {  	v60 =	vand.u32 $0x7F, v55;
	v62 =	vadd.s32 $0x9, v12;
	v37 =	vand.u32 $0x7F, v63  }
0x184: {  	v51 =	vand.u32 $0xFFFFFF80, v42;
	v19 =	vsub.f32 v22, v58;
	v22 =	vand.u32 $0x7F, v35  }
0x185: {  	v35 =	vadd.s32 v9, v54;
	v58 =	vand.u32 $0xFFFFFF80, v52;
	v41 =	vand.u32 $0xFFFFFF80, v62  }
0x186: {  	v36 =	vand.u32 $0x7F, v62;
	v52 =	vand.u32 $0x7F, v42;
	v20 =	vmul.f32 v20, v20  }
0x187: {  	v42 =	vadd.s32 $0xA, v10;
	v22 =	vor.u32 v22, v28;
	v28 =	vadd.s32 v9, v43  }
0x188: {  	v30 =	vor.u32 v30, v35;
	v35 =	vadd.s32 v9, v57;
	v41 =	vadd.s32 v9, v41  }
0x189: {  	v43 =	vand.u32 $0xFFFFFF80, v46;
	v16 =	vadd.f32 v18, v16;
	v46 =	vand.u32 $0xFFFFFF80, v42  }
0x18a: {  	v25 =	vor.u32 v25, v28;
	v28 =	vadd.s32 v9, v45;
	v32 =	vor.u32 v32, v35  }
0x18b: {  	v24 =	vld.idx.msk [tilespmem:v24+s6+$0x0], $0xffff;
	v35 =	vadd.s32 v9, v59;
	v45 =	vadd.s32 $0x9, v14;
	v36 =	vor.u32 v36, v41  }
0x18c: {  	v26 =	vld.idx.msk [tilespmem:v26+s10+$0x0], $0xffff;
	v50 =	vadd.s32 v9, v43;
	v19 =	vmul.f32 v19, v19;
	v17 =	vadd.f32 v20, v17  }
0x18d: {  	v27 =	vor.u32 v27, v28;
	v28 =	vor.u32 v47, v29;
	v29 =	vand.u32 $0x7F, v48;
	v23 =	vld.idx.msk [tilespmem:v23+s14+$0x0], $0xffff  }
0x18e: {  	v47 =	vand.u32 $0xFFFFFF80, v61;
	v48 =	vand.u32 $0xFFFFFF80, v63;
	v49 =	vand.u32 $0xFFFFFF80, v45;
	v22 =	vld.idx.msk [tilespmem:v22+s23+$0x0], $0xffff  }
0x18f: {  	v38 =	vand.u32 $0x7F, v45;
	v39 =	vor.u32 v39, v50;
	v50 =	vadd.s32 $0xB, v13;
	v30 =	vld.idx.msk [tilespmem:v30+s6+$0x0], $0xffff  }
0x190: {  	v29 =	vor.u32 v29, v34;
	v34 =	vadd.s32 v9, v56;
	v40 =	vadd.s32 v9, v47;
	v25 =	vld.idx.msk [tilespmem:v25+s8+$0x0], $0xffff  }
0x191: {  	v41 =	vadd.s32 v9, v49;
	v16 =	vadd.f32 v19, v16;
	v47 =	vand.u32 $0x7F, v42;
	v32 =	vld.idx.msk [tilespmem:v32+s10+$0x0], $0xffff  }
0x192: {  	v49 =	vadd.s32 $0xB, v12;
	v31 =	vor.u32 v31, v34;
	v34 =	vadd.s32 v9, v58;
	v56 =	vld.idx.msk [tilespmem:v36+s6+$0x0], $0xffff  }
0x193: {  	v38 =	vor.u32 v38, v41;
	v41 =	vadd.s32 v9, v51;
	v51 =	vadd.s32 $0xB, v14;
	v27 =	vld.idx.msk [tilespmem:v27+s12+$0x0], $0xffff  }
0x194: {  	v33 =	vor.u32 v33, v34;
	v34 =	vor.u32 v60, v35;
	v35 =	vand.u32 $0x7F, v61;
	v28 =	vld.idx.msk [tilespmem:v28+s14+$0x0], $0xffff  }
0x195: {  	v55 =	vor.u32 v52, v41;
	v52 =	vadd.s32 $0xB, v15;
	v35 =	vor.u32 v35, v40;
	v60 =	vld.idx.msk [tilespmem:v39+s12+$0x0], $0xffff  }
0x196: {  	v40 =	vadd.s32 v9, v48;
	v36 =	vadd.s32 $0xA, v12;
	v48 =	vadd.s32 $0xB, v11;
	v29 =	vld.idx.msk [tilespmem:v29+s23+$0x0], $0xffff  }
0x197: {  	v37 =	vor.u32 v37, v40;
	v39 =	vadd.s32 $0xA, v15;
	v21 =	vsub.f32 v21, v23;
	v31 =	vld.idx.msk [tilespmem:v31+s8+$0x0], $0xffff  }
0x198: {  	v41 =	vand.u32 $0xFFFFFF80, v36;
	v23 =	vand.u32 $0x7F, v36;
	v58 =	vld.idx.msk [tilespmem:v38+s10+$0x0], $0xffff;
	v53 =	vadd.f32 v24, v22  }
0x199: {  	v45 =	vand.u32 $0xFFFFFF80, v39;
	v38 =	vadd.s32 $0xA, v14;
	v33 =	vld.idx.msk [tilespmem:v33+s12+$0x0], $0xffff;
	v59 =	vmul.f32 v21, v21  }
0x19a: {  	v24 =	vld.idx.msk [tilespmem:v55+s14+$0x0], $0xffff;
	v44 =	vand.u32 $0xFFFFFF80, v38;
	v55 =	vadd.s32 $0xB, v10;
	v18 =	vsub.f32 v53, v25  }
0x19b: {  	v54 =	vld.idx.msk [tilespmem:v35+s23+$0x0], $0xffff;
	v35 =	vadd.s32 $0xA, v11;
	v57 =	vadd.f32 v27, v26;
	v17 =	vadd.f32 v59, v17  }
0x19c: {  	v63 =	vld.idx.msk [tilespmem:v37+s8+$0x0], $0xffff;
	v37 =	vadd.s32 $0xA, v13;
	v40 =	vand.u32 $0xFFFFFF80, v35;
	v25 =	vand.u32 $0x7F, v38  }
0x19d: {  	v26 =	vand.u32 $0x7F, v39;
	v53 =	vand.u32 $0xFFFFFF80, v48;
	v59 =	vand.u32 $0xFFFFFF80, v55  }
0x19e: {  	v62 =	vadd.f32 v30, v29;
	v27 =	vadd.s32 v9, v40;
	v43 =	vand.u32 $0xFFFFFF80, v37  }
0x19f: {  	v29 =	vand.u32 $0x7F, v49;
	v61 =	vsub.f32 v57, v28;
	v18 =	vmul.f32 v18, v18  }
0x1a0: {  	v34 =	vld.idx.msk [tilespmem:v34+s14+$0x0], $0xffff;
	v28 =	vadd.s32 v9, v41;
	v57 =	vand.u32 $0xFFFFFF80, v51;
	v30 =	vadd.f32 v33, v32  }
0x1a1: {  	v33 =	vsub.f32 v62, v31;
	v23 =	vor.u32 v23, v28;
	v28 =	vadd.s32 v9, v44  }
0x1a2: {  	v31 =	vand.u32 $0x7F, v51;
	v62 =	vadd.s32 $0xC, v12;
	v44 =	vadd.s32 $0xC, v14  }
0x1a3: {  	v16 =	vadd.f32 v18, v16;
	v32 =	vmul.f32 v61, v61;
	v22 =	vadd.f32 v56, v54  }
0x1a4: {  	v25 =	vor.u32 v25, v28;
	v28 =	vadd.s32 v9, v46;
	v54 =	vand.u32 $0xFFFFFF80, v49  }
0x1a5: {  	v56 =	vand.u32 $0xFFFFFF80, v50;
	v61 =	vadd.s32 $0xC, v11;
	v19 =	vsub.f32 v30, v34  }
0x1a6: {  	v34 =	vadd.f32 v60, v58;
	v20 =	vmul.f32 v33, v33;
	v33 =	vadd.s32 v9, v53  }
0x1a7: {  	v30 =	vand.u32 $0x7F, v50;
	v58 =	vand.u32 $0xFFFFFF80, v52;
	v60 =	vand.u32 $0x7F, v55  }
0x1a8: {  	v46 =	vand.u32 $0xFFFFFF80, v61;
	v50 =	vand.u32 $0xFFFFFF80, v44;
	v17 =	vadd.f32 v32, v17  }
0x1a9: {  	v21 =	vsub.f32 v22, v63;
	v22 =	vand.u32 $0x7F, v35;
	v32 =	vand.u32 $0x7F, v52  }
0x1aa: {  	v63 =	vadd.s32 $0xC, v13;
	v39 =	vadd.s32 v9, v46;
	v35 =	vand.u32 $0x7F, v62  }
0x1ab: {  	v46 =	vadd.s32 $0xD, v12;
	v19 =	vmul.f32 v19, v19;
	v18 =	vsub.f32 v34, v24  }
0x1ac: {  	v22 =	vor.u32 v22, v27;
	v24 =	vand.u32 $0x7F, v37;
	v27 =	vadd.s32 v9, v43  }
0x1ad: {  	v34 =	vadd.s32 v9, v54;
	v49 =	vand.u32 $0xFFFFFF80, v63;
	v36 =	vand.u32 $0x7F, v63  }
0x1ae: {  	v37 =	vand.u32 $0x7F, v44;
	v16 =	vadd.f32 v20, v16;
	v24 =	vor.u32 v24, v27  }
0x1af: {  	v27 =	vadd.s32 v9, v45;
	v29 =	vor.u32 v29, v34;
	v34 =	vadd.s32 v9, v57  }
0x1b0: {  	v45 =	vadd.s32 $0xC, v15;
	v26 =	vor.u32 v26, v27;
	v27 =	vor.u32 v47, v28  }
0x1b1: {  	v28 =	vand.u32 $0x7F, v48;
	v31 =	vor.u32 v31, v34;
	v34 =	vadd.s32 v9, v59  }
0x1b2: {  	v47 =	vand.u32 $0xFFFFFF80, v62;
	v48 =	vadd.s32 $0xC, v10;
	v51 =	vand.u32 $0xFFFFFF80, v45  }
0x1b3: {  	v38 =	vand.u32 $0x7F, v45;
	v17 =	vadd.f32 v19, v17;
	v18 =	vmul.f32 v18, v18  }
0x1b4: {  	v23 =	vld.idx.msk [tilespmem:v23+s6+$0x0], $0xffff;
	v45 =	vadd.s32 $0xD, v11;
	v28 =	vor.u32 v28, v33;
	v33 =	vadd.s32 v9, v56  }
0x1b5: {  	v25 =	vld.idx.msk [tilespmem:v25+s10+$0x0], $0xffff;
	v40 =	vadd.s32 v9, v47;
	v52 =	vadd.s32 v9, v51;
	v53 =	vand.u32 $0xFFFFFF80, v48  }
0x1b6: {  	v54 =	vand.u32 $0x7F, v48;
	v47 =	vadd.s32 $0xD, v13;
	v48 =	vadd.s32 $0xD, v14;
	v22 =	vld.idx.msk [tilespmem:v22+s23+$0x0], $0xffff  }
0x1b7: {  	v51 =	vadd.s32 $0xD, v10;
	v30 =	vor.u32 v30, v33;
	v33 =	vadd.s32 v9, v58;
	v24 =	vld.idx.msk [tilespmem:v24+s8+$0x0], $0xffff  }
0x1b8: {  	v35 =	vor.u32 v35, v40;
	v40 =	vadd.s32 v9, v50;
	v38 =	vor.u32 v38, v52;
	v29 =	vld.idx.msk [tilespmem:v29+s6+$0x0], $0xffff  }
0x1b9: {  	v58 =	vmul.f32 v21, v21;
	v17 =	vadd.f32 v18, v17;
	v50 =	vand.u32 $0xFFFFFF80, v45;
	v26 =	vld.idx.msk [tilespmem:v26+s12+$0x0], $0xffff  }
0x1ba: {  	v52 =	vand.u32 $0xFFFFFF80, v46;
	v21 =	vand.u32 $0x7F, v46;
	v32 =	vor.u32 v32, v33;
	v27 =	vld.idx.msk [tilespmem:v27+s14+$0x0], $0xffff  }
0x1bb: {  	v33 =	vor.u32 v60, v34;
	v34 =	vand.u32 $0x7F, v61;
	v37 =	vor.u32 v37, v40;
	v31 =	vld.idx.msk [tilespmem:v31+s10+$0x0], $0xffff  }
0x1bc: {  	v40 =	vadd.s32 v9, v53;
	v53 =	vand.u32 $0xFFFFFF80, v47;
	v34 =	vor.u32 v34, v39;
	v28 =	vld.idx.msk [tilespmem:v28+s23+$0x0], $0xffff  }
0x1bd: {  	v39 =	vadd.s32 v9, v49;
	v57 =	vor.u32 v54, v40;
	v16 =	vadd.f32 v58, v16;
	v30 =	vld.idx.msk [tilespmem:v30+s8+$0x0], $0xffff  }
0x1be: {  	v49 =	vadd.s32 $0xD, v15;
	v54 =	vand.u32 $0xFFFFFF80, v48;
	v59 =	vld.idx.msk [tilespmem:v35+s6+$0x0], $0xffff;
	v22 =	vadd.f32 v23, v22  }
0x1bf: {  	v58 =	vadd.s32 $0xE, v12;
	v36 =	vor.u32 v36, v39;
	v32 =	vld.idx.msk [tilespmem:v32+s12+$0x0], $0xffff;
	v23 =	vand.u32 $0x7F, v48  }
0x1c0: {  	v62 =	vld.idx.msk [tilespmem:v37+s10+$0x0], $0xffff;
	v48 =	vadd.s32 $0xF, v11;
	v55 =	vadd.f32 v26, v25;
	v60 =	vsub.f32 v22, v24  }
0x1c1: {  	v56 =	vld.idx.msk [tilespmem:v34+s23+$0x0], $0xffff;
	v25 =	vadd.s32 v9, v50;
	v22 =	vand.u32 $0x7F, v47;
	v24 =	vand.u32 $0x7F, v49  }
0x1c2: {  	v26 =	vld.idx.msk [tilespmem:v57+s14+$0x0], $0xffff;
	v57 =	vadd.s32 $0xE, v11;
	v63 =	vadd.f32 v29, v28;
	v28 =	vadd.s32 v9, v53  }
0x1c3: {  	v34 =	vld.idx.msk [tilespmem:v38+s12+$0x0], $0xffff;
	v61 =	vsub.f32 v55, v27;
	v35 =	vmul.f32 v60, v60;
	v27 =	vadd.s32 v9, v52  }
0x1c4: {  	v22 =	vor.u32 v22, v28;
	v55 =	vand.u32 $0xFFFFFF80, v49;
	v60 =	vadd.s32 $0xE, v13  }
0x1c5: {  	v49 =	vadd.s32 $0xE, v10;
	v52 =	vand.u32 $0xFFFFFF80, v48;
	v32 =	vadd.f32 v32, v31  }
0x1c6: {  	v33 =	vld.idx.msk [tilespmem:v33+s14+$0x0], $0xffff;
	v38 =	vsub.f32 v63, v30;
	v21 =	vor.u32 v21, v27;
	v27 =	vadd.s32 v9, v55  }
0x1c7: {  	v63 =	vand.u32 $0xFFFFFF80, v58;
	v29 =	vand.u32 $0x7F, v60;
	v16 =	vadd.f32 v35, v16  }
0x1c8: {  	v36 =	vld.idx.msk [tilespmem:v36+s8+$0x0], $0xffff;
	v37 =	vmul.f32 v61, v61;
	v20 =	vadd.f32 v59, v56;
	v42 =	vadd.f32 v34, v62  }
0x1c9: {  	v24 =	vor.u32 v24, v27;
	v56 =	vand.u32 $0xFFFFFF80, v51;
	v59 =	vand.u32 $0xFFFFFF80, v57  }
0x1ca: {  	v27 =	vand.u32 $0x7F, v57;
	v61 =	vadd.s32 $0xE, v14;
	v62 =	vadd.s32 $0xE, v15  }
0x1cb: {  	v39 =	vsub.f32 v32, v33;
	v40 =	vmul.f32 v38, v38;
	v28 =	vadd.s32 v9, v59  }
0x1cc: {  	v38 =	vand.u32 $0xFFFFFF80, v61;
	v30 =	vand.u32 $0x7F, v61;
	v17 =	vadd.f32 v37, v17  }
0x1cd: {  	v61 =	vadd.s32 $0xF, v14;
	v43 =	vsub.f32 v20, v36;
	v44 =	vsub.f32 v42, v26  }
0x1ce: {  	v20 =	vand.u32 $0x7F, v45;
	v26 =	vand.u32 $0x7F, v51;
	v27 =	vor.u32 v27, v28  }
0x1cf: {  	v36 =	vand.u32 $0xFFFFFF80, v60;
	v28 =	vadd.s32 v9, v63;
	v51 =	vadd.s32 $0xF, v12  }
0x1d0: {  	v60 =	vadd.s32 $0xF, v13;
	v63 =	vadd.s32 $0xF, v10;
	v33 =	vand.u32 $0xFFFFFF80, v61  }
0x1d1: {  	v41 =	vmul.f32 v39, v39;
	v16 =	vadd.f32 v40, v16;
	v20 =	vor.u32 v20, v25  }
0x1d2: {  	v25 =	vadd.s32 v9, v54;
	v32 =	vadd.s32 v9, v36;
	v39 =	vand.u32 $0xFFFFFF80, v62  }
0x1d3: {  	v40 =	vand.u32 $0x7F, v62;
	v54 =	vand.u32 $0xFFFFFF80, v51;
	v62 =	vadd.s32 $0xF, v15  }
0x1d4: {  	v35 =	vand.u32 $0xFFFFFF80, v63;
	v23 =	vor.u32 v23, v25;
	v25 =	vadd.s32 v9, v56  }
0x1d5: {  	v22 =	vld.idx.msk [tilespmem:v22+s8+$0x0], $0xffff;
	v37 =	vor.u32 v29, v32;
	v29 =	vadd.s32 v9, v38;
	v18 =	vmul.f32 v43, v43  }
0x1d6: {  	v21 =	vld.idx.msk [tilespmem:v21+s6+$0x0], $0xffff;
	v19 =	vmul.f32 v44, v44;
	v55 =	vadd.s32 v9, v54;
	v56 =	vand.u32 $0xFFFFFF80, v49  }
0x1d7: {  	v32 =	vand.u32 $0xFFFFFF80, v60;
	v34 =	vand.u32 $0xFFFFFF80, v62;
	v25 =	vor.u32 v26, v25;
	v24 =	vld.idx.msk [tilespmem:v24+s12+$0x0], $0xffff  }
0x1d8: {  	v36 =	vadd.s32 v9, v35;
	v26 =	vand.u32 $0x7F, v58;
	v29 =	vor.u32 v30, v29;
	v43 =	vld.idx.msk [tilespmem:v27+s23+$0x0], $0xffff  }
0x1d9: {  	v17 =	vadd.f32 v41, v17;
	v41 =	vadd.s32 v9, v39;
	v26 =	vor.u32 v26, v28;
	v20 =	vld.idx.msk [tilespmem:v20+s23+$0x0], $0xffff  }
0x1da: {  	v38 =	vadd.s32 $0x10, v12;
	v57 =	vadd.s32 v9, v56;
	v30 =	vor.u32 v40, v41;
	v23 =	vld.idx.msk [tilespmem:v23+s10+$0x0], $0xffff  }
0x1db: {  	v39 =	vadd.s32 $0x10, v13;
	v16 =	vadd.f32 v18, v16;
	v28 =	vadd.s32 v9, v32;
	v47 =	vld.idx.msk [tilespmem:v37+s8+$0x0], $0xffff  }
0x1dc: {  	v40 =	vadd.s32 $0x10, v14;
	v41 =	vadd.s32 $0x10, v15;
	v17 =	vadd.f32 v19, v17;
	v25 =	vld.idx.msk [tilespmem:v25+s14+$0x0], $0xffff  }
0x1dd: {  	v27 =	vadd.s32 v9, v52;
	v31 =	vand.u32 $0x7F, v41;
	v52 =	vadd.s32 $0x11, v14;
	v50 =	vld.idx.msk [tilespmem:v29+s10+$0x0], $0xffff  }
0x1de: {  	v56 =	vand.u32 $0xFFFFFF80, v52;
	v37 =	vadd.s32 $0x10, v11;
	v29 =	vadd.s32 v9, v33;
	v44 =	vld.idx.msk [tilespmem:v26+s6+$0x0], $0xffff  }
0x1df: {  	v53 =	vld.idx.msk [tilespmem:v30+s12+$0x0], $0xffff;
	v26 =	vand.u32 $0x7F, v51;
	v30 =	vand.u32 $0x7F, v40;
	v51 =	vadd.s32 $0x11, v12  }
0x1e0: {  	v26 =	vor.u32 v26, v55;
	v55 =	vand.u32 $0xFFFFFF80, v51;
	v20 =	vadd.f32 v21, v20  }
0x1e1: {  	v42 =	vadd.f32 v24, v23;
	v24 =	vand.u32 $0x7F, v49;
	v23 =	vand.u32 $0x7F, v60  }
0x1e2: {  	v45 =	vsub.f32 v20, v22;
	v22 =	vand.u32 $0x7F, v48;
	v58 =	vor.u32 v24, v57  }
0x1e3: {  	v24 =	vand.u32 $0x7F, v61;
	v23 =	vor.u32 v23, v28;
	v28 =	vadd.s32 v9, v34  }
0x1e4: {  	v48 =	vand.u32 $0xFFFFFF80, v41;
	v41 =	vadd.s32 $0x11, v13;
	v46 =	vsub.f32 v42, v25  }
0x1e5: {  	v22 =	vor.u32 v22, v27;
	v18 =	vadd.f32 v44, v43;
	v59 =	vadd.f32 v53, v50  }
0x1e6: {  	v24 =	vor.u32 v24, v29;
	v25 =	vand.u32 $0x7F, v62;
	v27 =	vand.u32 $0x7F, v63  }
0x1e7: {  	v42 =	vadd.s32 $0x10, v10;
	v43 =	vand.u32 $0xFFFFFF80, v37;
	v44 =	vand.u32 $0xFFFFFF80, v38  }
0x1e8: {  	v29 =	vand.u32 $0x7F, v39;
	v50 =	vadd.s32 $0x11, v11;
	v53 =	vadd.s32 $0x11, v15  }
0x1e9: {  	v19 =	vmul.f32 v45, v45;
	v25 =	vor.u32 v25, v28;
	v27 =	vor.u32 v27, v36  }
0x1ea: {  	v33 =	vadd.s32 v9, v43;
	v28 =	vand.u32 $0x7F, v38;
	v45 =	vadd.s32 v9, v44  }
0x1eb: {  	v49 =	vand.u32 $0xFFFFFF80, v42;
	v32 =	vand.u32 $0x7F, v42;
	v54 =	vand.u32 $0xFFFFFF80, v50  }
0x1ec: {  	v38 =	vadd.s32 v9, v55;
	v57 =	vand.u32 $0xFFFFFF80, v53;
	v36 =	vand.u32 $0x7F, v53  }
0x1ed: {  	v42 =	vadd.s32 $0x11, v10;
	v43 =	vand.u32 $0xFFFFFF80, v41;
	v18 =	vsub.f32 v18, v47  }
0x1ee: {  	v47 =	vand.u32 $0xFFFFFF80, v40;
	v28 =	vor.u32 v28, v45;
	v44 =	vand.u32 $0xFFFFFF80, v42  }
0x1ef: {  	v45 =	vadd.s32 $0x12, v11;
	v16 =	vadd.f32 v19, v16;
	v19 =	vmul.f32 v46, v46  }
0x1f0: {  	v46 =	vand.u32 $0xFFFFFF80, v39;
	v35 =	vadd.s32 v9, v47;
	v47 =	vadd.s32 $0x12, v13  }
0x1f1: {  	v26 =	vld.idx.msk [tilespmem:v26+s6+$0x0], $0xffff;
	v34 =	vadd.s32 v9, v46;
	v30 =	vor.u32 v30, v35;
	v35 =	vand.u32 $0x7F, v52  }
0x1f2: {  	v20 =	vld.idx.msk [tilespmem:v58+s14+$0x0], $0xffff;
	v58 =	vadd.s32 v9, v57;
	v18 =	vmul.f32 v18, v18;
	v46 =	vadd.s32 $0x12, v12  }
0x1f3: {  	v52 =	vadd.s32 $0x12, v10;
	v53 =	vand.u32 $0xFFFFFF80, v47;
	v22 =	vld.idx.msk [tilespmem:v22+s23+$0x0], $0xffff;
	v29 =	vor.u32 v29, v34  }
0x1f4: {  	v34 =	vadd.s32 v9, v49;
	v60 =	vor.u32 v36, v58;
	v17 =	vadd.f32 v19, v17  }
0x1f5: {  	v24 =	vld.idx.msk [tilespmem:v24+s10+$0x0], $0xffff;
	v49 =	vadd.s32 $0x12, v15;
	v57 =	vand.u32 $0x7F, v52;
	v58 =	vadd.s32 $0x13, v11  }
0x1f6: {  	v32 =	vor.u32 v32, v34;
	v25 =	vld.idx.msk [tilespmem:v25+s12+$0x0], $0xffff;
	v34 =	vand.u32 $0x7F, v51;
	v16 =	vadd.f32 v18, v16  }
0x1f7: {  	v23 =	vld.idx.msk [tilespmem:v23+s8+$0x0], $0xffff;
	v51 =	vand.u32 $0xFFFFFF80, v46;
	v55 =	vand.u32 $0xFFFFFF80, v49;
	v34 =	vor.u32 v34, v38  }
0x1f8: {  	v20 =	vsub.f32 v59, v20;
	v22 =	vadd.f32 v26, v22;
	v26 =	vand.u32 $0x7F, v37;
	v59 =	vld.idx.msk [tilespmem:v29+s8+$0x0], $0xffff  }
0x1f9: {  	v37 =	vadd.s32 v9, v54;
	v40 =	vld.idx.msk [tilespmem:v60+s12+$0x0], $0xffff;
	v29 =	vand.u32 $0x7F, v49;
	v60 =	vadd.s32 $0x13, v13  }
0x1fa: {  	v49 =	vadd.s32 $0x14, v13;
	v26 =	vor.u32 v26, v33;
	v33 =	vadd.s32 v9, v48  }
0x1fb: {  	v61 =	vadd.f32 v25, v24;
	v63 =	vmul.f32 v20, v20;
	v24 =	vand.u32 $0x7F, v42  }
0x1fc: {  	v27 =	vld.idx.msk [tilespmem:v27+s14+$0x0], $0xffff;
	v48 =	vadd.s32 $0x12, v14;
	v31 =	vor.u32 v31, v33;
	v33 =	vand.u32 $0x7F, v50  }
0x1fd: {  	v28 =	vld.idx.msk [tilespmem:v28+s6+$0x0], $0xffff;
	v25 =	vand.u32 $0x7F, v45;
	v42 =	vand.u32 $0xFFFFFF80, v60;
	v33 =	vor.u32 v33, v37  }
0x1fe: {  	v30 =	vld.idx.msk [tilespmem:v30+s10+$0x0], $0xffff;
	v22 =	vsub.f32 v22, v23;
	v23 =	vand.u32 $0x7F, v41;
	v50 =	vand.u32 $0xFFFFFF80, v45  }
0x1ff: {  	v62 =	vld.idx.msk [tilespmem:v32+s14+$0x0], $0xffff;
	v54 =	vand.u32 $0xFFFFFF80, v48;
	v41 =	vadd.s32 $0x13, v10;
	v37 =	vadd.s32 v9, v56  }
0x200: {  	v17 =	vadd.f32 v63, v17;
	v56 =	vand.u32 $0xFFFFFF80, v52;
	v63 =	vand.u32 $0xFFFFFF80, v58;
	v26 =	vld.idx.msk [tilespmem:v26+s23+$0x0], $0xffff  }
0x201: {  	v45 =	vand.u32 $0xFFFFFF80, v41;
	v52 =	vadd.s32 $0x14, v15;
	v22 =	vmul.f32 v22, v22;
	v31 =	vld.idx.msk [tilespmem:v31+s12+$0x0], $0xffff  }
0x202: {  	v35 =	vor.u32 v35, v37;
	v32 =	vld.idx.msk [tilespmem:v33+s23+$0x0], $0xffff;
	v33 =	vsub.f32 v61, v27;
	v27 =	vadd.s32 v9, v43  }
0x203: {  	v16 =	vadd.f32 v22, v16;
	v61 =	vadd.s32 $0x13, v14;
	v23 =	vor.u32 v23, v27  }
0x204: {  	v37 =	vld.idx.msk [tilespmem:v34+s6+$0x0], $0xffff;
	v27 =	vand.u32 $0x7F, v47;
	v43 =	vand.u32 $0xFFFFFF80, v61;
	v34 =	vand.u32 $0x7F, v61  }
0x205: {  	v47 =	vadd.s32 $0x14, v11;
	v20 =	vmul.f32 v33, v33;
	v33 =	vand.u32 $0x7F, v60  }
0x206: {  	v36 =	vadd.f32 v28, v26;
	v28 =	vadd.s32 v9, v44;
	v26 =	vand.u32 $0x7F, v46  }
0x207: {  	v46 =	vand.u32 $0x7F, v41;
	v38 =	vadd.f32 v31, v30;
	v24 =	vor.u32 v24, v28  }
0x208: {  	v30 =	vadd.s32 v9, v50;
	v31 =	vadd.s32 v9, v51;
	v28 =	vand.u32 $0x7F, v48  }
0x209: {  	v39 =	vld.idx.msk [tilespmem:v35+s10+$0x0], $0xffff;
	v48 =	vadd.s32 $0x14, v12;
	v50 =	vadd.s32 $0x14, v14;
	v17 =	vadd.f32 v20, v17  }
0x20a: {  	v51 =	vand.u32 $0xFFFFFF80, v47;
	v21 =	vsub.f32 v36, v59;
	v19 =	vadd.f32 v37, v32  }
0x20b: {  	v25 =	vor.u32 v25, v30;
	v26 =	vor.u32 v26, v31;
	v30 =	vadd.s32 v9, v53  }
0x20c: {  	v31 =	vadd.s32 v9, v54;
	v59 =	vadd.s32 $0x13, v12;
	v36 =	vadd.s32 v9, v63  }
0x20d: {  	v41 =	vadd.s32 v9, v51;
	v53 =	vadd.s32 $0x14, v10;
	v54 =	vand.u32 $0xFFFFFF80, v48  }
0x20e: {  	v18 =	vsub.f32 v38, v62;
	v22 =	vadd.f32 v40, v39;
	v27 =	vor.u32 v27, v30  }
0x20f: {  	v28 =	vor.u32 v28, v31;
	v30 =	vadd.s32 v9, v55;
	v31 =	vadd.s32 v9, v56  }
0x210: {  	v62 =	vadd.s32 $0x13, v15;
	v40 =	vand.u32 $0xFFFFFF80, v59;
	v32 =	vand.u32 $0x7F, v59  }
0x211: {  	v38 =	vand.u32 $0x7F, v48;
	v56 =	vand.u32 $0xFFFFFF80, v49;
	v39 =	vand.u32 $0x7F, v49  }
0x212: {  	v29 =	vor.u32 v29, v30;
	v30 =	vor.u32 v57, v31;
	v31 =	vand.u32 $0x7F, v58  }
0x213: {  	v37 =	vadd.s32 v9, v40;
	v44 =	vand.u32 $0xFFFFFF80, v62;
	v35 =	vand.u32 $0x7F, v62  }
0x214: {  	v40 =	vand.u32 $0x7F, v50;
	v57 =	vand.u32 $0xFFFFFF80, v52;
	v58 =	vand.u32 $0xFFFFFF80, v53  }
0x215: {  	v23 =	vld.idx.msk [tilespmem:v23+s8+$0x0], $0xffff;
	v59 =	vmul.f32 v21, v21;
	v31 =	vor.u32 v31, v36;
	v32 =	vor.u32 v32, v37  }
0x216: {  	v36 =	vadd.s32 v9, v42;
	v37 =	vadd.s32 v9, v43;
	v42 =	vand.u32 $0x7F, v52;
	v24 =	vld.idx.msk [tilespmem:v24+s14+$0x0], $0xffff  }
0x217: {  	v43 =	vand.u32 $0x7F, v53;
	v18 =	vmul.f32 v18, v18;
	v33 =	vor.u32 v33, v36;
	v25 =	vld.idx.msk [tilespmem:v25+s23+$0x0], $0xffff  }
0x218: {  	v34 =	vor.u32 v34, v37;
	v36 =	vadd.s32 v9, v44;
	v37 =	vadd.s32 v9, v45;
	v26 =	vld.idx.msk [tilespmem:v26+s6+$0x0], $0xffff  }
0x219: {  	v44 =	vand.u32 $0xFFFFFF80, v50;
	v16 =	vadd.f32 v59, v16;
	v59 =	vadd.s32 $0x15, v15;
	v27 =	vld.idx.msk [tilespmem:v27+s8+$0x0], $0xffff  }
0x21a: {  	v35 =	vor.u32 v35, v36;
	v36 =	vor.u32 v46, v37;
	v37 =	vand.u32 $0x7F, v47;
	v28 =	vld.idx.msk [tilespmem:v28+s10+$0x0], $0xffff  }
0x21b: {  	v55 =	vadd.s32 v9, v44;
	v44 =	vadd.s32 v9, v56;
	v17 =	vadd.f32 v18, v17;
	v29 =	vld.idx.msk [tilespmem:v29+s12+$0x0], $0xffff  }
0x21c: {  	v56 =	vadd.s32 $0x15, v12;
	v37 =	vor.u32 v37, v41;
	v41 =	vadd.s32 v9, v54;
	v30 =	vld.idx.msk [tilespmem:v30+s14+$0x0], $0xffff  }
0x21d: {  	v40 =	vor.u32 v40, v55;
	v39 =	vor.u32 v39, v44;
	v19 =	vsub.f32 v19, v23;
	v31 =	vld.idx.msk [tilespmem:v31+s23+$0x0], $0xffff  }
0x21e: {  	v55 =	vadd.s32 $0x15, v11;
	v38 =	vor.u32 v38, v41;
	v41 =	vadd.s32 v9, v57;
	v32 =	vld.idx.msk [tilespmem:v32+s6+$0x0], $0xffff  }
0x21f: {  	v23 =	vand.u32 $0x7F, v56;
	v57 =	vadd.s32 $0x15, v13;
	v41 =	vor.u32 v42, v41;
	v33 =	vld.idx.msk [tilespmem:v33+s8+$0x0], $0xffff  }
0x220: {  	v42 =	vadd.s32 v9, v58;
	v58 =	vadd.s32 $0x15, v14;
	v34 =	vld.idx.msk [tilespmem:v34+s10+$0x0], $0xffff;
	v22 =	vsub.f32 v22, v24  }
0x221: {  	v61 =	vor.u32 v43, v42;
	v24 =	vand.u32 $0x7F, v57;
	v35 =	vld.idx.msk [tilespmem:v35+s12+$0x0], $0xffff;
	v63 =	vadd.f32 v26, v25  }
0x222: {  	v25 =	vand.u32 $0x7F, v58;
	v26 =	vand.u32 $0x7F, v59;
	v42 =	vmul.f32 v22, v22;
	v45 =	vld.idx.msk [tilespmem:v39+s8+$0x0], $0xffff  }
0x223: {  	v22 =	vand.u32 $0x7F, v55;
	v39 =	vadd.s32 $0x16, v14;
	v62 =	vld.idx.msk [tilespmem:v38+s6+$0x0], $0xffff;
	v29 =	vadd.f32 v29, v28  }
0x224: {  	v38 =	vld.idx.msk [tilespmem:v40+s10+$0x0], $0xffff;
	v40 =	vmul.f32 v19, v19;
	v43 =	vsub.f32 v63, v27;
	v63 =	vand.u32 $0xFFFFFF80, v57  }
0x225: {  	v46 =	vadd.f32 v32, v31;
	v17 =	vadd.f32 v42, v17;
	v32 =	vand.u32 $0xFFFFFF80, v58  }
0x226: {  	v36 =	vld.idx.msk [tilespmem:v36+s14+$0x0], $0xffff;
	v44 =	vsub.f32 v29, v30;
	v16 =	vadd.f32 v40, v16;
	v49 =	vmul.f32 v43, v43  }
0x227: {  	v48 =	vld.idx.msk [tilespmem:v61+s14+$0x0], $0xffff;
	v61 =	vadd.s32 $0x15, v10;
	v30 =	vadd.s32 v9, v63;
	v40 =	vadd.s32 $0x16, v15  }
0x228: {  	v60 =	vld.idx.msk [tilespmem:v37+s23+$0x0], $0xffff;
	v63 =	vadd.s32 $0x16, v10;
	v47 =	vadd.f32 v35, v34;
	v51 =	vsub.f32 v46, v33  }
0x229: {  	v24 =	vor.u32 v24, v30;
	v33 =	vand.u32 $0xFFFFFF80, v59;
	v34 =	vand.u32 $0xFFFFFF80, v61  }
0x22a: {  	v28 =	vand.u32 $0x7F, v61;
	v35 =	vadd.s32 $0x16, v11;
	v46 =	vand.u32 $0x7F, v40  }
0x22b: {  	v41 =	vld.idx.msk [tilespmem:v41+s12+$0x0], $0xffff;
	v59 =	vadd.s32 $0x17, v12;
	v50 =	vmul.f32 v44, v44;
	v16 =	vadd.f32 v49, v16  }
0x22c: {  	v37 =	vand.u32 $0xFFFFFF80, v35;
	v44 =	vand.u32 $0xFFFFFF80, v39;
	v61 =	vand.u32 $0xFFFFFF80, v59  }
0x22d: {  	v52 =	vsub.f32 v47, v36;
	v21 =	vadd.f32 v62, v60;
	v53 =	vmul.f32 v51, v51  }
0x22e: {  	v60 =	vand.u32 $0xFFFFFF80, v55;
	v62 =	vand.u32 $0xFFFFFF80, v56;
	v36 =	vadd.s32 $0x16, v12  }
0x22f: {  	v30 =	vadd.s32 v9, v37;
	v56 =	vadd.s32 $0x17, v11;
	v37 =	vadd.s32 $0x17, v15  }
0x230: {  	v19 =	vadd.f32 v41, v38;
	v17 =	vadd.f32 v50, v17;
	v27 =	vadd.s32 v9, v60  }
0x231: {  	v29 =	vadd.s32 v9, v62;
	v38 =	vadd.s32 $0x16, v13;
	v41 =	vand.u32 $0xFFFFFF80, v36  }
0x232: {  	v60 =	vand.u32 $0xFFFFFF80, v56;
	v62 =	vadd.s32 v9, v61;
	v61 =	vadd.s32 $0x19, v15  }
0x233: {  	v54 =	vmul.f32 v52, v52;
	v21 =	vsub.f32 v21, v45;
	v22 =	vor.u32 v22, v27  }
0x234: {  	v23 =	vor.u32 v23, v29;
	v27 =	vadd.s32 v9, v32;
	v29 =	vadd.s32 v9, v33  }
0x235: {  	v42 =	vand.u32 $0xFFFFFF80, v38;
	v31 =	vand.u32 $0x7F, v38;
	v32 =	vand.u32 $0x7F, v39  }
0x236: {  	v45 =	vand.u32 $0xFFFFFF80, v40;
	v16 =	vadd.f32 v53, v16;
	v33 =	vand.u32 $0x7F, v63  }
0x237: {  	v40 =	vadd.s32 $0x17, v10;
	v19 =	vsub.f32 v19, v48;
	v25 =	vor.u32 v25, v27  }
0x238: {  	v26 =	vor.u32 v26, v29;
	v27 =	vadd.s32 v9, v34;
	v29 =	vand.u32 $0x7F, v35  }
0x239: {  	v34 =	vadd.s32 v9, v42;
	v47 =	vadd.s32 v9, v45;
	v35 =	vadd.s32 $0x17, v13  }
0x23a: {  	v42 =	vand.u32 $0xFFFFFF80, v40;
	v45 =	vadd.s32 $0x18, v12;
	v27 =	vor.u32 v28, v27  }
0x23b: {  	v24 =	vld.idx.msk [tilespmem:v24+s8+$0x0], $0xffff;
	v29 =	vor.u32 v29, v30;
	v28 =	vand.u32 $0x7F, v36;
	v30 =	vadd.s32 v9, v41  }
0x23c: {  	v43 =	vor.u32 v31, v34;
	v31 =	vadd.s32 v9, v44;
	v48 =	vmul.f32 v21, v21;
	v22 =	vld.idx.msk [tilespmem:v22+s23+$0x0], $0xffff  }
0x23d: {  	v50 =	vor.u32 v46, v47;
	v17 =	vadd.f32 v54, v17;
	v36 =	vadd.s32 $0x17, v14;
	v23 =	vld.idx.msk [tilespmem:v23+s6+$0x0], $0xffff  }
0x23e: {  	v38 =	vand.u32 $0xFFFFFF80, v35;
	v41 =	vand.u32 $0xFFFFFF80, v37;
	v28 =	vor.u32 v28, v30;
	v25 =	vld.idx.msk [tilespmem:v25+s10+$0x0], $0xffff  }
0x23f: {  	v44 =	vadd.s32 $0x18, v11;
	v46 =	vadd.s32 $0x18, v13;
	v31 =	vor.u32 v32, v31;
	v26 =	vld.idx.msk [tilespmem:v26+s12+$0x0], $0xffff  }
0x240: {  	v47 =	vadd.s32 $0x18, v14;
	v19 =	vmul.f32 v19, v19;
	v32 =	vand.u32 $0xFFFFFF80, v63;
	v49 =	vld.idx.msk [tilespmem:v27+s14+$0x0], $0xffff  }
0x241: {  	v39 =	vand.u32 $0xFFFFFF80, v36;
	v30 =	vand.u32 $0x7F, v40;
	v16 =	vadd.f32 v48, v16;
	v52 =	vld.idx.msk [tilespmem:v29+s23+$0x0], $0xffff  }
0x242: {  	v34 =	vadd.s32 v9, v32;
	v48 =	vadd.s32 $0x18, v15;
	v17 =	vadd.f32 v19, v17;
	v27 =	vld.idx.msk [tilespmem:v50+s12+$0x0], $0xffff  }
0x243: {  	v32 =	vand.u32 $0x7F, v48;
	v29 =	vadd.s32 v9, v39;
	v50 =	vadd.s32 $0x18, v10;
	v53 =	vld.idx.msk [tilespmem:v28+s6+$0x0], $0xffff  }
0x244: {  	v58 =	vld.idx.msk [tilespmem:v31+s10+$0x0], $0xffff;
	v28 =	vadd.s32 v9, v60;
	v31 =	vand.u32 $0x7F, v47;
	v60 =	vadd.s32 $0x19, v14  }
0x245: {  	v51 =	vadd.f32 v23, v22;
	v23 =	vand.u32 $0x7F, v56;
	v22 =	vor.u32 v33, v34  }
0x246: {  	v34 =	vand.u32 $0x7F, v50;
	v56 =	vadd.s32 $0x19, v11;
	v57 =	vadd.f32 v26, v25  }
0x247: {  	v23 =	vor.u32 v23, v28;
	v26 =	vand.u32 $0x7F, v59;
	v28 =	vadd.s32 v9, v38  }
0x248: {  	v25 =	vand.u32 $0x7F, v36;
	v59 =	vadd.s32 $0x19, v13;
	v38 =	vand.u32 $0x7F, v60  }
0x249: {  	v54 =	vsub.f32 v51, v24;
	v26 =	vor.u32 v26, v62;
	v24 =	vand.u32 $0x7F, v35  }
0x24a: {  	v25 =	vor.u32 v25, v29;
	v29 =	vadd.s32 v9, v42;
	v51 =	vand.u32 $0xFFFFFF80, v45  }
0x24b: {  	v63 =	vand.u32 $0xFFFFFF80, v59;
	v21 =	vsub.f32 v57, v49;
	v18 =	vadd.f32 v53, v52  }
0x24c: {  	v20 =	vadd.f32 v27, v58;
	v24 =	vor.u32 v24, v28;
	v27 =	vand.u32 $0x7F, v37  }
0x24d: {  	v55 =	vld.idx.msk [tilespmem:v43+s8+$0x0], $0xffff;
	v28 =	vadd.s32 v9, v41;
	v43 =	vor.u32 v30, v29;
	v49 =	vand.u32 $0xFFFFFF80, v44  }
0x24e: {  	v29 =	vand.u32 $0x7F, v45;
	v52 =	vand.u32 $0xFFFFFF80, v46;
	v35 =	vadd.s32 v9, v51  }
0x24f: {  	v30 =	vand.u32 $0x7F, v46;
	v53 =	vand.u32 $0xFFFFFF80, v47;
	v57 =	vadd.s32 $0x19, v12  }
0x250: {  	v58 =	vand.u32 $0xFFFFFF80, v56;
	v37 =	vand.u32 $0x7F, v59;
	v40 =	vadd.s32 v9, v63  }
0x251: {  	v45 =	vand.u32 $0xFFFFFF80, v60;
	v46 =	vand.u32 $0xFFFFFF80, v61;
	v47 =	vand.u32 $0x7F, v61  }
0x252: {  	v63 =	vadd.s32 $0x19, v10;
	v19 =	vmul.f32 v54, v54;
	v27 =	vor.u32 v27, v28  }
0x253: {  	v33 =	vadd.s32 v9, v49;
	v36 =	vadd.s32 v9, v52;
	v29 =	vor.u32 v29, v35  }
0x254: {  	v54 =	vand.u32 $0xFFFFFF80, v48;
	v62 =	vand.u32 $0xFFFFFF80, v57;
	v48 =	vadd.s32 v9, v46;
	v22 =	vld.idx.msk [tilespmem:v22+s14+$0x0], $0xffff  }
0x255: {  	v46 =	vadd.s32 $0x1B, v11;
	v21 =	vmul.f32 v21, v21;
	v18 =	vsub.f32 v18, v55;
	v23 =	vld.idx.msk [tilespmem:v23+s23+$0x0], $0xffff  }
0x256: {  	v30 =	vor.u32 v30, v36;
	v35 =	vadd.s32 v9, v54;
	v51 =	vor.u32 v47, v48;
	v26 =	vld.idx.msk [tilespmem:v26+s6+$0x0], $0xffff  }
0x257: {  	v55 =	vand.u32 $0xFFFFFF80, v50;
	v36 =	vadd.s32 v9, v58;
	v32 =	vor.u32 v32, v35  }
0x258: {  	v35 =	vand.u32 $0x7F, v56;
	v16 =	vadd.f32 v19, v16;
	v25 =	vld.idx.msk [tilespmem:v25+s10+$0x0], $0xffff;
	v18 =	vmul.f32 v18, v18  }
0x259: {  	v47 =	vadd.s32 $0x1B, v12;
	v48 =	vadd.s32 $0x1B, v13;
	v35 =	vor.u32 v35, v36;
	v24 =	vld.idx.msk [tilespmem:v24+s8+$0x0], $0xffff  }
0x25a: {  	v36 =	vadd.s32 v9, v62;
	v17 =	vadd.f32 v21, v17;
	v27 =	vld.idx.msk [tilespmem:v27+s12+$0x0], $0xffff;
	v16 =	vadd.f32 v18, v16  }
0x25b: {  	v20 =	vsub.f32 v20, v22;
	v61 =	vld.idx.msk [tilespmem:v51+s12+$0x0], $0xffff;
	v51 =	vand.u32 $0xFFFFFF80, v46;
	v23 =	vadd.f32 v26, v23  }
0x25c: {  	v26 =	vand.u32 $0x7F, v44;
	v44 =	vor.u32 v37, v40;
	v37 =	vadd.s32 v9, v45  }
0x25d: {  	v28 =	vld.idx.msk [tilespmem:v43+s14+$0x0], $0xffff;
	v20 =	vmul.f32 v20, v20;
	v40 =	vadd.s32 $0x1A, v10;
	v26 =	vor.u32 v26, v33  }
0x25e: {  	v33 =	vadd.s32 v9, v53;
	v37 =	vor.u32 v38, v37;
	v53 =	vld.idx.msk [tilespmem:v35+s23+$0x0], $0xffff;
	v35 =	vadd.s32 $0x1A, v13  }
0x25f: {  	v45 =	vand.u32 $0x7F, v40;
	v31 =	vor.u32 v31, v33;
	v49 =	vadd.f32 v27, v25  }
0x260: {  	v29 =	vld.idx.msk [tilespmem:v29+s6+$0x0], $0xffff;
	v33 =	vadd.s32 v9, v55;
	v52 =	vsub.f32 v23, v24;
	v17 =	vadd.f32 v20, v17  }
0x261: {  	v32 =	vld.idx.msk [tilespmem:v32+s12+$0x0], $0xffff;
	v41 =	vand.u32 $0xFFFFFF80, v35;
	v33 =	vor.u32 v34, v33;
	v34 =	vand.u32 $0x7F, v57  }
0x262: {  	v25 =	vand.u32 $0x7F, v35;
	v34 =	vor.u32 v34, v36;
	v54 =	vsub.f32 v49, v28;
	v57 =	vld.idx.msk [tilespmem:v44+s8+$0x0], $0xffff  }
0x263: {  	v56 =	vmul.f32 v52, v52;
	v36 =	vadd.s32 $0x1A, v14;
	v49 =	vadd.s32 $0x1B, v14;
	v26 =	vld.idx.msk [tilespmem:v26+s23+$0x0], $0xffff  }
0x264: {  	v52 =	vand.u32 $0xFFFFFF80, v47;
	v42 =	vand.u32 $0xFFFFFF80, v36;
	v44 =	vand.u32 $0xFFFFFF80, v40;
	v59 =	vld.idx.msk [tilespmem:v37+s10+$0x0], $0xffff  }
0x265: {  	v35 =	vadd.s32 v9, v52;
	v58 =	vmul.f32 v54, v54;
	v37 =	vadd.s32 $0x1A, v15;
	v31 =	vld.idx.msk [tilespmem:v31+s10+$0x0], $0xffff  }
0x266: {  	v16 =	vadd.f32 v56, v16;
	v54 =	vand.u32 $0xFFFFFF80, v48;
	v43 =	vand.u32 $0xFFFFFF80, v37;
	v50 =	vld.idx.msk [tilespmem:v33+s14+$0x0], $0xffff  }
0x267: {  	v27 =	vand.u32 $0x7F, v37;
	v33 =	vadd.s32 $0x1A, v11;
	v55 =	vld.idx.msk [tilespmem:v34+s6+$0x0], $0xffff;
	v34 =	vadd.s32 $0x1A, v12  }
0x268: {  	v17 =	vadd.f32 v58, v17;
	v38 =	vand.u32 $0xFFFFFF80, v33;
	v39 =	vand.u32 $0xFFFFFF80, v34  }
0x269: {  	v30 =	vld.idx.msk [tilespmem:v30+s8+$0x0], $0xffff;
	v28 =	vadd.s32 v9, v38;
	v24 =	vand.u32 $0x7F, v34;
	v34 =	vadd.s32 v9, v51  }
0x26a: {  	v60 =	vadd.f32 v29, v26;
	v21 =	vadd.f32 v61, v59;
	v29 =	vadd.s32 v9, v39  }
0x26b: {  	v26 =	vand.u32 $0x7F, v36;
	v59 =	vadd.s32 $0x1C, v11;
	v61 =	vadd.s32 $0x1C, v13  }
0x26c: {  	v62 =	vadd.f32 v32, v31;
	v31 =	vand.u32 $0x7F, v63;
	v24 =	vor.u32 v24, v29  }
0x26d: {  	v29 =	vadd.s32 v9, v42;
	v37 =	vand.u32 $0x7F, v61;
	v42 =	vadd.s32 $0x1D, v10  }
0x26e: {  	v18 =	vsub.f32 v60, v30;
	v30 =	vand.u32 $0xFFFFFF80, v63;
	v26 =	vor.u32 v26, v29  }
0x26f: {  	v29 =	vadd.s32 v9, v44;
	v60 =	vadd.s32 $0x1C, v12;
	v63 =	vadd.s32 $0x1C, v15  }
0x270: {  	v44 =	vand.u32 $0xFFFFFF80, v59;
	v22 =	vadd.f32 v55, v53;
	v20 =	vsub.f32 v62, v50  }
0x271: {  	v32 =	vadd.s32 v9, v30;
	v50 =	vadd.s32 $0x1B, v15;
	v30 =	vand.u32 $0x7F, v47  }
0x272: {  	v53 =	vadd.s32 $0x1B, v10;
	v55 =	vand.u32 $0xFFFFFF80, v49;
	v62 =	vadd.s32 $0x1C, v14  }
0x273: {  	v40 =	vadd.s32 v9, v44;
	v36 =	vand.u32 $0x7F, v60;
	v47 =	vand.u32 $0xFFFFFF80, v61  }
0x274: {  	v39 =	vand.u32 $0x7F, v63;
	v18 =	vmul.f32 v18, v18;
	v23 =	vor.u32 v31, v32  }
0x275: {  	v30 =	vor.u32 v30, v35;
	v31 =	vand.u32 $0x7F, v48;
	v32 =	vand.u32 $0x7F, v49  }
0x276: {  	v35 =	vadd.s32 v9, v55;
	v56 =	vand.u32 $0xFFFFFF80, v50;
	v58 =	vand.u32 $0x7F, v53  }
0x277: {  	v48 =	vand.u32 $0xFFFFFF80, v62;
	v38 =	vand.u32 $0x7F, v62;
	v49 =	vand.u32 $0xFFFFFF80, v63  }
0x278: {  	v19 =	vsub.f32 v22, v57;
	v22 =	vand.u32 $0x7F, v33;
	v32 =	vor.u32 v32, v35  }
0x279: {  	v33 =	vand.u32 $0x7F, v50;
	v57 =	vand.u32 $0xFFFFFF80, v53;
	v50 =	vadd.s32 v9, v49  }
0x27a: {  	v20 =	vmul.f32 v20, v20;
	v49 =	vadd.s32 $0x1E, v12;
	v22 =	vor.u32 v22, v28  }
0x27b: {  	v28 =	vadd.s32 v9, v41;
	v24 =	vld.idx.msk [tilespmem:v24+s6+$0x0], $0xffff;
	v35 =	vadd.s32 v9, v57;
	v39 =	vor.u32 v39, v50  }
0x27c: {  	v16 =	vadd.f32 v18, v16;
	v50 =	vadd.s32 $0x1E, v13;
	v25 =	vor.u32 v25, v28;
	v26 =	vld.idx.msk [tilespmem:v26+s10+$0x0], $0xffff  }
0x27d: {  	v28 =	vadd.s32 v9, v43;
	v19 =	vmul.f32 v19, v19;
	v17 =	vadd.f32 v20, v17;
	v23 =	vld.idx.msk [tilespmem:v23+s14+$0x0], $0xffff  }
0x27e: {  	v27 =	vor.u32 v27, v28;
	v28 =	vor.u32 v45, v29;
	v29 =	vand.u32 $0x7F, v46;
	v30 =	vld.idx.msk [tilespmem:v30+s6+$0x0], $0xffff  }
0x27f: {  	v45 =	vand.u32 $0xFFFFFF80, v60;
	v46 =	vadd.s32 $0x1C, v10;
	v29 =	vor.u32 v29, v34;
	v32 =	vld.idx.msk [tilespmem:v32+s10+$0x0], $0xffff  }
0x280: {  	v34 =	vadd.s32 v9, v54;
	v41 =	vadd.s32 v9, v45;
	v51 =	vand.u32 $0xFFFFFF80, v46;
	v22 =	vld.idx.msk [tilespmem:v22+s23+$0x0], $0xffff  }
0x281: {  	v52 =	vand.u32 $0x7F, v46;
	v16 =	vadd.f32 v19, v16;
	v31 =	vor.u32 v31, v34;
	v60 =	vld.idx.msk [tilespmem:v39+s12+$0x0], $0xffff  }
0x282: {  	v46 =	vand.u32 $0xFFFFFF80, v42;
	v34 =	vadd.s32 v9, v56;
	v36 =	vor.u32 v36, v41;
	v25 =	vld.idx.msk [tilespmem:v25+s8+$0x0], $0xffff  }
0x283: {  	v41 =	vadd.s32 v9, v48;
	v48 =	vadd.s32 $0x1E, v11;
	v33 =	vor.u32 v33, v34;
	v27 =	vld.idx.msk [tilespmem:v27+s12+$0x0], $0xffff  }
0x284: {  	v34 =	vor.u32 v58, v35;
	v35 =	vand.u32 $0x7F, v59;
	v38 =	vor.u32 v38, v41;
	v28 =	vld.idx.msk [tilespmem:v28+s14+$0x0], $0xffff  }
0x285: {  	v41 =	vadd.s32 v9, v51;
	v39 =	vadd.s32 $0x1D, v15;
	v35 =	vor.u32 v35, v40;
	v29 =	vld.idx.msk [tilespmem:v29+s23+$0x0], $0xffff  }
0x286: {  	v51 =	vadd.s32 $0x1E, v14;
	v40 =	vadd.s32 v9, v47;
	v55 =	vor.u32 v52, v41;
	v31 =	vld.idx.msk [tilespmem:v31+s8+$0x0], $0xffff  }
0x287: {  	v45 =	vand.u32 $0xFFFFFF80, v39;
	v37 =	vor.u32 v37, v40;
	v21 =	vsub.f32 v21, v23;
	v56 =	vld.idx.msk [tilespmem:v36+s6+$0x0], $0xffff  }
0x288: {  	v47 =	vand.u32 $0x7F, v42;
	v52 =	vadd.s32 $0x1E, v15;
	v36 =	vadd.s32 $0x1D, v12;
	v33 =	vld.idx.msk [tilespmem:v33+s12+$0x0], $0xffff  }
0x289: {  	v53 =	vadd.f32 v24, v22;
	v58 =	vld.idx.msk [tilespmem:v38+s10+$0x0], $0xffff;
	v59 =	vmul.f32 v21, v21;
	v38 =	vadd.s32 $0x1D, v14  }
0x28a: {  	v41 =	vand.u32 $0xFFFFFF80, v36;
	v23 =	vand.u32 $0x7F, v36;
	v54 =	vld.idx.msk [tilespmem:v35+s23+$0x0], $0xffff;
	v35 =	vadd.s32 $0x1D, v11  }
0x28b: {  	v24 =	vld.idx.msk [tilespmem:v55+s14+$0x0], $0xffff;
	v44 =	vand.u32 $0xFFFFFF80, v38;
	v55 =	vadd.s32 $0x1E, v10;
	v18 =	vsub.f32 v53, v25  }
0x28c: {  	v57 =	vadd.f32 v27, v26;
	v63 =	vld.idx.msk [tilespmem:v37+s8+$0x0], $0xffff;
	v17 =	vadd.f32 v59, v17;
	v37 =	vadd.s32 $0x1D, v13  }
0x28d: {  	v40 =	vand.u32 $0xFFFFFF80, v35;
	v25 =	vand.u32 $0x7F, v38;
	v26 =	vand.u32 $0x7F, v39  }
0x28e: {  	v53 =	vand.u32 $0xFFFFFF80, v48;
	v59 =	vand.u32 $0xFFFFFF80, v55;
	v62 =	vadd.f32 v30, v29  }
0x28f: {  	v27 =	vadd.s32 v9, v40;
	v43 =	vand.u32 $0xFFFFFF80, v37;
	v29 =	vand.u32 $0x7F, v49  }
0x290: {  	v61 =	vsub.f32 v57, v28;
	v18 =	vmul.f32 v18, v18;
	v28 =	vadd.s32 v9, v41  }
0x291: {  	v34 =	vld.idx.msk [tilespmem:v34+s14+$0x0], $0xffff;
	v57 =	vand.u32 $0xFFFFFF80, v51;
	v30 =	vadd.f32 v33, v32;
	v33 =	vsub.f32 v62, v31  }
0x292: {  	v23 =	vor.u32 v23, v28;
	v28 =	vadd.s32 v9, v44;
	v31 =	vand.u32 $0x7F, v51  }
0x293: {  	v62 =	vadd.s32 $0x1F, v12;
	v44 =	vadd.s32 $0x1F, v14;
	v16 =	vadd.f32 v18, v16  }
0x294: {  	v32 =	vmul.f32 v61, v61;
	v22 =	vadd.f32 v56, v54;
	v25 =	vor.u32 v25, v28  }
0x295: {  	v28 =	vadd.s32 v9, v46;
	v54 =	vand.u32 $0xFFFFFF80, v49;
	v56 =	vand.u32 $0xFFFFFF80, v50  }
0x296: {  	v61 =	vadd.s32 $0x1F, v11;
	v19 =	vsub.f32 v30, v34;
	v34 =	vadd.f32 v60, v58  }
0x297: {  	v20 =	vmul.f32 v33, v33;
	v33 =	vadd.s32 v9, v53;
	v30 =	vand.u32 $0x7F, v50  }
0x298: {  	v58 =	vand.u32 $0xFFFFFF80, v52;
	v60 =	vand.u32 $0x7F, v55;
	v46 =	vand.u32 $0xFFFFFF80, v61  }
0x299: {  	v50 =	vand.u32 $0xFFFFFF80, v44;
	v17 =	vadd.f32 v32, v17;
	v21 =	vsub.f32 v22, v63  }
0x29a: {  	v22 =	vand.u32 $0x7F, v35;
	v32 =	vand.u32 $0x7F, v52;
	v63 =	vadd.s32 $0x1F, v13  }
0x29b: {  	v39 =	vadd.s32 v9, v46;
	v35 =	vand.u32 $0x7F, v62;
	v19 =	vmul.f32 v19, v19  }
0x29c: {  	v18 =	vsub.f32 v34, v24;
	v22 =	vor.u32 v22, v27;
	v24 =	vand.u32 $0x7F, v37  }
0x29d: {  	v27 =	vadd.s32 v9, v43;
	v34 =	vadd.s32 v9, v54;
	v49 =	vand.u32 $0xFFFFFF80, v63  }
0x29e: {  	v36 =	vand.u32 $0x7F, v63;
	v37 =	vand.u32 $0x7F, v44;
	v16 =	vadd.f32 v20, v16  }
0x29f: {  	v24 =	vor.u32 v24, v27;
	v27 =	vadd.s32 v9, v45;
	v29 =	vor.u32 v29, v34  }
0x2a0: {  	v34 =	vadd.s32 v9, v57;
	v45 =	vadd.s32 $0x1F, v15;
	v26 =	vor.u32 v26, v27  }
0x2a1: {  	v27 =	vor.u32 v47, v28;
	v28 =	vand.u32 $0x7F, v48;
	v31 =	vor.u32 v31, v34  }
0x2a2: {  	v34 =	vadd.s32 v9, v59;
	v47 =	vand.u32 $0xFFFFFF80, v62;
	v48 =	vadd.s32 $0x1F, v10  }
0x2a3: {  	v23 =	vld.idx.msk [tilespmem:v23+s6+$0x0], $0xffff;
	v51 =	vand.u32 $0xFFFFFF80, v45;
	v38 =	vand.u32 $0x7F, v45;
	v17 =	vadd.f32 v19, v17  }
0x2a4: {  	v25 =	vld.idx.msk [tilespmem:v25+s10+$0x0], $0xffff;
	v18 =	vmul.f32 v18, v18;
	v28 =	vor.u32 v28, v33;
	v33 =	vadd.s32 v9, v56  }
0x2a5: {  	v40 =	vadd.s32 v9, v47;
	v52 =	vadd.s32 v9, v51;
	v53 =	vand.u32 $0xFFFFFF80, v48;
	v22 =	vld.idx.msk [tilespmem:v22+s23+$0x0], $0xffff  }
0x2a6: {  	v54 =	vand.u32 $0x7F, v48;
	v47 =	vadd.s32 $0x20, v11;
	v48 =	vadd.s32 $0x20, v12;
	v24 =	vld.idx.msk [tilespmem:v24+s8+$0x0], $0xffff  }
0x2a7: {  	v51 =	vadd.s32 $0x20, v15;
	v30 =	vor.u32 v30, v33;
	v33 =	vadd.s32 v9, v58;
	v29 =	vld.idx.msk [tilespmem:v29+s6+$0x0], $0xffff  }
0x2a8: {  	v35 =	vor.u32 v35, v40;
	v40 =	vadd.s32 v9, v50;
	v38 =	vor.u32 v38, v52;
	v26 =	vld.idx.msk [tilespmem:v26+s12+$0x0], $0xffff  }
0x2a9: {  	v58 =	vmul.f32 v21, v21;
	v17 =	vadd.f32 v18, v17;
	v50 =	vadd.s32 $0x20, v14;
	v27 =	vld.idx.msk [tilespmem:v27+s14+$0x0], $0xffff  }
0x2aa: {  	v52 =	vand.u32 $0xFFFFFF80, v47;
	v32 =	vor.u32 v32, v33;
	v33 =	vor.u32 v60, v34;
	v31 =	vld.idx.msk [tilespmem:v31+s10+$0x0], $0xffff  }
0x2ab: {  	v34 =	vand.u32 $0x7F, v61;
	v37 =	vor.u32 v37, v40;
	v40 =	vadd.s32 v9, v53;
	v28 =	vld.idx.msk [tilespmem:v28+s23+$0x0], $0xffff  }
0x2ac: {  	v34 =	vor.u32 v34, v39;
	v39 =	vadd.s32 v9, v49;
	v57 =	vor.u32 v54, v40;
	v30 =	vld.idx.msk [tilespmem:v30+s8+$0x0], $0xffff  }
0x2ad: {  	v21 =	vand.u32 $0x7F, v48;
	v53 =	vadd.s32 $0x20, v10;
	v36 =	vor.u32 v36, v39;
	v59 =	vld.idx.msk [tilespmem:v35+s6+$0x0], $0xffff  }
0x2ae: {  	v16 =	vadd.f32 v58, v16;
	v49 =	vadd.s32 $0x20, v13;
	v35 =	vld.idx.msk [tilespmem:v38+s12+$0x0], $0xffff;
	v22 =	vadd.f32 v23, v22  }
0x2af: {  	v54 =	vand.u32 $0xFFFFFF80, v48;
	v58 =	vand.u32 $0xFFFFFF80, v53;
	v32 =	vld.idx.msk [tilespmem:v32+s12+$0x0], $0xffff;
	v23 =	vand.u32 $0x7F, v50  }
0x2b0: {  	v62 =	vld.idx.msk [tilespmem:v37+s10+$0x0], $0xffff;
	v55 =	vadd.f32 v26, v25;
	v60 =	vsub.f32 v22, v24;
	v25 =	vadd.s32 v9, v52  }
0x2b1: {  	v26 =	vld.idx.msk [tilespmem:v57+s14+$0x0], $0xffff;
	v22 =	vand.u32 $0x7F, v49;
	v57 =	vand.u32 $0xFFFFFF80, v51;
	v24 =	vand.u32 $0x7F, v51  }
0x2b2: {  	v38 =	vld.idx.msk [tilespmem:v36+s8+$0x0], $0xffff;
	v36 =	vadd.s32 $0x21, v15;
	v51 =	vadd.s32 $0x21, v10;
	v63 =	vadd.f32 v29, v28  }
0x2b3: {  	v56 =	vld.idx.msk [tilespmem:v34+s23+$0x0], $0xffff;
	v61 =	vsub.f32 v55, v27;
	v37 =	vmul.f32 v60, v60;
	v55 =	vand.u32 $0xFFFFFF80, v49  }
0x2b4: {  	v27 =	vadd.s32 v9, v54;
	v60 =	vadd.s32 $0x21, v12;
	v34 =	vadd.f32 v32, v31  }
0x2b5: {  	v40 =	vsub.f32 v63, v30;
	v44 =	vadd.f32 v35, v62;
	v28 =	vadd.s32 v9, v55  }
0x2b6: {  	v33 =	vld.idx.msk [tilespmem:v33+s14+$0x0], $0xffff;
	v21 =	vor.u32 v21, v27;
	v27 =	vadd.s32 v9, v57;
	v62 =	vadd.s32 $0x21, v13  }
0x2b7: {  	v63 =	vadd.s32 $0x21, v14;
	v39 =	vmul.f32 v61, v61;
	v16 =	vadd.f32 v37, v16  }
0x2b8: {  	v20 =	vadd.f32 v59, v56;
	v22 =	vor.u32 v22, v28;
	v56 =	vand.u32 $0xFFFFFF80, v50  }
0x2b9: {  	v24 =	vor.u32 v24, v27;
	v59 =	vadd.s32 $0x21, v11;
	v37 =	vand.u32 $0xFFFFFF80, v60  }
0x2ba: {  	v29 =	vand.u32 $0x7F, v62;
	v30 =	vand.u32 $0x7F, v63;
	v50 =	vadd.s32 $0x22, v11  }
0x2bb: {  	v41 =	vsub.f32 v34, v33;
	v42 =	vmul.f32 v40, v40;
	v46 =	vsub.f32 v44, v26  }
0x2bc: {  	v26 =	vand.u32 $0x7F, v53;
	v61 =	vand.u32 $0xFFFFFF80, v59;
	v27 =	vand.u32 $0x7F, v59  }
0x2bd: {  	v40 =	vand.u32 $0xFFFFFF80, v63;
	v53 =	vadd.s32 $0x22, v12;
	v54 =	vand.u32 $0xFFFFFF80, v50  }
0x2be: {  	v63 =	vadd.s32 $0x22, v14;
	v33 =	vadd.s32 $0x22, v10;
	v17 =	vadd.f32 v39, v17  }
0x2bf: {  	v45 =	vsub.f32 v20, v38;
	v20 =	vand.u32 $0x7F, v47;
	v28 =	vadd.s32 v9, v61  }
0x2c0: {  	v38 =	vand.u32 $0xFFFFFF80, v62;
	v62 =	vadd.s32 $0x22, v13;
	v35 =	vand.u32 $0xFFFFFF80, v63  }
0x2c1: {  	v43 =	vmul.f32 v41, v41;
	v16 =	vadd.f32 v42, v16;
	v20 =	vor.u32 v20, v25  }
0x2c2: {  	v25 =	vadd.s32 v9, v56;
	v27 =	vor.u32 v27, v28;
	v28 =	vadd.s32 v9, v37  }
0x2c3: {  	v32 =	vadd.s32 v9, v38;
	v41 =	vand.u32 $0xFFFFFF80, v36;
	v42 =	vand.u32 $0x7F, v36  }
0x2c4: {  	v19 =	vmul.f32 v46, v46;
	v56 =	vand.u32 $0xFFFFFF80, v53;
	v34 =	vand.u32 $0xFFFFFF80, v62  }
0x2c5: {  	v37 =	vand.u32 $0xFFFFFF80, v33;
	v23 =	vor.u32 v23, v25;
	v25 =	vadd.s32 v9, v58  }
0x2c6: {  	v21 =	vld.idx.msk [tilespmem:v21+s6+$0x0], $0xffff;
	v39 =	vor.u32 v29, v32;
	v29 =	vadd.s32 v9, v40;
	v18 =	vmul.f32 v45, v45  }
0x2c7: {  	v57 =	vadd.s32 v9, v56;
	v58 =	vand.u32 $0xFFFFFF80, v51;
	v32 =	vadd.s32 $0x22, v15;
	v24 =	vld.idx.msk [tilespmem:v24+s12+$0x0], $0xffff  }
0x2c8: {  	v38 =	vadd.s32 v9, v37;
	v40 =	vadd.s32 $0x23, v12;
	v25 =	vor.u32 v26, v25;
	v22 =	vld.idx.msk [tilespmem:v22+s8+$0x0], $0xffff  }
0x2c9: {  	v17 =	vadd.f32 v43, v17;
	v26 =	vand.u32 $0x7F, v60;
	v29 =	vor.u32 v30, v29;
	v20 =	vld.idx.msk [tilespmem:v20+s23+$0x0], $0xffff  }
0x2ca: {  	v43 =	vadd.s32 v9, v41;
	v59 =	vadd.s32 v9, v58;
	v26 =	vor.u32 v26, v28;
	v45 =	vld.idx.msk [tilespmem:v27+s23+$0x0], $0xffff  }
0x2cb: {  	v36 =	vand.u32 $0xFFFFFF80, v32;
	v41 =	vadd.s32 $0x23, v13;
	v30 =	vor.u32 v42, v43;
	v23 =	vld.idx.msk [tilespmem:v23+s10+$0x0], $0xffff  }
0x2cc: {  	v16 =	vadd.f32 v18, v16;
	v28 =	vadd.s32 v9, v34;
	v43 =	vadd.s32 $0x23, v15;
	v49 =	vld.idx.msk [tilespmem:v39+s8+$0x0], $0xffff  }
0x2cd: {  	v42 =	vadd.s32 $0x23, v14;
	v17 =	vadd.f32 v19, v17;
	v31 =	vand.u32 $0x7F, v43;
	v25 =	vld.idx.msk [tilespmem:v25+s14+$0x0], $0xffff  }
0x2ce: {  	v27 =	vadd.s32 v9, v54;
	v54 =	vadd.s32 $0x24, v14;
	v39 =	vadd.s32 $0x23, v11;
	v52 =	vld.idx.msk [tilespmem:v29+s10+$0x0], $0xffff  }
0x2cf: {  	v58 =	vand.u32 $0xFFFFFF80, v54;
	v29 =	vadd.s32 v9, v35;
	v46 =	vld.idx.msk [tilespmem:v26+s6+$0x0], $0xffff;
	v26 =	vand.u32 $0x7F, v53  }
0x2d0: {  	v55 =	vld.idx.msk [tilespmem:v30+s12+$0x0], $0xffff;
	v30 =	vand.u32 $0x7F, v42;
	v53 =	vadd.s32 $0x24, v12;
	v20 =	vadd.f32 v21, v20  }
0x2d1: {  	v26 =	vor.u32 v26, v57;
	v57 =	vand.u32 $0xFFFFFF80, v53;
	v44 =	vadd.f32 v24, v23  }
0x2d2: {  	v24 =	vand.u32 $0x7F, v51;
	v23 =	vand.u32 $0x7F, v62;
	v47 =	vsub.f32 v20, v22  }
0x2d3: {  	v22 =	vand.u32 $0x7F, v50;
	v60 =	vor.u32 v24, v59;
	v24 =	vand.u32 $0x7F, v63  }
0x2d4: {  	v23 =	vor.u32 v23, v28;
	v28 =	vadd.s32 v9, v36;
	v50 =	vand.u32 $0xFFFFFF80, v43  }
0x2d5: {  	v48 =	vsub.f32 v44, v25;
	v22 =	vor.u32 v22, v27;
	v18 =	vadd.f32 v46, v45  }
0x2d6: {  	v61 =	vadd.f32 v55, v52;
	v24 =	vor.u32 v24, v29;
	v25 =	vand.u32 $0x7F, v32  }
0x2d7: {  	v27 =	vand.u32 $0x7F, v33;
	v44 =	vadd.s32 $0x23, v10;
	v45 =	vand.u32 $0xFFFFFF80, v39  }
0x2d8: {  	v46 =	vand.u32 $0xFFFFFF80, v40;
	v29 =	vand.u32 $0x7F, v41;
	v52 =	vadd.s32 $0x24, v11  }
0x2d9: {  	v55 =	vadd.s32 $0x24, v15;
	v19 =	vmul.f32 v47, v47;
	v25 =	vor.u32 v25, v28  }
0x2da: {  	v27 =	vor.u32 v27, v38;
	v33 =	vadd.s32 v9, v45;
	v28 =	vand.u32 $0x7F, v40  }
0x2db: {  	v47 =	vadd.s32 v9, v46;
	v51 =	vand.u32 $0xFFFFFF80, v44;
	v32 =	vand.u32 $0x7F, v44  }
0x2dc: {  	v56 =	vand.u32 $0xFFFFFF80, v52;
	v38 =	vadd.s32 v9, v57;
	v59 =	vand.u32 $0xFFFFFF80, v55  }
0x2dd: {  	v36 =	vand.u32 $0x7F, v55;
	v44 =	vadd.s32 $0x24, v13;
	v45 =	vadd.s32 $0x24, v10  }
0x2de: {  	v55 =	vadd.s32 $0x25, v10;
	v18 =	vsub.f32 v18, v49;
	v49 =	vand.u32 $0xFFFFFF80, v42  }
0x2df: {  	v28 =	vor.u32 v28, v47;
	v37 =	vadd.s32 v9, v56;
	v46 =	vand.u32 $0xFFFFFF80, v44  }
0x2e0: {  	v47 =	vand.u32 $0xFFFFFF80, v45;
	v16 =	vadd.f32 v19, v16;
	v19 =	vmul.f32 v48, v48  }
0x2e1: {  	v48 =	vand.u32 $0xFFFFFF80, v41;
	v35 =	vadd.s32 v9, v49;
	v49 =	vadd.s32 $0x25, v12  }
0x2e2: {  	v26 =	vld.idx.msk [tilespmem:v26+s6+$0x0], $0xffff;
	v34 =	vadd.s32 v9, v48;
	v30 =	vor.u32 v30, v35;
	v35 =	vand.u32 $0x7F, v54  }
0x2e3: {  	v20 =	vld.idx.msk [tilespmem:v60+s14+$0x0], $0xffff;
	v60 =	vadd.s32 v9, v59;
	v18 =	vmul.f32 v18, v18;
	v48 =	vadd.s32 $0x25, v11  }
0x2e4: {  	v54 =	vand.u32 $0xFFFFFF80, v49;
	v59 =	vand.u32 $0xFFFFFF80, v55;
	v22 =	vld.idx.msk [tilespmem:v22+s23+$0x0], $0xffff;
	v29 =	vor.u32 v29, v34  }
0x2e5: {  	v34 =	vadd.s32 v9, v51;
	v24 =	vld.idx.msk [tilespmem:v24+s10+$0x0], $0xffff;
	v62 =	vor.u32 v36, v60;
	v17 =	vadd.f32 v19, v17  }
0x2e6: {  	v51 =	vadd.s32 $0x25, v14;
	v60 =	vand.u32 $0x7F, v55;
	v55 =	vadd.s32 $0x27, v15;
	v25 =	vld.idx.msk [tilespmem:v25+s12+$0x0], $0xffff  }
0x2e7: {  	v32 =	vor.u32 v32, v34;
	v34 =	vand.u32 $0x7F, v53;
	v16 =	vadd.f32 v18, v16  }
0x2e8: {  	v23 =	vld.idx.msk [tilespmem:v23+s8+$0x0], $0xffff;
	v53 =	vand.u32 $0xFFFFFF80, v48;
	v57 =	vand.u32 $0xFFFFFF80, v51;
	v34 =	vor.u32 v34, v38  }
0x2e9: {  	v27 =	vld.idx.msk [tilespmem:v27+s14+$0x0], $0xffff;
	v20 =	vsub.f32 v61, v20;
	v22 =	vadd.f32 v26, v22;
	v26 =	vand.u32 $0x7F, v39  }
0x2ea: {  	v43 =	vld.idx.msk [tilespmem:v62+s12+$0x0], $0xffff;
	v62 =	vadd.s32 $0x26, v12;
	v26 =	vor.u32 v26, v33;
	v33 =	vadd.s32 v9, v50  }
0x2eb: {  	v63 =	vadd.f32 v25, v24;
	v36 =	vmul.f32 v20, v20;
	v24 =	vand.u32 $0x7F, v45  }
0x2ec: {  	v50 =	vadd.s32 $0x25, v13;
	v25 =	vand.u32 $0x7F, v48;
	v31 =	vor.u32 v31, v33  }
0x2ed: {  	v33 =	vand.u32 $0x7F, v52;
	v22 =	vsub.f32 v22, v23;
	v23 =	vand.u32 $0x7F, v44  }
0x2ee: {  	v28 =	vld.idx.msk [tilespmem:v28+s6+$0x0], $0xffff;
	v52 =	vadd.s32 $0x25, v15;
	v56 =	vand.u32 $0xFFFFFF80, v50;
	v44 =	vadd.s32 $0x26, v10  }
0x2ef: {  	v30 =	vld.idx.msk [tilespmem:v30+s10+$0x0], $0xffff;
	v33 =	vor.u32 v33, v37;
	v37 =	vadd.s32 v9, v58;
	v38 =	vsub.f32 v63, v27  }
0x2f0: {  	v17 =	vadd.f32 v36, v17;
	v27 =	vadd.s32 v9, v46;
	v58 =	vand.u32 $0xFFFFFF80, v52;
	v26 =	vld.idx.msk [tilespmem:v26+s23+$0x0], $0xffff  }
0x2f1: {  	v61 =	vld.idx.msk [tilespmem:v29+s8+$0x0], $0xffff;
	v29 =	vand.u32 $0x7F, v52;
	v63 =	vadd.s32 $0x26, v13;
	v48 =	vand.u32 $0xFFFFFF80, v44  }
0x2f2: {  	v52 =	vadd.s32 $0x27, v13;
	v35 =	vor.u32 v35, v37;
	v22 =	vmul.f32 v22, v22;
	v31 =	vld.idx.msk [tilespmem:v31+s12+$0x0], $0xffff  }
0x2f3: {  	v23 =	vor.u32 v23, v27;
	v27 =	vand.u32 $0x7F, v50;
	v20 =	vmul.f32 v38, v38  }
0x2f4: {  	v40 =	vld.idx.msk [tilespmem:v34+s6+$0x0], $0xffff;
	v45 =	vand.u32 $0xFFFFFF80, v63;
	v50 =	vadd.s32 $0x27, v11;
	v16 =	vadd.f32 v22, v16  }
0x2f5: {  	v17 =	vadd.f32 v20, v17;
	v37 =	vld.idx.msk [tilespmem:v33+s23+$0x0], $0xffff;
	v33 =	vand.u32 $0x7F, v63;
	v39 =	vadd.f32 v28, v26  }
0x2f6: {  	v28 =	vadd.s32 v9, v47;
	v26 =	vand.u32 $0x7F, v49;
	v49 =	vand.u32 $0x7F, v44  }
0x2f7: {  	v41 =	vadd.f32 v31, v30;
	v24 =	vor.u32 v24, v28;
	v30 =	vadd.s32 v9, v53  }
0x2f8: {  	v32 =	vld.idx.msk [tilespmem:v32+s14+$0x0], $0xffff;
	v31 =	vadd.s32 v9, v54;
	v28 =	vand.u32 $0x7F, v51;
	v51 =	vadd.s32 $0x27, v12  }
0x2f9: {  	v42 =	vld.idx.msk [tilespmem:v35+s10+$0x0], $0xffff;
	v53 =	vadd.s32 $0x27, v14;
	v54 =	vand.u32 $0xFFFFFF80, v50;
	v21 =	vsub.f32 v39, v61  }
0x2fa: {  	v19 =	vadd.f32 v40, v37;
	v25 =	vor.u32 v25, v30;
	v26 =	vor.u32 v26, v31  }
0x2fb: {  	v30 =	vadd.s32 v9, v56;
	v31 =	vadd.s32 v9, v57;
	v61 =	vadd.s32 $0x26, v11  }
0x2fc: {  	v40 =	vadd.s32 $0x26, v14;
	v56 =	vadd.s32 $0x27, v10;
	v57 =	vand.u32 $0xFFFFFF80, v51  }
0x2fd: {  	v38 =	vand.u32 $0x7F, v51;
	v39 =	vand.u32 $0x7F, v52;
	v18 =	vsub.f32 v41, v32  }
0x2fe: {  	v22 =	vadd.f32 v43, v42;
	v27 =	vor.u32 v27, v30;
	v28 =	vor.u32 v28, v31  }
0x2ff: {  	v30 =	vadd.s32 v9, v58;
	v31 =	vadd.s32 v9, v59;
	v41 =	vadd.s32 $0x26, v15  }
0x300: {  	v42 =	vand.u32 $0xFFFFFF80, v61;
	v43 =	vand.u32 $0xFFFFFF80, v62;
	v32 =	vand.u32 $0x7F, v62  }
0x301: {  	v46 =	vand.u32 $0xFFFFFF80, v40;
	v34 =	vand.u32 $0x7F, v40;
	v58 =	vand.u32 $0xFFFFFF80, v53  }
0x302: {  	v23 =	vld.idx.msk [tilespmem:v23+s8+$0x0], $0xffff;
	v40 =	vand.u32 $0x7F, v53;
	v62 =	vand.u32 $0xFFFFFF80, v56;
	v29 =	vor.u32 v29, v30  }
0x303: {  	v30 =	vor.u32 v60, v31;
	v31 =	vand.u32 $0x7F, v61;
	v36 =	vadd.s32 v9, v42  }
0x304: {  	v37 =	vadd.s32 v9, v43;
	v47 =	vand.u32 $0xFFFFFF80, v41;
	v35 =	vand.u32 $0x7F, v41  }
0x305: {  	v41 =	vadd.s32 v9, v54;
	v59 =	vadd.s32 v9, v58;
	v60 =	vand.u32 $0xFFFFFF80, v52  }
0x306: {  	v61 =	vand.u32 $0xFFFFFF80, v55;
	v42 =	vand.u32 $0x7F, v55;
	v43 =	vand.u32 $0x7F, v56;
	v24 =	vld.idx.msk [tilespmem:v24+s14+$0x0], $0xffff  }
0x307: {  	v19 =	vsub.f32 v19, v23;
	v21 =	vmul.f32 v21, v21;
	v31 =	vor.u32 v31, v36;
	v25 =	vld.idx.msk [tilespmem:v25+s23+$0x0], $0xffff  }
0x308: {  	v32 =	vor.u32 v32, v37;
	v36 =	vadd.s32 v9, v45;
	v37 =	vadd.s32 v9, v46;
	v26 =	vld.idx.msk [tilespmem:v26+s6+$0x0], $0xffff  }
0x309: {  	v40 =	vor.u32 v40, v59;
	v44 =	vadd.s32 v9, v60;
	v18 =	vmul.f32 v18, v18;
	v27 =	vld.idx.msk [tilespmem:v27+s8+$0x0], $0xffff  }
0x30a: {  	v59 =	vadd.s32 $0x28, v11;
	v60 =	vadd.s32 $0x28, v12;
	v33 =	vor.u32 v33, v36;
	v28 =	vld.idx.msk [tilespmem:v28+s10+$0x0], $0xffff  }
0x30b: {  	v34 =	vor.u32 v34, v37;
	v36 =	vadd.s32 v9, v47;
	v37 =	vadd.s32 v9, v48;
	v29 =	vld.idx.msk [tilespmem:v29+s12+$0x0], $0xffff  }
0x30c: {  	v39 =	vor.u32 v39, v44;
	v16 =	vadd.f32 v21, v16;
	v44 =	vmul.f32 v19, v19;
	v30 =	vld.idx.msk [tilespmem:v30+s14+$0x0], $0xffff  }
0x30d: {  	v35 =	vor.u32 v35, v36;
	v36 =	vor.u32 v49, v37;
	v37 =	vand.u32 $0x7F, v50;
	v31 =	vld.idx.msk [tilespmem:v31+s23+$0x0], $0xffff  }
0x30e: {  	v17 =	vadd.f32 v18, v17;
	v37 =	vor.u32 v37, v41;
	v41 =	vadd.s32 v9, v57;
	v32 =	vld.idx.msk [tilespmem:v32+s6+$0x0], $0xffff  }
0x30f: {  	v16 =	vadd.f32 v44, v16;
	v38 =	vor.u32 v38, v41;
	v41 =	vadd.s32 v9, v61;
	v33 =	vld.idx.msk [tilespmem:v33+s8+$0x0], $0xffff  }
0x310: {  	v44 =	vadd.s32 $0x29, v14;
	v41 =	vor.u32 v42, v41;
	v42 =	vadd.s32 v9, v62;
	v34 =	vld.idx.msk [tilespmem:v34+s10+$0x0], $0xffff  }
0x311: {  	v61 =	vadd.s32 $0x28, v13;
	v63 =	vor.u32 v43, v42;
	v22 =	vsub.f32 v22, v24;
	v43 =	vld.idx.msk [tilespmem:v40+s10+$0x0], $0xffff  }
0x312: {  	v62 =	vadd.s32 $0x28, v14;
	v24 =	vand.u32 $0x7F, v61;
	v35 =	vld.idx.msk [tilespmem:v35+s12+$0x0], $0xffff;
	v25 =	vadd.f32 v26, v25  }
0x313: {  	v40 =	vadd.s32 $0x29, v11;
	v36 =	vld.idx.msk [tilespmem:v36+s14+$0x0], $0xffff;
	v46 =	vmul.f32 v22, v22;
	v42 =	vadd.f32 v29, v28  }
0x314: {  	v37 =	vld.idx.msk [tilespmem:v37+s23+$0x0], $0xffff;
	v47 =	vsub.f32 v25, v27;
	v25 =	vand.u32 $0x7F, v62;
	v50 =	vadd.f32 v32, v31  }
0x315: {  	v45 =	vld.idx.msk [tilespmem:v41+s12+$0x0], $0xffff;
	v17 =	vadd.f32 v46, v17;
	v41 =	vadd.s32 $0x29, v12;
	v32 =	vand.u32 $0x7F, v44  }
0x316: {  	v48 =	vsub.f32 v42, v30;
	v20 =	vld.idx.msk [tilespmem:v63+s14+$0x0], $0xffff;
	v52 =	vmul.f32 v47, v47;
	v63 =	vadd.s32 $0x28, v15  }
0x317: {  	v38 =	vld.idx.msk [tilespmem:v38+s6+$0x0], $0xffff;
	v42 =	vand.u32 $0xFFFFFF80, v40;
	v46 =	vand.u32 $0xFFFFFF80, v41;
	v51 =	vadd.f32 v35, v34  }
0x318: {  	v54 =	vsub.f32 v50, v33;
	v33 =	vand.u32 $0xFFFFFF80, v59;
	v34 =	vadd.s32 $0x28, v10  }
0x319: {  	v35 =	vand.u32 $0xFFFFFF80, v60;
	v26 =	vand.u32 $0x7F, v63;
	v53 =	vmul.f32 v48, v48  }
0x31a: {  	v16 =	vadd.f32 v52, v16;
	v27 =	vadd.s32 v9, v33;
	v29 =	vadd.s32 v9, v35  }
0x31b: {  	v49 =	vld.idx.msk [tilespmem:v39+s8+$0x0], $0xffff;
	v39 =	vand.u32 $0xFFFFFF80, v34;
	v28 =	vand.u32 $0x7F, v34;
	v35 =	vadd.s32 $0x29, v10  }
0x31c: {  	v55 =	vsub.f32 v51, v36;
	v23 =	vadd.f32 v38, v37;
	v56 =	vmul.f32 v54, v54  }
0x31d: {  	v36 =	vand.u32 $0xFFFFFF80, v61;
	v37 =	vand.u32 $0xFFFFFF80, v62;
	v38 =	vand.u32 $0xFFFFFF80, v63  }
0x31e: {  	v63 =	vadd.s32 $0x2A, v12;
	v19 =	vadd.f32 v45, v43;
	v17 =	vadd.f32 v53, v17  }
0x31f: {  	v30 =	vadd.s32 v9, v36;
	v43 =	vadd.s32 $0x29, v13;
	v45 =	vadd.s32 $0x29, v15  }
0x320: {  	v33 =	vand.u32 $0xFFFFFF80, v63;
	v36 =	vand.u32 $0xFFFFFF80, v35;
	v57 =	vmul.f32 v55, v55  }
0x321: {  	v58 =	vsub.f32 v23, v49;
	v23 =	vand.u32 $0x7F, v60;
	v24 =	vor.u32 v24, v30  }
0x322: {  	v30 =	vadd.s32 v9, v42;
	v47 =	vand.u32 $0xFFFFFF80, v43;
	v31 =	vand.u32 $0x7F, v43  }
0x323: {  	v49 =	vand.u32 $0xFFFFFF80, v44;
	v50 =	vand.u32 $0xFFFFFF80, v45;
	v51 =	vand.u32 $0x7F, v45  }
0x324: {  	v16 =	vadd.f32 v56, v16;
	v60 =	vadd.s32 $0x2A, v11;
	v44 =	vadd.s32 $0x2A, v10  }
0x325: {  	v19 =	vsub.f32 v19, v20;
	v20 =	vand.u32 $0x7F, v59;
	v23 =	vor.u32 v23, v29  }
0x326: {  	v29 =	vadd.s32 v9, v38;
	v34 =	vadd.s32 v9, v47;
	v52 =	vadd.s32 v9, v50  }
0x327: {  	v38 =	vadd.s32 v9, v36;
	v50 =	vadd.s32 $0x2B, v13;
	v20 =	vor.u32 v20, v27  }
0x328: {  	v27 =	vadd.s32 v9, v37;
	v26 =	vor.u32 v26, v29;
	v29 =	vand.u32 $0x7F, v40  }
0x329: {  	v48 =	vor.u32 v31, v34;
	v31 =	vadd.s32 v9, v49;
	v53 =	vmul.f32 v58, v58  }
0x32a: {  	v55 =	vor.u32 v51, v52;
	v17 =	vadd.f32 v57, v17;
	v34 =	vadd.s32 v9, v33  }
0x32b: {  	v37 =	vand.u32 $0x7F, v35;
	v40 =	vadd.s32 $0x2A, v14;
	v25 =	vor.u32 v25, v27;
	v24 =	vld.idx.msk [tilespmem:v24+s8+$0x0], $0xffff  }
0x32c: {  	v49 =	vadd.s32 $0x2B, v12;
	v51 =	vadd.s32 $0x2B, v14;
	v29 =	vor.u32 v29, v30;
	v23 =	vld.idx.msk [tilespmem:v23+s6+$0x0], $0xffff  }
0x32d: {  	v52 =	vadd.s32 $0x2B, v15;
	v27 =	vadd.s32 v9, v39;
	v31 =	vor.u32 v32, v31;
	v20 =	vld.idx.msk [tilespmem:v20+s23+$0x0], $0xffff  }
0x32e: {  	v30 =	vadd.s32 v9, v46;
	v19 =	vmul.f32 v19, v19;
	v27 =	vor.u32 v28, v27;
	v26 =	vld.idx.msk [tilespmem:v26+s12+$0x0], $0xffff  }
0x32f: {  	v32 =	vand.u32 $0xFFFFFF80, v60;
	v39 =	vadd.s32 $0x2A, v13;
	v28 =	vand.u32 $0x7F, v41;
	v59 =	vld.idx.msk [tilespmem:v48+s8+$0x0], $0xffff  }
0x330: {  	v43 =	vand.u32 $0xFFFFFF80, v40;
	v46 =	vand.u32 $0xFFFFFF80, v44;
	v28 =	vor.u32 v28, v30;
	v25 =	vld.idx.msk [tilespmem:v25+s10+$0x0], $0xffff  }
0x331: {  	v16 =	vadd.f32 v53, v16;
	v41 =	vadd.s32 $0x2A, v15;
	v42 =	vand.u32 $0xFFFFFF80, v39;
	v56 =	vld.idx.msk [tilespmem:v29+s23+$0x0], $0xffff  }
0x332: {  	v17 =	vadd.f32 v19, v17;
	v45 =	vand.u32 $0xFFFFFF80, v41;
	v30 =	vand.u32 $0x7F, v44;
	v62 =	vld.idx.msk [tilespmem:v31+s10+$0x0], $0xffff  }
0x333: {  	v44 =	vadd.s32 $0x2C, v14;
	v48 =	vadd.s32 $0x2B, v11;
	v29 =	vadd.s32 v9, v43;
	v54 =	vld.idx.msk [tilespmem:v27+s14+$0x0], $0xffff  }
0x334: {  	v53 =	vand.u32 $0xFFFFFF80, v48;
	v31 =	vand.u32 $0x7F, v51;
	v43 =	vadd.s32 $0x2D, v15;
	v27 =	vld.idx.msk [tilespmem:v55+s12+$0x0], $0xffff  }
0x335: {  	v33 =	vadd.s32 v9, v53;
	v55 =	vand.u32 $0xFFFFFF80, v49;
	v57 =	vld.idx.msk [tilespmem:v28+s6+$0x0], $0xffff;
	v28 =	vadd.s32 v9, v32  }
0x336: {  	v35 =	vadd.s32 v9, v55;
	v32 =	vand.u32 $0x7F, v52;
	v20 =	vadd.f32 v23, v20  }
0x337: {  	v23 =	vand.u32 $0x7F, v60;
	v60 =	vadd.s32 $0x2C, v11;
	v61 =	vadd.f32 v26, v25  }
0x338: {  	v23 =	vor.u32 v23, v28;
	v26 =	vand.u32 $0x7F, v63;
	v28 =	vadd.s32 v9, v42  }
0x339: {  	v25 =	vand.u32 $0x7F, v40;
	v63 =	vadd.s32 $0x2C, v13;
	v42 =	vadd.s32 $0x2D, v14  }
0x33a: {  	v58 =	vsub.f32 v20, v24;
	v26 =	vor.u32 v26, v34;
	v20 =	vadd.f32 v27, v62  }
0x33b: {  	v24 =	vand.u32 $0x7F, v39;
	v25 =	vor.u32 v25, v29;
	v27 =	vand.u32 $0x7F, v41  }
0x33c: {  	v29 =	vadd.s32 v9, v46;
	v62 =	vand.u32 $0xFFFFFF80, v60;
	v39 =	vadd.s32 $0x2D, v11  }
0x33d: {  	v41 =	vadd.s32 $0x2D, v13;
	v22 =	vsub.f32 v61, v54;
	v18 =	vadd.f32 v57, v56  }
0x33e: {  	v24 =	vor.u32 v24, v28;
	v28 =	vadd.s32 v9, v45;
	v47 =	vor.u32 v30, v29  }
0x33f: {  	v54 =	vadd.s32 $0x2B, v10;
	v29 =	vand.u32 $0x7F, v49;
	v56 =	vand.u32 $0xFFFFFF80, v50  }
0x340: {  	v30 =	vand.u32 $0x7F, v50;
	v57 =	vand.u32 $0xFFFFFF80, v51;
	v61 =	vadd.s32 $0x2C, v12  }
0x341: {  	v45 =	vadd.s32 $0x2C, v15;
	v49 =	vand.u32 $0xFFFFFF80, v44;
	v19 =	vmul.f32 v58, v58  }
0x342: {  	v27 =	vor.u32 v27, v28;
	v36 =	vadd.s32 v9, v56;
	v29 =	vor.u32 v29, v35  }
0x343: {  	v58 =	vand.u32 $0xFFFFFF80, v52;
	v34 =	vand.u32 $0x7F, v54;
	v46 =	vand.u32 $0xFFFFFF80, v61  }
0x344: {  	v50 =	vand.u32 $0xFFFFFF80, v45;
	v51 =	vand.u32 $0x7F, v45;
	v21 =	vmul.f32 v22, v22  }
0x345: {  	v22 =	vor.u32 v37, v38;
	v18 =	vsub.f32 v18, v59;
	v30 =	vor.u32 v30, v36  }
0x346: {  	v35 =	vadd.s32 v9, v58;
	v59 =	vand.u32 $0xFFFFFF80, v54;
	v36 =	vadd.s32 v9, v62  }
0x347: {  	v37 =	vand.u32 $0x7F, v63;
	v38 =	vand.u32 $0x7F, v44;
	v52 =	vadd.s32 v9, v50  }
0x348: {  	v44 =	vand.u32 $0xFFFFFF80, v39;
	v23 =	vld.idx.msk [tilespmem:v23+s23+$0x0], $0xffff;
	v32 =	vor.u32 v32, v35;
	v35 =	vand.u32 $0x7F, v60  }
0x349: {  	v55 =	vor.u32 v51, v52;
	v16 =	vadd.f32 v19, v16;
	v52 =	vadd.s32 $0x2E, v11;
	v26 =	vld.idx.msk [tilespmem:v26+s6+$0x0], $0xffff  }
0x34a: {  	v25 =	vld.idx.msk [tilespmem:v25+s10+$0x0], $0xffff;
	v35 =	vor.u32 v35, v36;
	v36 =	vadd.s32 v9, v46;
	v18 =	vmul.f32 v18, v18  }
0x34b: {  	v17 =	vadd.f32 v21, v17;
	v46 =	vadd.s32 $0x2D, v10;
	v28 =	vld.idx.msk [tilespmem:v47+s14+$0x0], $0xffff;
	v47 =	vand.u32 $0xFFFFFF80, v63  }
0x34c: {  	v24 =	vld.idx.msk [tilespmem:v24+s8+$0x0], $0xffff;
	v50 =	vand.u32 $0xFFFFFF80, v46;
	v51 =	vand.u32 $0x7F, v46;
	v46 =	vadd.s32 $0x2F, v11  }
0x34d: {  	v27 =	vld.idx.msk [tilespmem:v27+s12+$0x0], $0xffff;
	v40 =	vadd.s32 v9, v47;
	v16 =	vadd.f32 v18, v16;
	v47 =	vand.u32 $0xFFFFFF80, v41  }
0x34e: {  	v29 =	vld.idx.msk [tilespmem:v29+s6+$0x0], $0xffff;
	v23 =	vadd.f32 v26, v23;
	v26 =	vand.u32 $0x7F, v48;
	v48 =	vor.u32 v37, v40  }
0x34f: {  	v22 =	vld.idx.msk [tilespmem:v22+s14+$0x0], $0xffff;
	v37 =	vadd.s32 v9, v49;
	v40 =	vadd.s32 $0x2D, v12;
	v26 =	vor.u32 v26, v33  }
0x350: {  	v30 =	vld.idx.msk [tilespmem:v30+s8+$0x0], $0xffff;
	v49 =	vand.u32 $0xFFFFFF80, v43;
	v33 =	vadd.s32 v9, v57;
	v37 =	vor.u32 v38, v37  }
0x351: {  	v57 =	vld.idx.msk [tilespmem:v35+s23+$0x0], $0xffff;
	v35 =	vadd.s32 $0x2C, v10;
	v31 =	vor.u32 v31, v33;
	v33 =	vadd.s32 v9, v59  }
0x352: {  	v32 =	vld.idx.msk [tilespmem:v32+s12+$0x0], $0xffff;
	v45 =	vand.u32 $0xFFFFFF80, v40;
	v53 =	vadd.f32 v27, v25;
	v33 =	vor.u32 v34, v33  }
0x353: {  	v56 =	vsub.f32 v23, v24;
	v24 =	vand.u32 $0x7F, v40;
	v34 =	vand.u32 $0x7F, v61;
	v61 =	vld.idx.msk [tilespmem:v48+s8+$0x0], $0xffff  }
0x354: {  	v25 =	vand.u32 $0x7F, v41;
	v27 =	vand.u32 $0x7F, v43;
	v20 =	vsub.f32 v20, v22;
	v26 =	vld.idx.msk [tilespmem:v26+s23+$0x0], $0xffff  }
0x355: {  	v34 =	vor.u32 v34, v36;
	v58 =	vsub.f32 v53, v28;
	v60 =	vmul.f32 v56, v56;
	v63 =	vld.idx.msk [tilespmem:v37+s10+$0x0], $0xffff  }
0x356: {  	v36 =	vand.u32 $0xFFFFFF80, v35;
	v28 =	vadd.s32 v9, v44;
	v53 =	vadd.s32 $0x2E, v12;
	v31 =	vld.idx.msk [tilespmem:v31+s10+$0x0], $0xffff  }
0x357: {  	v56 =	vadd.s32 $0x2E, v15;
	v20 =	vmul.f32 v20, v20;
	v38 =	vadd.s32 v9, v36;
	v54 =	vld.idx.msk [tilespmem:v33+s14+$0x0], $0xffff  }
0x358: {  	v48 =	vand.u32 $0xFFFFFF80, v42;
	v62 =	vmul.f32 v58, v58;
	v16 =	vadd.f32 v60, v16;
	v33 =	vld.idx.msk [tilespmem:v55+s12+$0x0], $0xffff  }
0x359: {  	v37 =	vand.u32 $0x7F, v35;
	v58 =	vand.u32 $0xFFFFFF80, v53;
	v17 =	vadd.f32 v20, v17  }
0x35a: {  	v23 =	vor.u32 v37, v38;
	v35 =	vadd.s32 v9, v58;
	v55 =	vadd.s32 $0x2E, v14;
	v59 =	vld.idx.msk [tilespmem:v34+s6+$0x0], $0xffff  }
0x35b: {  	v17 =	vadd.f32 v62, v17;
	v62 =	vand.u32 $0xFFFFFF80, v56;
	v29 =	vadd.f32 v29, v26  }
0x35c: {  	v26 =	vand.u32 $0x7F, v42;
	v34 =	vadd.f32 v32, v31;
	v32 =	vand.u32 $0x7F, v55  }
0x35d: {  	v18 =	vsub.f32 v29, v30;
	v21 =	vadd.f32 v33, v63;
	v29 =	vadd.s32 v9, v45  }
0x35e: {  	v30 =	vand.u32 $0x7F, v53;
	v33 =	vand.u32 $0x7F, v56;
	v63 =	vadd.s32 v9, v62  }
0x35f: {  	v56 =	vadd.s32 $0x2F, v15;
	v22 =	vadd.f32 v59, v57;
	v20 =	vsub.f32 v34, v54  }
0x360: {  	v24 =	vor.u32 v24, v29;
	v29 =	vadd.s32 v9, v48;
	v54 =	vadd.s32 $0x2E, v13  }
0x361: {  	v57 =	vand.u32 $0xFFFFFF80, v52;
	v59 =	vadd.s32 $0x2E, v10;
	v30 =	vor.u32 v30, v35  }
0x362: {  	v33 =	vor.u32 v33, v63;
	v48 =	vadd.s32 $0x2F, v12;
	v18 =	vmul.f32 v18, v18  }
0x363: {  	v26 =	vor.u32 v26, v29;
	v29 =	vadd.s32 v9, v50;
	v34 =	vadd.s32 v9, v57  }
0x364: {  	v23 =	vld.idx.msk [tilespmem:v23+s14+$0x0], $0xffff;
	v60 =	vand.u32 $0xFFFFFF80, v54;
	v31 =	vand.u32 $0x7F, v54;
	v37 =	vand.u32 $0xFFFFFF80, v59  }
0x365: {  	v38 =	vand.u32 $0x7F, v59;
	v50 =	vand.u32 $0xFFFFFF80, v48;
	v54 =	vadd.s32 $0x2F, v13  }
0x366: {  	v19 =	vsub.f32 v22, v61;
	v22 =	vand.u32 $0x7F, v39;
	v61 =	vand.u32 $0xFFFFFF80, v55  }
0x367: {  	v20 =	vmul.f32 v20, v20;
	v55 =	vadd.s32 $0x2F, v14;
	v58 =	vand.u32 $0xFFFFFF80, v54  }
0x368: {  	v22 =	vor.u32 v22, v28;
	v28 =	vadd.s32 v9, v47;
	v35 =	vadd.s32 v9, v61  }
0x369: {  	v21 =	vsub.f32 v21, v23;
	v16 =	vadd.f32 v18, v16;
	v59 =	vand.u32 $0xFFFFFF80, v55  }
0x36a: {  	v23 =	vand.u32 $0x7F, v55;
	v61 =	vand.u32 $0xFFFFFF80, v56;
	v55 =	vadd.s32 $0x31, v15  }
0x36b: {  	v25 =	vor.u32 v25, v28;
	v28 =	vadd.s32 v9, v49;
	v32 =	vor.u32 v32, v35  }
0x36c: {  	v35 =	vadd.s32 v9, v37;
	v41 =	vmul.f32 v19, v19;
	v17 =	vadd.f32 v20, v17  }
0x36d: {  	v49 =	vand.u32 $0xFFFFFF80, v46;
	v20 =	vand.u32 $0x7F, v54;
	v54 =	vadd.s32 $0x31, v14;
	v24 =	vld.idx.msk [tilespmem:v24+s6+$0x0], $0xffff  }
0x36e: {  	v37 =	vand.u32 $0x7F, v55;
	v27 =	vor.u32 v27, v28;
	v28 =	vor.u32 v51, v29;
	v42 =	vld.idx.msk [tilespmem:v30+s6+$0x0], $0xffff  }
0x36f: {  	v29 =	vand.u32 $0x7F, v52;
	v40 =	vor.u32 v38, v35;
	v43 =	vmul.f32 v21, v21;
	v45 =	vld.idx.msk [tilespmem:v33+s12+$0x0], $0xffff  }
0x370: {  	v30 =	vand.u32 $0x7F, v46;
	v51 =	vadd.s32 v9, v50;
	v29 =	vor.u32 v29, v34;
	v26 =	vld.idx.msk [tilespmem:v26+s10+$0x0], $0xffff  }
0x371: {  	v38 =	vadd.s32 $0x30, v11;
	v36 =	vand.u32 $0x7F, v54;
	v34 =	vadd.s32 v9, v60;
	v22 =	vld.idx.msk [tilespmem:v22+s23+$0x0], $0xffff  }
0x372: {  	v16 =	vadd.f32 v41, v16;
	v60 =	vadd.s32 $0x2F, v10;
	v31 =	vor.u32 v31, v34;
	v25 =	vld.idx.msk [tilespmem:v25+s8+$0x0], $0xffff  }
0x373: {  	v41 =	vadd.s32 $0x30, v14;
	v17 =	vadd.f32 v43, v17;
	v43 =	vadd.s32 $0x30, v10;
	v44 =	vld.idx.msk [tilespmem:v32+s10+$0x0], $0xffff  }
0x374: {  	v62 =	vand.u32 $0xFFFFFF80, v60;
	v50 =	vand.u32 $0xFFFFFF80, v43;
	v32 =	vadd.s32 v9, v49;
	v27 =	vld.idx.msk [tilespmem:v27+s12+$0x0], $0xffff  }
0x375: {  	v35 =	vadd.s32 v9, v50;
	v30 =	vor.u32 v30, v32;
	v32 =	vand.u32 $0x7F, v43;
	v39 =	vld.idx.msk [tilespmem:v29+s23+$0x0], $0xffff  }
0x376: {  	v50 =	vadd.s32 $0x32, v11;
	v29 =	vld.idx.msk [tilespmem:v40+s14+$0x0], $0xffff;
	v40 =	vadd.s32 $0x30, v13;
	v32 =	vor.u32 v32, v35  }
0x377: {  	v47 =	vld.idx.msk [tilespmem:v31+s8+$0x0], $0xffff;
	v31 =	vand.u32 $0x7F, v48;
	v46 =	vand.u32 $0xFFFFFF80, v40;
	v22 =	vadd.f32 v24, v22  }
0x378: {  	v53 =	vor.u32 v31, v51;
	v24 =	vand.u32 $0x7F, v56;
	v51 =	vadd.s32 $0x31, v11  }
0x379: {  	v28 =	vld.idx.msk [tilespmem:v28+s14+$0x0], $0xffff;
	v56 =	vadd.s32 $0x31, v10;
	v18 =	vadd.f32 v45, v44;
	v44 =	vand.u32 $0xFFFFFF80, v38  }
0x37a: {  	v52 =	vadd.f32 v27, v26;
	v21 =	vsub.f32 v22, v25;
	v27 =	vadd.s32 v9, v58  }
0x37b: {  	v57 =	vld.idx.msk [tilespmem:v30+s23+$0x0], $0xffff;
	v33 =	vadd.s32 v9, v44;
	v30 =	vand.u32 $0x7F, v41;
	v19 =	vadd.f32 v42, v39  }
0x37c: {  	v18 =	vsub.f32 v18, v29;
	v20 =	vor.u32 v20, v27;
	v27 =	vadd.s32 v9, v61  }
0x37d: {  	v29 =	vand.u32 $0x7F, v60;
	v39 =	vadd.s32 $0x30, v12;
	v42 =	vadd.s32 $0x30, v15  }
0x37e: {  	v61 =	vand.u32 $0xFFFFFF80, v55;
	v55 =	vand.u32 $0xFFFFFF80, v50;
	v22 =	vsub.f32 v52, v28  }
0x37f: {  	v28 =	vadd.s32 v9, v59;
	v24 =	vor.u32 v24, v27;
	v45 =	vand.u32 $0xFFFFFF80, v39  }
0x380: {  	v49 =	vand.u32 $0xFFFFFF80, v42;
	v31 =	vand.u32 $0x7F, v42;
	v52 =	vadd.s32 $0x31, v12  }
0x381: {  	v59 =	vand.u32 $0xFFFFFF80, v54;
	v21 =	vmul.f32 v21, v21;
	v54 =	vadd.s32 $0x32, v15  }
0x382: {  	v19 =	vsub.f32 v19, v47;
	v23 =	vor.u32 v23, v28;
	v28 =	vadd.s32 v9, v62  }
0x383: {  	v26 =	vld.idx.msk [tilespmem:v53+s6+$0x0], $0xffff;
	v34 =	vadd.s32 v9, v45;
	v47 =	vand.u32 $0xFFFFFF80, v41;
	v53 =	vadd.s32 $0x31, v13  }
0x384: {  	v58 =	vand.u32 $0xFFFFFF80, v52;
	v62 =	vand.u32 $0xFFFFFF80, v56;
	v18 =	vmul.f32 v18, v18  }
0x385: {  	v63 =	vor.u32 v29, v28;
	v28 =	vand.u32 $0x7F, v39;
	v29 =	vand.u32 $0x7F, v40  }
0x386: {  	v48 =	vadd.s32 v9, v47;
	v40 =	vadd.s32 v9, v58;
	v60 =	vand.u32 $0xFFFFFF80, v53  }
0x387: {  	v35 =	vand.u32 $0x7F, v53;
	v22 =	vmul.f32 v22, v22;
	v16 =	vadd.f32 v21, v16  }
0x388: {  	v53 =	vadd.s32 $0x32, v14;
	v28 =	vor.u32 v28, v34;
	v34 =	vadd.s32 v9, v49  }
0x389: {  	v30 =	vor.u32 v30, v48;
	v19 =	vmul.f32 v19, v19;
	v31 =	vor.u32 v31, v34  }
0x38a: {  	v34 =	vand.u32 $0x7F, v52;
	v17 =	vadd.f32 v22, v17;
	v52 =	vadd.s32 $0x32, v13  }
0x38b: {  	v34 =	vor.u32 v34, v40;
	v40 =	vadd.s32 v9, v60;
	v16 =	vadd.f32 v19, v16  }
0x38c: {  	v20 =	vld.idx.msk [tilespmem:v20+s8+$0x0], $0xffff;
	v58 =	vand.u32 $0xFFFFFF80, v52;
	v60 =	vand.u32 $0xFFFFFF80, v54;
	v25 =	vadd.f32 v26, v57  }
0x38d: {  	v26 =	vand.u32 $0x7F, v38;
	v57 =	vand.u32 $0xFFFFFF80, v51;
	v35 =	vor.u32 v35, v40  }
0x38e: {  	v38 =	vand.u32 $0x7F, v56;
	v17 =	vadd.f32 v18, v17;
	v26 =	vor.u32 v26, v33  }
0x38f: {  	v24 =	vld.idx.msk [tilespmem:v24+s12+$0x0], $0xffff;
	v33 =	vadd.s32 v9, v46;
	v39 =	vadd.s32 v9, v57;
	v57 =	vadd.s32 $0x32, v10  }
0x390: {  	v23 =	vld.idx.msk [tilespmem:v23+s10+$0x0], $0xffff;
	v29 =	vor.u32 v29, v33;
	v33 =	vand.u32 $0x7F, v51;
	v51 =	vadd.s32 $0x32, v12  }
0x391: {  	v27 =	vld.idx.msk [tilespmem:v63+s14+$0x0], $0xffff;
	v33 =	vor.u32 v33, v39;
	v39 =	vadd.s32 v9, v59;
	v20 =	vsub.f32 v25, v20  }
0x392: {  	v30 =	vld.idx.msk [tilespmem:v30+s10+$0x0], $0xffff;
	v56 =	vand.u32 $0xFFFFFF80, v51;
	v22 =	vand.u32 $0x7F, v51;
	v59 =	vand.u32 $0xFFFFFF80, v53  }
0x393: {  	v31 =	vld.idx.msk [tilespmem:v31+s12+$0x0], $0xffff;
	v25 =	vand.u32 $0x7F, v53;
	v36 =	vor.u32 v36, v39;
	v39 =	vadd.s32 v9, v61  }
0x394: {  	v32 =	vld.idx.msk [tilespmem:v32+s14+$0x0], $0xffff;
	v51 =	vadd.s32 $0x34, v13;
	v61 =	vand.u32 $0xFFFFFF80, v57;
	v37 =	vor.u32 v37, v39  }
0x395: {  	v28 =	vld.idx.msk [tilespmem:v28+s6+$0x0], $0xffff;
	v39 =	vadd.s32 v9, v62;
	v23 =	vadd.f32 v24, v23;
	v43 =	vmul.f32 v20, v20  }
0x396: {  	v24 =	vand.u32 $0x7F, v52;
	v62 =	vand.u32 $0x7F, v57;
	v52 =	vadd.s32 $0x34, v14;
	v26 =	vld.idx.msk [tilespmem:v26+s23+$0x0], $0xffff  }
0x397: {  	v40 =	vld.idx.msk [tilespmem:v34+s6+$0x0], $0xffff;
	v57 =	vadd.s32 $0x34, v15;
	v39 =	vor.u32 v38, v39;
	v41 =	vsub.f32 v23, v27  }
0x398: {  	v38 =	vadd.s32 $0x33, v14;
	v29 =	vld.idx.msk [tilespmem:v29+s8+$0x0], $0xffff;
	v16 =	vadd.f32 v43, v16;
	v49 =	vadd.f32 v31, v30  }
0x399: {  	v27 =	vadd.s32 v9, v55;
	v31 =	vand.u32 $0x7F, v38;
	v42 =	vld.idx.msk [tilespmem:v36+s10+$0x0], $0xffff;
	v45 =	vmul.f32 v41, v41  }
0x39a: {  	v36 =	vadd.s32 $0x33, v12;
	v44 =	vld.idx.msk [tilespmem:v37+s12+$0x0], $0xffff;
	v23 =	vsub.f32 v49, v32;
	v37 =	vadd.s32 $0x33, v13  }
0x39b: {  	v63 =	vld.idx.msk [tilespmem:v33+s23+$0x0], $0xffff;
	v41 =	vand.u32 $0xFFFFFF80, v36;
	v17 =	vadd.f32 v45, v17;
	v48 =	vadd.f32 v28, v26  }
0x39c: {  	v47 =	vld.idx.msk [tilespmem:v39+s14+$0x0], $0xffff;
	v28 =	vadd.s32 v9, v56;
	v26 =	vand.u32 $0x7F, v54;
	v39 =	vadd.s32 $0x33, v15  }
0x39d: {  	v34 =	vadd.s32 v9, v41;
	v43 =	vand.u32 $0xFFFFFF80, v37;
	v30 =	vand.u32 $0x7F, v37  }
0x39e: {  	v54 =	vand.u32 $0xFFFFFF80, v51;
	v37 =	vand.u32 $0x7F, v51;
	v56 =	vand.u32 $0xFFFFFF80, v52  }
0x39f: {  	v41 =	vadd.s32 $0x34, v10;
	v22 =	vor.u32 v22, v28;
	v28 =	vadd.s32 v9, v59  }
0x3a0: {  	v46 =	vld.idx.msk [tilespmem:v35+s8+$0x0], $0xffff;
	v45 =	vand.u32 $0xFFFFFF80, v39;
	v32 =	vand.u32 $0x7F, v39;
	v39 =	vadd.s32 v9, v54  }
0x3a1: {  	v23 =	vmul.f32 v23, v23;
	v21 =	vadd.f32 v40, v63;
	v18 =	vsub.f32 v48, v29  }
0x3a2: {  	v25 =	vor.u32 v25, v28;
	v28 =	vadd.s32 v9, v61;
	v63 =	vadd.s32 $0x33, v11  }
0x3a3: {  	v29 =	vand.u32 $0x7F, v36;
	v55 =	vor.u32 v37, v39;
	v37 =	vadd.s32 v9, v56  }
0x3a4: {  	v39 =	vand.u32 $0x7F, v57;
	v40 =	vand.u32 $0xFFFFFF80, v63;
	v17 =	vadd.f32 v23, v17  }
0x3a5: {  	v29 =	vor.u32 v29, v34;
	v20 =	vadd.f32 v44, v42;
	v21 =	vsub.f32 v21, v46  }
0x3a6: {  	v33 =	vadd.s32 v9, v40;
	v42 =	vadd.s32 $0x33, v10;
	v44 =	vand.u32 $0xFFFFFF80, v38  }
0x3a7: {  	v38 =	vand.u32 $0x7F, v52;
	v18 =	vmul.f32 v18, v18;
	v34 =	vadd.s32 v9, v44  }
0x3a8: {  	v46 =	vand.u32 $0xFFFFFF80, v42;
	v35 =	vand.u32 $0x7F, v42;
	v37 =	vor.u32 v38, v37  }
0x3a9: {  	v19 =	vsub.f32 v20, v47;
	v20 =	vand.u32 $0x7F, v50;
	v31 =	vor.u32 v31, v34  }
0x3aa: {  	v34 =	vadd.s32 v9, v46;
	v47 =	vadd.s32 $0x34, v11;
	v50 =	vadd.s32 $0x34, v12  }
0x3ab: {  	v16 =	vadd.f32 v18, v16;
	v46 =	vadd.s32 $0x35, v12;
	v20 =	vor.u32 v20, v27  }
0x3ac: {  	v27 =	vadd.s32 v9, v58;
	v48 =	vor.u32 v35, v34;
	v49 =	vand.u32 $0xFFFFFF80, v47  }
0x3ad: {  	v36 =	vand.u32 $0x7F, v47;
	v53 =	vand.u32 $0xFFFFFF80, v50;
	v35 =	vand.u32 $0x7F, v50  }
0x3ae: {  	v22 =	vld.idx.msk [tilespmem:v22+s6+$0x0], $0xffff;
	v58 =	vand.u32 $0xFFFFFF80, v57;
	v47 =	vadd.s32 $0x35, v13;
	v50 =	vadd.s32 $0x35, v10  }
0x3af: {  	v25 =	vld.idx.msk [tilespmem:v25+s10+$0x0], $0xffff;
	v52 =	vand.u32 $0xFFFFFF80, v46;
	v24 =	vor.u32 v24, v27;
	v27 =	vadd.s32 v9, v60  }
0x3b0: {  	v23 =	vand.u32 $0x7F, v46;
	v34 =	vadd.s32 v9, v49;
	v29 =	vld.idx.msk [tilespmem:v29+s6+$0x0], $0xffff;
	v26 =	vor.u32 v26, v27  }
0x3b1: {  	v27 =	vor.u32 v62, v28;
	v28 =	vand.u32 $0x7F, v63;
	v34 =	vor.u32 v36, v34;
	v31 =	vld.idx.msk [tilespmem:v31+s10+$0x0], $0xffff  }
0x3b2: {  	v38 =	vadd.s32 v9, v58;
	v36 =	vadd.s32 v9, v53;
	v28 =	vor.u32 v28, v33;
	v20 =	vld.idx.msk [tilespmem:v20+s23+$0x0], $0xffff  }
0x3b3: {  	v19 =	vmul.f32 v19, v19;
	v49 =	vadd.s32 $0x35, v15;
	v35 =	vor.u32 v35, v36;
	v60 =	vld.idx.msk [tilespmem:v48+s14+$0x0], $0xffff  }
0x3b4: {  	v54 =	vand.u32 $0xFFFFFF80, v47;
	v57 =	vand.u32 $0xFFFFFF80, v50;
	v58 =	vadd.s32 $0x36, v11;
	v24 =	vld.idx.msk [tilespmem:v24+s8+$0x0], $0xffff  }
0x3b5: {  	v61 =	vor.u32 v39, v38;
	v62 =	vmul.f32 v21, v21;
	v33 =	vadd.s32 v9, v43;
	v26 =	vld.idx.msk [tilespmem:v26+s12+$0x0], $0xffff  }
0x3b6: {  	v53 =	vadd.s32 v9, v52;
	v56 =	vand.u32 $0xFFFFFF80, v49;
	v30 =	vor.u32 v30, v33;
	v63 =	vld.idx.msk [tilespmem:v34+s23+$0x0], $0xffff  }
0x3b7: {  	v17 =	vadd.f32 v19, v17;
	v43 =	vand.u32 $0xFFFFFF80, v41;
	v33 =	vadd.s32 v9, v45;
	v28 =	vld.idx.msk [tilespmem:v28+s23+$0x0], $0xffff  }
0x3b8: {  	v19 =	vand.u32 $0x7F, v41;
	v23 =	vor.u32 v23, v53;
	v32 =	vor.u32 v32, v33;
	v33 =	vld.idx.msk [tilespmem:v35+s6+$0x0], $0xffff  }
0x3b9: {  	v16 =	vadd.f32 v62, v16;
	v45 =	vadd.s32 $0x35, v11;
	v27 =	vld.idx.msk [tilespmem:v27+s14+$0x0], $0xffff;
	v20 =	vadd.f32 v22, v20  }
0x3ba: {  	v62 =	vadd.s32 $0x36, v14;
	v48 =	vadd.s32 $0x35, v14;
	v51 =	vand.u32 $0xFFFFFF80, v45;
	v35 =	vld.idx.msk [tilespmem:v55+s8+$0x0], $0xffff  }
0x3bb: {  	v55 =	vand.u32 $0xFFFFFF80, v48;
	v30 =	vld.idx.msk [tilespmem:v30+s8+$0x0], $0xffff;
	v59 =	vadd.f32 v26, v25;
	v20 =	vsub.f32 v20, v24  }
0x3bc: {  	v26 =	vld.idx.msk [tilespmem:v61+s12+$0x0], $0xffff;
	v25 =	vadd.s32 v9, v43;
	v24 =	vand.u32 $0x7F, v47;
	v61 =	vand.u32 $0xFFFFFF80, v58  }
0x3bd: {  	v32 =	vld.idx.msk [tilespmem:v32+s12+$0x0], $0xffff;
	v34 =	vadd.f32 v29, v28;
	v21 =	vadd.f32 v33, v63;
	v19 =	vor.u32 v19, v25  }
0x3be: {  	v28 =	vadd.s32 v9, v51;
	v29 =	vadd.s32 v9, v54;
	v25 =	vand.u32 $0x7F, v48  }
0x3bf: {  	v63 =	vadd.s32 $0x36, v15;
	v54 =	vadd.s32 $0x37, v11;
	v22 =	vsub.f32 v59, v27  }
0x3c0: {  	v36 =	vmul.f32 v20, v20;
	v24 =	vor.u32 v24, v29;
	v27 =	vand.u32 $0x7F, v50  }
0x3c1: {  	v29 =	vadd.s32 v9, v57;
	v59 =	vadd.s32 $0x36, v12;
	v18 =	vsub.f32 v34, v30  }
0x3c2: {  	v41 =	vand.u32 $0x7F, v63;
	v40 =	vadd.f32 v32, v31;
	v20 =	vsub.f32 v21, v35  }
0x3c3: {  	v39 =	vld.idx.msk [tilespmem:v37+s10+$0x0], $0xffff;
	v30 =	vadd.s32 v9, v55;
	v27 =	vor.u32 v27, v29;
	v31 =	vadd.s32 v9, v61  }
0x3c4: {  	v35 =	vand.u32 $0xFFFFFF80, v59;
	v29 =	vand.u32 $0x7F, v59;
	v32 =	vand.u32 $0x7F, v62  }
0x3c5: {  	v55 =	vadd.s32 $0x37, v12;
	v61 =	vadd.s32 $0x37, v14;
	v38 =	vmul.f32 v22, v22  }
0x3c6: {  	v16 =	vadd.f32 v36, v16;
	v22 =	vand.u32 $0x7F, v45;
	v25 =	vor.u32 v25, v30  }
0x3c7: {  	v21 =	vand.u32 $0x7F, v55;
	v42 =	vsub.f32 v40, v60;
	v18 =	vmul.f32 v18, v18  }
0x3c8: {  	v44 =	vadd.f32 v26, v39;
	v22 =	vor.u32 v22, v28;
	v26 =	vand.u32 $0x7F, v49  }
0x3c9: {  	v28 =	vadd.s32 v9, v56;
	v60 =	vadd.s32 $0x36, v13;
	v39 =	vand.u32 $0xFFFFFF80, v62  }
0x3ca: {  	v40 =	vand.u32 $0xFFFFFF80, v63;
	v20 =	vmul.f32 v20, v20;
	v56 =	vand.u32 $0xFFFFFF80, v54  }
0x3cb: {  	v62 =	vadd.s32 $0x37, v15;
	v63 =	vadd.s32 $0x37, v10;
	v17 =	vadd.f32 v38, v17  }
0x3cc: {  	v26 =	vor.u32 v26, v28;
	v28 =	vand.u32 $0x7F, v58;
	v36 =	vand.u32 $0xFFFFFF80, v60  }
0x3cd: {  	v30 =	vand.u32 $0x7F, v60;
	v38 =	vadd.s32 $0x36, v10;
	v58 =	vand.u32 $0xFFFFFF80, v55  }
0x3ce: {  	v60 =	vadd.s32 $0x37, v13;
	v33 =	vand.u32 $0xFFFFFF80, v63;
	v16 =	vadd.f32 v18, v16  }
0x3cf: {  	v18 =	vmul.f32 v42, v42;
	v28 =	vor.u32 v28, v31;
	v31 =	vadd.s32 v9, v35  }
0x3d0: {  	v37 =	vadd.s32 v9, v36;
	v42 =	vadd.s32 v9, v40;
	v45 =	vand.u32 $0xFFFFFF80, v38  }
0x3d1: {  	v23 =	vld.idx.msk [tilespmem:v23+s6+$0x0], $0xffff;
	v47 =	vand.u32 $0x7F, v38;
	v59 =	vadd.s32 v9, v58;
	v34 =	vadd.s32 v9, v33  }
0x3d2: {  	v19 =	vld.idx.msk [tilespmem:v19+s14+$0x0], $0xffff;
	v35 =	vadd.s32 $0x38, v11;
	v36 =	vadd.s32 $0x38, v12;
	v38 =	vadd.s32 $0x38, v14  }
0x3d3: {  	v24 =	vld.idx.msk [tilespmem:v24+s8+$0x0], $0xffff;
	v40 =	vadd.s32 $0x38, v10;
	v58 =	vadd.s32 $0x39, v13;
	v29 =	vor.u32 v29, v31  }
0x3d4: {  	v30 =	vor.u32 v30, v37;
	v31 =	vadd.s32 v9, v39;
	v27 =	vld.idx.msk [tilespmem:v27+s14+$0x0], $0xffff;
	v21 =	vor.u32 v21, v59  }
0x3d5: {  	v37 =	vadd.s32 $0x38, v13;
	v39 =	vadd.s32 $0x38, v15;
	v25 =	vld.idx.msk [tilespmem:v25+s10+$0x0], $0xffff;
	v31 =	vor.u32 v32, v31  }
0x3d6: {  	v17 =	vadd.f32 v18, v17;
	v32 =	vadd.s32 v9, v45;
	v45 =	vand.u32 $0xFFFFFF80, v38;
	v22 =	vld.idx.msk [tilespmem:v22+s23+$0x0], $0xffff  }
0x3d7: {  	v16 =	vadd.f32 v20, v16;
	v33 =	vadd.s32 v9, v45;
	v26 =	vld.idx.msk [tilespmem:v26+s12+$0x0], $0xffff;
	v19 =	vsub.f32 v44, v19  }
0x3d8: {  	v45 =	vadd.s32 $0x3A, v12;
	v44 =	vor.u32 v41, v42;
	v41 =	vand.u32 $0xFFFFFF80, v35;
	v43 =	vld.idx.msk [tilespmem:v28+s23+$0x0], $0xffff  }
0x3d9: {  	v42 =	vand.u32 $0xFFFFFF80, v36;
	v28 =	vand.u32 $0x7F, v38;
	v46 =	vld.idx.msk [tilespmem:v29+s6+$0x0], $0xffff;
	v19 =	vmul.f32 v19, v19  }
0x3da: {  	v29 =	vor.u32 v47, v32;
	v49 =	vld.idx.msk [tilespmem:v30+s8+$0x0], $0xffff;
	v30 =	vand.u32 $0xFFFFFF80, v60;
	v32 =	vand.u32 $0xFFFFFF80, v62  }
0x3db: {  	v28 =	vor.u32 v28, v33;
	v47 =	vand.u32 $0xFFFFFF80, v40;
	v50 =	vld.idx.msk [tilespmem:v31+s10+$0x0], $0xffff;
	v31 =	vand.u32 $0xFFFFFF80, v61  }
0x3dc: {  	v22 =	vadd.f32 v23, v22;
	v17 =	vadd.f32 v19, v17;
	v23 =	vand.u32 $0x7F, v62  }
0x3dd: {  	v48 =	vadd.f32 v26, v25;
	v26 =	vadd.s32 v9, v56;
	v25 =	vand.u32 $0x7F, v63  }
0x3de: {  	v53 =	vld.idx.msk [tilespmem:v44+s12+$0x0], $0xffff;
	v44 =	vand.u32 $0xFFFFFF80, v37;
	v51 =	vsub.f32 v22, v24;
	v24 =	vand.u32 $0x7F, v54  }
0x3df: {  	v25 =	vor.u32 v25, v34;
	v52 =	vsub.f32 v48, v27;
	v18 =	vadd.f32 v46, v43  }
0x3e0: {  	v24 =	vor.u32 v24, v26;
	v26 =	vadd.s32 v9, v30;
	v27 =	vadd.s32 v9, v31  }
0x3e1: {  	v31 =	vadd.s32 v9, v41;
	v43 =	vadd.s32 v9, v42;
	v46 =	vand.u32 $0xFFFFFF80, v39  }
0x3e2: {  	v57 =	vld.idx.msk [tilespmem:v29+s14+$0x0], $0xffff;
	v29 =	vand.u32 $0x7F, v39;
	v30 =	vand.u32 $0x7F, v40;
	v48 =	vadd.s32 $0x39, v11  }
0x3e3: {  	v20 =	vmul.f32 v51, v51;
	v51 =	vadd.s32 $0x39, v15;
	v22 =	vmul.f32 v52, v52  }
0x3e4: {  	v18 =	vsub.f32 v18, v49;
	v49 =	vadd.s32 $0x39, v12;
	v52 =	vand.u32 $0xFFFFFF80, v48  }
0x3e5: {  	v55 =	vand.u32 $0xFFFFFF80, v51;
	v34 =	vand.u32 $0x7F, v51;
	v51 =	vadd.s32 $0x3A, v14  }
0x3e6: {  	v19 =	vadd.f32 v53, v50;
	v16 =	vadd.f32 v20, v16;
	v20 =	vand.u32 $0x7F, v60  }
0x3e7: {  	v50 =	vadd.s32 $0x39, v14;
	v53 =	vand.u32 $0xFFFFFF80, v49;
	v56 =	vadd.s32 v9, v55  }
0x3e8: {  	v60 =	vadd.s32 $0x39, v10;
	v55 =	vand.u32 $0xFFFFFF80, v51;
	v17 =	vadd.f32 v22, v17  }
0x3e9: {  	v18 =	vmul.f32 v18, v18;
	v22 =	vand.u32 $0x7F, v61;
	v20 =	vor.u32 v20, v26  }
0x3ea: {  	v26 =	vadd.s32 v9, v32;
	v32 =	vadd.s32 v9, v44;
	v54 =	vand.u32 $0xFFFFFF80, v50  }
0x3eb: {  	v33 =	vand.u32 $0x7F, v50;
	v34 =	vor.u32 v34, v56;
	v61 =	vand.u32 $0xFFFFFF80, v58  }
0x3ec: {  	v62 =	vand.u32 $0xFFFFFF80, v60;
	v44 =	vadd.s32 $0x3A, v11;
	v50 =	vadd.s32 $0x3A, v13  }
0x3ed: {  	v21 =	vld.idx.msk [tilespmem:v21+s6+$0x0], $0xffff;
	v56 =	vadd.s32 v9, v55;
	v19 =	vsub.f32 v19, v57;
	v22 =	vor.u32 v22, v27  }
0x3ee: {  	v24 =	vld.idx.msk [tilespmem:v24+s23+$0x0], $0xffff;
	v23 =	vor.u32 v23, v26;
	v26 =	vand.u32 $0x7F, v36;
	v27 =	vand.u32 $0x7F, v37  }
0x3ef: {  	v36 =	vadd.s32 v9, v53;
	v63 =	vadd.s32 v9, v62;
	v53 =	vadd.s32 $0x3A, v10  }
0x3f0: {  	v62 =	vadd.s32 $0x3B, v14;
	v27 =	vor.u32 v27, v32;
	v32 =	vadd.s32 v9, v47  }
0x3f1: {  	v26 =	vor.u32 v26, v43;
	v30 =	vor.u32 v30, v32;
	v19 =	vmul.f32 v19, v19  }
0x3f2: {  	v16 =	vadd.f32 v18, v16;
	v47 =	vand.u32 $0xFFFFFF80, v45;
	v32 =	vand.u32 $0x7F, v49  }
0x3f3: {  	v32 =	vor.u32 v32, v36;
	v20 =	vld.idx.msk [tilespmem:v20+s8+$0x0], $0xffff;
	v17 =	vadd.f32 v19, v17;
	v21 =	vadd.f32 v21, v24  }
0x3f4: {  	v24 =	vand.u32 $0x7F, v35;
	v22 =	vld.idx.msk [tilespmem:v22+s10+$0x0], $0xffff;
	v35 =	vadd.s32 v9, v52;
	v52 =	vadd.s32 $0x3A, v15  }
0x3f5: {  	v23 =	vld.idx.msk [tilespmem:v23+s12+$0x0], $0xffff;
	v24 =	vor.u32 v24, v31;
	v31 =	vadd.s32 v9, v46;
	v46 =	vand.u32 $0xFFFFFF80, v44  }
0x3f6: {  	v29 =	vor.u32 v29, v31;
	v31 =	vand.u32 $0x7F, v48;
	v59 =	vld.idx.msk [tilespmem:v30+s14+$0x0], $0xffff;
	v30 =	vand.u32 $0x7F, v60  }
0x3f7: {  	v25 =	vld.idx.msk [tilespmem:v25+s14+$0x0], $0xffff;
	v48 =	vadd.s32 v9, v47;
	v60 =	vadd.s32 $0x3B, v12;
	v31 =	vor.u32 v31, v35  }
0x3f8: {  	v35 =	vadd.s32 v9, v54;
	v30 =	vor.u32 v30, v63;
	v54 =	vand.u32 $0xFFFFFF80, v50  }
0x3f9: {  	v28 =	vld.idx.msk [tilespmem:v28+s10+$0x0], $0xffff;
	v63 =	vadd.s32 $0x3B, v15;
	v33 =	vor.u32 v33, v35;
	v20 =	vsub.f32 v21, v20  }
0x3fa: {  	v26 =	vld.idx.msk [tilespmem:v26+s6+$0x0], $0xffff;
	v22 =	vadd.f32 v23, v22;
	v23 =	vand.u32 $0x7F, v44;
	v44 =	vadd.s32 $0x3C, v11  }
0x3fb: {  	v35 =	vadd.s32 v9, v61;
	v61 =	vadd.s32 $0x3B, v13;
	v24 =	vld.idx.msk [tilespmem:v24+s23+$0x0], $0xffff;
	v47 =	vand.u32 $0xFFFFFF80, v44  }
0x3fc: {  	v57 =	vld.idx.msk [tilespmem:v29+s12+$0x0], $0xffff;
	v29 =	vand.u32 $0x7F, v58;
	v22 =	vsub.f32 v22, v25;
	v25 =	vand.u32 $0x7F, v45  }
0x3fd: {  	v27 =	vld.idx.msk [tilespmem:v27+s8+$0x0], $0xffff;
	v58 =	vand.u32 $0xFFFFFF80, v53;
	v29 =	vor.u32 v29, v35;
	v35 =	vmul.f32 v20, v20  }
0x3fe: {  	v32 =	vld.idx.msk [tilespmem:v32+s6+$0x0], $0xffff;
	v45 =	vadd.s32 $0x3C, v12;
	v49 =	vor.u32 v25, v48;
	v38 =	vmul.f32 v22, v22  }
0x3ff: {  	v31 =	vld.idx.msk [tilespmem:v31+s23+$0x0], $0xffff;
	v25 =	vand.u32 $0x7F, v53;
	v48 =	vand.u32 $0xFFFFFF80, v45;
	v16 =	vadd.f32 v35, v16  }
0x400: {  	v35 =	vand.u32 $0xFFFFFF80, v60;
	v36 =	vadd.f32 v26, v24;
	v17 =	vadd.f32 v38, v17  }
0x401: {  	v26 =	vadd.s32 v9, v46;
	v38 =	vand.u32 $0xFFFFFF80, v62;
	v46 =	vadd.s32 $0x3C, v13  }
0x402: {  	v37 =	vld.idx.msk [tilespmem:v34+s12+$0x0], $0xffff;
	v21 =	vadd.f32 v57, v28;
	v23 =	vor.u32 v23, v26;
	v26 =	vadd.s32 v9, v54  }
0x403: {  	v33 =	vld.idx.msk [tilespmem:v33+s10+$0x0], $0xffff;
	v57 =	vand.u32 $0xFFFFFF80, v52;
	v28 =	vadd.s32 v9, v58;
	v53 =	vand.u32 $0x7F, v46  }
0x404: {  	v39 =	vsub.f32 v36, v27;
	v43 =	vadd.f32 v32, v31;
	v27 =	vadd.s32 v9, v57  }
0x405: {  	v41 =	vld.idx.msk [tilespmem:v29+s8+$0x0], $0xffff;
	v25 =	vor.u32 v25, v28;
	v31 =	vadd.s32 v9, v35;
	v36 =	vadd.s32 $0x3B, v10  }
0x406: {  	v22 =	vld.idx.msk [tilespmem:v49+s6+$0x0], $0xffff;
	v28 =	vand.u32 $0x7F, v62;
	v29 =	vand.u32 $0x7F, v63;
	v49 =	vadd.s32 v9, v48  }
0x407: {  	v42 =	vld.idx.msk [tilespmem:v30+s14+$0x0], $0xffff;
	v62 =	vadd.s32 $0x3C, v15;
	v35 =	vadd.s32 $0x3D, v13;
	v48 =	vadd.s32 $0x3E, v13  }
0x408: {  	v13 =	vadd.s32 $0x3F, v13;
	v40 =	vsub.f32 v21, v59;
	v24 =	vadd.f32 v37, v33  }
0x409: {  	v59 =	vadd.s32 $0x3B, v11;
	v37 =	vand.u32 $0xFFFFFF80, v61;
	v33 =	vadd.s32 v9, v47  }
0x40a: {  	v47 =	vadd.s32 $0x3E, v12;
	v18 =	vmul.f32 v39, v39;
	v34 =	vand.u32 $0xFFFFFF80, v59  }
0x40b: {  	v39 =	vand.u32 $0xFFFFFF80, v63;
	v63 =	vadd.s32 $0x3C, v10;
	v19 =	vmul.f32 v40, v40  }
0x40c: {  	v21 =	vsub.f32 v24, v42;
	v24 =	vand.u32 $0x7F, v52;
	v30 =	vadd.s32 v9, v34  }
0x40d: {  	v40 =	vadd.s32 v9, v39;
	v42 =	vand.u32 $0x7F, v36;
	v52 =	vand.u32 $0xFFFFFF80, v46  }
0x40e: {  	v32 =	vand.u32 $0xFFFFFF80, v63;
	v34 =	vadd.s32 $0x3D, v12;
	v46 =	vadd.s32 $0x3E, v11  }
0x40f: {  	v12 =	vadd.s32 $0x3F, v12;
	v16 =	vadd.f32 v18, v16;
	v24 =	vor.u32 v24, v27  }
0x410: {  	v23 =	vld.idx.msk [tilespmem:v23+s23+$0x0], $0xffff;
	v27 =	vand.u32 $0x7F, v61;
	v29 =	vor.u32 v29, v40;
	v61 =	vadd.s32 $0x3C, v14  }
0x411: {  	v39 =	vand.u32 $0xFFFFFF80, v34;
	v40 =	vadd.s32 $0x3D, v10;
	v20 =	vsub.f32 v43, v41  }
0x412: {  	v17 =	vadd.f32 v19, v17;
	v19 =	vmul.f32 v21, v21;
	v21 =	vand.u32 $0x7F, v51  }
0x413: {  	v41 =	vand.u32 $0xFFFFFF80, v36;
	v36 =	vadd.s32 $0x3D, v14;
	v21 =	vor.u32 v21, v56  }
0x414: {  	v18 =	vmul.f32 v20, v20;
	v20 =	vand.u32 $0x7F, v50;
	v17 =	vadd.f32 v19, v17  }
0x415: {  	v20 =	vor.u32 v20, v26;
	v26 =	vand.u32 $0x7F, v60;
	v22 =	vadd.f32 v22, v23  }
0x416: {  	v23 =	vand.u32 $0x7F, v59;
	v26 =	vor.u32 v26, v31;
	v31 =	vadd.s32 v9, v38  }
0x417: {  	v25 =	vld.idx.msk [tilespmem:v25+s14+$0x0], $0xffff;
	v16 =	vadd.f32 v18, v16;
	v23 =	vor.u32 v23, v30;
	v28 =	vor.u32 v28, v31  }
0x418: {  	v24 =	vld.idx.msk [tilespmem:v24+s12+$0x0], $0xffff;
	v30 =	vadd.s32 v9, v37;
	v31 =	vadd.s32 v9, v41;
	v37 =	vadd.s32 $0x3D, v15  }
0x419: {  	v29 =	vld.idx.msk [tilespmem:v29+s12+$0x0], $0xffff;
	v41 =	vand.u32 $0xFFFFFF80, v35;
	v27 =	vor.u32 v27, v30;
	v43 =	vor.u32 v42, v31  }
0x41a: {  	v21 =	vld.idx.msk [tilespmem:v21+s10+$0x0], $0xffff;
	v30 =	vand.u32 $0x7F, v44;
	v31 =	vand.u32 $0x7F, v45;
	v42 =	vand.u32 $0xFFFFFF80, v36  }
0x41b: {  	v44 =	vand.u32 $0xFFFFFF80, v40;
	v45 =	vand.u32 $0x7F, v40;
	v30 =	vor.u32 v30, v33;
	v20 =	vld.idx.msk [tilespmem:v20+s8+$0x0], $0xffff  }
0x41c: {  	v51 =	vor.u32 v31, v49;
	v31 =	vadd.s32 v9, v52;
	v33 =	vadd.s32 $0x3D, v11;
	v26 =	vld.idx.msk [tilespmem:v26+s6+$0x0], $0xffff  }
0x41d: {  	v49 =	vadd.s32 $0x3E, v14;
	v52 =	vand.u32 $0xFFFFFF80, v47;
	v11 =	vadd.s32 $0x3F, v11;
	v23 =	vld.idx.msk [tilespmem:v23+s23+$0x0], $0xffff  }
0x41e: {  	v14 =	vadd.s32 $0x3F, v14;
	v54 =	vor.u32 v53, v31;
	v31 =	vand.u32 $0xFFFFFF80, v62;
	v28 =	vld.idx.msk [tilespmem:v28+s10+$0x0], $0xffff  }
0x41f: {  	v38 =	vand.u32 $0xFFFFFF80, v33;
	v53 =	vadd.s32 $0x3E, v10;
	v10 =	vadd.s32 $0x3F, v10;
	v50 =	vld.idx.msk [tilespmem:v27+s8+$0x0], $0xffff  }
0x420: {  	v40 =	vand.u32 $0xFFFFFF80, v10;
	v10 =	vand.u32 $0x7F, v10;
	v21 =	vadd.f32 v24, v21;
	v24 =	vld.idx.msk [tilespmem:v43+s14+$0x0], $0xffff  }
0x421: {  	v27 =	vadd.s32 v9, v31;
	v43 =	vand.u32 $0xFFFFFF80, v37;
	v31 =	vand.u32 $0x7F, v47;
	v59 =	vld.idx.msk [tilespmem:v30+s23+$0x0], $0xffff  }
0x422: {  	v60 =	vld.idx.msk [tilespmem:v51+s6+$0x0], $0xffff;
	v30 =	vand.u32 $0xFFFFFF80, v61;
	v51 =	vand.u32 $0xFFFFFF80, v46;
	v20 =	vsub.f32 v22, v20  }
0x423: {  	v21 =	vsub.f32 v21, v25;
	v22 =	vand.u32 $0x7F, v61;
	v25 =	vand.u32 $0x7F, v34  }
0x424: {  	v18 =	vld.idx.msk [tilespmem:v54+s8+$0x0], $0xffff;
	v54 =	vand.u32 $0xFFFFFF80, v48;
	v61 =	vand.u32 $0xFFFFFF80, v13;
	v13 =	vand.u32 $0x7F, v13  }
0x425: {  	v55 =	vmul.f32 v20, v20;
	v56 =	vmul.f32 v21, v21;
	v57 =	vadd.f32 v26, v23  }
0x426: {  	v58 =	vadd.f32 v29, v28;
	v26 =	vadd.s32 v9, v30;
	v23 =	vand.u32 $0x7F, v62  }
0x427: {  	v28 =	vadd.s32 v9, v32;
	v29 =	vadd.s32 v9, v38;
	v30 =	vadd.s32 v9, v39  }
0x428: {  	v32 =	vand.u32 $0x7F, v48;
	v62 =	vand.u32 $0xFFFFFF80, v14;
	v14 =	vand.u32 $0x7F, v14  }
0x429: {  	v22 =	vor.u32 v22, v26;
	v23 =	vor.u32 v23, v27;
	v25 =	vor.u32 v25, v30  }
0x42a: {  	v26 =	vand.u32 $0x7F, v35;
	v27 =	vand.u32 $0x7F, v36;
	v30 =	vadd.s32 v9, v42  }
0x42b: {  	v35 =	vadd.s32 v9, v51;
	v16 =	vadd.f32 v55, v16;
	v17 =	vadd.f32 v56, v17  }
0x42c: {  	v36 =	vadd.s32 v9, v52;
	v20 =	vsub.f32 v57, v50;
	v21 =	vsub.f32 v58, v24  }
0x42d: {  	v24 =	vand.u32 $0x7F, v63;
	v19 =	vadd.f32 v60, v59;
	v27 =	vor.u32 v27, v30  }
0x42e: {  	v31 =	vor.u32 v31, v36;
	v55 =	vand.u32 $0xFFFFFF80, v49;
	v60 =	vand.u32 $0xFFFFFF80, v12  }
0x42f: {  	v12 =	vand.u32 $0x7F, v12;
	v24 =	vor.u32 v24, v28;
	v28 =	vand.u32 $0x7F, v37  }
0x430: {  	v36 =	vadd.s32 v9, v55;
	v18 =	vsub.f32 v19, v18;
	v19 =	vand.u32 $0x7F, v33;
	v22 =	vld.idx.msk [tilespmem:v22+s10+$0x0], $0xffff  }
0x431: {  	v37 =	vadd.s32 v9, v60;
	v33 =	vand.u32 $0x7F, v49;
	v19 =	vor.u32 v19, v29;
	v23 =	vld.idx.msk [tilespmem:v23+s12+$0x0], $0xffff  }
0x432: {  	v12 =	vor.u32 v12, v37;
	v37 =	vadd.s32 v9, v62;
	v33 =	vor.u32 v33, v36;
	v25 =	vld.idx.msk [tilespmem:v25+s6+$0x0], $0xffff  }
0x433: {  	v30 =	vadd.s32 v9, v44;
	v29 =	vadd.s32 v9, v41;
	v14 =	vor.u32 v14, v37;
	v27 =	vld.idx.msk [tilespmem:v27+s10+$0x0], $0xffff  }
0x434: {  	v50 =	vadd.s32 $0x3E, v15;
	v26 =	vor.u32 v26, v29;
	v29 =	vadd.s32 v9, v43;
	v31 =	vld.idx.msk [tilespmem:v31+s6+$0x0], $0xffff  }
0x435: {  	v57 =	vand.u32 $0xFFFFFF80, v53;
	v58 =	vand.u32 $0x7F, v53;
	v28 =	vor.u32 v28, v29;
	v24 =	vld.idx.msk [tilespmem:v24+s14+$0x0], $0xffff  }
0x436: {  	v15 =	vadd.s32 $0x3F, v15;
	v29 =	vor.u32 v45, v30;
	v30 =	vand.u32 $0x7F, v46;
	v19 =	vld.idx.msk [tilespmem:v19+s23+$0x0], $0xffff  }
0x437: {  	v59 =	vand.u32 $0xFFFFFF80, v11;
	v11 =	vand.u32 $0x7F, v11;
	v30 =	vor.u32 v30, v35;
	v33 =	vld.idx.msk [tilespmem:v33+s10+$0x0], $0xffff  }
0x438: {  	v56 =	vand.u32 $0xFFFFFF80, v50;
	v34 =	vand.u32 $0x7F, v50;
	v35 =	vadd.s32 v9, v54;
	v14 =	vld.idx.msk [tilespmem:v14+s10+$0x0], $0xffff  }
0x439: {  	v36 =	vadd.s32 v9, v57;
	v32 =	vor.u32 v32, v35;
	v35 =	vadd.s32 v9, v56;
	v26 =	vld.idx.msk [tilespmem:v26+s8+$0x0], $0xffff  }
0x43a: {  	v34 =	vor.u32 v34, v35;
	v35 =	vor.u32 v58, v36;
	v36 =	vadd.s32 v9, v59;
	v28 =	vld.idx.msk [tilespmem:v28+s12+$0x0], $0xffff  }
0x43b: {  	v63 =	vand.u32 $0xFFFFFF80, v15;
	v11 =	vor.u32 v11, v36;
	v36 =	vadd.s32 v9, v61;
	v29 =	vld.idx.msk [tilespmem:v29+s14+$0x0], $0xffff  }
0x43c: {  	v13 =	vor.u32 v13, v36;
	v36 =	vadd.s32 v9, v63;
	v9 =	vadd.s32 v9, v40;
	v30 =	vld.idx.msk [tilespmem:v30+s23+$0x0], $0xffff  }
0x43d: {  	v15 =	vand.u32 $0x7F, v15;
	v9 =	vor.u32 v10, v9;
	v10 =	vld.idx.msk [tilespmem:v12+s6+$0x0], $0xffff  }
0x43e: {  	v22 =	vadd.f32 v23, v22;
	v15 =	vor.u32 v15, v36;
	v32 =	vld.idx.msk [tilespmem:v32+s8+$0x0], $0xffff  }
0x43f: {  	v20 =	vmul.f32 v20, v20;
	v21 =	vmul.f32 v21, v21;
	v34 =	vld.idx.msk [tilespmem:v34+s12+$0x0], $0xffff  }
0x440: {  	v22 =	vsub.f32 v22, v24;
	v41 =	vld.idx.msk [tilespmem:v35+s14+$0x0], $0xffff;
	v19 =	vadd.f32 v25, v19  }
0x441: {  	v42 =	vadd.f32 v20, v16;
	v43 =	vadd.f32 v21, v17;
	v44 =	vmul.f32 v18, v18;
	v11 =	vld.idx.msk [tilespmem:v11+s23+$0x0], $0xffff  }
0x442: {  	v47 =	vmul.f32 v22, v22;
	v13 =	vld.idx.msk [tilespmem:v13+s8+$0x0], $0xffff;
	v45 =	vsub.f32 v19, v26;
	v46 =	vadd.f32 v28, v27  }
0x443: {  	v12 =	vadd.f32 v44, v42;
	v48 =	vadd.f32 v31, v30;
	v15 =	vld.idx.msk [tilespmem:v15+s12+$0x0], $0xffff  }
0x444: {  	v16 =	vadd.f32 v47, v43;
	v19 =	vsub.f32 v46, v29;
	v18 =	vmul.f32 v45, v45  }
0x445: {  	v9 =	vld.idx.msk [tilespmem:v9+s14+$0x0], $0xffff;
	v17 =	vsub.f32 v48, v32;
	v49 =	vadd.f32 v34, v33  }
0x446: {  	v12 =	vadd.f32 v18, v12;
	v10 =	vadd.f32 v10, v11  }
0x447: {  	v11 =	vmul.f32 v19, v19;
	v50 =	vsub.f32 v49, v41;
	v17 =	vmul.f32 v17, v17  }
0x448: {  	v10 =	vsub.f32 v10, v13;
	v51 =	vadd.f32 v15, v14  }
0x449: {  	v11 =	vadd.f32 v11, v16;
	v12 =	vadd.f32 v17, v12  }
0x44a: {  	v52 =	vmul.f32 v50, v50;
	v9 =	vsub.f32 v51, v9;
	v10 =	vmul.f32 v10, v10;
	_ =	sdelay $0x1  }
0x44b: {  	v11 =	vadd.f32 v52, v11;
	v10 =	vadd.f32 v10, v12;
	v9 =	vmul.f32 v9, v9;
	_ =	sdelay $0x1  }
0x44c: {  	v9 =	vadd.f32 v9, v11;
	v10 =	vadd.f32 $9.999999960e-13, v10;
	_ =	sdelay $0x1  }
0x44d: {  	v11 =	vshrl.u32 v10, $0x1;
	v53 =	vmul.f32 $5.000000000e-01, v10;
	v9 =	vadd.f32 $9.999999960e-13, v9  }
0x44e: {  	v11 =	vsub.s32 $0x5F3759DF, v11  }
0x44f: {  	v54 =	vmul.f32 v11, v53;
	v55 =	vshrl.u32 v9, $0x1;
	v56 =	vmul.f32 $5.000000000e-01, v9  }
0x450: {  	v14 =	vsub.s32 $0x5F3759DF, v55  }
0x451: {  	v13 =	vmul.f32 v11, v54;
	v57 =	vmul.f32 v14, v56;
	_ =	sdelay $0x1  }
0x452: {  	v13 =	vsub.f32 $1.500000000e+00, v13;
	v16 =	vmul.f32 v14, v57;
	_ =	sdelay $0x1  }
0x453: {  	v11 =	vmul.f32 v11, v13;
	v58 =	vsub.f32 $1.500000000e+00, v16;
	_ =	sdelay $0x1  }
0x454: {  	v59 =	vmul.f32 v11, v53;
	v13 =	vmul.f32 v14, v58;
	_ =	sdelay $0x1  }
0x455: {  	v60 =	vmul.f32 v59, v11;
	v61 =	vmul.f32 v13, v56;
	_ =	sdelay $0x1  }
0x456: {  	v14 =	vsub.f32 $1.500000000e+00, v60;
	v16 =	vmul.f32 v61, v13;
	_ =	sdelay $0x1  }
0x457: {  	v11 =	vmul.f32 v14, v11;
	v62 =	vsub.f32 $1.500000000e+00, v16;
	_ =	sdelay $0x1  }
0x458: {  	v12 =	vmul.f32 v11, v53;
	v13 =	vmul.f32 v62, v13;
	_ =	sdelay $0x1  }
0x459: {  	v12 =	vmul.f32 v12, v11;
	v14 =	vmul.f32 v13, v56;
	_ =	sdelay $0x1  }
0x45a: {  	v12 =	vsub.f32 $1.500000000e+00, v12;
	v14 =	vmul.f32 v14, v13;
	_ =	sdelay $0x1  }
0x45b: {  	v11 =	vmul.f32 v12, v11;
	v63 =	vsub.f32 $1.500000000e+00, v14;
	_ =	sdelay $0x1  }
0x45c: {  	v10 =	vmul.f32 v11, v10;
	v11 =	vmul.f32 v63, v13;
	_ =	sdelay $0x1  }
0x45d: {  	p0 =	seq.s32 s30, $0xC0;
	v10 =	vadd.f32 $1.000000000e+00, v10;
	v9 =	vmul.f32 v11, v9  }
.Ltmp4:
0x45e: {  	_ = 	snop;
	(pc) =	sbr.rel @!p0 .LBB3_9-.Ltmp4, $3  }
0x45f: {  	v9 =	vsub.f32 v10, v9;
	_ =	sdelay $0x1  }
0x460: {  	v9 =	vmax.f32 v9, $0.0e+00  }
0x461: {  	s29 =	sadd.s32 $0x10, s29;
	s30 =	sadd.s32 $0x40, s30;
	[tilespmem:v8+s1+$0x0 ss:$0x1] =	vst.idx.msk $0xffff, v9  }
0x462: {  	p0 =	seq.s32 s28, $0x8  }
.Ltmp5:
0x463: {  	_ = 	snop;
	(pc) =	sbr.rel @!p0 .LBB3_3-.Ltmp5, $4  }
0x464: {  	_ = 	snop  }
0x465: {  	s15 =	sadd.s32 $0x40, s15  }
0x466: {  	s3 =	sadd.s32 $0x40, s3;
	s11 =	sadd.s32 $0x40, s11;
	s13 =	sadd.s32 $0x40, s13  }
0x467: {  	s24 =	sadd.s32 $0x40, s24;
	s25 =	sadd.s32 $0x40, s25;
	s26 =	sadd.s32 $0x40, s26  }
0x468: {  	s18 =	simm.s32 $0x0  }
0x469: {  	s1 =	rddreg [dreg:$0x1b];
	s2 =	simm.s32 $0x19800;
	s30 =	simm.s32 $0x19  }
0x46a: {  	[hbm4b:s1+s18] =	stream.linear.scatter [tilespmem:s2], [sflag:$0x19], $0x200, $0x38;
	[tilespmem:$0x19A00] =	vst v63  }
0x46b: {  	_ =	swait.ge [sflag:s30], $0x200  }
0x46c: {  	s3 =	rddreg [dreg:$0x1d]  }
0x46d: {  	s31 =	rddreg [dreg:$0x1c];
	s3 =	sadd.s32 $0x1, s3  }
0x46e: {  	p0 =	sne.s32 s3, s31  }
.Ltmp6:
0x46f: {  	_ = 	snop;
	(pc) =	sbr.rel @p0 .LBB3_1-.Ltmp6, $3  }
0x470: {  	_ =	sdelay $0x1  }
0x471: {  	[sflag:s30] =	ssyncset.done $0x0  }
0x472: {  	[sflag:s30] =	ssyncadd.s32 $0xFFFFFE00  }
0x473: {  	_ =	sfence.sel $0x180000  }
0x474: {  	[bflag:$0x0] =	sbarrier.arrive $0xFFFF  }
0x475: {  	_ =	strace $0x90000047  }
0x476: {  	s0 =	stileid.u32;
	[bflag:$0x2] =	sbarrier.arrive $0xFFFF  }
0x477: {  	p0 =	sne.s32 s0, $0x0;
	s0 =	rddreg [dreg:$0xe]  }
0x478: {  	s0 =	sadd.s32 @!p0 $0x100000, s0  }
0x479: {  	[sflag:s0] =	ssyncadd.tile.s32 @!p0 $0x1;
	_ =	shalt  }
.Lfunc_end3:
_tile_overlayer_lowered:
.L_overlay_start_3:
0x47a: {  	(tag) =	ssettag $0x3  }
0x47b: {  	s0 =	rddreg [dreg:$0x0];
	s2 =	stileid.u32  }
0x47c: {  	s1 =	rddreg [dreg:$0x1];
	p0 =	sne.s32 s2, $0x0  }
0x47d: {  	s3 =	rddreg [dreg:$0x2];
	[bflag:$0x3] =	sbarrier.arrive $0xFFFF;
	s2 =	simm.s32 @!p0 $0x1C19  }
0x47e: {  	[timem:s3], [sflag:s2] =	dma.local @!p0 [hbm:s0], s1  }
0x47f: {  	s0 =	simm.s32 @!p0 $0x19  }
0x480: {  	_ =	swait.ge @!p0 [sflag:s0], s1  }
0x481: {  	s1 =	ssub.s32 @!p0 $0x0, s1;
	[sflag:s0] =	ssyncset.done @!p0 $0x0  }
0x482: {  	[sflag:s0] =	ssyncadd.s32 @!p0 s1  }
0x483: {  	[bflag:$0x3] =	sbarrier.arrive $0xFFFF  }
0x484: {  	_ =	shalt  }

</sc_bundles>
